<compile_context>
chip_gen: v7x
topology: tpu7x:2x2x1
jax: 0.10.2.dev20260603
libtpu: 0.0.44.dev20260713+nightly
codegen_flags: <defaults>
</compile_context>

<pallas_src>
import jax
import jax.numpy as jnp
from jax import lax
from jax.experimental import pallas as pl
from jax.experimental.pallas import tpu as pltpu
from jax.experimental.pallas import tpu_sc as plsc

_VP = 6.0
_VS = 6.0 / 1.73
_NC, _NS, _L = 2, 16, 16
_NW = _NC * _NS
_C = 4000
_G = 80
_W = 8


def _rsqrt(x):
    i = plsc.bitcast(x, jnp.int32)
    y = plsc.bitcast(jnp.int32(0x5F3759DF) - (i >> 1), jnp.float32)
    for _ in range(3):
        y = y * (1.5 - 0.5 * x * y * y)
    return y


def _make_body(nch, kmax):
    def _body(packed, sidx, eidx, pt, stloc, stdt, out,
              idx_v0, idx_v1, sidx_v0, sidx_v1, pt_v0, pt_v1,
              rows_v0, rows_v1, out_v, stloc_v, stdt_v, gsem0, gsem1):
        idx_v = (idx_v0, idx_v1)
        sidx_v = (sidx_v0, sidx_v1)
        pt_v = (pt_v0, pt_v1)
        rows_v = (rows_v0, rows_v1)
        gsem = (gsem0, gsem1)
        wid = lax.axis_index("s") * _NC + lax.axis_index("c")
        pltpu.sync_copy(stloc, stloc_v)
        pltpu.sync_copy(stdt, stdt_v)
        zeros = jnp.zeros((_L,), jnp.int32)

        def fire(k, b):
            cid = k * _NW + wid

            @pl.when(cid < nch)
            def _():
                base = cid * _C
                pltpu.sync_copy(eidx.at[pl.ds(base, _C)], idx_v[b])
                for j in range(_C // _G):
                    pltpu.async_copy(
                        packed.at[idx_v[b].at[pl.ds(j * _G, _G)]],
                        rows_v[b].at[pl.ds(j * _G, _G)],
                        gsem[b],
                    )
                pltpu.sync_copy(sidx.at[pl.ds(base, _C)], sidx_v[b])
                pltpu.sync_copy(pt.at[pl.ds(base, _C)], pt_v[b])

        def consume(k, b):
            cid = k * _NW + wid

            @pl.when(cid < nch)
            def _():
                base = cid * _C
                pltpu.make_async_copy(
                    packed.at[pl.ds(0, _C)], rows_v[b], gsem[b]).wait()

                @plsc.parallel_loop(0, _C, step=_L, unroll=4)
                def lane_body(s):
                    row = s + lax.iota(jnp.int32, _L)
                    sv = sidx_v[b][pl.ds(s, _L)]
                    ptv = pt_v[b][pl.ds(s, _L)]
                    ex = plsc.load_gather(rows_v[b], [row, zeros])
                    ey = plsc.load_gather(rows_v[b], [row, zeros + 1])
                    ez = plsc.load_gather(rows_v[b], [row, zeros + 2])
                    et = plsc.load_gather(rows_v[b], [row, zeros + 3])
                    sx = plsc.load_gather(stloc_v, [sv, zeros])
                    sy = plsc.load_gather(stloc_v, [sv, zeros + 1])
                    sz = plsc.load_gather(stloc_v, [sv, zeros + 2])
                    sdt = plsc.load_gather(stdt_v, [sv, ptv])
                    dx = ex - sx
                    dy = ey - sy
                    dz = ez - sz
                    dsq = dx * dx + dy * dy + dz * dz
                    dist = dsq * _rsqrt(jnp.maximum(dsq, 1e-12))
                    iv = jnp.where(ptv == 0, 1.0 / _VP, 1.0 / _VS)
                    out_v[pl.ds(s, _L)] = et + dist * iv + sdt

                pltpu.sync_copy(out_v, out.at[pl.ds(base, _C)])

        fire(0, 0)

        def pair_body(kk, carry):
            k0 = kk * 2
            fire(k0 + 1, 1)
            consume(k0, 0)
            fire(k0 + 2, 0)
            consume(k0 + 1, 1)
            return carry

        lax.fori_loop(0, kmax // 2, pair_body, 0)

    return _body


def _sc_travel_time(packed, sidx, eidx, pt, stloc, stdt):
    n = sidx.shape[0]
    nch = n // _C
    kmax = (nch + _NW - 1) // _NW
    kmax += kmax % 2
    nst = stloc.shape[0]
    mesh = plsc.VectorSubcoreMesh(core_axis_name="c", subcore_axis_name="s")
    return pl.kernel(
        _make_body(nch, kmax),
        out_type=jax.ShapeDtypeStruct((n,), jnp.float32),
        mesh=mesh,
        scratch_types=[
            pltpu.VMEM((_C,), jnp.int32),
            pltpu.VMEM((_C,), jnp.int32),
            pltpu.VMEM((_C,), jnp.int32),
            pltpu.VMEM((_C,), jnp.int32),
            pltpu.VMEM((_C,), jnp.int32),
            pltpu.VMEM((_C,), jnp.int32),
            pltpu.VMEM((_C, _W), jnp.float32),
            pltpu.VMEM((_C, _W), jnp.float32),
            pltpu.VMEM((_C,), jnp.float32),
            pltpu.VMEM((nst, 3), jnp.float32),
            pltpu.VMEM((nst, 2), jnp.float32),
            pltpu.SemaphoreType.DMA,
            pltpu.SemaphoreType.DMA,
        ],
        compiler_params=pltpu.CompilerParams(
            needs_layout_passes=False, use_tc_tiling_on_sc=False,
            disable_bounds_checks=True),
    )(packed, sidx, eidx, pt, stloc, stdt)


def kernel(station_index, event_index, phase_type, phase_weight,
           station_loc_w, station_dt_w, event_loc_w, event_time_w):
    packed = jnp.concatenate(
        [event_loc_w, event_time_w,
         jnp.zeros((event_loc_w.shape[0], _W - 4), jnp.float32)], axis=1)
    out = _sc_travel_time(packed, station_index, event_index, phase_type,
                          station_loc_w, station_dt_w)
    return out[:, None]

# --- scband reference (transcript-rebuilt; emitter-appended) ---
"""Pipeline reference for scband-travel-time-73134703116663 (READ-ONLY COPY).

The authoritative reference and input builder live on the scoring server;
editing this copy changes nothing except your own understanding.
"""

import jax, jax.numpy as jnp
import numpy as np

N = 1000000
NUM_EVENT = 100000
NUM_STATION = 64
VP = 6.0
VS = 6.0 / 1.73


def setup_inputs(seed: int = 0) -> dict:
    key = jax.random.key(seed)
    k1, k2, k3, k4, k5, k6 = jax.random.split(key, 6)
    station_index = jax.random.randint(k1, (N,), 0, NUM_STATION, dtype=jnp.int32)
    event_index = jax.random.randint(k2, (N,), 0, NUM_EVENT, dtype=jnp.int32)
    phase_type = jax.random.randint(k3, (N,), 0, 2, dtype=jnp.int32)
    phase_weight = jax.random.uniform(k4, (N,), dtype=jnp.float32)
    # parameters (mirroring the torch module's embedding weights)
    station_loc_w = jnp.array([[(i % 8) * 25.0, (i // 8) * 25.0, (i % 5) * 1.0] for i in range(NUM_STATION)], dtype=jnp.float32)
    station_dt_w = jnp.zeros((NUM_STATION, 2), dtype=jnp.float32)
    event_loc_w = jax.random.normal(k5, (NUM_EVENT, 3), dtype=jnp.float32)
    event_time_w = jax.random.normal(k6, (NUM_EVENT, 1), dtype=jnp.float32)
    return {
        "station_index": station_index,
        "event_index": event_index,
        "phase_type": phase_type,
        "phase_weight": phase_weight,
        "station_loc_w": station_loc_w,
        "station_dt_w": station_dt_w,
        "event_loc_w": event_loc_w,
        "event_time_w": event_time_w,
    }


def reference(station_index, event_index, phase_type, phase_weight, station_loc_w, station_dt_w, event_loc_w, event_time_w):
    # Faithful translation of TravelTime.forward with phase_time=None, double_difference=False.
    # The per-type python loop with boolean masks is equivalent to a fully vectorized
    # per-pick select on phase_type (each pick is processed exactly once by its own type).
    velocity = jnp.array([VP, VS], dtype=jnp.float32)
    # embedding lookups (gathers)
    station_loc_ = jnp.take(station_loc_w, station_index, axis=0)          # [N, 3]
    station_dt_full = jnp.take(station_dt_w, station_index, axis=0)       # [N, 2]
    station_dt_ = jnp.take_along_axis(station_dt_full, phase_type[:, None], axis=1)  # [N, 1]
    event_loc_ = jnp.take(event_loc_w, event_index, axis=0)               # [N, 3]
    event_time_ = jnp.take(event_time_w, event_index, axis=0)             # [N, 1]
    # calc_time
    dist = jnp.linalg.norm(event_loc_ - station_loc_, axis=-1, keepdims=True)  # [N, 1]
    tt = dist / velocity[phase_type][:, None]                              # [N, 1]
    pred_time = event_time_ + tt + station_dt_                             # [N, 1]
    # phase_time is None -> loss = 0.0; return the 'phase_time' entry of the output dict
    return pred_time

if __name__ == "__main__":
    import jax
    _d = setup_inputs()
    print(jax.jit(kernel)(*tuple(_d.values())))

</pallas_src>

<mosaic_0001>
#map = affine_map<(d0, d1) -> (0, 0)>
#map1 = affine_map<(d0, d1) -> (0)>
module attributes {stable_mosaic.version = 14 : i64} {
  func.func @_body(%arg0: i32, %arg1: i32, %arg2: memref<100000x8xf32, #tpu.memory_space<hbm>>, %arg3: memref<1000000xi32, #tpu.memory_space<hbm>>, %arg4: memref<1000000xi32, #tpu.memory_space<hbm>>, %arg5: memref<1000000xi32, #tpu.memory_space<hbm>>, %arg6: memref<64x3xf32, #tpu.memory_space<hbm>>, %arg7: memref<64x2xf32, #tpu.memory_space<hbm>>, %arg8: memref<1000000xf32, #tpu.memory_space<hbm>>, %arg9: memref<4000xi32, #tpu.memory_space<vmem>>, %arg10: memref<4000xi32, #tpu.memory_space<vmem>>, %arg11: memref<4000xi32, #tpu.memory_space<vmem>>, %arg12: memref<4000xi32, #tpu.memory_space<vmem>>, %arg13: memref<4000xi32, #tpu.memory_space<vmem>>, %arg14: memref<4000xi32, #tpu.memory_space<vmem>>, %arg15: memref<4000x8xf32, #tpu.memory_space<vmem>>, %arg16: memref<4000x8xf32, #tpu.memory_space<vmem>>, %arg17: memref<4000xf32, #tpu.memory_space<vmem>>, %arg18: memref<64x3xf32, #tpu.memory_space<vmem>>, %arg19: memref<64x2xf32, #tpu.memory_space<vmem>>, %arg20: memref<!tpu.dma_semaphore, #tpu.memory_space<semaphore_mem>>, %arg21: memref<!tpu.dma_semaphore, #tpu.memory_space<semaphore_mem>>) attributes {dimension_semantics = [#tpu.dimension_semantics<core_parallel>, #tpu.dimension_semantics<subcore_parallel>], iteration_bounds = array<i64: 2, 16>, scalar_prefetch = 0 : i64, scratch_operands = 13 : i64, tpu.core_type = #tpu.core_type<sc_vector_subcore>, window_params = [{transform_indices = #map}, {transform_indices = #map1}, {transform_indices = #map1}, {transform_indices = #map1}, {transform_indices = #map}, {transform_indices = #map}, {transform_indices = #map1}]} {
    %mul3A = arith.constant 2 : i32
    %mul3A_0 = arith.muli %arg1, %mul3A : i32
    %add3A = arith.addi %mul3A_0, %arg0 : i32
    "tpu.region"() ({
      %run_scoped3A = tpu.sem_alloc : memref<!tpu.dma_semaphore, #tpu.memory_space<semaphore_mem>>
      tpu.enqueue_dma source(%arg6 : memref<64x3xf32, #tpu.memory_space<hbm>>) target(%arg18 : memref<64x3xf32, #tpu.memory_space<vmem>>) target_semaphore(%run_scoped3A : memref<!tpu.dma_semaphore, #tpu.memory_space<semaphore_mem>>)
      tpu.wait_dma2 semaphore(%run_scoped3A : memref<!tpu.dma_semaphore, #tpu.memory_space<semaphore_mem>>) src(%arg6 : memref<64x3xf32, #tpu.memory_space<hbm>>) dst(%arg18 : memref<64x3xf32, #tpu.memory_space<vmem>>)
      tpu.yield
    }) : () -> ()
    "tpu.region"() ({
      %run_scoped3A = tpu.sem_alloc : memref<!tpu.dma_semaphore, #tpu.memory_space<semaphore_mem>>
      tpu.enqueue_dma source(%arg7 : memref<64x2xf32, #tpu.memory_space<hbm>>) target(%arg19 : memref<64x2xf32, #tpu.memory_space<vmem>>) target_semaphore(%run_scoped3A : memref<!tpu.dma_semaphore, #tpu.memory_space<semaphore_mem>>)
      tpu.wait_dma2 semaphore(%run_scoped3A : memref<!tpu.dma_semaphore, #tpu.memory_space<semaphore_mem>>) src(%arg7 : memref<64x2xf32, #tpu.memory_space<hbm>>) dst(%arg19 : memref<64x2xf32, #tpu.memory_space<vmem>>)
      tpu.yield
    }) : () -> ()
    %broadcast_in_dim3A = arith.constant 0 : i32
    %broadcast_in_dim3A_1 = vector.broadcast %broadcast_in_dim3A : i32 to vector<16xi32>
    %add3A_2 = arith.constant 0 : i32
    %add3A_3 = arith.addi %add3A_2, %add3A : i32
    %lt3A = arith.constant 250 : i32
    %lt3A_4 = arith.cmpi slt, %add3A_3, %lt3A : i32
    %convert_element_type3A = arith.extui %lt3A_4 : i1 to i32
    %cond3A = arith.constant 0 : i32
    %cond3A_5 = arith.cmpi ne, %convert_element_type3A, %cond3A : i32
    scf.if %cond3A_5 {
      %mul3A_11 = arith.constant 4000 : i32
      %mul3A_12 = arith.muli %add3A_3, %mul3A_11 : i32
      "tpu.region"() ({
        %run_scoped3A = tpu.sem_alloc : memref<!tpu.dma_semaphore, #tpu.memory_space<semaphore_mem>>
        %dma_start3A_412 = tpu.memref_slice %arg4[%mul3A_12] : memref<1000000xi32, #tpu.memory_space<hbm>> -> memref<4000xi32, #tpu.memory_space<hbm>>
        %dma_start3A_413 = tpu.memref_slice %arg4[%mul3A_12] : memref<1000000xi32, #tpu.memory_space<hbm>> -> memref<4000xi32, #tpu.memory_space<hbm>>
        tpu.enqueue_dma source(%dma_start3A_413 : memref<4000xi32, #tpu.memory_space<hbm>>) target(%arg9 : memref<4000xi32, #tpu.memory_space<vmem>>) target_semaphore(%run_scoped3A : memref<!tpu.dma_semaphore, #tpu.memory_space<semaphore_mem>>)
        %dma_wait3A = tpu.memref_slice %arg4[%mul3A_12] : memref<1000000xi32, #tpu.memory_space<hbm>> -> memref<4000xi32, #tpu.memory_space<hbm>>
        %dma_wait3A_414 = tpu.memref_slice %arg4[%mul3A_12] : memref<1000000xi32, #tpu.memory_space<hbm>> -> memref<4000xi32, #tpu.memory_space<hbm>>
        tpu.wait_dma2 semaphore(%run_scoped3A : memref<!tpu.dma_semaphore, #tpu.memory_space<semaphore_mem>>) src(%dma_wait3A_414 : memref<4000xi32, #tpu.memory_space<hbm>>) dst(%arg9 : memref<4000xi32, #tpu.memory_space<vmem>>)
        tpu.yield
      }) : () -> ()
      %dma_start3A = arith.constant 0 : i32
      %dma_start3A_13 = arith.constant 0 : i32
      %dma_start3A_14 = tpu.memref_slice %arg15[%dma_start3A, %dma_start3A_13] : memref<4000x8xf32, #tpu.memory_space<vmem>> -> memref<80x8xf32, #tpu.memory_space<vmem>>
      %dma_start3A_15 = arith.constant 0 : i32
      %dma_start3A_16 = tpu.memref_slice %arg9[%dma_start3A_15] : memref<4000xi32, #tpu.memory_space<vmem>> -> memref<80xi32, #tpu.memory_space<vmem>>
      %dma_start3A_17 = arith.constant 0 : i32
      %dma_start3A_18 = arith.constant 0 : i32
      %dma_start3A_19 = tpu.memref_slice %arg2[%dma_start3A_17, %dma_start3A_18] : memref<100000x8xf32, #tpu.memory_space<hbm>> -> memref<100000x8xf32, #tpu.memory_space<hbm>>
      tpu.enqueue_indirect_dma source(%dma_start3A_19 : memref<100000x8xf32, #tpu.memory_space<hbm>>) target(%dma_start3A_14 : memref<80x8xf32, #tpu.memory_space<vmem>>) offsets(%dma_start3A_16 : memref<80xi32, #tpu.memory_space<vmem>>) semaphore(%arg20 : memref<!tpu.dma_semaphore, #tpu.memory_space<semaphore_mem>>)
      %dma_start3A_20 = arith.constant 80 : i32
      %dma_start3A_21 = arith.constant 0 : i32
      %dma_start3A_22 = tpu.memref_slice %arg15[%dma_start3A_20, %dma_start3A_21] : memref<4000x8xf32, #tpu.memory_space<vmem>> -> memref<80x8xf32, #tpu.memory_space<vmem>>
      %dma_start3A_23 = arith.constant 80 : i32
      %dma_start3A_24 = tpu.memref_slice %arg9[%dma_start3A_23] : memref<4000xi32, #tpu.memory_space<vmem>> -> memref<80xi32, #tpu.memory_space<vmem>>
      %dma_start3A_25 = arith.constant 0 : i32
      %dma_start3A_26 = arith.constant 0 : i32
      %dma_start3A_27 = tpu.memref_slice %arg2[%dma_start3A_25, %dma_start3A_26] : memref<100000x8xf32, #tpu.memory_space<hbm>> -> memref<100000x8xf32, #tpu.memory_space<hbm>>
      tpu.enqueue_indirect_dma source(%dma_start3A_27 : memref<100000x8xf32, #tpu.memory_space<hbm>>) target(%dma_start3A_22 : memref<80x8xf32, #tpu.memory_space<vmem>>) offsets(%dma_start3A_24 : memref<80xi32, #tpu.memory_space<vmem>>) semaphore(%arg20 : memref<!tpu.dma_semaphore, #tpu.memory_space<semaphore_mem>>)
      %dma_start3A_28 = arith.constant 160 : i32
      %dma_start3A_29 = arith.constant 0 : i32
      %dma_start3A_30 = tpu.memref_slice %arg15[%dma_start3A_28, %dma_start3A_29] : memref<4000x8xf32, #tpu.memory_space<vmem>> -> memref<80x8xf32, #tpu.memory_space<vmem>>
      %dma_start3A_31 = arith.constant 160 : i32
      %dma_start3A_32 = tpu.memref_slice %arg9[%dma_start3A_31] : memref<4000xi32, #tpu.memory_space<vmem>> -> memref<80xi32, #tpu.memory_space<vmem>>
      %dma_start3A_33 = arith.constant 0 : i32
      %dma_start3A_34 = arith.constant 0 : i32
      %dma_start3A_35 = tpu.memref_slice %arg2[%dma_start3A_33, %dma_start3A_34] : memref<100000x8xf32, #tpu.memory_space<hbm>> -> memref<100000x8xf32, #tpu.memory_space<hbm>>
      tpu.enqueue_indirect_dma source(%dma_start3A_35 : memref<100000x8xf32, #tpu.memory_space<hbm>>) target(%dma_start3A_30 : memref<80x8xf32, #tpu.memory_space<vmem>>) offsets(%dma_start3A_32 : memref<80xi32, #tpu.memory_space<vmem>>) semaphore(%arg20 : memref<!tpu.dma_semaphore, #tpu.memory_space<semaphore_mem>>)
      %dma_start3A_36 = arith.constant 240 : i32
      %dma_start3A_37 = arith.constant 0 : i32
      %dma_start3A_38 = tpu.memref_slice %arg15[%dma_start3A_36, %dma_start3A_37] : memref<4000x8xf32, #tpu.memory_space<vmem>> -> memref<80x8xf32, #tpu.memory_space<vmem>>
      %dma_start3A_39 = arith.constant 240 : i32
      %dma_start3A_40 = tpu.memref_slice %arg9[%dma_start3A_39] : memref<4000xi32, #tpu.memory_space<vmem>> -> memref<80xi32, #tpu.memory_space<vmem>>
      %dma_start3A_41 = arith.constant 0 : i32
      %dma_start3A_42 = arith.constant 0 : i32
      %dma_start3A_43 = tpu.memref_slice %arg2[%dma_start3A_41, %dma_start3A_42] : memref<100000x8xf32, #tpu.memory_space<hbm>> -> memref<100000x8xf32, #tpu.memory_space<hbm>>
      tpu.enqueue_indirect_dma source(%dma_start3A_43 : memref<100000x8xf32, #tpu.memory_space<hbm>>) target(%dma_start3A_38 : memref<80x8xf32, #tpu.memory_space<vmem>>) offsets(%dma_start3A_40 : memref<80xi32, #tpu.memory_space<vmem>>) semaphore(%arg20 : memref<!tpu.dma_semaphore, #tpu.memory_space<semaphore_mem>>)
      %dma_start3A_44 = arith.constant 320 : i32
      %dma_start3A_45 = arith.constant 0 : i32
      %dma_start3A_46 = tpu.memref_slice %arg15[%dma_start3A_44, %dma_start3A_45] : memref<4000x8xf32, #tpu.memory_space<vmem>> -> memref<80x8xf32, #tpu.memory_space<vmem>>
      %dma_start3A_47 = arith.constant 320 : i32
      %dma_start3A_48 = tpu.memref_slice %arg9[%dma_start3A_47] : memref<4000xi32, #tpu.memory_space<vmem>> -> memref<80xi32, #tpu.memory_space<vmem>>
      %dma_start3A_49 = arith.constant 0 : i32
      %dma_start3A_50 = arith.constant 0 : i32
      %dma_start3A_51 = tpu.memref_slice %arg2[%dma_start3A_49, %dma_start3A_50] : memref<100000x8xf32, #tpu.memory_space<hbm>> -> memref<100000x8xf32, #tpu.memory_space<hbm>>
      tpu.enqueue_indirect_dma source(%dma_start3A_51 : memref<100000x8xf32, #tpu.memory_space<hbm>>) target(%dma_start3A_46 : memref<80x8xf32, #tpu.memory_space<vmem>>) offsets(%dma_start3A_48 : memref<80xi32, #tpu.memory_space<vmem>>) semaphore(%arg20 : memref<!tpu.dma_semaphore, #tpu.memory_space<semaphore_mem>>)
      %dma_start3A_52 = arith.constant 400 : i32
      %dma_start3A_53 = arith.constant 0 : i32
      %dma_start3A_54 = tpu.memref_slice %arg15[%dma_start3A_52, %dma_start3A_53] : memref<4000x8xf32, #tpu.memory_space<vmem>> -> memref<80x8xf32, #tpu.memory_space<vmem>>
      %dma_start3A_55 = arith.constant 400 : i32
      %dma_start3A_56 = tpu.memref_slice %arg9[%dma_start3A_55] : memref<4000xi32, #tpu.memory_space<vmem>> -> memref<80xi32, #tpu.memory_space<vmem>>
      %dma_start3A_57 = arith.constant 0 : i32
      %dma_start3A_58 = arith.constant 0 : i32
      %dma_start3A_59 = tpu.memref_slice %arg2[%dma_start3A_57, %dma_start3A_58] : memref<100000x8xf32, #tpu.memory_space<hbm>> -> memref<100000x8xf32, #tpu.memory_space<hbm>>
      tpu.enqueue_indirect_dma source(%dma_start3A_59 : memref<100000x8xf32, #tpu.memory_space<hbm>>) target(%dma_start3A_54 : memref<80x8xf32, #tpu.memory_space<vmem>>) offsets(%dma_start3A_56 : memref<80xi32, #tpu.memory_space<vmem>>) semaphore(%arg20 : memref<!tpu.dma_semaphore, #tpu.memory_space<semaphore_mem>>)
      %dma_start3A_60 = arith.constant 480 : i32
      %dma_start3A_61 = arith.constant 0 : i32
      %dma_start3A_62 = tpu.memref_slice %arg15[%dma_start3A_60, %dma_start3A_61] : memref<4000x8xf32, #tpu.memory_space<vmem>> -> memref<80x8xf32, #tpu.memory_space<vmem>>
      %dma_start3A_63 = arith.constant 480 : i32
      %dma_start3A_64 = tpu.memref_slice %arg9[%dma_start3A_63] : memref<4000xi32, #tpu.memory_space<vmem>> -> memref<80xi32, #tpu.memory_space<vmem>>
      %dma_start3A_65 = arith.constant 0 : i32
      %dma_start3A_66 = arith.constant 0 : i32
      %dma_start3A_67 = tpu.memref_slice %arg2[%dma_start3A_65, %dma_start3A_66] : memref<100000x8xf32, #tpu.memory_space<hbm>> -> memref<100000x8xf32, #tpu.memory_space<hbm>>
      tpu.enqueue_indirect_dma source(%dma_start3A_67 : memref<100000x8xf32, #tpu.memory_space<hbm>>) target(%dma_start3A_62 : memref<80x8xf32, #tpu.memory_space<vmem>>) offsets(%dma_start3A_64 : memref<80xi32, #tpu.memory_space<vmem>>) semaphore(%arg20 : memref<!tpu.dma_semaphore, #tpu.memory_space<semaphore_mem>>)
      %dma_start3A_68 = arith.constant 560 : i32
      %dma_start3A_69 = arith.constant 0 : i32
      %dma_start3A_70 = tpu.memref_slice %arg15[%dma_start3A_68, %dma_start3A_69] : memref<4000x8xf32, #tpu.memory_space<vmem>> -> memref<80x8xf32, #tpu.memory_space<vmem>>
      %dma_start3A_71 = arith.constant 560 : i32
      %dma_start3A_72 = tpu.memref_slice %arg9[%dma_start3A_71] : memref<4000xi32, #tpu.memory_space<vmem>> -> memref<80xi32, #tpu.memory_space<vmem>>
      %dma_start3A_73 = arith.constant 0 : i32
      %dma_start3A_74 = arith.constant 0 : i32
      %dma_start3A_75 = tpu.memref_slice %arg2[%dma_start3A_73, %dma_start3A_74] : memref<100000x8xf32, #tpu.memory_space<hbm>> -> memref<100000x8xf32, #tpu.memory_space<hbm>>
      tpu.enqueue_indirect_dma source(%dma_start3A_75 : memref<100000x8xf32, #tpu.memory_space<hbm>>) target(%dma_start3A_70 : memref<80x8xf32, #tpu.memory_space<vmem>>) offsets(%dma_start3A_72 : memref<80xi32, #tpu.memory_space<vmem>>) semaphore(%arg20 : memref<!tpu.dma_semaphore, #tpu.memory_space<semaphore_mem>>)
      %dma_start3A_76 = arith.constant 640 : i32
      %dma_start3A_77 = arith.constant 0 : i32
      %dma_start3A_78 = tpu.memref_slice %arg15[%dma_start3A_76, %dma_start3A_77] : memref<4000x8xf32, #tpu.memory_space<vmem>> -> memref<80x8xf32, #tpu.memory_space<vmem>>
      %dma_start3A_79 = arith.constant 640 : i32
      %dma_start3A_80 = tpu.memref_slice %arg9[%dma_start3A_79] : memref<4000xi32, #tpu.memory_space<vmem>> -> memref<80xi32, #tpu.memory_space<vmem>>
      %dma_start3A_81 = arith.constant 0 : i32
      %dma_start3A_82 = arith.constant 0 : i32
      %dma_start3A_83 = tpu.memref_slice %arg2[%dma_start3A_81, %dma_start3A_82] : memref<100000x8xf32, #tpu.memory_space<hbm>> -> memref<100000x8xf32, #tpu.memory_space<hbm>>
      tpu.enqueue_indirect_dma source(%dma_start3A_83 : memref<100000x8xf32, #tpu.memory_space<hbm>>) target(%dma_start3A_78 : memref<80x8xf32, #tpu.memory_space<vmem>>) offsets(%dma_start3A_80 : memref<80xi32, #tpu.memory_space<vmem>>) semaphore(%arg20 : memref<!tpu.dma_semaphore, #tpu.memory_space<semaphore_mem>>)
      %dma_start3A_84 = arith.constant 720 : i32
      %dma_start3A_85 = arith.constant 0 : i32
      %dma_start3A_86 = tpu.memref_slice %arg15[%dma_start3A_84, %dma_start3A_85] : memref<4000x8xf32, #tpu.memory_space<vmem>> -> memref<80x8xf32, #tpu.memory_space<vmem>>
      %dma_start3A_87 = arith.constant 720 : i32
      %dma_start3A_88 = tpu.memref_slice %arg9[%dma_start3A_87] : memref<4000xi32, #tpu.memory_space<vmem>> -> memref<80xi32, #tpu.memory_space<vmem>>
      %dma_start3A_89 = arith.constant 0 : i32
      %dma_start3A_90 = arith.constant 0 : i32
      %dma_start3A_91 = tpu.memref_slice %arg2[%dma_start3A_89, %dma_start3A_90] : memref<100000x8xf32, #tpu.memory_space<hbm>> -> memref<100000x8xf32, #tpu.memory_space<hbm>>
      tpu.enqueue_indirect_dma source(%dma_start3A_91 : memref<100000x8xf32, #tpu.memory_space<hbm>>) target(%dma_start3A_86 : memref<80x8xf32, #tpu.memory_space<vmem>>) offsets(%dma_start3A_88 : memref<80xi32, #tpu.memory_space<vmem>>) semaphore(%arg20 : memref<!tpu.dma_semaphore, #tpu.memory_space<semaphore_mem>>)
      %dma_start3A_92 = arith.constant 800 : i32
      %dma_start3A_93 = arith.constant 0 : i32
      %dma_start3A_94 = tpu.memref_slice %arg15[%dma_start3A_92, %dma_start3A_93] : memref<4000x8xf32, #tpu.memory_space<vmem>> -> memref<80x8xf32, #tpu.memory_space<vmem>>
      %dma_start3A_95 = arith.constant 800 : i32
      %dma_start3A_96 = tpu.memref_slice %arg9[%dma_start3A_95] : memref<4000xi32, #tpu.memory_space<vmem>> -> memref<80xi32, #tpu.memory_space<vmem>>
      %dma_start3A_97 = arith.constant 0 : i32
      %dma_start3A_98 = arith.constant 0 : i32
      %dma_start3A_99 = tpu.memref_slice %arg2[%dma_start3A_97, %dma_start3A_98] : memref<100000x8xf32, #tpu.memory_space<hbm>> -> memref<100000x8xf32, #tpu.memory_space<hbm>>
      tpu.enqueue_indirect_dma source(%dma_start3A_99 : memref<100000x8xf32, #tpu.memory_space<hbm>>) target(%dma_start3A_94 : memref<80x8xf32, #tpu.memory_space<vmem>>) offsets(%dma_start3A_96 : memref<80xi32, #tpu.memory_space<vmem>>) semaphore(%arg20 : memref<!tpu.dma_semaphore, #tpu.memory_space<semaphore_mem>>)
      %dma_start3A_100 = arith.constant 880 : i32
      %dma_start3A_101 = arith.constant 0 : i32
      %dma_start3A_102 = tpu.memref_slice %arg15[%dma_start3A_100, %dma_start3A_101] : memref<4000x8xf32, #tpu.memory_space<vmem>> -> memref<80x8xf32, #tpu.memory_space<vmem>>
      %dma_start3A_103 = arith.constant 880 : i32
      %dma_start3A_104 = tpu.memref_slice %arg9[%dma_start3A_103] : memref<4000xi32, #tpu.memory_space<vmem>> -> memref<80xi32, #tpu.memory_space<vmem>>
      %dma_start3A_105 = arith.constant 0 : i32
      %dma_start3A_106 = arith.constant 0 : i32
      %dma_start3A_107 = tpu.memref_slice %arg2[%dma_start3A_105, %dma_start3A_106] : memref<100000x8xf32, #tpu.memory_space<hbm>> -> memref<100000x8xf32, #tpu.memory_space<hbm>>
      tpu.enqueue_indirect_dma source(%dma_start3A_107 : memref<100000x8xf32, #tpu.memory_space<hbm>>) target(%dma_start3A_102 : memref<80x8xf32, #tpu.memory_space<vmem>>) offsets(%dma_start3A_104 : memref<80xi32, #tpu.memory_space<vmem>>) semaphore(%arg20 : memref<!tpu.dma_semaphore, #tpu.memory_space<semaphore_mem>>)
      %dma_start3A_108 = arith.constant 960 : i32
      %dma_start3A_109 = arith.constant 0 : i32
      %dma_start3A_110 = tpu.memref_slice %arg15[%dma_start3A_108, %dma_start3A_109] : memref<4000x8xf32, #tpu.memory_space<vmem>> -> memref<80x8xf32, #tpu.memory_space<vmem>>
      %dma_start3A_111 = arith.constant 960 : i32
      %dma_start3A_112 = tpu.memref_slice %arg9[%dma_start3A_111] : memref<4000xi32, #tpu.memory_space<vmem>> -> memref<80xi32, #tpu.memory_space<vmem>>
      %dma_start3A_113 = arith.constant 0 : i32
      %dma_start3A_114 = arith.constant 0 : i32
      %dma_start3A_115 = tpu.memref_slice %arg2[%dma_start3A_113, %dma_start3A_114] : memref<100000x8xf32, #tpu.memory_space<hbm>> -> memref<100000x8xf32, #tpu.memory_space<hbm>>
      tpu.enqueue_indirect_dma source(%dma_start3A_115 : memref<100000x8xf32, #tpu.memory_space<hbm>>) target(%dma_start3A_110 : memref<80x8xf32, #tpu.memory_space<vmem>>) offsets(%dma_start3A_112 : memref<80xi32, #tpu.memory_space<vmem>>) semaphore(%arg20 : memref<!tpu.dma_semaphore, #tpu.memory_space<semaphore_mem>>)
      %dma_start3A_116 = arith.constant 1040 : i32
      %dma_start3A_117 = arith.constant 0 : i32
      %dma_start3A_118 = tpu.memref_slice %arg15[%dma_start3A_116, %dma_start3A_117] : memref<4000x8xf32, #tpu.memory_space<vmem>> -> memref<80x8xf32, #tpu.memory_space<vmem>>
      %dma_start3A_119 = arith.constant 1040 : i32
      %dma_start3A_120 = tpu.memref_slice %arg9[%dma_start3A_119] : memref<4000xi32, #tpu.memory_space<vmem>> -> memref<80xi32, #tpu.memory_space<vmem>>
      %dma_start3A_121 = arith.constant 0 : i32
      %dma_start3A_122 = arith.constant 0 : i32
      %dma_start3A_123 = tpu.memref_slice %arg2[%dma_start3A_121, %dma_start3A_122] : memref<100000x8xf32, #tpu.memory_space<hbm>> -> memref<100000x8xf32, #tpu.memory_space<hbm>>
      tpu.enqueue_indirect_dma source(%dma_start3A_123 : memref<100000x8xf32, #tpu.memory_space<hbm>>) target(%dma_start3A_118 : memref<80x8xf32, #tpu.memory_space<vmem>>) offsets(%dma_start3A_120 : memref<80xi32, #tpu.memory_space<vmem>>) semaphore(%arg20 : memref<!tpu.dma_semaphore, #tpu.memory_space<semaphore_mem>>)
      %dma_start3A_124 = arith.constant 1120 : i32
      %dma_start3A_125 = arith.constant 0 : i32
      %dma_start3A_126 = tpu.memref_slice %arg15[%dma_start3A_124, %dma_start3A_125] : memref<4000x8xf32, #tpu.memory_space<vmem>> -> memref<80x8xf32, #tpu.memory_space<vmem>>
      %dma_start3A_127 = arith.constant 1120 : i32
      %dma_start3A_128 = tpu.memref_slice %arg9[%dma_start3A_127] : memref<4000xi32, #tpu.memory_space<vmem>> -> memref<80xi32, #tpu.memory_space<vmem>>
      %dma_start3A_129 = arith.constant 0 : i32
      %dma_start3A_130 = arith.constant 0 : i32
      %dma_start3A_131 = tpu.memref_slice %arg2[%dma_start3A_129, %dma_start3A_130] : memref<100000x8xf32, #tpu.memory_space<hbm>> -> memref<100000x8xf32, #tpu.memory_space<hbm>>
      tpu.enqueue_indirect_dma source(%dma_start3A_131 : memref<100000x8xf32, #tpu.memory_space<hbm>>) target(%dma_start3A_126 : memref<80x8xf32, #tpu.memory_space<vmem>>) offsets(%dma_start3A_128 : memref<80xi32, #tpu.memory_space<vmem>>) semaphore(%arg20 : memref<!tpu.dma_semaphore, #tpu.memory_space<semaphore_mem>>)
      %dma_start3A_132 = arith.constant 1200 : i32
      %dma_start3A_133 = arith.constant 0 : i32
      %dma_start3A_134 = tpu.memref_slice %arg15[%dma_start3A_132, %dma_start3A_133] : memref<4000x8xf32, #tpu.memory_space<vmem>> -> memref<80x8xf32, #tpu.memory_space<vmem>>
      %dma_start3A_135 = arith.constant 1200 : i32
      %dma_start3A_136 = tpu.memref_slice %arg9[%dma_start3A_135] : memref<4000xi32, #tpu.memory_space<vmem>> -> memref<80xi32, #tpu.memory_space<vmem>>
      %dma_start3A_137 = arith.constant 0 : i32
      %dma_start3A_138 = arith.constant 0 : i32
      %dma_start3A_139 = tpu.memref_slice %arg2[%dma_start3A_137, %dma_start3A_138] : memref<100000x8xf32, #tpu.memory_space<hbm>> -> memref<100000x8xf32, #tpu.memory_space<hbm>>
      tpu.enqueue_indirect_dma source(%dma_start3A_139 : memref<100000x8xf32, #tpu.memory_space<hbm>>) target(%dma_start3A_134 : memref<80x8xf32, #tpu.memory_space<vmem>>) offsets(%dma_start3A_136 : memref<80xi32, #tpu.memory_space<vmem>>) semaphore(%arg20 : memref<!tpu.dma_semaphore, #tpu.memory_space<semaphore_mem>>)
      %dma_start3A_140 = arith.constant 1280 : i32
      %dma_start3A_141 = arith.constant 0 : i32
      %dma_start3A_142 = tpu.memref_slice %arg15[%dma_start3A_140, %dma_start3A_141] : memref<4000x8xf32, #tpu.memory_space<vmem>> -> memref<80x8xf32, #tpu.memory_space<vmem>>
      %dma_start3A_143 = arith.constant 1280 : i32
      %dma_start3A_144 = tpu.memref_slice %arg9[%dma_start3A_143] : memref<4000xi32, #tpu.memory_space<vmem>> -> memref<80xi32, #tpu.memory_space<vmem>>
      %dma_start3A_145 = arith.constant 0 : i32
      %dma_start3A_146 = arith.constant 0 : i32
      %dma_start3A_147 = tpu.memref_slice %arg2[%dma_start3A_145, %dma_start3A_146] : memref<100000x8xf32, #tpu.memory_space<hbm>> -> memref<100000x8xf32, #tpu.memory_space<hbm>>
      tpu.enqueue_indirect_dma source(%dma_start3A_147 : memref<100000x8xf32, #tpu.memory_space<hbm>>) target(%dma_start3A_142 : memref<80x8xf32, #tpu.memory_space<vmem>>) offsets(%dma_start3A_144 : memref<80xi32, #tpu.memory_space<vmem>>) semaphore(%arg20 : memref<!tpu.dma_semaphore, #tpu.memory_space<semaphore_mem>>)
      %dma_start3A_148 = arith.constant 1360 : i32
      %dma_start3A_149 = arith.constant 0 : i32
      %dma_start3A_150 = tpu.memref_slice %arg15[%dma_start3A_148, %dma_start3A_149] : memref<4000x8xf32, #tpu.memory_space<vmem>> -> memref<80x8xf32, #tpu.memory_space<vmem>>
      %dma_start3A_151 = arith.constant 1360 : i32
      %dma_start3A_152 = tpu.memref_slice %arg9[%dma_start3A_151] : memref<4000xi32, #tpu.memory_space<vmem>> -> memref<80xi32, #tpu.memory_space<vmem>>
      %dma_start3A_153 = arith.constant 0 : i32
      %dma_start3A_154 = arith.constant 0 : i32
      %dma_start3A_155 = tpu.memref_slice %arg2[%dma_start3A_153, %dma_start3A_154] : memref<100000x8xf32, #tpu.memory_space<hbm>> -> memref<100000x8xf32, #tpu.memory_space<hbm>>
      tpu.enqueue_indirect_dma source(%dma_start3A_155 : memref<100000x8xf32, #tpu.memory_space<hbm>>) target(%dma_start3A_150 : memref<80x8xf32, #tpu.memory_space<vmem>>) offsets(%dma_start3A_152 : memref<80xi32, #tpu.memory_space<vmem>>) semaphore(%arg20 : memref<!tpu.dma_semaphore, #tpu.memory_space<semaphore_mem>>)
      %dma_start3A_156 = arith.constant 1440 : i32
      %dma_start3A_157 = arith.constant 0 : i32
      %dma_start3A_158 = tpu.memref_slice %arg15[%dma_start3A_156, %dma_start3A_157] : memref<4000x8xf32, #tpu.memory_space<vmem>> -> memref<80x8xf32, #tpu.memory_space<vmem>>
      %dma_start3A_159 = arith.constant 1440 : i32
      %dma_start3A_160 = tpu.memref_slice %arg9[%dma_start3A_159] : memref<4000xi32, #tpu.memory_space<vmem>> -> memref<80xi32, #tpu.memory_space<vmem>>
      %dma_start3A_161 = arith.constant 0 : i32
      %dma_start3A_162 = arith.constant 0 : i32
      %dma_start3A_163 = tpu.memref_slice %arg2[%dma_start3A_161, %dma_start3A_162] : memref<100000x8xf32, #tpu.memory_space<hbm>> -> memref<100000x8xf32, #tpu.memory_space<hbm>>
      tpu.enqueue_indirect_dma source(%dma_start3A_163 : memref<100000x8xf32, #tpu.memory_space<hbm>>) target(%dma_start3A_158 : memref<80x8xf32, #tpu.memory_space<vmem>>) offsets(%dma_start3A_160 : memref<80xi32, #tpu.memory_space<vmem>>) semaphore(%arg20 : memref<!tpu.dma_semaphore, #tpu.memory_space<semaphore_mem>>)
      %dma_start3A_164 = arith.constant 1520 : i32
      %dma_start3A_165 = arith.constant 0 : i32
      %dma_start3A_166 = tpu.memref_slice %arg15[%dma_start3A_164, %dma_start3A_165] : memref<4000x8xf32, #tpu.memory_space<vmem>> -> memref<80x8xf32, #tpu.memory_space<vmem>>
      %dma_start3A_167 = arith.constant 1520 : i32
      %dma_start3A_168 = tpu.memref_slice %arg9[%dma_start3A_167] : memref<4000xi32, #tpu.memory_space<vmem>> -> memref<80xi32, #tpu.memory_space<vmem>>
      %dma_start3A_169 = arith.constant 0 : i32
      %dma_start3A_170 = arith.constant 0 : i32
      %dma_start3A_171 = tpu.memref_slice %arg2[%dma_start3A_169, %dma_start3A_170] : memref<100000x8xf32, #tpu.memory_space<hbm>> -> memref<100000x8xf32, #tpu.memory_space<hbm>>
      tpu.enqueue_indirect_dma source(%dma_start3A_171 : memref<100000x8xf32, #tpu.memory_space<hbm>>) target(%dma_start3A_166 : memref<80x8xf32, #tpu.memory_space<vmem>>) offsets(%dma_start3A_168 : memref<80xi32, #tpu.memory_space<vmem>>) semaphore(%arg20 : memref<!tpu.dma_semaphore, #tpu.memory_space<semaphore_mem>>)
      %dma_start3A_172 = arith.constant 1600 : i32
      %dma_start3A_173 = arith.constant 0 : i32
      %dma_start3A_174 = tpu.memref_slice %arg15[%dma_start3A_172, %dma_start3A_173] : memref<4000x8xf32, #tpu.memory_space<vmem>> -> memref<80x8xf32, #tpu.memory_space<vmem>>
      %dma_start3A_175 = arith.constant 1600 : i32
      %dma_start3A_176 = tpu.memref_slice %arg9[%dma_start3A_175] : memref<4000xi32, #tpu.memory_space<vmem>> -> memref<80xi32, #tpu.memory_space<vmem>>
      %dma_start3A_177 = arith.constant 0 : i32
      %dma_start3A_178 = arith.constant 0 : i32
      %dma_start3A_179 = tpu.memref_slice %arg2[%dma_start3A_177, %dma_start3A_178] : memref<100000x8xf32, #tpu.memory_space<hbm>> -> memref<100000x8xf32, #tpu.memory_space<hbm>>
      tpu.enqueue_indirect_dma source(%dma_start3A_179 : memref<100000x8xf32, #tpu.memory_space<hbm>>) target(%dma_start3A_174 : memref<80x8xf32, #tpu.memory_space<vmem>>) offsets(%dma_start3A_176 : memref<80xi32, #tpu.memory_space<vmem>>) semaphore(%arg20 : memref<!tpu.dma_semaphore, #tpu.memory_space<semaphore_mem>>)
      %dma_start3A_180 = arith.constant 1680 : i32
      %dma_start3A_181 = arith.constant 0 : i32
      %dma_start3A_182 = tpu.memref_slice %arg15[%dma_start3A_180, %dma_start3A_181] : memref<4000x8xf32, #tpu.memory_space<vmem>> -> memref<80x8xf32, #tpu.memory_space<vmem>>
      %dma_start3A_183 = arith.constant 1680 : i32
      %dma_start3A_184 = tpu.memref_slice %arg9[%dma_start3A_183] : memref<4000xi32, #tpu.memory_space<vmem>> -> memref<80xi32, #tpu.memory_space<vmem>>
      %dma_start3A_185 = arith.constant 0 : i32
      %dma_start3A_186 = arith.constant 0 : i32
      %dma_start3A_187 = tpu.memref_slice %arg2[%dma_start3A_185, %dma_start3A_186] : memref<100000x8xf32, #tpu.memory_space<hbm>> -> memref<100000x8xf32, #tpu.memory_space<hbm>>
      tpu.enqueue_indirect_dma source(%dma_start3A_187 : memref<100000x8xf32, #tpu.memory_space<hbm>>) target(%dma_start3A_182 : memref<80x8xf32, #tpu.memory_space<vmem>>) offsets(%dma_start3A_184 : memref<80xi32, #tpu.memory_space<vmem>>) semaphore(%arg20 : memref<!tpu.dma_semaphore, #tpu.memory_space<semaphore_mem>>)
      %dma_start3A_188 = arith.constant 1760 : i32
      %dma_start3A_189 = arith.constant 0 : i32
      %dma_start3A_190 = tpu.memref_slice %arg15[%dma_start3A_188, %dma_start3A_189] : memref<4000x8xf32, #tpu.memory_space<vmem>> -> memref<80x8xf32, #tpu.memory_space<vmem>>
      %dma_start3A_191 = arith.constant 1760 : i32
      %dma_start3A_192 = tpu.memref_slice %arg9[%dma_start3A_191] : memref<4000xi32, #tpu.memory_space<vmem>> -> memref<80xi32, #tpu.memory_space<vmem>>
      %dma_start3A_193 = arith.constant 0 : i32
      %dma_start3A_194 = arith.constant 0 : i32
      %dma_start3A_195 = tpu.memref_slice %arg2[%dma_start3A_193, %dma_start3A_194] : memref<100000x8xf32, #tpu.memory_space<hbm>> -> memref<100000x8xf32, #tpu.memory_space<hbm>>
      tpu.enqueue_indirect_dma source(%dma_start3A_195 : memref<100000x8xf32, #tpu.memory_space<hbm>>) target(%dma_start3A_190 : memref<80x8xf32, #tpu.memory_space<vmem>>) offsets(%dma_start3A_192 : memref<80xi32, #tpu.memory_space<vmem>>) semaphore(%arg20 : memref<!tpu.dma_semaphore, #tpu.memory_space<semaphore_mem>>)
      %dma_start3A_196 = arith.constant 1840 : i32
      %dma_start3A_197 = arith.constant 0 : i32
      %dma_start3A_198 = tpu.memref_slice %arg15[%dma_start3A_196, %dma_start3A_197] : memref<4000x8xf32, #tpu.memory_space<vmem>> -> memref<80x8xf32, #tpu.memory_space<vmem>>
      %dma_start3A_199 = arith.constant 1840 : i32
      %dma_start3A_200 = tpu.memref_slice %arg9[%dma_start3A_199] : memref<4000xi32, #tpu.memory_space<vmem>> -> memref<80xi32, #tpu.memory_space<vmem>>
      %dma_start3A_201 = arith.constant 0 : i32
      %dma_start3A_202 = arith.constant 0 : i32
      %dma_start3A_203 = tpu.memref_slice %arg2[%dma_start3A_201, %dma_start3A_202] : memref<100000x8xf32, #tpu.memory_space<hbm>> -> memref<100000x8xf32, #tpu.memory_space<hbm>>
      tpu.enqueue_indirect_dma source(%dma_start3A_203 : memref<100000x8xf32, #tpu.memory_space<hbm>>) target(%dma_start3A_198 : memref<80x8xf32, #tpu.memory_space<vmem>>) offsets(%dma_start3A_200 : memref<80xi32, #tpu.memory_space<vmem>>) semaphore(%arg20 : memref<!tpu.dma_semaphore, #tpu.memory_space<semaphore_mem>>)
      %dma_start3A_204 = arith.constant 1920 : i32
      %dma_start3A_205 = arith.constant 0 : i32
      %dma_start3A_206 = tpu.memref_slice %arg15[%dma_start3A_204, %dma_start3A_205] : memref<4000x8xf32, #tpu.memory_space<vmem>> -> memref<80x8xf32, #tpu.memory_space<vmem>>
      %dma_start3A_207 = arith.constant 1920 : i32
      %dma_start3A_208 = tpu.memref_slice %arg9[%dma_start3A_207] : memref<4000xi32, #tpu.memory_space<vmem>> -> memref<80xi32, #tpu.memory_space<vmem>>
      %dma_start3A_209 = arith.constant 0 : i32
      %dma_start3A_210 = arith.constant 0 : i32
      %dma_start3A_211 = tpu.memref_slice %arg2[%dma_start3A_209, %dma_start3A_210] : memref<100000x8xf32, #tpu.memory_space<hbm>> -> memref<100000x8xf32, #tpu.memory_space<hbm>>
      tpu.enqueue_indirect_dma source(%dma_start3A_211 : memref<100000x8xf32, #tpu.memory_space<hbm>>) target(%dma_start3A_206 : memref<80x8xf32, #tpu.memory_space<vmem>>) offsets(%dma_start3A_208 : memref<80xi32, #tpu.memory_space<vmem>>) semaphore(%arg20 : memref<!tpu.dma_semaphore, #tpu.memory_space<semaphore_mem>>)
      %dma_start3A_212 = arith.constant 2000 : i32
      %dma_start3A_213 = arith.constant 0 : i32
      %dma_start3A_214 = tpu.memref_slice %arg15[%dma_start3A_212, %dma_start3A_213] : memref<4000x8xf32, #tpu.memory_space<vmem>> -> memref<80x8xf32, #tpu.memory_space<vmem>>
      %dma_start3A_215 = arith.constant 2000 : i32
      %dma_start3A_216 = tpu.memref_slice %arg9[%dma_start3A_215] : memref<4000xi32, #tpu.memory_space<vmem>> -> memref<80xi32, #tpu.memory_space<vmem>>
      %dma_start3A_217 = arith.constant 0 : i32
      %dma_start3A_218 = arith.constant 0 : i32
      %dma_start3A_219 = tpu.memref_slice %arg2[%dma_start3A_217, %dma_start3A_218] : memref<100000x8xf32, #tpu.memory_space<hbm>> -> memref<100000x8xf32, #tpu.memory_space<hbm>>
      tpu.enqueue_indirect_dma source(%dma_start3A_219 : memref<100000x8xf32, #tpu.memory_space<hbm>>) target(%dma_start3A_214 : memref<80x8xf32, #tpu.memory_space<vmem>>) offsets(%dma_start3A_216 : memref<80xi32, #tpu.memory_space<vmem>>) semaphore(%arg20 : memref<!tpu.dma_semaphore, #tpu.memory_space<semaphore_mem>>)
      %dma_start3A_220 = arith.constant 2080 : i32
      %dma_start3A_221 = arith.constant 0 : i32
      %dma_start3A_222 = tpu.memref_slice %arg15[%dma_start3A_220, %dma_start3A_221] : memref<4000x8xf32, #tpu.memory_space<vmem>> -> memref<80x8xf32, #tpu.memory_space<vmem>>
      %dma_start3A_223 = arith.constant 2080 : i32
      %dma_start3A_224 = tpu.memref_slice %arg9[%dma_start3A_223] : memref<4000xi32, #tpu.memory_space<vmem>> -> memref<80xi32, #tpu.memory_space<vmem>>
      %dma_start3A_225 = arith.constant 0 : i32
      %dma_start3A_226 = arith.constant 0 : i32
      %dma_start3A_227 = tpu.memref_slice %arg2[%dma_start3A_225, %dma_start3A_226] : memref<100000x8xf32, #tpu.memory_space<hbm>> -> memref<100000x8xf32, #tpu.memory_space<hbm>>
      tpu.enqueue_indirect_dma source(%dma_start3A_227 : memref<100000x8xf32, #tpu.memory_space<hbm>>) target(%dma_start3A_222 : memref<80x8xf32, #tpu.memory_space<vmem>>) offsets(%dma_start3A_224 : memref<80xi32, #tpu.memory_space<vmem>>) semaphore(%arg20 : memref<!tpu.dma_semaphore, #tpu.memory_space<semaphore_mem>>)
      %dma_start3A_228 = arith.constant 2160 : i32
      %dma_start3A_229 = arith.constant 0 : i32
      %dma_start3A_230 = tpu.memref_slice %arg15[%dma_start3A_228, %dma_start3A_229] : memref<4000x8xf32, #tpu.memory_space<vmem>> -> memref<80x8xf32, #tpu.memory_space<vmem>>
      %dma_start3A_231 = arith.constant 2160 : i32
      %dma_start3A_232 = tpu.memref_slice %arg9[%dma_start3A_231] : memref<4000xi32, #tpu.memory_space<vmem>> -> memref<80xi32, #tpu.memory_space<vmem>>
      %dma_start3A_233 = arith.constant 0 : i32
      %dma_start3A_234 = arith.constant 0 : i32
      %dma_start3A_235 = tpu.memref_slice %arg2[%dma_start3A_233, %dma_start3A_234] : memref<100000x8xf32, #tpu.memory_space<hbm>> -> memref<100000x8xf32, #tpu.memory_space<hbm>>
      tpu.enqueue_indirect_dma source(%dma_start3A_235 : memref<100000x8xf32, #tpu.memory_space<hbm>>) target(%dma_start3A_230 : memref<80x8xf32, #tpu.memory_space<vmem>>) offsets(%dma_start3A_232 : memref<80xi32, #tpu.memory_space<vmem>>) semaphore(%arg20 : memref<!tpu.dma_semaphore, #tpu.memory_space<semaphore_mem>>)
      %dma_start3A_236 = arith.constant 2240 : i32
      %dma_start3A_237 = arith.constant 0 : i32
      %dma_start3A_238 = tpu.memref_slice %arg15[%dma_start3A_236, %dma_start3A_237] : memref<4000x8xf32, #tpu.memory_space<vmem>> -> memref<80x8xf32, #tpu.memory_space<vmem>>
      %dma_start3A_239 = arith.constant 2240 : i32
      %dma_start3A_240 = tpu.memref_slice %arg9[%dma_start3A_239] : memref<4000xi32, #tpu.memory_space<vmem>> -> memref<80xi32, #tpu.memory_space<vmem>>
      %dma_start3A_241 = arith.constant 0 : i32
      %dma_start3A_242 = arith.constant 0 : i32
      %dma_start3A_243 = tpu.memref_slice %arg2[%dma_start3A_241, %dma_start3A_242] : memref<100000x8xf32, #tpu.memory_space<hbm>> -> memref<100000x8xf32, #tpu.memory_space<hbm>>
      tpu.enqueue_indirect_dma source(%dma_start3A_243 : memref<100000x8xf32, #tpu.memory_space<hbm>>) target(%dma_start3A_238 : memref<80x8xf32, #tpu.memory_space<vmem>>) offsets(%dma_start3A_240 : memref<80xi32, #tpu.memory_space<vmem>>) semaphore(%arg20 : memref<!tpu.dma_semaphore, #tpu.memory_space<semaphore_mem>>)
      %dma_start3A_244 = arith.constant 2320 : i32
      %dma_start3A_245 = arith.constant 0 : i32
      %dma_start3A_246 = tpu.memref_slice %arg15[%dma_start3A_244, %dma_start3A_245] : memref<4000x8xf32, #tpu.memory_space<vmem>> -> memref<80x8xf32, #tpu.memory_space<vmem>>
      %dma_start3A_247 = arith.constant 2320 : i32
      %dma_start3A_248 = tpu.memref_slice %arg9[%dma_start3A_247] : memref<4000xi32, #tpu.memory_space<vmem>> -> memref<80xi32, #tpu.memory_space<vmem>>
      %dma_start3A_249 = arith.constant 0 : i32
      %dma_start3A_250 = arith.constant 0 : i32
      %dma_start3A_251 = tpu.memref_slice %arg2[%dma_start3A_249, %dma_start3A_250] : memref<100000x8xf32, #tpu.memory_space<hbm>> -> memref<100000x8xf32, #tpu.memory_space<hbm>>
      tpu.enqueue_indirect_dma source(%dma_start3A_251 : memref<100000x8xf32, #tpu.memory_space<hbm>>) target(%dma_start3A_246 : memref<80x8xf32, #tpu.memory_space<vmem>>) offsets(%dma_start3A_248 : memref<80xi32, #tpu.memory_space<vmem>>) semaphore(%arg20 : memref<!tpu.dma_semaphore, #tpu.memory_space<semaphore_mem>>)
      %dma_start3A_252 = arith.constant 2400 : i32
      %dma_start3A_253 = arith.constant 0 : i32
      %dma_start3A_254 = tpu.memref_slice %arg15[%dma_start3A_252, %dma_start3A_253] : memref<4000x8xf32, #tpu.memory_space<vmem>> -> memref<80x8xf32, #tpu.memory_space<vmem>>
      %dma_start3A_255 = arith.constant 2400 : i32
      %dma_start3A_256 = tpu.memref_slice %arg9[%dma_start3A_255] : memref<4000xi32, #tpu.memory_space<vmem>> -> memref<80xi32, #tpu.memory_space<vmem>>
      %dma_start3A_257 = arith.constant 0 : i32
      %dma_start3A_258 = arith.constant 0 : i32
      %dma_start3A_259 = tpu.memref_slice %arg2[%dma_start3A_257, %dma_start3A_258] : memref<100000x8xf32, #tpu.memory_space<hbm>> -> memref<100000x8xf32, #tpu.memory_space<hbm>>
      tpu.enqueue_indirect_dma source(%dma_start3A_259 : memref<100000x8xf32, #tpu.memory_space<hbm>>) target(%dma_start3A_254 : memref<80x8xf32, #tpu.memory_space<vmem>>) offsets(%dma_start3A_256 : memref<80xi32, #tpu.memory_space<vmem>>) semaphore(%arg20 : memref<!tpu.dma_semaphore, #tpu.memory_space<semaphore_mem>>)
      %dma_start3A_260 = arith.constant 2480 : i32
      %dma_start3A_261 = arith.constant 0 : i32
      %dma_start3A_262 = tpu.memref_slice %arg15[%dma_start3A_260, %dma_start3A_261] : memref<4000x8xf32, #tpu.memory_space<vmem>> -> memref<80x8xf32, #tpu.memory_space<vmem>>
      %dma_start3A_263 = arith.constant 2480 : i32
      %dma_start3A_264 = tpu.memref_slice %arg9[%dma_start3A_263] : memref<4000xi32, #tpu.memory_space<vmem>> -> memref<80xi32, #tpu.memory_space<vmem>>
      %dma_start3A_265 = arith.constant 0 : i32
      %dma_start3A_266 = arith.constant 0 : i32
      %dma_start3A_267 = tpu.memref_slice %arg2[%dma_start3A_265, %dma_start3A_266] : memref<100000x8xf32, #tpu.memory_space<hbm>> -> memref<100000x8xf32, #tpu.memory_space<hbm>>
      tpu.enqueue_indirect_dma source(%dma_start3A_267 : memref<100000x8xf32, #tpu.memory_space<hbm>>) target(%dma_start3A_262 : memref<80x8xf32, #tpu.memory_space<vmem>>) offsets(%dma_start3A_264 : memref<80xi32, #tpu.memory_space<vmem>>) semaphore(%arg20 : memref<!tpu.dma_semaphore, #tpu.memory_space<semaphore_mem>>)
      %dma_start3A_268 = arith.constant 2560 : i32
      %dma_start3A_269 = arith.constant 0 : i32
      %dma_start3A_270 = tpu.memref_slice %arg15[%dma_start3A_268, %dma_start3A_269] : memref<4000x8xf32, #tpu.memory_space<vmem>> -> memref<80x8xf32, #tpu.memory_space<vmem>>
      %dma_start3A_271 = arith.constant 2560 : i32
      %dma_start3A_272 = tpu.memref_slice %arg9[%dma_start3A_271] : memref<4000xi32, #tpu.memory_space<vmem>> -> memref<80xi32, #tpu.memory_space<vmem>>
      %dma_start3A_273 = arith.constant 0 : i32
      %dma_start3A_274 = arith.constant 0 : i32
      %dma_start3A_275 = tpu.memref_slice %arg2[%dma_start3A_273, %dma_start3A_274] : memref<100000x8xf32, #tpu.memory_space<hbm>> -> memref<100000x8xf32, #tpu.memory_space<hbm>>
      tpu.enqueue_indirect_dma source(%dma_start3A_275 : memref<100000x8xf32, #tpu.memory_space<hbm>>) target(%dma_start3A_270 : memref<80x8xf32, #tpu.memory_space<vmem>>) offsets(%dma_start3A_272 : memref<80xi32, #tpu.memory_space<vmem>>) semaphore(%arg20 : memref<!tpu.dma_semaphore, #tpu.memory_space<semaphore_mem>>)
      %dma_start3A_276 = arith.constant 2640 : i32
      %dma_start3A_277 = arith.constant 0 : i32
      %dma_start3A_278 = tpu.memref_slice %arg15[%dma_start3A_276, %dma_start3A_277] : memref<4000x8xf32, #tpu.memory_space<vmem>> -> memref<80x8xf32, #tpu.memory_space<vmem>>
      %dma_start3A_279 = arith.constant 2640 : i32
      %dma_start3A_280 = tpu.memref_slice %arg9[%dma_start3A_279] : memref<4000xi32, #tpu.memory_space<vmem>> -> memref<80xi32, #tpu.memory_space<vmem>>
      %dma_start3A_281 = arith.constant 0 : i32
      %dma_start3A_282 = arith.constant 0 : i32
      %dma_start3A_283 = tpu.memref_slice %arg2[%dma_start3A_281, %dma_start3A_282] : memref<100000x8xf32, #tpu.memory_space<hbm>> -> memref<100000x8xf32, #tpu.memory_space<hbm>>
      tpu.enqueue_indirect_dma source(%dma_start3A_283 : memref<100000x8xf32, #tpu.memory_space<hbm>>) target(%dma_start3A_278 : memref<80x8xf32, #tpu.memory_space<vmem>>) offsets(%dma_start3A_280 : memref<80xi32, #tpu.memory_space<vmem>>) semaphore(%arg20 : memref<!tpu.dma_semaphore, #tpu.memory_space<semaphore_mem>>)
      %dma_start3A_284 = arith.constant 2720 : i32
      %dma_start3A_285 = arith.constant 0 : i32
      %dma_start3A_286 = tpu.memref_slice %arg15[%dma_start3A_284, %dma_start3A_285] : memref<4000x8xf32, #tpu.memory_space<vmem>> -> memref<80x8xf32, #tpu.memory_space<vmem>>
      %dma_start3A_287 = arith.constant 2720 : i32
      %dma_start3A_288 = tpu.memref_slice %arg9[%dma_start3A_287] : memref<4000xi32, #tpu.memory_space<vmem>> -> memref<80xi32, #tpu.memory_space<vmem>>
      %dma_start3A_289 = arith.constant 0 : i32
      %dma_start3A_290 = arith.constant 0 : i32
      %dma_start3A_291 = tpu.memref_slice %arg2[%dma_start3A_289, %dma_start3A_290] : memref<100000x8xf32, #tpu.memory_space<hbm>> -> memref<100000x8xf32, #tpu.memory_space<hbm>>
      tpu.enqueue_indirect_dma source(%dma_start3A_291 : memref<100000x8xf32, #tpu.memory_space<hbm>>) target(%dma_start3A_286 : memref<80x8xf32, #tpu.memory_space<vmem>>) offsets(%dma_start3A_288 : memref<80xi32, #tpu.memory_space<vmem>>) semaphore(%arg20 : memref<!tpu.dma_semaphore, #tpu.memory_space<semaphore_mem>>)
      %dma_start3A_292 = arith.constant 2800 : i32
      %dma_start3A_293 = arith.constant 0 : i32
      %dma_start3A_294 = tpu.memref_slice %arg15[%dma_start3A_292, %dma_start3A_293] : memref<4000x8xf32, #tpu.memory_space<vmem>> -> memref<80x8xf32, #tpu.memory_space<vmem>>
      %dma_start3A_295 = arith.constant 2800 : i32
      %dma_start3A_296 = tpu.memref_slice %arg9[%dma_start3A_295] : memref<4000xi32, #tpu.memory_space<vmem>> -> memref<80xi32, #tpu.memory_space<vmem>>
      %dma_start3A_297 = arith.constant 0 : i32
      %dma_start3A_298 = arith.constant 0 : i32
      %dma_start3A_299 = tpu.memref_slice %arg2[%dma_start3A_297, %dma_start3A_298] : memref<100000x8xf32, #tpu.memory_space<hbm>> -> memref<100000x8xf32, #tpu.memory_space<hbm>>
      tpu.enqueue_indirect_dma source(%dma_start3A_299 : memref<100000x8xf32, #tpu.memory_space<hbm>>) target(%dma_start3A_294 : memref<80x8xf32, #tpu.memory_space<vmem>>) offsets(%dma_start3A_296 : memref<80xi32, #tpu.memory_space<vmem>>) semaphore(%arg20 : memref<!tpu.dma_semaphore, #tpu.memory_space<semaphore_mem>>)
      %dma_start3A_300 = arith.constant 2880 : i32
      %dma_start3A_301 = arith.constant 0 : i32
      %dma_start3A_302 = tpu.memref_slice %arg15[%dma_start3A_300, %dma_start3A_301] : memref<4000x8xf32, #tpu.memory_space<vmem>> -> memref<80x8xf32, #tpu.memory_space<vmem>>
      %dma_start3A_303 = arith.constant 2880 : i32
      %dma_start3A_304 = tpu.memref_slice %arg9[%dma_start3A_303] : memref<4000xi32, #tpu.memory_space<vmem>> -> memref<80xi32, #tpu.memory_space<vmem>>
      %dma_start3A_305 = arith.constant 0 : i32
      %dma_start3A_306 = arith.constant 0 : i32
      %dma_start3A_307 = tpu.memref_slice %arg2[%dma_start3A_305, %dma_start3A_306] : memref<100000x8xf32, #tpu.memory_space<hbm>> -> memref<100000x8xf32, #tpu.memory_space<hbm>>
      tpu.enqueue_indirect_dma source(%dma_start3A_307 : memref<100000x8xf32, #tpu.memory_space<hbm>>) target(%dma_start3A_302 : memref<80x8xf32, #tpu.memory_space<vmem>>) offsets(%dma_start3A_304 : memref<80xi32, #tpu.memory_space<vmem>>) semaphore(%arg20 : memref<!tpu.dma_semaphore, #tpu.memory_space<semaphore_mem>>)
      %dma_start3A_308 = arith.constant 2960 : i32
      %dma_start3A_309 = arith.constant 0 : i32
      %dma_start3A_310 = tpu.memref_slice %arg15[%dma_start3A_308, %dma_start3A_309] : memref<4000x8xf32, #tpu.memory_space<vmem>> -> memref<80x8xf32, #tpu.memory_space<vmem>>
      %dma_start3A_311 = arith.constant 2960 : i32
      %dma_start3A_312 = tpu.memref_slice %arg9[%dma_start3A_311] : memref<4000xi32, #tpu.memory_space<vmem>> -> memref<80xi32, #tpu.memory_space<vmem>>
      %dma_start3A_313 = arith.constant 0 : i32
      %dma_start3A_314 = arith.constant 0 : i32
      %dma_start3A_315 = tpu.memref_slice %arg2[%dma_start3A_313, %dma_start3A_314] : memref<100000x8xf32, #tpu.memory_space<hbm>> -> memref<100000x8xf32, #tpu.memory_space<hbm>>
      tpu.enqueue_indirect_dma source(%dma_start3A_315 : memref<100000x8xf32, #tpu.memory_space<hbm>>) target(%dma_start3A_310 : memref<80x8xf32, #tpu.memory_space<vmem>>) offsets(%dma_start3A_312 : memref<80xi32, #tpu.memory_space<vmem>>) semaphore(%arg20 : memref<!tpu.dma_semaphore, #tpu.memory_space<semaphore_mem>>)
      %dma_start3A_316 = arith.constant 3040 : i32
      %dma_start3A_317 = arith.constant 0 : i32
      %dma_start3A_318 = tpu.memref_slice %arg15[%dma_start3A_316, %dma_start3A_317] : memref<4000x8xf32, #tpu.memory_space<vmem>> -> memref<80x8xf32, #tpu.memory_space<vmem>>
      %dma_start3A_319 = arith.constant 3040 : i32
      %dma_start3A_320 = tpu.memref_slice %arg9[%dma_start3A_319] : memref<4000xi32, #tpu.memory_space<vmem>> -> memref<80xi32, #tpu.memory_space<vmem>>
      %dma_start3A_321 = arith.constant 0 : i32
      %dma_start3A_322 = arith.constant 0 : i32
      %dma_start3A_323 = tpu.memref_slice %arg2[%dma_start3A_321, %dma_start3A_322] : memref<100000x8xf32, #tpu.memory_space<hbm>> -> memref<100000x8xf32, #tpu.memory_space<hbm>>
      tpu.enqueue_indirect_dma source(%dma_start3A_323 : memref<100000x8xf32, #tpu.memory_space<hbm>>) target(%dma_start3A_318 : memref<80x8xf32, #tpu.memory_space<vmem>>) offsets(%dma_start3A_320 : memref<80xi32, #tpu.memory_space<vmem>>) semaphore(%arg20 : memref<!tpu.dma_semaphore, #tpu.memory_space<semaphore_mem>>)
      %dma_start3A_324 = arith.constant 3120 : i32
      %dma_start3A_325 = arith.constant 0 : i32
      %dma_start3A_326 = tpu.memref_slice %arg15[%dma_start3A_324, %dma_start3A_325] : memref<4000x8xf32, #tpu.memory_space<vmem>> -> memref<80x8xf32, #tpu.memory_space<vmem>>
      %dma_start3A_327 = arith.constant 3120 : i32
      %dma_start3A_328 = tpu.memref_slice %arg9[%dma_start3A_327] : memref<4000xi32, #tpu.memory_space<vmem>> -> memref<80xi32, #tpu.memory_space<vmem>>
      %dma_start3A_329 = arith.constant 0 : i32
      %dma_start3A_330 = arith.constant 0 : i32
      %dma_start3A_331 = tpu.memref_slice %arg2[%dma_start3A_329, %dma_start3A_330] : memref<100000x8xf32, #tpu.memory_space<hbm>> -> memref<100000x8xf32, #tpu.memory_space<hbm>>
      tpu.enqueue_indirect_dma source(%dma_start3A_331 : memref<100000x8xf32, #tpu.memory_space<hbm>>) target(%dma_start3A_326 : memref<80x8xf32, #tpu.memory_space<vmem>>) offsets(%dma_start3A_328 : memref<80xi32, #tpu.memory_space<vmem>>) semaphore(%arg20 : memref<!tpu.dma_semaphore, #tpu.memory_space<semaphore_mem>>)
      %dma_start3A_332 = arith.constant 3200 : i32
      %dma_start3A_333 = arith.constant 0 : i32
      %dma_start3A_334 = tpu.memref_slice %arg15[%dma_start3A_332, %dma_start3A_333] : memref<4000x8xf32, #tpu.memory_space<vmem>> -> memref<80x8xf32, #tpu.memory_space<vmem>>
      %dma_start3A_335 = arith.constant 3200 : i32
      %dma_start3A_336 = tpu.memref_slice %arg9[%dma_start3A_335] : memref<4000xi32, #tpu.memory_space<vmem>> -> memref<80xi32, #tpu.memory_space<vmem>>
      %dma_start3A_337 = arith.constant 0 : i32
      %dma_start3A_338 = arith.constant 0 : i32
      %dma_start3A_339 = tpu.memref_slice %arg2[%dma_start3A_337, %dma_start3A_338] : memref<100000x8xf32, #tpu.memory_space<hbm>> -> memref<100000x8xf32, #tpu.memory_space<hbm>>
      tpu.enqueue_indirect_dma source(%dma_start3A_339 : memref<100000x8xf32, #tpu.memory_space<hbm>>) target(%dma_start3A_334 : memref<80x8xf32, #tpu.memory_space<vmem>>) offsets(%dma_start3A_336 : memref<80xi32, #tpu.memory_space<vmem>>) semaphore(%arg20 : memref<!tpu.dma_semaphore, #tpu.memory_space<semaphore_mem>>)
      %dma_start3A_340 = arith.constant 3280 : i32
      %dma_start3A_341 = arith.constant 0 : i32
      %dma_start3A_342 = tpu.memref_slice %arg15[%dma_start3A_340, %dma_start3A_341] : memref<4000x8xf32, #tpu.memory_space<vmem>> -> memref<80x8xf32, #tpu.memory_space<vmem>>
      %dma_start3A_343 = arith.constant 3280 : i32
      %dma_start3A_344 = tpu.memref_slice %arg9[%dma_start3A_343] : memref<4000xi32, #tpu.memory_space<vmem>> -> memref<80xi32, #tpu.memory_space<vmem>>
      %dma_start3A_345 = arith.constant 0 : i32
      %dma_start3A_346 = arith.constant 0 : i32
      %dma_start3A_347 = tpu.memref_slice %arg2[%dma_start3A_345, %dma_start3A_346] : memref<100000x8xf32, #tpu.memory_space<hbm>> -> memref<100000x8xf32, #tpu.memory_space<hbm>>
      tpu.enqueue_indirect_dma source(%dma_start3A_347 : memref<100000x8xf32, #tpu.memory_space<hbm>>) target(%dma_start3A_342 : memref<80x8xf32, #tpu.memory_space<vmem>>) offsets(%dma_start3A_344 : memref<80xi32, #tpu.memory_space<vmem>>) semaphore(%arg20 : memref<!tpu.dma_semaphore, #tpu.memory_space<semaphore_mem>>)
      %dma_start3A_348 = arith.constant 3360 : i32
      %dma_start3A_349 = arith.constant 0 : i32
      %dma_start3A_350 = tpu.memref_slice %arg15[%dma_start3A_348, %dma_start3A_349] : memref<4000x8xf32, #tpu.memory_space<vmem>> -> memref<80x8xf32, #tpu.memory_space<vmem>>
      %dma_start3A_351 = arith.constant 3360 : i32
      %dma_start3A_352 = tpu.memref_slice %arg9[%dma_start3A_351] : memref<4000xi32, #tpu.memory_space<vmem>> -> memref<80xi32, #tpu.memory_space<vmem>>
      %dma_start3A_353 = arith.constant 0 : i32
      %dma_start3A_354 = arith.constant 0 : i32
      %dma_start3A_355 = tpu.memref_slice %arg2[%dma_start3A_353, %dma_start3A_354] : memref<100000x8xf32, #tpu.memory_space<hbm>> -> memref<100000x8xf32, #tpu.memory_space<hbm>>
      tpu.enqueue_indirect_dma source(%dma_start3A_355 : memref<100000x8xf32, #tpu.memory_space<hbm>>) target(%dma_start3A_350 : memref<80x8xf32, #tpu.memory_space<vmem>>) offsets(%dma_start3A_352 : memref<80xi32, #tpu.memory_space<vmem>>) semaphore(%arg20 : memref<!tpu.dma_semaphore, #tpu.memory_space<semaphore_mem>>)
      %dma_start3A_356 = arith.constant 3440 : i32
      %dma_start3A_357 = arith.constant 0 : i32
      %dma_start3A_358 = tpu.memref_slice %arg15[%dma_start3A_356, %dma_start3A_357] : memref<4000x8xf32, #tpu.memory_space<vmem>> -> memref<80x8xf32, #tpu.memory_space<vmem>>
      %dma_start3A_359 = arith.constant 3440 : i32
      %dma_start3A_360 = tpu.memref_slice %arg9[%dma_start3A_359] : memref<4000xi32, #tpu.memory_space<vmem>> -> memref<80xi32, #tpu.memory_space<vmem>>
      %dma_start3A_361 = arith.constant 0 : i32
      %dma_start3A_362 = arith.constant 0 : i32
      %dma_start3A_363 = tpu.memref_slice %arg2[%dma_start3A_361, %dma_start3A_362] : memref<100000x8xf32, #tpu.memory_space<hbm>> -> memref<100000x8xf32, #tpu.memory_space<hbm>>
      tpu.enqueue_indirect_dma source(%dma_start3A_363 : memref<100000x8xf32, #tpu.memory_space<hbm>>) target(%dma_start3A_358 : memref<80x8xf32, #tpu.memory_space<vmem>>) offsets(%dma_start3A_360 : memref<80xi32, #tpu.memory_space<vmem>>) semaphore(%arg20 : memref<!tpu.dma_semaphore, #tpu.memory_space<semaphore_mem>>)
      %dma_start3A_364 = arith.constant 3520 : i32
      %dma_start3A_365 = arith.constant 0 : i32
      %dma_start3A_366 = tpu.memref_slice %arg15[%dma_start3A_364, %dma_start3A_365] : memref<4000x8xf32, #tpu.memory_space<vmem>> -> memref<80x8xf32, #tpu.memory_space<vmem>>
      %dma_start3A_367 = arith.constant 3520 : i32
      %dma_start3A_368 = tpu.memref_slice %arg9[%dma_start3A_367] : memref<4000xi32, #tpu.memory_space<vmem>> -> memref<80xi32, #tpu.memory_space<vmem>>
      %dma_start3A_369 = arith.constant 0 : i32
      %dma_start3A_370 = arith.constant 0 : i32
      %dma_start3A_371 = tpu.memref_slice %arg2[%dma_start3A_369, %dma_start3A_370] : memref<100000x8xf32, #tpu.memory_space<hbm>> -> memref<100000x8xf32, #tpu.memory_space<hbm>>
      tpu.enqueue_indirect_dma source(%dma_start3A_371 : memref<100000x8xf32, #tpu.memory_space<hbm>>) target(%dma_start3A_366 : memref<80x8xf32, #tpu.memory_space<vmem>>) offsets(%dma_start3A_368 : memref<80xi32, #tpu.memory_space<vmem>>) semaphore(%arg20 : memref<!tpu.dma_semaphore, #tpu.memory_space<semaphore_mem>>)
      %dma_start3A_372 = arith.constant 3600 : i32
      %dma_start3A_373 = arith.constant 0 : i32
      %dma_start3A_374 = tpu.memref_slice %arg15[%dma_start3A_372, %dma_start3A_373] : memref<4000x8xf32, #tpu.memory_space<vmem>> -> memref<80x8xf32, #tpu.memory_space<vmem>>
      %dma_start3A_375 = arith.constant 3600 : i32
      %dma_start3A_376 = tpu.memref_slice %arg9[%dma_start3A_375] : memref<4000xi32, #tpu.memory_space<vmem>> -> memref<80xi32, #tpu.memory_space<vmem>>
      %dma_start3A_377 = arith.constant 0 : i32
      %dma_start3A_378 = arith.constant 0 : i32
      %dma_start3A_379 = tpu.memref_slice %arg2[%dma_start3A_377, %dma_start3A_378] : memref<100000x8xf32, #tpu.memory_space<hbm>> -> memref<100000x8xf32, #tpu.memory_space<hbm>>
      tpu.enqueue_indirect_dma source(%dma_start3A_379 : memref<100000x8xf32, #tpu.memory_space<hbm>>) target(%dma_start3A_374 : memref<80x8xf32, #tpu.memory_space<vmem>>) offsets(%dma_start3A_376 : memref<80xi32, #tpu.memory_space<vmem>>) semaphore(%arg20 : memref<!tpu.dma_semaphore, #tpu.memory_space<semaphore_mem>>)
      %dma_start3A_380 = arith.constant 3680 : i32
      %dma_start3A_381 = arith.constant 0 : i32
      %dma_start3A_382 = tpu.memref_slice %arg15[%dma_start3A_380, %dma_start3A_381] : memref<4000x8xf32, #tpu.memory_space<vmem>> -> memref<80x8xf32, #tpu.memory_space<vmem>>
      %dma_start3A_383 = arith.constant 3680 : i32
      %dma_start3A_384 = tpu.memref_slice %arg9[%dma_start3A_383] : memref<4000xi32, #tpu.memory_space<vmem>> -> memref<80xi32, #tpu.memory_space<vmem>>
      %dma_start3A_385 = arith.constant 0 : i32
      %dma_start3A_386 = arith.constant 0 : i32
      %dma_start3A_387 = tpu.memref_slice %arg2[%dma_start3A_385, %dma_start3A_386] : memref<100000x8xf32, #tpu.memory_space<hbm>> -> memref<100000x8xf32, #tpu.memory_space<hbm>>
      tpu.enqueue_indirect_dma source(%dma_start3A_387 : memref<100000x8xf32, #tpu.memory_space<hbm>>) target(%dma_start3A_382 : memref<80x8xf32, #tpu.memory_space<vmem>>) offsets(%dma_start3A_384 : memref<80xi32, #tpu.memory_space<vmem>>) semaphore(%arg20 : memref<!tpu.dma_semaphore, #tpu.memory_space<semaphore_mem>>)
      %dma_start3A_388 = arith.constant 3760 : i32
      %dma_start3A_389 = arith.constant 0 : i32
      %dma_start3A_390 = tpu.memref_slice %arg15[%dma_start3A_388, %dma_start3A_389] : memref<4000x8xf32, #tpu.memory_space<vmem>> -> memref<80x8xf32, #tpu.memory_space<vmem>>
      %dma_start3A_391 = arith.constant 3760 : i32
      %dma_start3A_392 = tpu.memref_slice %arg9[%dma_start3A_391] : memref<4000xi32, #tpu.memory_space<vmem>> -> memref<80xi32, #tpu.memory_space<vmem>>
      %dma_start3A_393 = arith.constant 0 : i32
      %dma_start3A_394 = arith.constant 0 : i32
      %dma_start3A_395 = tpu.memref_slice %arg2[%dma_start3A_393, %dma_start3A_394] : memref<100000x8xf32, #tpu.memory_space<hbm>> -> memref<100000x8xf32, #tpu.memory_space<hbm>>
      tpu.enqueue_indirect_dma source(%dma_start3A_395 : memref<100000x8xf32, #tpu.memory_space<hbm>>) target(%dma_start3A_390 : memref<80x8xf32, #tpu.memory_space<vmem>>) offsets(%dma_start3A_392 : memref<80xi32, #tpu.memory_space<vmem>>) semaphore(%arg20 : memref<!tpu.dma_semaphore, #tpu.memory_space<semaphore_mem>>)
      %dma_start3A_396 = arith.constant 3840 : i32
      %dma_start3A_397 = arith.constant 0 : i32
      %dma_start3A_398 = tpu.memref_slice %arg15[%dma_start3A_396, %dma_start3A_397] : memref<4000x8xf32, #tpu.memory_space<vmem>> -> memref<80x8xf32, #tpu.memory_space<vmem>>
      %dma_start3A_399 = arith.constant 3840 : i32
      %dma_start3A_400 = tpu.memref_slice %arg9[%dma_start3A_399] : memref<4000xi32, #tpu.memory_space<vmem>> -> memref<80xi32, #tpu.memory_space<vmem>>
      %dma_start3A_401 = arith.constant 0 : i32
      %dma_start3A_402 = arith.constant 0 : i32
      %dma_start3A_403 = tpu.memref_slice %arg2[%dma_start3A_401, %dma_start3A_402] : memref<100000x8xf32, #tpu.memory_space<hbm>> -> memref<100000x8xf32, #tpu.memory_space<hbm>>
      tpu.enqueue_indirect_dma source(%dma_start3A_403 : memref<100000x8xf32, #tpu.memory_space<hbm>>) target(%dma_start3A_398 : memref<80x8xf32, #tpu.memory_space<vmem>>) offsets(%dma_start3A_400 : memref<80xi32, #tpu.memory_space<vmem>>) semaphore(%arg20 : memref<!tpu.dma_semaphore, #tpu.memory_space<semaphore_mem>>)
      %dma_start3A_404 = arith.constant 3920 : i32
      %dma_start3A_405 = arith.constant 0 : i32
      %dma_start3A_406 = tpu.memref_slice %arg15[%dma_start3A_404, %dma_start3A_405] : memref<4000x8xf32, #tpu.memory_space<vmem>> -> memref<80x8xf32, #tpu.memory_space<vmem>>
      %dma_start3A_407 = arith.constant 3920 : i32
      %dma_start3A_408 = tpu.memref_slice %arg9[%dma_start3A_407] : memref<4000xi32, #tpu.memory_space<vmem>> -> memref<80xi32, #tpu.memory_space<vmem>>
      %dma_start3A_409 = arith.constant 0 : i32
      %dma_start3A_410 = arith.constant 0 : i32
      %dma_start3A_411 = tpu.memref_slice %arg2[%dma_start3A_409, %dma_start3A_410] : memref<100000x8xf32, #tpu.memory_space<hbm>> -> memref<100000x8xf32, #tpu.memory_space<hbm>>
      tpu.enqueue_indirect_dma source(%dma_start3A_411 : memref<100000x8xf32, #tpu.memory_space<hbm>>) target(%dma_start3A_406 : memref<80x8xf32, #tpu.memory_space<vmem>>) offsets(%dma_start3A_408 : memref<80xi32, #tpu.memory_space<vmem>>) semaphore(%arg20 : memref<!tpu.dma_semaphore, #tpu.memory_space<semaphore_mem>>)
      "tpu.region"() ({
        %run_scoped3A = tpu.sem_alloc : memref<!tpu.dma_semaphore, #tpu.memory_space<semaphore_mem>>
        %dma_start3A_412 = tpu.memref_slice %arg3[%mul3A_12] : memref<1000000xi32, #tpu.memory_space<hbm>> -> memref<4000xi32, #tpu.memory_space<hbm>>
        %dma_start3A_413 = tpu.memref_slice %arg3[%mul3A_12] : memref<1000000xi32, #tpu.memory_space<hbm>> -> memref<4000xi32, #tpu.memory_space<hbm>>
        tpu.enqueue_dma source(%dma_start3A_413 : memref<4000xi32, #tpu.memory_space<hbm>>) target(%arg11 : memref<4000xi32, #tpu.memory_space<vmem>>) target_semaphore(%run_scoped3A : memref<!tpu.dma_semaphore, #tpu.memory_space<semaphore_mem>>)
        %dma_wait3A = tpu.memref_slice %arg3[%mul3A_12] : memref<1000000xi32, #tpu.memory_space<hbm>> -> memref<4000xi32, #tpu.memory_space<hbm>>
        %dma_wait3A_414 = tpu.memref_slice %arg3[%mul3A_12] : memref<1000000xi32, #tpu.memory_space<hbm>> -> memref<4000xi32, #tpu.memory_space<hbm>>
        tpu.wait_dma2 semaphore(%run_scoped3A : memref<!tpu.dma_semaphore, #tpu.memory_space<semaphore_mem>>) src(%dma_wait3A_414 : memref<4000xi32, #tpu.memory_space<hbm>>) dst(%arg11 : memref<4000xi32, #tpu.memory_space<vmem>>)
        tpu.yield
      }) : () -> ()
      "tpu.region"() ({
        %run_scoped3A = tpu.sem_alloc : memref<!tpu.dma_semaphore, #tpu.memory_space<semaphore_mem>>
        %dma_start3A_412 = tpu.memref_slice %arg5[%mul3A_12] : memref<1000000xi32, #tpu.memory_space<hbm>> -> memref<4000xi32, #tpu.memory_space<hbm>>
        %dma_start3A_413 = tpu.memref_slice %arg5[%mul3A_12] : memref<1000000xi32, #tpu.memory_space<hbm>> -> memref<4000xi32, #tpu.memory_space<hbm>>
        tpu.enqueue_dma source(%dma_start3A_413 : memref<4000xi32, #tpu.memory_space<hbm>>) target(%arg13 : memref<4000xi32, #tpu.memory_space<vmem>>) target_semaphore(%run_scoped3A : memref<!tpu.dma_semaphore, #tpu.memory_space<semaphore_mem>>)
        %dma_wait3A = tpu.memref_slice %arg5[%mul3A_12] : memref<1000000xi32, #tpu.memory_space<hbm>> -> memref<4000xi32, #tpu.memory_space<hbm>>
        %dma_wait3A_414 = tpu.memref_slice %arg5[%mul3A_12] : memref<1000000xi32, #tpu.memory_space<hbm>> -> memref<4000xi32, #tpu.memory_space<hbm>>
        tpu.wait_dma2 semaphore(%run_scoped3A : memref<!tpu.dma_semaphore, #tpu.memory_space<semaphore_mem>>) src(%dma_wait3A_414 : memref<4000xi32, #tpu.memory_space<hbm>>) dst(%arg13 : memref<4000xi32, #tpu.memory_space<vmem>>)
        tpu.yield
      }) : () -> ()
    } else {
    }
    %scan3A = arith.constant 0 : i32
    %scan3A_6 = arith.constant 0 : i32
    %scan3A_7 = arith.constant 4 : i32
    %scan3A_8 = arith.addi %scan3A_6, %scan3A_7 : i32
    %scan3A_9 = arith.constant 1 : i32
    scf.for %scan3A_11 = %scan3A_6 to %scan3A_8 step %scan3A_9  : i32 {
      %mul3A_12 = arith.constant 2 : i32
      %mul3A_13 = arith.muli %scan3A_11, %mul3A_12 : i32
      %add3A_14 = arith.constant 1 : i32
      %add3A_15 = arith.addi %mul3A_13, %add3A_14 : i32
      %mul3A_16 = arith.constant 32 : i32
      %mul3A_17 = arith.muli %add3A_15, %mul3A_16 : i32
      %add3A_18 = arith.addi %mul3A_17, %add3A : i32
      %lt3A_19 = arith.constant 250 : i32
      %lt3A_20 = arith.cmpi slt, %add3A_18, %lt3A_19 : i32
      %convert_element_type3A_21 = arith.extui %lt3A_20 : i1 to i32
      %cond3A_22 = arith.constant 0 : i32
      %cond3A_23 = arith.cmpi ne, %convert_element_type3A_21, %cond3A_22 : i32
      scf.if %cond3A_23 {
        %mul3A_52 = arith.constant 4000 : i32
        %mul3A_53 = arith.muli %add3A_18, %mul3A_52 : i32
        "tpu.region"() ({
          %run_scoped3A = tpu.sem_alloc : memref<!tpu.dma_semaphore, #tpu.memory_space<semaphore_mem>>
          %dma_start3A_453 = tpu.memref_slice %arg4[%mul3A_53] : memref<1000000xi32, #tpu.memory_space<hbm>> -> memref<4000xi32, #tpu.memory_space<hbm>>
          %dma_start3A_454 = tpu.memref_slice %arg4[%mul3A_53] : memref<1000000xi32, #tpu.memory_space<hbm>> -> memref<4000xi32, #tpu.memory_space<hbm>>
          tpu.enqueue_dma source(%dma_start3A_454 : memref<4000xi32, #tpu.memory_space<hbm>>) target(%arg10 : memref<4000xi32, #tpu.memory_space<vmem>>) target_semaphore(%run_scoped3A : memref<!tpu.dma_semaphore, #tpu.memory_space<semaphore_mem>>)
          %dma_wait3A = tpu.memref_slice %arg4[%mul3A_53] : memref<1000000xi32, #tpu.memory_space<hbm>> -> memref<4000xi32, #tpu.memory_space<hbm>>
          %dma_wait3A_455 = tpu.memref_slice %arg4[%mul3A_53] : memref<1000000xi32, #tpu.memory_space<hbm>> -> memref<4000xi32, #tpu.memory_space<hbm>>
          tpu.wait_dma2 semaphore(%run_scoped3A : memref<!tpu.dma_semaphore, #tpu.memory_space<semaphore_mem>>) src(%dma_wait3A_455 : memref<4000xi32, #tpu.memory_space<hbm>>) dst(%arg10 : memref<4000xi32, #tpu.memory_space<vmem>>)
          tpu.yield
        }) : () -> ()
        %dma_start3A = arith.constant 0 : i32
        %dma_start3A_54 = arith.constant 0 : i32
        %dma_start3A_55 = tpu.memref_slice %arg16[%dma_start3A, %dma_start3A_54] : memref<4000x8xf32, #tpu.memory_space<vmem>> -> memref<80x8xf32, #tpu.memory_space<vmem>>
        %dma_start3A_56 = arith.constant 0 : i32
        %dma_start3A_57 = tpu.memref_slice %arg10[%dma_start3A_56] : memref<4000xi32, #tpu.memory_space<vmem>> -> memref<80xi32, #tpu.memory_space<vmem>>
        %dma_start3A_58 = arith.constant 0 : i32
        %dma_start3A_59 = arith.constant 0 : i32
        %dma_start3A_60 = tpu.memref_slice %arg2[%dma_start3A_58, %dma_start3A_59] : memref<100000x8xf32, #tpu.memory_space<hbm>> -> memref<100000x8xf32, #tpu.memory_space<hbm>>
        tpu.enqueue_indirect_dma source(%dma_start3A_60 : memref<100000x8xf32, #tpu.memory_space<hbm>>) target(%dma_start3A_55 : memref<80x8xf32, #tpu.memory_space<vmem>>) offsets(%dma_start3A_57 : memref<80xi32, #tpu.memory_space<vmem>>) semaphore(%arg21 : memref<!tpu.dma_semaphore, #tpu.memory_space<semaphore_mem>>)
        %dma_start3A_61 = arith.constant 80 : i32
        %dma_start3A_62 = arith.constant 0 : i32
        %dma_start3A_63 = tpu.memref_slice %arg16[%dma_start3A_61, %dma_start3A_62] : memref<4000x8xf32, #tpu.memory_space<vmem>> -> memref<80x8xf32, #tpu.memory_space<vmem>>
        %dma_start3A_64 = arith.constant 80 : i32
        %dma_start3A_65 = tpu.memref_slice %arg10[%dma_start3A_64] : memref<4000xi32, #tpu.memory_space<vmem>> -> memref<80xi32, #tpu.memory_space<vmem>>
        %dma_start3A_66 = arith.constant 0 : i32
        %dma_start3A_67 = arith.constant 0 : i32
        %dma_start3A_68 = tpu.memref_slice %arg2[%dma_start3A_66, %dma_start3A_67] : memref<100000x8xf32, #tpu.memory_space<hbm>> -> memref<100000x8xf32, #tpu.memory_space<hbm>>
        tpu.enqueue_indirect_dma source(%dma_start3A_68 : memref<100000x8xf32, #tpu.memory_space<hbm>>) target(%dma_start3A_63 : memref<80x8xf32, #tpu.memory_space<vmem>>) offsets(%dma_start3A_65 : memref<80xi32, #tpu.memory_space<vmem>>) semaphore(%arg21 : memref<!tpu.dma_semaphore, #tpu.memory_space<semaphore_mem>>)
        %dma_start3A_69 = arith.constant 160 : i32
        %dma_start3A_70 = arith.constant 0 : i32
        %dma_start3A_71 = tpu.memref_slice %arg16[%dma_start3A_69, %dma_start3A_70] : memref<4000x8xf32, #tpu.memory_space<vmem>> -> memref<80x8xf32, #tpu.memory_space<vmem>>
        %dma_start3A_72 = arith.constant 160 : i32
        %dma_start3A_73 = tpu.memref_slice %arg10[%dma_start3A_72] : memref<4000xi32, #tpu.memory_space<vmem>> -> memref<80xi32, #tpu.memory_space<vmem>>
        %dma_start3A_74 = arith.constant 0 : i32
        %dma_start3A_75 = arith.constant 0 : i32
        %dma_start3A_76 = tpu.memref_slice %arg2[%dma_start3A_74, %dma_start3A_75] : memref<100000x8xf32, #tpu.memory_space<hbm>> -> memref<100000x8xf32, #tpu.memory_space<hbm>>
        tpu.enqueue_indirect_dma source(%dma_start3A_76 : memref<100000x8xf32, #tpu.memory_space<hbm>>) target(%dma_start3A_71 : memref<80x8xf32, #tpu.memory_space<vmem>>) offsets(%dma_start3A_73 : memref<80xi32, #tpu.memory_space<vmem>>) semaphore(%arg21 : memref<!tpu.dma_semaphore, #tpu.memory_space<semaphore_mem>>)
        %dma_start3A_77 = arith.constant 240 : i32
        %dma_start3A_78 = arith.constant 0 : i32
        %dma_start3A_79 = tpu.memref_slice %arg16[%dma_start3A_77, %dma_start3A_78] : memref<4000x8xf32, #tpu.memory_space<vmem>> -> memref<80x8xf32, #tpu.memory_space<vmem>>
        %dma_start3A_80 = arith.constant 240 : i32
        %dma_start3A_81 = tpu.memref_slice %arg10[%dma_start3A_80] : memref<4000xi32, #tpu.memory_space<vmem>> -> memref<80xi32, #tpu.memory_space<vmem>>
        %dma_start3A_82 = arith.constant 0 : i32
        %dma_start3A_83 = arith.constant 0 : i32
        %dma_start3A_84 = tpu.memref_slice %arg2[%dma_start3A_82, %dma_start3A_83] : memref<100000x8xf32, #tpu.memory_space<hbm>> -> memref<100000x8xf32, #tpu.memory_space<hbm>>
        tpu.enqueue_indirect_dma source(%dma_start3A_84 : memref<100000x8xf32, #tpu.memory_space<hbm>>) target(%dma_start3A_79 : memref<80x8xf32, #tpu.memory_space<vmem>>) offsets(%dma_start3A_81 : memref<80xi32, #tpu.memory_space<vmem>>) semaphore(%arg21 : memref<!tpu.dma_semaphore, #tpu.memory_space<semaphore_mem>>)
        %dma_start3A_85 = arith.constant 320 : i32
        %dma_start3A_86 = arith.constant 0 : i32
        %dma_start3A_87 = tpu.memref_slice %arg16[%dma_start3A_85, %dma_start3A_86] : memref<4000x8xf32, #tpu.memory_space<vmem>> -> memref<80x8xf32, #tpu.memory_space<vmem>>
        %dma_start3A_88 = arith.constant 320 : i32
        %dma_start3A_89 = tpu.memref_slice %arg10[%dma_start3A_88] : memref<4000xi32, #tpu.memory_space<vmem>> -> memref<80xi32, #tpu.memory_space<vmem>>
        %dma_start3A_90 = arith.constant 0 : i32
        %dma_start3A_91 = arith.constant 0 : i32
        %dma_start3A_92 = tpu.memref_slice %arg2[%dma_start3A_90, %dma_start3A_91] : memref<100000x8xf32, #tpu.memory_space<hbm>> -> memref<100000x8xf32, #tpu.memory_space<hbm>>
        tpu.enqueue_indirect_dma source(%dma_start3A_92 : memref<100000x8xf32, #tpu.memory_space<hbm>>) target(%dma_start3A_87 : memref<80x8xf32, #tpu.memory_space<vmem>>) offsets(%dma_start3A_89 : memref<80xi32, #tpu.memory_space<vmem>>) semaphore(%arg21 : memref<!tpu.dma_semaphore, #tpu.memory_space<semaphore_mem>>)
        %dma_start3A_93 = arith.constant 400 : i32
        %dma_start3A_94 = arith.constant 0 : i32
        %dma_start3A_95 = tpu.memref_slice %arg16[%dma_start3A_93, %dma_start3A_94] : memref<4000x8xf32, #tpu.memory_space<vmem>> -> memref<80x8xf32, #tpu.memory_space<vmem>>
        %dma_start3A_96 = arith.constant 400 : i32
        %dma_start3A_97 = tpu.memref_slice %arg10[%dma_start3A_96] : memref<4000xi32, #tpu.memory_space<vmem>> -> memref<80xi32, #tpu.memory_space<vmem>>
        %dma_start3A_98 = arith.constant 0 : i32
        %dma_start3A_99 = arith.constant 0 : i32
        %dma_start3A_100 = tpu.memref_slice %arg2[%dma_start3A_98, %dma_start3A_99] : memref<100000x8xf32, #tpu.memory_space<hbm>> -> memref<100000x8xf32, #tpu.memory_space<hbm>>
        tpu.enqueue_indirect_dma source(%dma_start3A_100 : memref<100000x8xf32, #tpu.memory_space<hbm>>) target(%dma_start3A_95 : memref<80x8xf32, #tpu.memory_space<vmem>>) offsets(%dma_start3A_97 : memref<80xi32, #tpu.memory_space<vmem>>) semaphore(%arg21 : memref<!tpu.dma_semaphore, #tpu.memory_space<semaphore_mem>>)
        %dma_start3A_101 = arith.constant 480 : i32
        %dma_start3A_102 = arith.constant 0 : i32
        %dma_start3A_103 = tpu.memref_slice %arg16[%dma_start3A_101, %dma_start3A_102] : memref<4000x8xf32, #tpu.memory_space<vmem>> -> memref<80x8xf32, #tpu.memory_space<vmem>>
        %dma_start3A_104 = arith.constant 480 : i32
        %dma_start3A_105 = tpu.memref_slice %arg10[%dma_start3A_104] : memref<4000xi32, #tpu.memory_space<vmem>> -> memref<80xi32, #tpu.memory_space<vmem>>
        %dma_start3A_106 = arith.constant 0 : i32
        %dma_start3A_107 = arith.constant 0 : i32
        %dma_start3A_108 = tpu.memref_slice %arg2[%dma_start3A_106, %dma_start3A_107] : memref<100000x8xf32, #tpu.memory_space<hbm>> -> memref<100000x8xf32, #tpu.memory_space<hbm>>
        tpu.enqueue_indirect_dma source(%dma_start3A_108 : memref<100000x8xf32, #tpu.memory_space<hbm>>) target(%dma_start3A_103 : memref<80x8xf32, #tpu.memory_space<vmem>>) offsets(%dma_start3A_105 : memref<80xi32, #tpu.memory_space<vmem>>) semaphore(%arg21 : memref<!tpu.dma_semaphore, #tpu.memory_space<semaphore_mem>>)
        %dma_start3A_109 = arith.constant 560 : i32
        %dma_start3A_110 = arith.constant 0 : i32
        %dma_start3A_111 = tpu.memref_slice %arg16[%dma_start3A_109, %dma_start3A_110] : memref<4000x8xf32, #tpu.memory_space<vmem>> -> memref<80x8xf32, #tpu.memory_space<vmem>>
        %dma_start3A_112 = arith.constant 560 : i32
        %dma_start3A_113 = tpu.memref_slice %arg10[%dma_start3A_112] : memref<4000xi32, #tpu.memory_space<vmem>> -> memref<80xi32, #tpu.memory_space<vmem>>
        %dma_start3A_114 = arith.constant 0 : i32
        %dma_start3A_115 = arith.constant 0 : i32
        %dma_start3A_116 = tpu.memref_slice %arg2[%dma_start3A_114, %dma_start3A_115] : memref<100000x8xf32, #tpu.memory_space<hbm>> -> memref<100000x8xf32, #tpu.memory_space<hbm>>
        tpu.enqueue_indirect_dma source(%dma_start3A_116 : memref<100000x8xf32, #tpu.memory_space<hbm>>) target(%dma_start3A_111 : memref<80x8xf32, #tpu.memory_space<vmem>>) offsets(%dma_start3A_113 : memref<80xi32, #tpu.memory_space<vmem>>) semaphore(%arg21 : memref<!tpu.dma_semaphore, #tpu.memory_space<semaphore_mem>>)
        %dma_start3A_117 = arith.constant 640 : i32
        %dma_start3A_118 = arith.constant 0 : i32
        %dma_start3A_119 = tpu.memref_slice %arg16[%dma_start3A_117, %dma_start3A_118] : memref<4000x8xf32, #tpu.memory_space<vmem>> -> memref<80x8xf32, #tpu.memory_space<vmem>>
        %dma_start3A_120 = arith.constant 640 : i32
        %dma_start3A_121 = tpu.memref_slice %arg10[%dma_start3A_120] : memref<4000xi32, #tpu.memory_space<vmem>> -> memref<80xi32, #tpu.memory_space<vmem>>
        %dma_start3A_122 = arith.constant 0 : i32
        %dma_start3A_123 = arith.constant 0 : i32
        %dma_start3A_124 = tpu.memref_slice %arg2[%dma_start3A_122, %dma_start3A_123] : memref<100000x8xf32, #tpu.memory_space<hbm>> -> memref<100000x8xf32, #tpu.memory_space<hbm>>
        tpu.enqueue_indirect_dma source(%dma_start3A_124 : memref<100000x8xf32, #tpu.memory_space<hbm>>) target(%dma_start3A_119 : memref<80x8xf32, #tpu.memory_space<vmem>>) offsets(%dma_start3A_121 : memref<80xi32, #tpu.memory_space<vmem>>) semaphore(%arg21 : memref<!tpu.dma_semaphore, #tpu.memory_space<semaphore_mem>>)
        %dma_start3A_125 = arith.constant 720 : i32
        %dma_start3A_126 = arith.constant 0 : i32
        %dma_start3A_127 = tpu.memref_slice %arg16[%dma_start3A_125, %dma_start3A_126] : memref<4000x8xf32, #tpu.memory_space<vmem>> -> memref<80x8xf32, #tpu.memory_space<vmem>>
        %dma_start3A_128 = arith.constant 720 : i32
        %dma_start3A_129 = tpu.memref_slice %arg10[%dma_start3A_128] : memref<4000xi32, #tpu.memory_space<vmem>> -> memref<80xi32, #tpu.memory_space<vmem>>
        %dma_start3A_130 = arith.constant 0 : i32
        %dma_start3A_131 = arith.constant 0 : i32
        %dma_start3A_132 = tpu.memref_slice %arg2[%dma_start3A_130, %dma_start3A_131] : memref<100000x8xf32, #tpu.memory_space<hbm>> -> memref<100000x8xf32, #tpu.memory_space<hbm>>
        tpu.enqueue_indirect_dma source(%dma_start3A_132 : memref<100000x8xf32, #tpu.memory_space<hbm>>) target(%dma_start3A_127 : memref<80x8xf32, #tpu.memory_space<vmem>>) offsets(%dma_start3A_129 : memref<80xi32, #tpu.memory_space<vmem>>) semaphore(%arg21 : memref<!tpu.dma_semaphore, #tpu.memory_space<semaphore_mem>>)
        %dma_start3A_133 = arith.constant 800 : i32
        %dma_start3A_134 = arith.constant 0 : i32
        %dma_start3A_135 = tpu.memref_slice %arg16[%dma_start3A_133, %dma_start3A_134] : memref<4000x8xf32, #tpu.memory_space<vmem>> -> memref<80x8xf32, #tpu.memory_space<vmem>>
        %dma_start3A_136 = arith.constant 800 : i32
        %dma_start3A_137 = tpu.memref_slice %arg10[%dma_start3A_136] : memref<4000xi32, #tpu.memory_space<vmem>> -> memref<80xi32, #tpu.memory_space<vmem>>
        %dma_start3A_138 = arith.constant 0 : i32
        %dma_start3A_139 = arith.constant 0 : i32
        %dma_start3A_140 = tpu.memref_slice %arg2[%dma_start3A_138, %dma_start3A_139] : memref<100000x8xf32, #tpu.memory_space<hbm>> -> memref<100000x8xf32, #tpu.memory_space<hbm>>
        tpu.enqueue_indirect_dma source(%dma_start3A_140 : memref<100000x8xf32, #tpu.memory_space<hbm>>) target(%dma_start3A_135 : memref<80x8xf32, #tpu.memory_space<vmem>>) offsets(%dma_start3A_137 : memref<80xi32, #tpu.memory_space<vmem>>) semaphore(%arg21 : memref<!tpu.dma_semaphore, #tpu.memory_space<semaphore_mem>>)
        %dma_start3A_141 = arith.constant 880 : i32
        %dma_start3A_142 = arith.constant 0 : i32
        %dma_start3A_143 = tpu.memref_slice %arg16[%dma_start3A_141, %dma_start3A_142] : memref<4000x8xf32, #tpu.memory_space<vmem>> -> memref<80x8xf32, #tpu.memory_space<vmem>>
        %dma_start3A_144 = arith.constant 880 : i32
        %dma_start3A_145 = tpu.memref_slice %arg10[%dma_start3A_144] : memref<4000xi32, #tpu.memory_space<vmem>> -> memref<80xi32, #tpu.memory_space<vmem>>
        %dma_start3A_146 = arith.constant 0 : i32
        %dma_start3A_147 = arith.constant 0 : i32
        %dma_start3A_148 = tpu.memref_slice %arg2[%dma_start3A_146, %dma_start3A_147] : memref<100000x8xf32, #tpu.memory_space<hbm>> -> memref<100000x8xf32, #tpu.memory_space<hbm>>
        tpu.enqueue_indirect_dma source(%dma_start3A_148 : memref<100000x8xf32, #tpu.memory_space<hbm>>) target(%dma_start3A_143 : memref<80x8xf32, #tpu.memory_space<vmem>>) offsets(%dma_start3A_145 : memref<80xi32, #tpu.memory_space<vmem>>) semaphore(%arg21 : memref<!tpu.dma_semaphore, #tpu.memory_space<semaphore_mem>>)
        %dma_start3A_149 = arith.constant 960 : i32
        %dma_start3A_150 = arith.constant 0 : i32
        %dma_start3A_151 = tpu.memref_slice %arg16[%dma_start3A_149, %dma_start3A_150] : memref<4000x8xf32, #tpu.memory_space<vmem>> -> memref<80x8xf32, #tpu.memory_space<vmem>>
        %dma_start3A_152 = arith.constant 960 : i32
        %dma_start3A_153 = tpu.memref_slice %arg10[%dma_start3A_152] : memref<4000xi32, #tpu.memory_space<vmem>> -> memref<80xi32, #tpu.memory_space<vmem>>
        %dma_start3A_154 = arith.constant 0 : i32
        %dma_start3A_155 = arith.constant 0 : i32
        %dma_start3A_156 = tpu.memref_slice %arg2[%dma_start3A_154, %dma_start3A_155] : memref<100000x8xf32, #tpu.memory_space<hbm>> -> memref<100000x8xf32, #tpu.memory_space<hbm>>
        tpu.enqueue_indirect_dma source(%dma_start3A_156 : memref<100000x8xf32, #tpu.memory_space<hbm>>) target(%dma_start3A_151 : memref<80x8xf32, #tpu.memory_space<vmem>>) offsets(%dma_start3A_153 : memref<80xi32, #tpu.memory_space<vmem>>) semaphore(%arg21 : memref<!tpu.dma_semaphore, #tpu.memory_space<semaphore_mem>>)
        %dma_start3A_157 = arith.constant 1040 : i32
        %dma_start3A_158 = arith.constant 0 : i32
        %dma_start3A_159 = tpu.memref_slice %arg16[%dma_start3A_157, %dma_start3A_158] : memref<4000x8xf32, #tpu.memory_space<vmem>> -> memref<80x8xf32, #tpu.memory_space<vmem>>
        %dma_start3A_160 = arith.constant 1040 : i32
        %dma_start3A_161 = tpu.memref_slice %arg10[%dma_start3A_160] : memref<4000xi32, #tpu.memory_space<vmem>> -> memref<80xi32, #tpu.memory_space<vmem>>
        %dma_start3A_162 = arith.constant 0 : i32
        %dma_start3A_163 = arith.constant 0 : i32
        %dma_start3A_164 = tpu.memref_slice %arg2[%dma_start3A_162, %dma_start3A_163] : memref<100000x8xf32, #tpu.memory_space<hbm>> -> memref<100000x8xf32, #tpu.memory_space<hbm>>
        tpu.enqueue_indirect_dma source(%dma_start3A_164 : memref<100000x8xf32, #tpu.memory_space<hbm>>) target(%dma_start3A_159 : memref<80x8xf32, #tpu.memory_space<vmem>>) offsets(%dma_start3A_161 : memref<80xi32, #tpu.memory_space<vmem>>) semaphore(%arg21 : memref<!tpu.dma_semaphore, #tpu.memory_space<semaphore_mem>>)
        %dma_start3A_165 = arith.constant 1120 : i32
        %dma_start3A_166 = arith.constant 0 : i32
        %dma_start3A_167 = tpu.memref_slice %arg16[%dma_start3A_165, %dma_start3A_166] : memref<4000x8xf32, #tpu.memory_space<vmem>> -> memref<80x8xf32, #tpu.memory_space<vmem>>
        %dma_start3A_168 = arith.constant 1120 : i32
        %dma_start3A_169 = tpu.memref_slice %arg10[%dma_start3A_168] : memref<4000xi32, #tpu.memory_space<vmem>> -> memref<80xi32, #tpu.memory_space<vmem>>
        %dma_start3A_170 = arith.constant 0 : i32
        %dma_start3A_171 = arith.constant 0 : i32
        %dma_start3A_172 = tpu.memref_slice %arg2[%dma_start3A_170, %dma_start3A_171] : memref<100000x8xf32, #tpu.memory_space<hbm>> -> memref<100000x8xf32, #tpu.memory_space<hbm>>
        tpu.enqueue_indirect_dma source(%dma_start3A_172 : memref<100000x8xf32, #tpu.memory_space<hbm>>) target(%dma_start3A_167 : memref<80x8xf32, #tpu.memory_space<vmem>>) offsets(%dma_start3A_169 : memref<80xi32, #tpu.memory_space<vmem>>) semaphore(%arg21 : memref<!tpu.dma_semaphore, #tpu.memory_space<semaphore_mem>>)
        %dma_start3A_173 = arith.constant 1200 : i32
        %dma_start3A_174 = arith.constant 0 : i32
        %dma_start3A_175 = tpu.memref_slice %arg16[%dma_start3A_173, %dma_start3A_174] : memref<4000x8xf32, #tpu.memory_space<vmem>> -> memref<80x8xf32, #tpu.memory_space<vmem>>
        %dma_start3A_176 = arith.constant 1200 : i32
        %dma_start3A_177 = tpu.memref_slice %arg10[%dma_start3A_176] : memref<4000xi32, #tpu.memory_space<vmem>> -> memref<80xi32, #tpu.memory_space<vmem>>
        %dma_start3A_178 = arith.constant 0 : i32
        %dma_start3A_179 = arith.constant 0 : i32
        %dma_start3A_180 = tpu.memref_slice %arg2[%dma_start3A_178, %dma_start3A_179] : memref<100000x8xf32, #tpu.memory_space<hbm>> -> memref<100000x8xf32, #tpu.memory_space<hbm>>
        tpu.enqueue_indirect_dma source(%dma_start3A_180 : memref<100000x8xf32, #tpu.memory_space<hbm>>) target(%dma_start3A_175 : memref<80x8xf32, #tpu.memory_space<vmem>>) offsets(%dma_start3A_177 : memref<80xi32, #tpu.memory_space<vmem>>) semaphore(%arg21 : memref<!tpu.dma_semaphore, #tpu.memory_space<semaphore_mem>>)
        %dma_start3A_181 = arith.constant 1280 : i32
        %dma_start3A_182 = arith.constant 0 : i32
        %dma_start3A_183 = tpu.memref_slice %arg16[%dma_start3A_181, %dma_start3A_182] : memref<4000x8xf32, #tpu.memory_space<vmem>> -> memref<80x8xf32, #tpu.memory_space<vmem>>
        %dma_start3A_184 = arith.constant 1280 : i32
        %dma_start3A_185 = tpu.memref_slice %arg10[%dma_start3A_184] : memref<4000xi32, #tpu.memory_space<vmem>> -> memref<80xi32, #tpu.memory_space<vmem>>
        %dma_start3A_186 = arith.constant 0 : i32
        %dma_start3A_187 = arith.constant 0 : i32
        %dma_start3A_188 = tpu.memref_slice %arg2[%dma_start3A_186, %dma_start3A_187] : memref<100000x8xf32, #tpu.memory_space<hbm>> -> memref<100000x8xf32, #tpu.memory_space<hbm>>
        tpu.enqueue_indirect_dma source(%dma_start3A_188 : memref<100000x8xf32, #tpu.memory_space<hbm>>) target(%dma_start3A_183 : memref<80x8xf32, #tpu.memory_space<vmem>>) offsets(%dma_start3A_185 : memref<80xi32, #tpu.memory_space<vmem>>) semaphore(%arg21 : memref<!tpu.dma_semaphore, #tpu.memory_space<semaphore_mem>>)
        %dma_start3A_189 = arith.constant 1360 : i32
        %dma_start3A_190 = arith.constant 0 : i32
        %dma_start3A_191 = tpu.memref_slice %arg16[%dma_start3A_189, %dma_start3A_190] : memref<4000x8xf32, #tpu.memory_space<vmem>> -> memref<80x8xf32, #tpu.memory_space<vmem>>
        %dma_start3A_192 = arith.constant 1360 : i32
        %dma_start3A_193 = tpu.memref_slice %arg10[%dma_start3A_192] : memref<4000xi32, #tpu.memory_space<vmem>> -> memref<80xi32, #tpu.memory_space<vmem>>
        %dma_start3A_194 = arith.constant 0 : i32
        %dma_start3A_195 = arith.constant 0 : i32
        %dma_start3A_196 = tpu.memref_slice %arg2[%dma_start3A_194, %dma_start3A_195] : memref<100000x8xf32, #tpu.memory_space<hbm>> -> memref<100000x8xf32, #tpu.memory_space<hbm>>
        tpu.enqueue_indirect_dma source(%dma_start3A_196 : memref<100000x8xf32, #tpu.memory_space<hbm>>) target(%dma_start3A_191 : memref<80x8xf32, #tpu.memory_space<vmem>>) offsets(%dma_start3A_193 : memref<80xi32, #tpu.memory_space<vmem>>) semaphore(%arg21 : memref<!tpu.dma_semaphore, #tpu.memory_space<semaphore_mem>>)
        %dma_start3A_197 = arith.constant 1440 : i32
        %dma_start3A_198 = arith.constant 0 : i32
        %dma_start3A_199 = tpu.memref_slice %arg16[%dma_start3A_197, %dma_start3A_198] : memref<4000x8xf32, #tpu.memory_space<vmem>> -> memref<80x8xf32, #tpu.memory_space<vmem>>
        %dma_start3A_200 = arith.constant 1440 : i32
        %dma_start3A_201 = tpu.memref_slice %arg10[%dma_start3A_200] : memref<4000xi32, #tpu.memory_space<vmem>> -> memref<80xi32, #tpu.memory_space<vmem>>
        %dma_start3A_202 = arith.constant 0 : i32
        %dma_start3A_203 = arith.constant 0 : i32
        %dma_start3A_204 = tpu.memref_slice %arg2[%dma_start3A_202, %dma_start3A_203] : memref<100000x8xf32, #tpu.memory_space<hbm>> -> memref<100000x8xf32, #tpu.memory_space<hbm>>
        tpu.enqueue_indirect_dma source(%dma_start3A_204 : memref<100000x8xf32, #tpu.memory_space<hbm>>) target(%dma_start3A_199 : memref<80x8xf32, #tpu.memory_space<vmem>>) offsets(%dma_start3A_201 : memref<80xi32, #tpu.memory_space<vmem>>) semaphore(%arg21 : memref<!tpu.dma_semaphore, #tpu.memory_space<semaphore_mem>>)
        %dma_start3A_205 = arith.constant 1520 : i32
        %dma_start3A_206 = arith.constant 0 : i32
        %dma_start3A_207 = tpu.memref_slice %arg16[%dma_start3A_205, %dma_start3A_206] : memref<4000x8xf32, #tpu.memory_space<vmem>> -> memref<80x8xf32, #tpu.memory_space<vmem>>
        %dma_start3A_208 = arith.constant 1520 : i32
        %dma_start3A_209 = tpu.memref_slice %arg10[%dma_start3A_208] : memref<4000xi32, #tpu.memory_space<vmem>> -> memref<80xi32, #tpu.memory_space<vmem>>
        %dma_start3A_210 = arith.constant 0 : i32
        %dma_start3A_211 = arith.constant 0 : i32
        %dma_start3A_212 = tpu.memref_slice %arg2[%dma_start3A_210, %dma_start3A_211] : memref<100000x8xf32, #tpu.memory_space<hbm>> -> memref<100000x8xf32, #tpu.memory_space<hbm>>
        tpu.enqueue_indirect_dma source(%dma_start3A_212 : memref<100000x8xf32, #tpu.memory_space<hbm>>) target(%dma_start3A_207 : memref<80x8xf32, #tpu.memory_space<vmem>>) offsets(%dma_start3A_209 : memref<80xi32, #tpu.memory_space<vmem>>) semaphore(%arg21 : memref<!tpu.dma_semaphore, #tpu.memory_space<semaphore_mem>>)
        %dma_start3A_213 = arith.constant 1600 : i32
        %dma_start3A_214 = arith.constant 0 : i32
        %dma_start3A_215 = tpu.memref_slice %arg16[%dma_start3A_213, %dma_start3A_214] : memref<4000x8xf32, #tpu.memory_space<vmem>> -> memref<80x8xf32, #tpu.memory_space<vmem>>
        %dma_start3A_216 = arith.constant 1600 : i32
        %dma_start3A_217 = tpu.memref_slice %arg10[%dma_start3A_216] : memref<4000xi32, #tpu.memory_space<vmem>> -> memref<80xi32, #tpu.memory_space<vmem>>
        %dma_start3A_218 = arith.constant 0 : i32
        %dma_start3A_219 = arith.constant 0 : i32
        %dma_start3A_220 = tpu.memref_slice %arg2[%dma_start3A_218, %dma_start3A_219] : memref<100000x8xf32, #tpu.memory_space<hbm>> -> memref<100000x8xf32, #tpu.memory_space<hbm>>
        tpu.enqueue_indirect_dma source(%dma_start3A_220 : memref<100000x8xf32, #tpu.memory_space<hbm>>) target(%dma_start3A_215 : memref<80x8xf32, #tpu.memory_space<vmem>>) offsets(%dma_start3A_217 : memref<80xi32, #tpu.memory_space<vmem>>) semaphore(%arg21 : memref<!tpu.dma_semaphore, #tpu.memory_space<semaphore_mem>>)
        %dma_start3A_221 = arith.constant 1680 : i32
        %dma_start3A_222 = arith.constant 0 : i32
        %dma_start3A_223 = tpu.memref_slice %arg16[%dma_start3A_221, %dma_start3A_222] : memref<4000x8xf32, #tpu.memory_space<vmem>> -> memref<80x8xf32, #tpu.memory_space<vmem>>
        %dma_start3A_224 = arith.constant 1680 : i32
        %dma_start3A_225 = tpu.memref_slice %arg10[%dma_start3A_224] : memref<4000xi32, #tpu.memory_space<vmem>> -> memref<80xi32, #tpu.memory_space<vmem>>
        %dma_start3A_226 = arith.constant 0 : i32
        %dma_start3A_227 = arith.constant 0 : i32
        %dma_start3A_228 = tpu.memref_slice %arg2[%dma_start3A_226, %dma_start3A_227] : memref<100000x8xf32, #tpu.memory_space<hbm>> -> memref<100000x8xf32, #tpu.memory_space<hbm>>
        tpu.enqueue_indirect_dma source(%dma_start3A_228 : memref<100000x8xf32, #tpu.memory_space<hbm>>) target(%dma_start3A_223 : memref<80x8xf32, #tpu.memory_space<vmem>>) offsets(%dma_start3A_225 : memref<80xi32, #tpu.memory_space<vmem>>) semaphore(%arg21 : memref<!tpu.dma_semaphore, #tpu.memory_space<semaphore_mem>>)
        %dma_start3A_229 = arith.constant 1760 : i32
        %dma_start3A_230 = arith.constant 0 : i32
        %dma_start3A_231 = tpu.memref_slice %arg16[%dma_start3A_229, %dma_start3A_230] : memref<4000x8xf32, #tpu.memory_space<vmem>> -> memref<80x8xf32, #tpu.memory_space<vmem>>
        %dma_start3A_232 = arith.constant 1760 : i32
        %dma_start3A_233 = tpu.memref_slice %arg10[%dma_start3A_232] : memref<4000xi32, #tpu.memory_space<vmem>> -> memref<80xi32, #tpu.memory_space<vmem>>
        %dma_start3A_234 = arith.constant 0 : i32
        %dma_start3A_235 = arith.constant 0 : i32
        %dma_start3A_236 = tpu.memref_slice %arg2[%dma_start3A_234, %dma_start3A_235] : memref<100000x8xf32, #tpu.memory_space<hbm>> -> memref<100000x8xf32, #tpu.memory_space<hbm>>
        tpu.enqueue_indirect_dma source(%dma_start3A_236 : memref<100000x8xf32, #tpu.memory_space<hbm>>) target(%dma_start3A_231 : memref<80x8xf32, #tpu.memory_space<vmem>>) offsets(%dma_start3A_233 : memref<80xi32, #tpu.memory_space<vmem>>) semaphore(%arg21 : memref<!tpu.dma_semaphore, #tpu.memory_space<semaphore_mem>>)
        %dma_start3A_237 = arith.constant 1840 : i32
        %dma_start3A_238 = arith.constant 0 : i32
        %dma_start3A_239 = tpu.memref_slice %arg16[%dma_start3A_237, %dma_start3A_238] : memref<4000x8xf32, #tpu.memory_space<vmem>> -> memref<80x8xf32, #tpu.memory_space<vmem>>
        %dma_start3A_240 = arith.constant 1840 : i32
        %dma_start3A_241 = tpu.memref_slice %arg10[%dma_start3A_240] : memref<4000xi32, #tpu.memory_space<vmem>> -> memref<80xi32, #tpu.memory_space<vmem>>
        %dma_start3A_242 = arith.constant 0 : i32
        %dma_start3A_243 = arith.constant 0 : i32
        %dma_start3A_244 = tpu.memref_slice %arg2[%dma_start3A_242, %dma_start3A_243] : memref<100000x8xf32, #tpu.memory_space<hbm>> -> memref<100000x8xf32, #tpu.memory_space<hbm>>
        tpu.enqueue_indirect_dma source(%dma_start3A_244 : memref<100000x8xf32, #tpu.memory_space<hbm>>) target(%dma_start3A_239 : memref<80x8xf32, #tpu.memory_space<vmem>>) offsets(%dma_start3A_241 : memref<80xi32, #tpu.memory_space<vmem>>) semaphore(%arg21 : memref<!tpu.dma_semaphore, #tpu.memory_space<semaphore_mem>>)
        %dma_start3A_245 = arith.constant 1920 : i32
        %dma_start3A_246 = arith.constant 0 : i32
        %dma_start3A_247 = tpu.memref_slice %arg16[%dma_start3A_245, %dma_start3A_246] : memref<4000x8xf32, #tpu.memory_space<vmem>> -> memref<80x8xf32, #tpu.memory_space<vmem>>
        %dma_start3A_248 = arith.constant 1920 : i32
        %dma_start3A_249 = tpu.memref_slice %arg10[%dma_start3A_248] : memref<4000xi32, #tpu.memory_space<vmem>> -> memref<80xi32, #tpu.memory_space<vmem>>
        %dma_start3A_250 = arith.constant 0 : i32
        %dma_start3A_251 = arith.constant 0 : i32
        %dma_start3A_252 = tpu.memref_slice %arg2[%dma_start3A_250, %dma_start3A_251] : memref<100000x8xf32, #tpu.memory_space<hbm>> -> memref<100000x8xf32, #tpu.memory_space<hbm>>
        tpu.enqueue_indirect_dma source(%dma_start3A_252 : memref<100000x8xf32, #tpu.memory_space<hbm>>) target(%dma_start3A_247 : memref<80x8xf32, #tpu.memory_space<vmem>>) offsets(%dma_start3A_249 : memref<80xi32, #tpu.memory_space<vmem>>) semaphore(%arg21 : memref<!tpu.dma_semaphore, #tpu.memory_space<semaphore_mem>>)
        %dma_start3A_253 = arith.constant 2000 : i32
        %dma_start3A_254 = arith.constant 0 : i32
        %dma_start3A_255 = tpu.memref_slice %arg16[%dma_start3A_253, %dma_start3A_254] : memref<4000x8xf32, #tpu.memory_space<vmem>> -> memref<80x8xf32, #tpu.memory_space<vmem>>
        %dma_start3A_256 = arith.constant 2000 : i32
        %dma_start3A_257 = tpu.memref_slice %arg10[%dma_start3A_256] : memref<4000xi32, #tpu.memory_space<vmem>> -> memref<80xi32, #tpu.memory_space<vmem>>
        %dma_start3A_258 = arith.constant 0 : i32
        %dma_start3A_259 = arith.constant 0 : i32
        %dma_start3A_260 = tpu.memref_slice %arg2[%dma_start3A_258, %dma_start3A_259] : memref<100000x8xf32, #tpu.memory_space<hbm>> -> memref<100000x8xf32, #tpu.memory_space<hbm>>
        tpu.enqueue_indirect_dma source(%dma_start3A_260 : memref<100000x8xf32, #tpu.memory_space<hbm>>) target(%dma_start3A_255 : memref<80x8xf32, #tpu.memory_space<vmem>>) offsets(%dma_start3A_257 : memref<80xi32, #tpu.memory_space<vmem>>) semaphore(%arg21 : memref<!tpu.dma_semaphore, #tpu.memory_space<semaphore_mem>>)
        %dma_start3A_261 = arith.constant 2080 : i32
        %dma_start3A_262 = arith.constant 0 : i32
        %dma_start3A_263 = tpu.memref_slice %arg16[%dma_start3A_261, %dma_start3A_262] : memref<4000x8xf32, #tpu.memory_space<vmem>> -> memref<80x8xf32, #tpu.memory_space<vmem>>
        %dma_start3A_264 = arith.constant 2080 : i32
        %dma_start3A_265 = tpu.memref_slice %arg10[%dma_start3A_264] : memref<4000xi32, #tpu.memory_space<vmem>> -> memref<80xi32, #tpu.memory_space<vmem>>
        %dma_start3A_266 = arith.constant 0 : i32
        %dma_start3A_267 = arith.constant 0 : i32
        %dma_start3A_268 = tpu.memref_slice %arg2[%dma_start3A_266, %dma_start3A_267] : memref<100000x8xf32, #tpu.memory_space<hbm>> -> memref<100000x8xf32, #tpu.memory_space<hbm>>
        tpu.enqueue_indirect_dma source(%dma_start3A_268 : memref<100000x8xf32, #tpu.memory_space<hbm>>) target(%dma_start3A_263 : memref<80x8xf32, #tpu.memory_space<vmem>>) offsets(%dma_start3A_265 : memref<80xi32, #tpu.memory_space<vmem>>) semaphore(%arg21 : memref<!tpu.dma_semaphore, #tpu.memory_space<semaphore_mem>>)
        %dma_start3A_269 = arith.constant 2160 : i32
        %dma_start3A_270 = arith.constant 0 : i32
        %dma_start3A_271 = tpu.memref_slice %arg16[%dma_start3A_269, %dma_start3A_270] : memref<4000x8xf32, #tpu.memory_space<vmem>> -> memref<80x8xf32, #tpu.memory_space<vmem>>
        %dma_start3A_272 = arith.constant 2160 : i32
        %dma_start3A_273 = tpu.memref_slice %arg10[%dma_start3A_272] : memref<4000xi32, #tpu.memory_space<vmem>> -> memref<80xi32, #tpu.memory_space<vmem>>
        %dma_start3A_274 = arith.constant 0 : i32
        %dma_start3A_275 = arith.constant 0 : i32
        %dma_start3A_276 = tpu.memref_slice %arg2[%dma_start3A_274, %dma_start3A_275] : memref<100000x8xf32, #tpu.memory_space<hbm>> -> memref<100000x8xf32, #tpu.memory_space<hbm>>
        tpu.enqueue_indirect_dma source(%dma_start3A_276 : memref<100000x8xf32, #tpu.memory_space<hbm>>) target(%dma_start3A_271 : memref<80x8xf32, #tpu.memory_space<vmem>>) offsets(%dma_start3A_273 : memref<80xi32, #tpu.memory_space<vmem>>) semaphore(%arg21 : memref<!tpu.dma_semaphore, #tpu.memory_space<semaphore_mem>>)
        %dma_start3A_277 = arith.constant 2240 : i32
        %dma_start3A_278 = arith.constant 0 : i32
        %dma_start3A_279 = tpu.memref_slice %arg16[%dma_start3A_277, %dma_start3A_278] : memref<4000x8xf32, #tpu.memory_space<vmem>> -> memref<80x8xf32, #tpu.memory_space<vmem>>
        %dma_start3A_280 = arith.constant 2240 : i32
        %dma_start3A_281 = tpu.memref_slice %arg10[%dma_start3A_280] : memref<4000xi32, #tpu.memory_space<vmem>> -> memref<80xi32, #tpu.memory_space<vmem>>
        %dma_start3A_282 = arith.constant 0 : i32
        %dma_start3A_283 = arith.constant 0 : i32
        %dma_start3A_284 = tpu.memref_slice %arg2[%dma_start3A_282, %dma_start3A_283] : memref<100000x8xf32, #tpu.memory_space<hbm>> -> memref<100000x8xf32, #tpu.memory_space<hbm>>
        tpu.enqueue_indirect_dma source(%dma_start3A_284 : memref<100000x8xf32, #tpu.memory_space<hbm>>) target(%dma_start3A_279 : memref<80x8xf32, #tpu.memory_space<vmem>>) offsets(%dma_start3A_281 : memref<80xi32, #tpu.memory_space<vmem>>) semaphore(%arg21 : memref<!tpu.dma_semaphore, #tpu.memory_space<semaphore_mem>>)
        %dma_start3A_285 = arith.constant 2320 : i32
        %dma_start3A_286 = arith.constant 0 : i32
        %dma_start3A_287 = tpu.memref_slice %arg16[%dma_start3A_285, %dma_start3A_286] : memref<4000x8xf32, #tpu.memory_space<vmem>> -> memref<80x8xf32, #tpu.memory_space<vmem>>
        %dma_start3A_288 = arith.constant 2320 : i32
        %dma_start3A_289 = tpu.memref_slice %arg10[%dma_start3A_288] : memref<4000xi32, #tpu.memory_space<vmem>> -> memref<80xi32, #tpu.memory_space<vmem>>
        %dma_start3A_290 = arith.constant 0 : i32
        %dma_start3A_291 = arith.constant 0 : i32
        %dma_start3A_292 = tpu.memref_slice %arg2[%dma_start3A_290, %dma_start3A_291] : memref<100000x8xf32, #tpu.memory_space<hbm>> -> memref<100000x8xf32, #tpu.memory_space<hbm>>
        tpu.enqueue_indirect_dma source(%dma_start3A_292 : memref<100000x8xf32, #tpu.memory_space<hbm>>) target(%dma_start3A_287 : memref<80x8xf32, #tpu.memory_space<vmem>>) offsets(%dma_start3A_289 : memref<80xi32, #tpu.memory_space<vmem>>) semaphore(%arg21 : memref<!tpu.dma_semaphore, #tpu.memory_space<semaphore_mem>>)
        %dma_start3A_293 = arith.constant 2400 : i32
        %dma_start3A_294 = arith.constant 0 : i32
        %dma_start3A_295 = tpu.memref_slice %arg16[%dma_start3A_293, %dma_start3A_294] : memref<4000x8xf32, #tpu.memory_space<vmem>> -> memref<80x8xf32, #tpu.memory_space<vmem>>
        %dma_start3A_296 = arith.constant 2400 : i32
        %dma_start3A_297 = tpu.memref_slice %arg10[%dma_start3A_296] : memref<4000xi32, #tpu.memory_space<vmem>> -> memref<80xi32, #tpu.memory_space<vmem>>
        %dma_start3A_298 = arith.constant 0 : i32
        %dma_start3A_299 = arith.constant 0 : i32
        %dma_start3A_300 = tpu.memref_slice %arg2[%dma_start3A_298, %dma_start3A_299] : memref<100000x8xf32, #tpu.memory_space<hbm>> -> memref<100000x8xf32, #tpu.memory_space<hbm>>
        tpu.enqueue_indirect_dma source(%dma_start3A_300 : memref<100000x8xf32, #tpu.memory_space<hbm>>) target(%dma_start3A_295 : memref<80x8xf32, #tpu.memory_space<vmem>>) offsets(%dma_start3A_297 : memref<80xi32, #tpu.memory_space<vmem>>) semaphore(%arg21 : memref<!tpu.dma_semaphore, #tpu.memory_space<semaphore_mem>>)
        %dma_start3A_301 = arith.constant 2480 : i32
        %dma_start3A_302 = arith.constant 0 : i32
        %dma_start3A_303 = tpu.memref_slice %arg16[%dma_start3A_301, %dma_start3A_302] : memref<4000x8xf32, #tpu.memory_space<vmem>> -> memref<80x8xf32, #tpu.memory_space<vmem>>
        %dma_start3A_304 = arith.constant 2480 : i32
        %dma_start3A_305 = tpu.memref_slice %arg10[%dma_start3A_304] : memref<4000xi32, #tpu.memory_space<vmem>> -> memref<80xi32, #tpu.memory_space<vmem>>
        %dma_start3A_306 = arith.constant 0 : i32
        %dma_start3A_307 = arith.constant 0 : i32
        %dma_start3A_308 = tpu.memref_slice %arg2[%dma_start3A_306, %dma_start3A_307] : memref<100000x8xf32, #tpu.memory_space<hbm>> -> memref<100000x8xf32, #tpu.memory_space<hbm>>
        tpu.enqueue_indirect_dma source(%dma_start3A_308 : memref<100000x8xf32, #tpu.memory_space<hbm>>) target(%dma_start3A_303 : memref<80x8xf32, #tpu.memory_space<vmem>>) offsets(%dma_start3A_305 : memref<80xi32, #tpu.memory_space<vmem>>) semaphore(%arg21 : memref<!tpu.dma_semaphore, #tpu.memory_space<semaphore_mem>>)
        %dma_start3A_309 = arith.constant 2560 : i32
        %dma_start3A_310 = arith.constant 0 : i32
        %dma_start3A_311 = tpu.memref_slice %arg16[%dma_start3A_309, %dma_start3A_310] : memref<4000x8xf32, #tpu.memory_space<vmem>> -> memref<80x8xf32, #tpu.memory_space<vmem>>
        %dma_start3A_312 = arith.constant 2560 : i32
        %dma_start3A_313 = tpu.memref_slice %arg10[%dma_start3A_312] : memref<4000xi32, #tpu.memory_space<vmem>> -> memref<80xi32, #tpu.memory_space<vmem>>
        %dma_start3A_314 = arith.constant 0 : i32
        %dma_start3A_315 = arith.constant 0 : i32
        %dma_start3A_316 = tpu.memref_slice %arg2[%dma_start3A_314, %dma_start3A_315] : memref<100000x8xf32, #tpu.memory_space<hbm>> -> memref<100000x8xf32, #tpu.memory_space<hbm>>
        tpu.enqueue_indirect_dma source(%dma_start3A_316 : memref<100000x8xf32, #tpu.memory_space<hbm>>) target(%dma_start3A_311 : memref<80x8xf32, #tpu.memory_space<vmem>>) offsets(%dma_start3A_313 : memref<80xi32, #tpu.memory_space<vmem>>) semaphore(%arg21 : memref<!tpu.dma_semaphore, #tpu.memory_space<semaphore_mem>>)
        %dma_start3A_317 = arith.constant 2640 : i32
        %dma_start3A_318 = arith.constant 0 : i32
        %dma_start3A_319 = tpu.memref_slice %arg16[%dma_start3A_317, %dma_start3A_318] : memref<4000x8xf32, #tpu.memory_space<vmem>> -> memref<80x8xf32, #tpu.memory_space<vmem>>
        %dma_start3A_320 = arith.constant 2640 : i32
        %dma_start3A_321 = tpu.memref_slice %arg10[%dma_start3A_320] : memref<4000xi32, #tpu.memory_space<vmem>> -> memref<80xi32, #tpu.memory_space<vmem>>
        %dma_start3A_322 = arith.constant 0 : i32
        %dma_start3A_323 = arith.constant 0 : i32
        %dma_start3A_324 = tpu.memref_slice %arg2[%dma_start3A_322, %dma_start3A_323] : memref<100000x8xf32, #tpu.memory_space<hbm>> -> memref<100000x8xf32, #tpu.memory_space<hbm>>
        tpu.enqueue_indirect_dma source(%dma_start3A_324 : memref<100000x8xf32, #tpu.memory_space<hbm>>) target(%dma_start3A_319 : memref<80x8xf32, #tpu.memory_space<vmem>>) offsets(%dma_start3A_321 : memref<80xi32, #tpu.memory_space<vmem>>) semaphore(%arg21 : memref<!tpu.dma_semaphore, #tpu.memory_space<semaphore_mem>>)
        %dma_start3A_325 = arith.constant 2720 : i32
        %dma_start3A_326 = arith.constant 0 : i32
        %dma_start3A_327 = tpu.memref_slice %arg16[%dma_start3A_325, %dma_start3A_326] : memref<4000x8xf32, #tpu.memory_space<vmem>> -> memref<80x8xf32, #tpu.memory_space<vmem>>
        %dma_start3A_328 = arith.constant 2720 : i32
        %dma_start3A_329 = tpu.memref_slice %arg10[%dma_start3A_328] : memref<4000xi32, #tpu.memory_space<vmem>> -> memref<80xi32, #tpu.memory_space<vmem>>
        %dma_start3A_330 = arith.constant 0 : i32
        %dma_start3A_331 = arith.constant 0 : i32
        %dma_start3A_332 = tpu.memref_slice %arg2[%dma_start3A_330, %dma_start3A_331] : memref<100000x8xf32, #tpu.memory_space<hbm>> -> memref<100000x8xf32, #tpu.memory_space<hbm>>
        tpu.enqueue_indirect_dma source(%dma_start3A_332 : memref<100000x8xf32, #tpu.memory_space<hbm>>) target(%dma_start3A_327 : memref<80x8xf32, #tpu.memory_space<vmem>>) offsets(%dma_start3A_329 : memref<80xi32, #tpu.memory_space<vmem>>) semaphore(%arg21 : memref<!tpu.dma_semaphore, #tpu.memory_space<semaphore_mem>>)
        %dma_start3A_333 = arith.constant 2800 : i32
        %dma_start3A_334 = arith.constant 0 : i32
        %dma_start3A_335 = tpu.memref_slice %arg16[%dma_start3A_333, %dma_start3A_334] : memref<4000x8xf32, #tpu.memory_space<vmem>> -> memref<80x8xf32, #tpu.memory_space<vmem>>
        %dma_start3A_336 = arith.constant 2800 : i32
        %dma_start3A_337 = tpu.memref_slice %arg10[%dma_start3A_336] : memref<4000xi32, #tpu.memory_space<vmem>> -> memref<80xi32, #tpu.memory_space<vmem>>
        %dma_start3A_338 = arith.constant 0 : i32
        %dma_start3A_339 = arith.constant 0 : i32
        %dma_start3A_340 = tpu.memref_slice %arg2[%dma_start3A_338, %dma_start3A_339] : memref<100000x8xf32, #tpu.memory_space<hbm>> -> memref<100000x8xf32, #tpu.memory_space<hbm>>
        tpu.enqueue_indirect_dma source(%dma_start3A_340 : memref<100000x8xf32, #tpu.memory_space<hbm>>) target(%dma_start3A_335 : memref<80x8xf32, #tpu.memory_space<vmem>>) offsets(%dma_start3A_337 : memref<80xi32, #tpu.memory_space<vmem>>) semaphore(%arg21 : memref<!tpu.dma_semaphore, #tpu.memory_space<semaphore_mem>>)
        %dma_start3A_341 = arith.constant 2880 : i32
        %dma_start3A_342 = arith.constant 0 : i32
        %dma_start3A_343 = tpu.memref_slice %arg16[%dma_start3A_341, %dma_start3A_342] : memref<4000x8xf32, #tpu.memory_space<vmem>> -> memref<80x8xf32, #tpu.memory_space<vmem>>
        %dma_start3A_344 = arith.constant 2880 : i32
        %dma_start3A_345 = tpu.memref_slice %arg10[%dma_start3A_344] : memref<4000xi32, #tpu.memory_space<vmem>> -> memref<80xi32, #tpu.memory_space<vmem>>
        %dma_start3A_346 = arith.constant 0 : i32
        %dma_start3A_347 = arith.constant 0 : i32
        %dma_start3A_348 = tpu.memref_slice %arg2[%dma_start3A_346, %dma_start3A_347] : memref<100000x8xf32, #tpu.memory_space<hbm>> -> memref<100000x8xf32, #tpu.memory_space<hbm>>
        tpu.enqueue_indirect_dma source(%dma_start3A_348 : memref<100000x8xf32, #tpu.memory_space<hbm>>) target(%dma_start3A_343 : memref<80x8xf32, #tpu.memory_space<vmem>>) offsets(%dma_start3A_345 : memref<80xi32, #tpu.memory_space<vmem>>) semaphore(%arg21 : memref<!tpu.dma_semaphore, #tpu.memory_space<semaphore_mem>>)
        %dma_start3A_349 = arith.constant 2960 : i32
        %dma_start3A_350 = arith.constant 0 : i32
        %dma_start3A_351 = tpu.memref_slice %arg16[%dma_start3A_349, %dma_start3A_350] : memref<4000x8xf32, #tpu.memory_space<vmem>> -> memref<80x8xf32, #tpu.memory_space<vmem>>
        %dma_start3A_352 = arith.constant 2960 : i32
        %dma_start3A_353 = tpu.memref_slice %arg10[%dma_start3A_352] : memref<4000xi32, #tpu.memory_space<vmem>> -> memref<80xi32, #tpu.memory_space<vmem>>
        %dma_start3A_354 = arith.constant 0 : i32
        %dma_start3A_355 = arith.constant 0 : i32
        %dma_start3A_356 = tpu.memref_slice %arg2[%dma_start3A_354, %dma_start3A_355] : memref<100000x8xf32, #tpu.memory_space<hbm>> -> memref<100000x8xf32, #tpu.memory_space<hbm>>
        tpu.enqueue_indirect_dma source(%dma_start3A_356 : memref<100000x8xf32, #tpu.memory_space<hbm>>) target(%dma_start3A_351 : memref<80x8xf32, #tpu.memory_space<vmem>>) offsets(%dma_start3A_353 : memref<80xi32, #tpu.memory_space<vmem>>) semaphore(%arg21 : memref<!tpu.dma_semaphore, #tpu.memory_space<semaphore_mem>>)
        %dma_start3A_357 = arith.constant 3040 : i32
        %dma_start3A_358 = arith.constant 0 : i32
        %dma_start3A_359 = tpu.memref_slice %arg16[%dma_start3A_357, %dma_start3A_358] : memref<4000x8xf32, #tpu.memory_space<vmem>> -> memref<80x8xf32, #tpu.memory_space<vmem>>
        %dma_start3A_360 = arith.constant 3040 : i32
        %dma_start3A_361 = tpu.memref_slice %arg10[%dma_start3A_360] : memref<4000xi32, #tpu.memory_space<vmem>> -> memref<80xi32, #tpu.memory_space<vmem>>
        %dma_start3A_362 = arith.constant 0 : i32
        %dma_start3A_363 = arith.constant 0 : i32
        %dma_start3A_364 = tpu.memref_slice %arg2[%dma_start3A_362, %dma_start3A_363] : memref<100000x8xf32, #tpu.memory_space<hbm>> -> memref<100000x8xf32, #tpu.memory_space<hbm>>
        tpu.enqueue_indirect_dma source(%dma_start3A_364 : memref<100000x8xf32, #tpu.memory_space<hbm>>) target(%dma_start3A_359 : memref<80x8xf32, #tpu.memory_space<vmem>>) offsets(%dma_start3A_361 : memref<80xi32, #tpu.memory_space<vmem>>) semaphore(%arg21 : memref<!tpu.dma_semaphore, #tpu.memory_space<semaphore_mem>>)
        %dma_start3A_365 = arith.constant 3120 : i32
        %dma_start3A_366 = arith.constant 0 : i32
        %dma_start3A_367 = tpu.memref_slice %arg16[%dma_start3A_365, %dma_start3A_366] : memref<4000x8xf32, #tpu.memory_space<vmem>> -> memref<80x8xf32, #tpu.memory_space<vmem>>
        %dma_start3A_368 = arith.constant 3120 : i32
        %dma_start3A_369 = tpu.memref_slice %arg10[%dma_start3A_368] : memref<4000xi32, #tpu.memory_space<vmem>> -> memref<80xi32, #tpu.memory_space<vmem>>
        %dma_start3A_370 = arith.constant 0 : i32
        %dma_start3A_371 = arith.constant 0 : i32
        %dma_start3A_372 = tpu.memref_slice %arg2[%dma_start3A_370, %dma_start3A_371] : memref<100000x8xf32, #tpu.memory_space<hbm>> -> memref<100000x8xf32, #tpu.memory_space<hbm>>
        tpu.enqueue_indirect_dma source(%dma_start3A_372 : memref<100000x8xf32, #tpu.memory_space<hbm>>) target(%dma_start3A_367 : memref<80x8xf32, #tpu.memory_space<vmem>>) offsets(%dma_start3A_369 : memref<80xi32, #tpu.memory_space<vmem>>) semaphore(%arg21 : memref<!tpu.dma_semaphore, #tpu.memory_space<semaphore_mem>>)
        %dma_start3A_373 = arith.constant 3200 : i32
        %dma_start3A_374 = arith.constant 0 : i32
        %dma_start3A_375 = tpu.memref_slice %arg16[%dma_start3A_373, %dma_start3A_374] : memref<4000x8xf32, #tpu.memory_space<vmem>> -> memref<80x8xf32, #tpu.memory_space<vmem>>
        %dma_start3A_376 = arith.constant 3200 : i32
        %dma_start3A_377 = tpu.memref_slice %arg10[%dma_start3A_376] : memref<4000xi32, #tpu.memory_space<vmem>> -> memref<80xi32, #tpu.memory_space<vmem>>
        %dma_start3A_378 = arith.constant 0 : i32
        %dma_start3A_379 = arith.constant 0 : i32
        %dma_start3A_380 = tpu.memref_slice %arg2[%dma_start3A_378, %dma_start3A_379] : memref<100000x8xf32, #tpu.memory_space<hbm>> -> memref<100000x8xf32, #tpu.memory_space<hbm>>
        tpu.enqueue_indirect_dma source(%dma_start3A_380 : memref<100000x8xf32, #tpu.memory_space<hbm>>) target(%dma_start3A_375 : memref<80x8xf32, #tpu.memory_space<vmem>>) offsets(%dma_start3A_377 : memref<80xi32, #tpu.memory_space<vmem>>) semaphore(%arg21 : memref<!tpu.dma_semaphore, #tpu.memory_space<semaphore_mem>>)
        %dma_start3A_381 = arith.constant 3280 : i32
        %dma_start3A_382 = arith.constant 0 : i32
        %dma_start3A_383 = tpu.memref_slice %arg16[%dma_start3A_381, %dma_start3A_382] : memref<4000x8xf32, #tpu.memory_space<vmem>> -> memref<80x8xf32, #tpu.memory_space<vmem>>
        %dma_start3A_384 = arith.constant 3280 : i32
        %dma_start3A_385 = tpu.memref_slice %arg10[%dma_start3A_384] : memref<4000xi32, #tpu.memory_space<vmem>> -> memref<80xi32, #tpu.memory_space<vmem>>
        %dma_start3A_386 = arith.constant 0 : i32
        %dma_start3A_387 = arith.constant 0 : i32
        %dma_start3A_388 = tpu.memref_slice %arg2[%dma_start3A_386, %dma_start3A_387] : memref<100000x8xf32, #tpu.memory_space<hbm>> -> memref<100000x8xf32, #tpu.memory_space<hbm>>
        tpu.enqueue_indirect_dma source(%dma_start3A_388 : memref<100000x8xf32, #tpu.memory_space<hbm>>) target(%dma_start3A_383 : memref<80x8xf32, #tpu.memory_space<vmem>>) offsets(%dma_start3A_385 : memref<80xi32, #tpu.memory_space<vmem>>) semaphore(%arg21 : memref<!tpu.dma_semaphore, #tpu.memory_space<semaphore_mem>>)
        %dma_start3A_389 = arith.constant 3360 : i32
        %dma_start3A_390 = arith.constant 0 : i32
        %dma_start3A_391 = tpu.memref_slice %arg16[%dma_start3A_389, %dma_start3A_390] : memref<4000x8xf32, #tpu.memory_space<vmem>> -> memref<80x8xf32, #tpu.memory_space<vmem>>
        %dma_start3A_392 = arith.constant 3360 : i32
        %dma_start3A_393 = tpu.memref_slice %arg10[%dma_start3A_392] : memref<4000xi32, #tpu.memory_space<vmem>> -> memref<80xi32, #tpu.memory_space<vmem>>
        %dma_start3A_394 = arith.constant 0 : i32
        %dma_start3A_395 = arith.constant 0 : i32
        %dma_start3A_396 = tpu.memref_slice %arg2[%dma_start3A_394, %dma_start3A_395] : memref<100000x8xf32, #tpu.memory_space<hbm>> -> memref<100000x8xf32, #tpu.memory_space<hbm>>
        tpu.enqueue_indirect_dma source(%dma_start3A_396 : memref<100000x8xf32, #tpu.memory_space<hbm>>) target(%dma_start3A_391 : memref<80x8xf32, #tpu.memory_space<vmem>>) offsets(%dma_start3A_393 : memref<80xi32, #tpu.memory_space<vmem>>) semaphore(%arg21 : memref<!tpu.dma_semaphore, #tpu.memory_space<semaphore_mem>>)
        %dma_start3A_397 = arith.constant 3440 : i32
        %dma_start3A_398 = arith.constant 0 : i32
        %dma_start3A_399 = tpu.memref_slice %arg16[%dma_start3A_397, %dma_start3A_398] : memref<4000x8xf32, #tpu.memory_space<vmem>> -> memref<80x8xf32, #tpu.memory_space<vmem>>
        %dma_start3A_400 = arith.constant 3440 : i32
        %dma_start3A_401 = tpu.memref_slice %arg10[%dma_start3A_400] : memref<4000xi32, #tpu.memory_space<vmem>> -> memref<80xi32, #tpu.memory_space<vmem>>
        %dma_start3A_402 = arith.constant 0 : i32
        %dma_start3A_403 = arith.constant 0 : i32
        %dma_start3A_404 = tpu.memref_slice %arg2[%dma_start3A_402, %dma_start3A_403] : memref<100000x8xf32, #tpu.memory_space<hbm>> -> memref<100000x8xf32, #tpu.memory_space<hbm>>
        tpu.enqueue_indirect_dma source(%dma_start3A_404 : memref<100000x8xf32, #tpu.memory_space<hbm>>) target(%dma_start3A_399 : memref<80x8xf32, #tpu.memory_space<vmem>>) offsets(%dma_start3A_401 : memref<80xi32, #tpu.memory_space<vmem>>) semaphore(%arg21 : memref<!tpu.dma_semaphore, #tpu.memory_space<semaphore_mem>>)
        %dma_start3A_405 = arith.constant 3520 : i32
        %dma_start3A_406 = arith.constant 0 : i32
        %dma_start3A_407 = tpu.memref_slice %arg16[%dma_start3A_405, %dma_start3A_406] : memref<4000x8xf32, #tpu.memory_space<vmem>> -> memref<80x8xf32, #tpu.memory_space<vmem>>
        %dma_start3A_408 = arith.constant 3520 : i32
        %dma_start3A_409 = tpu.memref_slice %arg10[%dma_start3A_408] : memref<4000xi32, #tpu.memory_space<vmem>> -> memref<80xi32, #tpu.memory_space<vmem>>
        %dma_start3A_410 = arith.constant 0 : i32
        %dma_start3A_411 = arith.constant 0 : i32
        %dma_start3A_412 = tpu.memref_slice %arg2[%dma_start3A_410, %dma_start3A_411] : memref<100000x8xf32, #tpu.memory_space<hbm>> -> memref<100000x8xf32, #tpu.memory_space<hbm>>
        tpu.enqueue_indirect_dma source(%dma_start3A_412 : memref<100000x8xf32, #tpu.memory_space<hbm>>) target(%dma_start3A_407 : memref<80x8xf32, #tpu.memory_space<vmem>>) offsets(%dma_start3A_409 : memref<80xi32, #tpu.memory_space<vmem>>) semaphore(%arg21 : memref<!tpu.dma_semaphore, #tpu.memory_space<semaphore_mem>>)
        %dma_start3A_413 = arith.constant 3600 : i32
        %dma_start3A_414 = arith.constant 0 : i32
        %dma_start3A_415 = tpu.memref_slice %arg16[%dma_start3A_413, %dma_start3A_414] : memref<4000x8xf32, #tpu.memory_space<vmem>> -> memref<80x8xf32, #tpu.memory_space<vmem>>
        %dma_start3A_416 = arith.constant 3600 : i32
        %dma_start3A_417 = tpu.memref_slice %arg10[%dma_start3A_416] : memref<4000xi32, #tpu.memory_space<vmem>> -> memref<80xi32, #tpu.memory_space<vmem>>
        %dma_start3A_418 = arith.constant 0 : i32
        %dma_start3A_419 = arith.constant 0 : i32
        %dma_start3A_420 = tpu.memref_slice %arg2[%dma_start3A_418, %dma_start3A_419] : memref<100000x8xf32, #tpu.memory_space<hbm>> -> memref<100000x8xf32, #tpu.memory_space<hbm>>
        tpu.enqueue_indirect_dma source(%dma_start3A_420 : memref<100000x8xf32, #tpu.memory_space<hbm>>) target(%dma_start3A_415 : memref<80x8xf32, #tpu.memory_space<vmem>>) offsets(%dma_start3A_417 : memref<80xi32, #tpu.memory_space<vmem>>) semaphore(%arg21 : memref<!tpu.dma_semaphore, #tpu.memory_space<semaphore_mem>>)
        %dma_start3A_421 = arith.constant 3680 : i32
        %dma_start3A_422 = arith.constant 0 : i32
        %dma_start3A_423 = tpu.memref_slice %arg16[%dma_start3A_421, %dma_start3A_422] : memref<4000x8xf32, #tpu.memory_space<vmem>> -> memref<80x8xf32, #tpu.memory_space<vmem>>
        %dma_start3A_424 = arith.constant 3680 : i32
        %dma_start3A_425 = tpu.memref_slice %arg10[%dma_start3A_424] : memref<4000xi32, #tpu.memory_space<vmem>> -> memref<80xi32, #tpu.memory_space<vmem>>
        %dma_start3A_426 = arith.constant 0 : i32
        %dma_start3A_427 = arith.constant 0 : i32
        %dma_start3A_428 = tpu.memref_slice %arg2[%dma_start3A_426, %dma_start3A_427] : memref<100000x8xf32, #tpu.memory_space<hbm>> -> memref<100000x8xf32, #tpu.memory_space<hbm>>
        tpu.enqueue_indirect_dma source(%dma_start3A_428 : memref<100000x8xf32, #tpu.memory_space<hbm>>) target(%dma_start3A_423 : memref<80x8xf32, #tpu.memory_space<vmem>>) offsets(%dma_start3A_425 : memref<80xi32, #tpu.memory_space<vmem>>) semaphore(%arg21 : memref<!tpu.dma_semaphore, #tpu.memory_space<semaphore_mem>>)
        %dma_start3A_429 = arith.constant 3760 : i32
        %dma_start3A_430 = arith.constant 0 : i32
        %dma_start3A_431 = tpu.memref_slice %arg16[%dma_start3A_429, %dma_start3A_430] : memref<4000x8xf32, #tpu.memory_space<vmem>> -> memref<80x8xf32, #tpu.memory_space<vmem>>
        %dma_start3A_432 = arith.constant 3760 : i32
        %dma_start3A_433 = tpu.memref_slice %arg10[%dma_start3A_432] : memref<4000xi32, #tpu.memory_space<vmem>> -> memref<80xi32, #tpu.memory_space<vmem>>
        %dma_start3A_434 = arith.constant 0 : i32
        %dma_start3A_435 = arith.constant 0 : i32
        %dma_start3A_436 = tpu.memref_slice %arg2[%dma_start3A_434, %dma_start3A_435] : memref<100000x8xf32, #tpu.memory_space<hbm>> -> memref<100000x8xf32, #tpu.memory_space<hbm>>
        tpu.enqueue_indirect_dma source(%dma_start3A_436 : memref<100000x8xf32, #tpu.memory_space<hbm>>) target(%dma_start3A_431 : memref<80x8xf32, #tpu.memory_space<vmem>>) offsets(%dma_start3A_433 : memref<80xi32, #tpu.memory_space<vmem>>) semaphore(%arg21 : memref<!tpu.dma_semaphore, #tpu.memory_space<semaphore_mem>>)
        %dma_start3A_437 = arith.constant 3840 : i32
        %dma_start3A_438 = arith.constant 0 : i32
        %dma_start3A_439 = tpu.memref_slice %arg16[%dma_start3A_437, %dma_start3A_438] : memref<4000x8xf32, #tpu.memory_space<vmem>> -> memref<80x8xf32, #tpu.memory_space<vmem>>
        %dma_start3A_440 = arith.constant 3840 : i32
        %dma_start3A_441 = tpu.memref_slice %arg10[%dma_start3A_440] : memref<4000xi32, #tpu.memory_space<vmem>> -> memref<80xi32, #tpu.memory_space<vmem>>
        %dma_start3A_442 = arith.constant 0 : i32
        %dma_start3A_443 = arith.constant 0 : i32
        %dma_start3A_444 = tpu.memref_slice %arg2[%dma_start3A_442, %dma_start3A_443] : memref<100000x8xf32, #tpu.memory_space<hbm>> -> memref<100000x8xf32, #tpu.memory_space<hbm>>
        tpu.enqueue_indirect_dma source(%dma_start3A_444 : memref<100000x8xf32, #tpu.memory_space<hbm>>) target(%dma_start3A_439 : memref<80x8xf32, #tpu.memory_space<vmem>>) offsets(%dma_start3A_441 : memref<80xi32, #tpu.memory_space<vmem>>) semaphore(%arg21 : memref<!tpu.dma_semaphore, #tpu.memory_space<semaphore_mem>>)
        %dma_start3A_445 = arith.constant 3920 : i32
        %dma_start3A_446 = arith.constant 0 : i32
        %dma_start3A_447 = tpu.memref_slice %arg16[%dma_start3A_445, %dma_start3A_446] : memref<4000x8xf32, #tpu.memory_space<vmem>> -> memref<80x8xf32, #tpu.memory_space<vmem>>
        %dma_start3A_448 = arith.constant 3920 : i32
        %dma_start3A_449 = tpu.memref_slice %arg10[%dma_start3A_448] : memref<4000xi32, #tpu.memory_space<vmem>> -> memref<80xi32, #tpu.memory_space<vmem>>
        %dma_start3A_450 = arith.constant 0 : i32
        %dma_start3A_451 = arith.constant 0 : i32
        %dma_start3A_452 = tpu.memref_slice %arg2[%dma_start3A_450, %dma_start3A_451] : memref<100000x8xf32, #tpu.memory_space<hbm>> -> memref<100000x8xf32, #tpu.memory_space<hbm>>
        tpu.enqueue_indirect_dma source(%dma_start3A_452 : memref<100000x8xf32, #tpu.memory_space<hbm>>) target(%dma_start3A_447 : memref<80x8xf32, #tpu.memory_space<vmem>>) offsets(%dma_start3A_449 : memref<80xi32, #tpu.memory_space<vmem>>) semaphore(%arg21 : memref<!tpu.dma_semaphore, #tpu.memory_space<semaphore_mem>>)
        "tpu.region"() ({
          %run_scoped3A = tpu.sem_alloc : memref<!tpu.dma_semaphore, #tpu.memory_space<semaphore_mem>>
          %dma_start3A_453 = tpu.memref_slice %arg3[%mul3A_53] : memref<1000000xi32, #tpu.memory_space<hbm>> -> memref<4000xi32, #tpu.memory_space<hbm>>
          %dma_start3A_454 = tpu.memref_slice %arg3[%mul3A_53] : memref<1000000xi32, #tpu.memory_space<hbm>> -> memref<4000xi32, #tpu.memory_space<hbm>>
          tpu.enqueue_dma source(%dma_start3A_454 : memref<4000xi32, #tpu.memory_space<hbm>>) target(%arg12 : memref<4000xi32, #tpu.memory_space<vmem>>) target_semaphore(%run_scoped3A : memref<!tpu.dma_semaphore, #tpu.memory_space<semaphore_mem>>)
          %dma_wait3A = tpu.memref_slice %arg3[%mul3A_53] : memref<1000000xi32, #tpu.memory_space<hbm>> -> memref<4000xi32, #tpu.memory_space<hbm>>
          %dma_wait3A_455 = tpu.memref_slice %arg3[%mul3A_53] : memref<1000000xi32, #tpu.memory_space<hbm>> -> memref<4000xi32, #tpu.memory_space<hbm>>
          tpu.wait_dma2 semaphore(%run_scoped3A : memref<!tpu.dma_semaphore, #tpu.memory_space<semaphore_mem>>) src(%dma_wait3A_455 : memref<4000xi32, #tpu.memory_space<hbm>>) dst(%arg12 : memref<4000xi32, #tpu.memory_space<vmem>>)
          tpu.yield
        }) : () -> ()
        "tpu.region"() ({
          %run_scoped3A = tpu.sem_alloc : memref<!tpu.dma_semaphore, #tpu.memory_space<semaphore_mem>>
          %dma_start3A_453 = tpu.memref_slice %arg5[%mul3A_53] : memref<1000000xi32, #tpu.memory_space<hbm>> -> memref<4000xi32, #tpu.memory_space<hbm>>
          %dma_start3A_454 = tpu.memref_slice %arg5[%mul3A_53] : memref<1000000xi32, #tpu.memory_space<hbm>> -> memref<4000xi32, #tpu.memory_space<hbm>>
          tpu.enqueue_dma source(%dma_start3A_454 : memref<4000xi32, #tpu.memory_space<hbm>>) target(%arg14 : memref<4000xi32, #tpu.memory_space<vmem>>) target_semaphore(%run_scoped3A : memref<!tpu.dma_semaphore, #tpu.memory_space<semaphore_mem>>)
          %dma_wait3A = tpu.memref_slice %arg5[%mul3A_53] : memref<1000000xi32, #tpu.memory_space<hbm>> -> memref<4000xi32, #tpu.memory_space<hbm>>
          %dma_wait3A_455 = tpu.memref_slice %arg5[%mul3A_53] : memref<1000000xi32, #tpu.memory_space<hbm>> -> memref<4000xi32, #tpu.memory_space<hbm>>
          tpu.wait_dma2 semaphore(%run_scoped3A : memref<!tpu.dma_semaphore, #tpu.memory_space<semaphore_mem>>) src(%dma_wait3A_455 : memref<4000xi32, #tpu.memory_space<hbm>>) dst(%arg14 : memref<4000xi32, #tpu.memory_space<vmem>>)
          tpu.yield
        }) : () -> ()
      } else {
      }
      %mul3A_24 = arith.constant 32 : i32
      %mul3A_25 = arith.muli %mul3A_13, %mul3A_24 : i32
      %add3A_26 = arith.addi %mul3A_25, %add3A : i32
      %lt3A_27 = arith.constant 250 : i32
      %lt3A_28 = arith.cmpi slt, %add3A_26, %lt3A_27 : i32
      %convert_element_type3A_29 = arith.extui %lt3A_28 : i1 to i32
      %cond3A_30 = arith.constant 0 : i32
      %cond3A_31 = arith.cmpi ne, %convert_element_type3A_29, %cond3A_30 : i32
      scf.if %cond3A_31 {
        %mul3A_52 = arith.constant 4000 : i32
        %mul3A_53 = arith.muli %add3A_26, %mul3A_52 : i32
        %dma_wait3A = arith.constant 0 : i32
        %dma_wait3A_54 = arith.constant 0 : i32
        %dma_wait3A_55 = tpu.memref_slice %arg2[%dma_wait3A, %dma_wait3A_54] : memref<100000x8xf32, #tpu.memory_space<hbm>> -> memref<4000x8xf32, #tpu.memory_space<hbm>>
        %dma_wait3A_56 = arith.constant 0 : i32
        %dma_wait3A_57 = arith.constant 0 : i32
        %dma_wait3A_58 = tpu.memref_slice %arg2[%dma_wait3A_56, %dma_wait3A_57] : memref<100000x8xf32, #tpu.memory_space<hbm>> -> memref<4000x8xf32, #tpu.memory_space<hbm>>
        tpu.wait_dma2 semaphore(%arg20 : memref<!tpu.dma_semaphore, #tpu.memory_space<semaphore_mem>>) src(%dma_wait3A_58 : memref<4000x8xf32, #tpu.memory_space<hbm>>) dst(%arg15 : memref<4000x8xf32, #tpu.memory_space<vmem>>)
        %parallel_loop3A = arith.constant 0 : i32
        %parallel_loop3A_59 = arith.constant 4000 : i32
        %parallel_loop3A_60 = arith.constant 16 : i32
        scf.for %parallel_loop3A_61 = %parallel_loop3A to %parallel_loop3A_59 step %parallel_loop3A_60  : i32 {
          %parallel_loop3A_62 = tpu.iota {dimensions = array<i32: 0>} : vector<16xi32>
          %parallel_loop3A_63 = vector.broadcast %parallel_loop3A_61 : i32 to vector<16xi32>
          %parallel_loop3A_64 = arith.addi %parallel_loop3A_63, %parallel_loop3A_62 : vector<16xi32>
          %parallel_loop3A_65 = arith.index_cast %parallel_loop3A_61 : i32 to index
          %parallel_loop3A_66 = tpu.vector_load %arg11[%parallel_loop3A_65] {strides = array<i32>} : memref<4000xi32, #tpu.memory_space<vmem>>, vector<16xi32>,
          %parallel_loop3A_67 = arith.index_cast %parallel_loop3A_61 : i32 to index
          %parallel_loop3A_68 = tpu.vector_load %arg13[%parallel_loop3A_67] {strides = array<i32>} : memref<4000xi32, #tpu.memory_space<vmem>>, vector<16xi32>,
          %parallel_loop3A_69 = tpu.vector_load_idx %arg15[%parallel_loop3A_64, %broadcast_in_dim3A_1] : memref<4000x8xf32, #tpu.memory_space<vmem>>[vector<16xi32>, vector<16xi32>], vector<16xf32>,
          %parallel_loop3A_70 = arith.constant 1 : i32
          %parallel_loop3A_71 = vector.broadcast %parallel_loop3A_70 : i32 to vector<16xi32>
          %parallel_loop3A_72 = arith.addi %broadcast_in_dim3A_1, %parallel_loop3A_71 : vector<16xi32>
          %parallel_loop3A_73 = tpu.vector_load_idx %arg15[%parallel_loop3A_64, %parallel_loop3A_72] : memref<4000x8xf32, #tpu.memory_space<vmem>>[vector<16xi32>, vector<16xi32>], vector<16xf32>,
          %parallel_loop3A_74 = arith.constant 2 : i32
          %parallel_loop3A_75 = vector.broadcast %parallel_loop3A_74 : i32 to vector<16xi32>
          %parallel_loop3A_76 = arith.addi %broadcast_in_dim3A_1, %parallel_loop3A_75 : vector<16xi32>
          %parallel_loop3A_77 = tpu.vector_load_idx %arg15[%parallel_loop3A_64, %parallel_loop3A_76] : memref<4000x8xf32, #tpu.memory_space<vmem>>[vector<16xi32>, vector<16xi32>], vector<16xf32>,
          %parallel_loop3A_78 = arith.constant 3 : i32
          %parallel_loop3A_79 = vector.broadcast %parallel_loop3A_78 : i32 to vector<16xi32>
          %parallel_loop3A_80 = arith.addi %broadcast_in_dim3A_1, %parallel_loop3A_79 : vector<16xi32>
          %parallel_loop3A_81 = tpu.vector_load_idx %arg15[%parallel_loop3A_64, %parallel_loop3A_80] : memref<4000x8xf32, #tpu.memory_space<vmem>>[vector<16xi32>, vector<16xi32>], vector<16xf32>,
          %parallel_loop3A_82 = tpu.vector_load_idx %arg18[%parallel_loop3A_66, %broadcast_in_dim3A_1] : memref<64x3xf32, #tpu.memory_space<vmem>>[vector<16xi32>, vector<16xi32>], vector<16xf32>,
          %parallel_loop3A_83 = arith.constant 1 : i32
          %parallel_loop3A_84 = vector.broadcast %parallel_loop3A_83 : i32 to vector<16xi32>
          %parallel_loop3A_85 = arith.addi %broadcast_in_dim3A_1, %parallel_loop3A_84 : vector<16xi32>
          %parallel_loop3A_86 = tpu.vector_load_idx %arg18[%parallel_loop3A_66, %parallel_loop3A_85] : memref<64x3xf32, #tpu.memory_space<vmem>>[vector<16xi32>, vector<16xi32>], vector<16xf32>,
          %parallel_loop3A_87 = arith.constant 2 : i32
          %parallel_loop3A_88 = vector.broadcast %parallel_loop3A_87 : i32 to vector<16xi32>
          %parallel_loop3A_89 = arith.addi %broadcast_in_dim3A_1, %parallel_loop3A_88 : vector<16xi32>
          %parallel_loop3A_90 = tpu.vector_load_idx %arg18[%parallel_loop3A_66, %parallel_loop3A_89] : memref<64x3xf32, #tpu.memory_space<vmem>>[vector<16xi32>, vector<16xi32>], vector<16xf32>,
          %parallel_loop3A_91 = tpu.vector_load_idx %arg19[%parallel_loop3A_66, %parallel_loop3A_68] : memref<64x2xf32, #tpu.memory_space<vmem>>[vector<16xi32>, vector<16xi32>], vector<16xf32>,
          %parallel_loop3A_92 = arith.subf %parallel_loop3A_69, %parallel_loop3A_82 : vector<16xf32>
          %parallel_loop3A_93 = arith.subf %parallel_loop3A_73, %parallel_loop3A_86 : vector<16xf32>
          %parallel_loop3A_94 = arith.subf %parallel_loop3A_77, %parallel_loop3A_90 : vector<16xf32>
          %parallel_loop3A_95 = arith.mulf %parallel_loop3A_92, %parallel_loop3A_92 : vector<16xf32>
          %parallel_loop3A_96 = arith.mulf %parallel_loop3A_93, %parallel_loop3A_93 : vector<16xf32>
          %parallel_loop3A_97 = arith.addf %parallel_loop3A_95, %parallel_loop3A_96 : vector<16xf32>
          %parallel_loop3A_98 = arith.mulf %parallel_loop3A_94, %parallel_loop3A_94 : vector<16xf32>
          %parallel_loop3A_99 = arith.addf %parallel_loop3A_97, %parallel_loop3A_98 : vector<16xf32>
          %parallel_loop3A_100 = arith.constant 9.99999996E-13 : f32
          %parallel_loop3A_101 = vector.broadcast %parallel_loop3A_100 : f32 to vector<16xf32>
          %parallel_loop3A_102 = arith.maximumf %parallel_loop3A_99, %parallel_loop3A_101 : vector<16xf32>
          %parallel_loop3A_103 = vector.bitcast %parallel_loop3A_102 : vector<16xf32> to vector<16xi32>
          %parallel_loop3A_104 = arith.constant 1 : i32
          %parallel_loop3A_105 = vector.broadcast %parallel_loop3A_104 : i32 to vector<16xi32>
          %parallel_loop3A_106 = arith.shrsi %parallel_loop3A_103, %parallel_loop3A_105 : vector<16xi32>
          %parallel_loop3A_107 = arith.constant 1597463007 : i32
          %parallel_loop3A_108 = vector.broadcast %parallel_loop3A_107 : i32 to vector<16xi32>
          %parallel_loop3A_109 = arith.subi %parallel_loop3A_108, %parallel_loop3A_106 : vector<16xi32>
          %parallel_loop3A_110 = vector.bitcast %parallel_loop3A_109 : vector<16xi32> to vector<16xf32>
          %parallel_loop3A_111 = arith.constant 5.000000e-01 : f32
          %parallel_loop3A_112 = vector.broadcast %parallel_loop3A_111 : f32 to vector<16xf32>
          %parallel_loop3A_113 = arith.mulf %parallel_loop3A_112, %parallel_loop3A_102 : vector<16xf32>
          %parallel_loop3A_114 = arith.mulf %parallel_loop3A_113, %parallel_loop3A_110 : vector<16xf32>
          %parallel_loop3A_115 = arith.mulf %parallel_loop3A_114, %parallel_loop3A_110 : vector<16xf32>
          %parallel_loop3A_116 = arith.constant 1.500000e+00 : f32
          %parallel_loop3A_117 = vector.broadcast %parallel_loop3A_116 : f32 to vector<16xf32>
          %parallel_loop3A_118 = arith.subf %parallel_loop3A_117, %parallel_loop3A_115 : vector<16xf32>
          %parallel_loop3A_119 = arith.mulf %parallel_loop3A_110, %parallel_loop3A_118 : vector<16xf32>
          %parallel_loop3A_120 = arith.constant 5.000000e-01 : f32
          %parallel_loop3A_121 = vector.broadcast %parallel_loop3A_120 : f32 to vector<16xf32>
          %parallel_loop3A_122 = arith.mulf %parallel_loop3A_121, %parallel_loop3A_102 : vector<16xf32>
          %parallel_loop3A_123 = arith.mulf %parallel_loop3A_122, %parallel_loop3A_119 : vector<16xf32>
          %parallel_loop3A_124 = arith.mulf %parallel_loop3A_123, %parallel_loop3A_119 : vector<16xf32>
          %parallel_loop3A_125 = arith.constant 1.500000e+00 : f32
          %parallel_loop3A_126 = vector.broadcast %parallel_loop3A_125 : f32 to vector<16xf32>
          %parallel_loop3A_127 = arith.subf %parallel_loop3A_126, %parallel_loop3A_124 : vector<16xf32>
          %parallel_loop3A_128 = arith.mulf %parallel_loop3A_119, %parallel_loop3A_127 : vector<16xf32>
          %parallel_loop3A_129 = arith.constant 5.000000e-01 : f32
          %parallel_loop3A_130 = vector.broadcast %parallel_loop3A_129 : f32 to vector<16xf32>
          %parallel_loop3A_131 = arith.mulf %parallel_loop3A_130, %parallel_loop3A_102 : vector<16xf32>
          %parallel_loop3A_132 = arith.mulf %parallel_loop3A_131, %parallel_loop3A_128 : vector<16xf32>
          %parallel_loop3A_133 = arith.mulf %parallel_loop3A_132, %parallel_loop3A_128 : vector<16xf32>
          %parallel_loop3A_134 = arith.constant 1.500000e+00 : f32
          %parallel_loop3A_135 = vector.broadcast %parallel_loop3A_134 : f32 to vector<16xf32>
          %parallel_loop3A_136 = arith.subf %parallel_loop3A_135, %parallel_loop3A_133 : vector<16xf32>
          %parallel_loop3A_137 = arith.mulf %parallel_loop3A_128, %parallel_loop3A_136 : vector<16xf32>
          %parallel_loop3A_138 = arith.mulf %parallel_loop3A_99, %parallel_loop3A_137 : vector<16xf32>
          %parallel_loop3A_139 = arith.constant 0 : i32
          %parallel_loop3A_140 = vector.broadcast %parallel_loop3A_139 : i32 to vector<16xi32>
          %parallel_loop3A_141 = arith.cmpi eq, %parallel_loop3A_68, %parallel_loop3A_140 : vector<16xi32>
          %parallel_loop3A_142 = arith.constant 0.166666672 : f32
          %parallel_loop3A_143 = arith.constant 0.288333327 : f32
          %parallel_loop3A_144 = vector.broadcast %parallel_loop3A_142 : f32 to vector<16xf32>
          %parallel_loop3A_145 = vector.broadcast %parallel_loop3A_143 : f32 to vector<16xf32>
          %parallel_loop3A_146 = arith.select %parallel_loop3A_141, %parallel_loop3A_144, %parallel_loop3A_145 : vector<16xi1>, vector<16xf32>
          %parallel_loop3A_147 = arith.mulf %parallel_loop3A_138, %parallel_loop3A_146 : vector<16xf32>
          %parallel_loop3A_148 = arith.addf %parallel_loop3A_81, %parallel_loop3A_147 : vector<16xf32>
          %parallel_loop3A_149 = arith.addf %parallel_loop3A_148, %parallel_loop3A_91 : vector<16xf32>
          %parallel_loop3A_150 = arith.index_cast %parallel_loop3A_61 : i32 to index
          %parallel_loop3A_151 = tpu.vector_load %arg17[%parallel_loop3A_150] {strides = array<i32>} : memref<4000xf32, #tpu.memory_space<vmem>>, vector<16xf32>,
          tpu.vector_store %arg17[%parallel_loop3A_150], %parallel_loop3A_149 {strides = array<i32>} : memref<4000xf32, #tpu.memory_space<vmem>>, vector<16xf32>,
        } {sc.loop_unroll_factor = 4 : i64, sc.parallel_access}
        "tpu.region"() ({
          %run_scoped3A = tpu.sem_alloc : memref<!tpu.dma_semaphore, #tpu.memory_space<semaphore_mem>>
          %dma_start3A = tpu.memref_slice %arg8[%mul3A_53] : memref<1000000xf32, #tpu.memory_space<hbm>> -> memref<4000xf32, #tpu.memory_space<hbm>>
          %dma_start3A_61 = tpu.memref_slice %arg8[%mul3A_53] : memref<1000000xf32, #tpu.memory_space<hbm>> -> memref<4000xf32, #tpu.memory_space<hbm>>
          tpu.enqueue_dma source(%arg17 : memref<4000xf32, #tpu.memory_space<vmem>>) target(%dma_start3A_61 : memref<4000xf32, #tpu.memory_space<hbm>>) target_semaphore(%run_scoped3A : memref<!tpu.dma_semaphore, #tpu.memory_space<semaphore_mem>>)
          %dma_wait3A_62 = tpu.memref_slice %arg8[%mul3A_53] : memref<1000000xf32, #tpu.memory_space<hbm>> -> memref<4000xf32, #tpu.memory_space<hbm>>
          %dma_wait3A_63 = tpu.memref_slice %arg8[%mul3A_53] : memref<1000000xf32, #tpu.memory_space<hbm>> -> memref<4000xf32, #tpu.memory_space<hbm>>
          tpu.wait_dma2 semaphore(%run_scoped3A : memref<!tpu.dma_semaphore, #tpu.memory_space<semaphore_mem>>) src(%arg17 : memref<4000xf32, #tpu.memory_space<vmem>>) dst(%dma_wait3A_63 : memref<4000xf32, #tpu.memory_space<hbm>>)
          tpu.yield
        }) : () -> ()
      } else {
      }
      %add3A_32 = arith.constant 2 : i32
      %add3A_33 = arith.addi %mul3A_13, %add3A_32 : i32
      %mul3A_34 = arith.constant 32 : i32
      %mul3A_35 = arith.muli %add3A_33, %mul3A_34 : i32
      %add3A_36 = arith.addi %mul3A_35, %add3A : i32
      %lt3A_37 = arith.constant 250 : i32
      %lt3A_38 = arith.cmpi slt, %add3A_36, %lt3A_37 : i32
      %convert_element_type3A_39 = arith.extui %lt3A_38 : i1 to i32
      %cond3A_40 = arith.constant 0 : i32
      %cond3A_41 = arith.cmpi ne, %convert_element_type3A_39, %cond3A_40 : i32
      scf.if %cond3A_41 {
        %mul3A_52 = arith.constant 4000 : i32
        %mul3A_53 = arith.muli %add3A_36, %mul3A_52 : i32
        "tpu.region"() ({
          %run_scoped3A = tpu.sem_alloc : memref<!tpu.dma_semaphore, #tpu.memory_space<semaphore_mem>>
          %dma_start3A_453 = tpu.memref_slice %arg4[%mul3A_53] : memref<1000000xi32, #tpu.memory_space<hbm>> -> memref<4000xi32, #tpu.memory_space<hbm>>
          %dma_start3A_454 = tpu.memref_slice %arg4[%mul3A_53] : memref<1000000xi32, #tpu.memory_space<hbm>> -> memref<4000xi32, #tpu.memory_space<hbm>>
          tpu.enqueue_dma source(%dma_start3A_454 : memref<4000xi32, #tpu.memory_space<hbm>>) target(%arg9 : memref<4000xi32, #tpu.memory_space<vmem>>) target_semaphore(%run_scoped3A : memref<!tpu.dma_semaphore, #tpu.memory_space<semaphore_mem>>)
          %dma_wait3A = tpu.memref_slice %arg4[%mul3A_53] : memref<1000000xi32, #tpu.memory_space<hbm>> -> memref<4000xi32, #tpu.memory_space<hbm>>
          %dma_wait3A_455 = tpu.memref_slice %arg4[%mul3A_53] : memref<1000000xi32, #tpu.memory_space<hbm>> -> memref<4000xi32, #tpu.memory_space<hbm>>
          tpu.wait_dma2 semaphore(%run_scoped3A : memref<!tpu.dma_semaphore, #tpu.memory_space<semaphore_mem>>) src(%dma_wait3A_455 : memref<4000xi32, #tpu.memory_space<hbm>>) dst(%arg9 : memref<4000xi32, #tpu.memory_space<vmem>>)
          tpu.yield
        }) : () -> ()
        %dma_start3A = arith.constant 0 : i32
        %dma_start3A_54 = arith.constant 0 : i32
        %dma_start3A_55 = tpu.memref_slice %arg15[%dma_start3A, %dma_start3A_54] : memref<4000x8xf32, #tpu.memory_space<vmem>> -> memref<80x8xf32, #tpu.memory_space<vmem>>
        %dma_start3A_56 = arith.constant 0 : i32
        %dma_start3A_57 = tpu.memref_slice %arg9[%dma_start3A_56] : memref<4000xi32, #tpu.memory_space<vmem>> -> memref<80xi32, #tpu.memory_space<vmem>>
        %dma_start3A_58 = arith.constant 0 : i32
        %dma_start3A_59 = arith.constant 0 : i32
        %dma_start3A_60 = tpu.memref_slice %arg2[%dma_start3A_58, %dma_start3A_59] : memref<100000x8xf32, #tpu.memory_space<hbm>> -> memref<100000x8xf32, #tpu.memory_space<hbm>>
        tpu.enqueue_indirect_dma source(%dma_start3A_60 : memref<100000x8xf32, #tpu.memory_space<hbm>>) target(%dma_start3A_55 : memref<80x8xf32, #tpu.memory_space<vmem>>) offsets(%dma_start3A_57 : memref<80xi32, #tpu.memory_space<vmem>>) semaphore(%arg20 : memref<!tpu.dma_semaphore, #tpu.memory_space<semaphore_mem>>)
        %dma_start3A_61 = arith.constant 80 : i32
        %dma_start3A_62 = arith.constant 0 : i32
        %dma_start3A_63 = tpu.memref_slice %arg15[%dma_start3A_61, %dma_start3A_62] : memref<4000x8xf32, #tpu.memory_space<vmem>> -> memref<80x8xf32, #tpu.memory_space<vmem>>
        %dma_start3A_64 = arith.constant 80 : i32
        %dma_start3A_65 = tpu.memref_slice %arg9[%dma_start3A_64] : memref<4000xi32, #tpu.memory_space<vmem>> -> memref<80xi32, #tpu.memory_space<vmem>>
        %dma_start3A_66 = arith.constant 0 : i32
        %dma_start3A_67 = arith.constant 0 : i32
        %dma_start3A_68 = tpu.memref_slice %arg2[%dma_start3A_66, %dma_start3A_67] : memref<100000x8xf32, #tpu.memory_space<hbm>> -> memref<100000x8xf32, #tpu.memory_space<hbm>>
        tpu.enqueue_indirect_dma source(%dma_start3A_68 : memref<100000x8xf32, #tpu.memory_space<hbm>>) target(%dma_start3A_63 : memref<80x8xf32, #tpu.memory_space<vmem>>) offsets(%dma_start3A_65 : memref<80xi32, #tpu.memory_space<vmem>>) semaphore(%arg20 : memref<!tpu.dma_semaphore, #tpu.memory_space<semaphore_mem>>)
        %dma_start3A_69 = arith.constant 160 : i32
        %dma_start3A_70 = arith.constant 0 : i32
        %dma_start3A_71 = tpu.memref_slice %arg15[%dma_start3A_69, %dma_start3A_70] : memref<4000x8xf32, #tpu.memory_space<vmem>> -> memref<80x8xf32, #tpu.memory_space<vmem>>
        %dma_start3A_72 = arith.constant 160 : i32
        %dma_start3A_73 = tpu.memref_slice %arg9[%dma_start3A_72] : memref<4000xi32, #tpu.memory_space<vmem>> -> memref<80xi32, #tpu.memory_space<vmem>>
        %dma_start3A_74 = arith.constant 0 : i32
        %dma_start3A_75 = arith.constant 0 : i32
        %dma_start3A_76 = tpu.memref_slice %arg2[%dma_start3A_74, %dma_start3A_75] : memref<100000x8xf32, #tpu.memory_space<hbm>> -> memref<100000x8xf32, #tpu.memory_space<hbm>>
        tpu.enqueue_indirect_dma source(%dma_start3A_76 : memref<100000x8xf32, #tpu.memory_space<hbm>>) target(%dma_start3A_71 : memref<80x8xf32, #tpu.memory_space<vmem>>) offsets(%dma_start3A_73 : memref<80xi32, #tpu.memory_space<vmem>>) semaphore(%arg20 : memref<!tpu.dma_semaphore, #tpu.memory_space<semaphore_mem>>)
        %dma_start3A_77 = arith.constant 240 : i32
        %dma_start3A_78 = arith.constant 0 : i32
        %dma_start3A_79 = tpu.memref_slice %arg15[%dma_start3A_77, %dma_start3A_78] : memref<4000x8xf32, #tpu.memory_space<vmem>> -> memref<80x8xf32, #tpu.memory_space<vmem>>
        %dma_start3A_80 = arith.constant 240 : i32
        %dma_start3A_81 = tpu.memref_slice %arg9[%dma_start3A_80] : memref<4000xi32, #tpu.memory_space<vmem>> -> memref<80xi32, #tpu.memory_space<vmem>>
        %dma_start3A_82 = arith.constant 0 : i32
        %dma_start3A_83 = arith.constant 0 : i32
        %dma_start3A_84 = tpu.memref_slice %arg2[%dma_start3A_82, %dma_start3A_83] : memref<100000x8xf32, #tpu.memory_space<hbm>> -> memref<100000x8xf32, #tpu.memory_space<hbm>>
        tpu.enqueue_indirect_dma source(%dma_start3A_84 : memref<100000x8xf32, #tpu.memory_space<hbm>>) target(%dma_start3A_79 : memref<80x8xf32, #tpu.memory_space<vmem>>) offsets(%dma_start3A_81 : memref<80xi32, #tpu.memory_space<vmem>>) semaphore(%arg20 : memref<!tpu.dma_semaphore, #tpu.memory_space<semaphore_mem>>)
        %dma_start3A_85 = arith.constant 320 : i32
        %dma_start3A_86 = arith.constant 0 : i32
        %dma_start3A_87 = tpu.memref_slice %arg15[%dma_start3A_85, %dma_start3A_86] : memref<4000x8xf32, #tpu.memory_space<vmem>> -> memref<80x8xf32, #tpu.memory_space<vmem>>
        %dma_start3A_88 = arith.constant 320 : i32
        %dma_start3A_89 = tpu.memref_slice %arg9[%dma_start3A_88] : memref<4000xi32, #tpu.memory_space<vmem>> -> memref<80xi32, #tpu.memory_space<vmem>>
        %dma_start3A_90 = arith.constant 0 : i32
        %dma_start3A_91 = arith.constant 0 : i32
        %dma_start3A_92 = tpu.memref_slice %arg2[%dma_start3A_90, %dma_start3A_91] : memref<100000x8xf32, #tpu.memory_space<hbm>> -> memref<100000x8xf32, #tpu.memory_space<hbm>>
        tpu.enqueue_indirect_dma source(%dma_start3A_92 : memref<100000x8xf32, #tpu.memory_space<hbm>>) target(%dma_start3A_87 : memref<80x8xf32, #tpu.memory_space<vmem>>) offsets(%dma_start3A_89 : memref<80xi32, #tpu.memory_space<vmem>>) semaphore(%arg20 : memref<!tpu.dma_semaphore, #tpu.memory_space<semaphore_mem>>)
        %dma_start3A_93 = arith.constant 400 : i32
        %dma_start3A_94 = arith.constant 0 : i32
        %dma_start3A_95 = tpu.memref_slice %arg15[%dma_start3A_93, %dma_start3A_94] : memref<4000x8xf32, #tpu.memory_space<vmem>> -> memref<80x8xf32, #tpu.memory_space<vmem>>
        %dma_start3A_96 = arith.constant 400 : i32
        %dma_start3A_97 = tpu.memref_slice %arg9[%dma_start3A_96] : memref<4000xi32, #tpu.memory_space<vmem>> -> memref<80xi32, #tpu.memory_space<vmem>>
        %dma_start3A_98 = arith.constant 0 : i32
        %dma_start3A_99 = arith.constant 0 : i32
        %dma_start3A_100 = tpu.memref_slice %arg2[%dma_start3A_98, %dma_start3A_99] : memref<100000x8xf32, #tpu.memory_space<hbm>> -> memref<100000x8xf32, #tpu.memory_space<hbm>>
        tpu.enqueue_indirect_dma source(%dma_start3A_100 : memref<100000x8xf32, #tpu.memory_space<hbm>>) target(%dma_start3A_95 : memref<80x8xf32, #tpu.memory_space<vmem>>) offsets(%dma_start3A_97 : memref<80xi32, #tpu.memory_space<vmem>>) semaphore(%arg20 : memref<!tpu.dma_semaphore, #tpu.memory_space<semaphore_mem>>)
        %dma_start3A_101 = arith.constant 480 : i32
        %dma_start3A_102 = arith.constant 0 : i32
        %dma_start3A_103 = tpu.memref_slice %arg15[%dma_start3A_101, %dma_start3A_102] : memref<4000x8xf32, #tpu.memory_space<vmem>> -> memref<80x8xf32, #tpu.memory_space<vmem>>
        %dma_start3A_104 = arith.constant 480 : i32
        %dma_start3A_105 = tpu.memref_slice %arg9[%dma_start3A_104] : memref<4000xi32, #tpu.memory_space<vmem>> -> memref<80xi32, #tpu.memory_space<vmem>>
        %dma_start3A_106 = arith.constant 0 : i32
        %dma_start3A_107 = arith.constant 0 : i32
        %dma_start3A_108 = tpu.memref_slice %arg2[%dma_start3A_106, %dma_start3A_107] : memref<100000x8xf32, #tpu.memory_space<hbm>> -> memref<100000x8xf32, #tpu.memory_space<hbm>>
        tpu.enqueue_indirect_dma source(%dma_start3A_108 : memref<100000x8xf32, #tpu.memory_space<hbm>>) target(%dma_start3A_103 : memref<80x8xf32, #tpu.memory_space<vmem>>) offsets(%dma_start3A_105 : memref<80xi32, #tpu.memory_space<vmem>>) semaphore(%arg20 : memref<!tpu.dma_semaphore, #tpu.memory_space<semaphore_mem>>)
        %dma_start3A_109 = arith.constant 560 : i32
        %dma_start3A_110 = arith.constant 0 : i32
        %dma_start3A_111 = tpu.memref_slice %arg15[%dma_start3A_109, %dma_start3A_110] : memref<4000x8xf32, #tpu.memory_space<vmem>> -> memref<80x8xf32, #tpu.memory_space<vmem>>
        %dma_start3A_112 = arith.constant 560 : i32
        %dma_start3A_113 = tpu.memref_slice %arg9[%dma_start3A_112] : memref<4000xi32, #tpu.memory_space<vmem>> -> memref<80xi32, #tpu.memory_space<vmem>>
        %dma_start3A_114 = arith.constant 0 : i32
        %dma_start3A_115 = arith.constant 0 : i32
        %dma_start3A_116 = tpu.memref_slice %arg2[%dma_start3A_114, %dma_start3A_115] : memref<100000x8xf32, #tpu.memory_space<hbm>> -> memref<100000x8xf32, #tpu.memory_space<hbm>>
        tpu.enqueue_indirect_dma source(%dma_start3A_116 : memref<100000x8xf32, #tpu.memory_space<hbm>>) target(%dma_start3A_111 : memref<80x8xf32, #tpu.memory_space<vmem>>) offsets(%dma_start3A_113 : memref<80xi32, #tpu.memory_space<vmem>>) semaphore(%arg20 : memref<!tpu.dma_semaphore, #tpu.memory_space<semaphore_mem>>)
        %dma_start3A_117 = arith.constant 640 : i32
        %dma_start3A_118 = arith.constant 0 : i32
        %dma_start3A_119 = tpu.memref_slice %arg15[%dma_start3A_117, %dma_start3A_118] : memref<4000x8xf32, #tpu.memory_space<vmem>> -> memref<80x8xf32, #tpu.memory_space<vmem>>
        %dma_start3A_120 = arith.constant 640 : i32
        %dma_start3A_121 = tpu.memref_slice %arg9[%dma_start3A_120] : memref<4000xi32, #tpu.memory_space<vmem>> -> memref<80xi32, #tpu.memory_space<vmem>>
        %dma_start3A_122 = arith.constant 0 : i32
        %dma_start3A_123 = arith.constant 0 : i32
        %dma_start3A_124 = tpu.memref_slice %arg2[%dma_start3A_122, %dma_start3A_123] : memref<100000x8xf32, #tpu.memory_space<hbm>> -> memref<100000x8xf32, #tpu.memory_space<hbm>>
        tpu.enqueue_indirect_dma source(%dma_start3A_124 : memref<100000x8xf32, #tpu.memory_space<hbm>>) target(%dma_start3A_119 : memref<80x8xf32, #tpu.memory_space<vmem>>) offsets(%dma_start3A_121 : memref<80xi32, #tpu.memory_space<vmem>>) semaphore(%arg20 : memref<!tpu.dma_semaphore, #tpu.memory_space<semaphore_mem>>)
        %dma_start3A_125 = arith.constant 720 : i32
        %dma_start3A_126 = arith.constant 0 : i32
        %dma_start3A_127 = tpu.memref_slice %arg15[%dma_start3A_125, %dma_start3A_126] : memref<4000x8xf32, #tpu.memory_space<vmem>> -> memref<80x8xf32, #tpu.memory_space<vmem>>
        %dma_start3A_128 = arith.constant 720 : i32
        %dma_start3A_129 = tpu.memref_slice %arg9[%dma_start3A_128] : memref<4000xi32, #tpu.memory_space<vmem>> -> memref<80xi32, #tpu.memory_space<vmem>>
        %dma_start3A_130 = arith.constant 0 : i32
        %dma_start3A_131 = arith.constant 0 : i32
        %dma_start3A_132 = tpu.memref_slice %arg2[%dma_start3A_130, %dma_start3A_131] : memref<100000x8xf32, #tpu.memory_space<hbm>> -> memref<100000x8xf32, #tpu.memory_space<hbm>>
        tpu.enqueue_indirect_dma source(%dma_start3A_132 : memref<100000x8xf32, #tpu.memory_space<hbm>>) target(%dma_start3A_127 : memref<80x8xf32, #tpu.memory_space<vmem>>) offsets(%dma_start3A_129 : memref<80xi32, #tpu.memory_space<vmem>>) semaphore(%arg20 : memref<!tpu.dma_semaphore, #tpu.memory_space<semaphore_mem>>)
        %dma_start3A_133 = arith.constant 800 : i32
        %dma_start3A_134 = arith.constant 0 : i32
        %dma_start3A_135 = tpu.memref_slice %arg15[%dma_start3A_133, %dma_start3A_134] : memref<4000x8xf32, #tpu.memory_space<vmem>> -> memref<80x8xf32, #tpu.memory_space<vmem>>
        %dma_start3A_136 = arith.constant 800 : i32
        %dma_start3A_137 = tpu.memref_slice %arg9[%dma_start3A_136] : memref<4000xi32, #tpu.memory_space<vmem>> -> memref<80xi32, #tpu.memory_space<vmem>>
        %dma_start3A_138 = arith.constant 0 : i32
        %dma_start3A_139 = arith.constant 0 : i32
        %dma_start3A_140 = tpu.memref_slice %arg2[%dma_start3A_138, %dma_start3A_139] : memref<100000x8xf32, #tpu.memory_space<hbm>> -> memref<100000x8xf32, #tpu.memory_space<hbm>>
        tpu.enqueue_indirect_dma source(%dma_start3A_140 : memref<100000x8xf32, #tpu.memory_space<hbm>>) target(%dma_start3A_135 : memref<80x8xf32, #tpu.memory_space<vmem>>) offsets(%dma_start3A_137 : memref<80xi32, #tpu.memory_space<vmem>>) semaphore(%arg20 : memref<!tpu.dma_semaphore, #tpu.memory_space<semaphore_mem>>)
        %dma_start3A_141 = arith.constant 880 : i32
        %dma_start3A_142 = arith.constant 0 : i32
        %dma_start3A_143 = tpu.memref_slice %arg15[%dma_start3A_141, %dma_start3A_142] : memref<4000x8xf32, #tpu.memory_space<vmem>> -> memref<80x8xf32, #tpu.memory_space<vmem>>
        %dma_start3A_144 = arith.constant 880 : i32
        %dma_start3A_145 = tpu.memref_slice %arg9[%dma_start3A_144] : memref<4000xi32, #tpu.memory_space<vmem>> -> memref<80xi32, #tpu.memory_space<vmem>>
        %dma_start3A_146 = arith.constant 0 : i32
        %dma_start3A_147 = arith.constant 0 : i32
        %dma_start3A_148 = tpu.memref_slice %arg2[%dma_start3A_146, %dma_start3A_147] : memref<100000x8xf32, #tpu.memory_space<hbm>> -> memref<100000x8xf32, #tpu.memory_space<hbm>>
        tpu.enqueue_indirect_dma source(%dma_start3A_148 : memref<100000x8xf32, #tpu.memory_space<hbm>>) target(%dma_start3A_143 : memref<80x8xf32, #tpu.memory_space<vmem>>) offsets(%dma_start3A_145 : memref<80xi32, #tpu.memory_space<vmem>>) semaphore(%arg20 : memref<!tpu.dma_semaphore, #tpu.memory_space<semaphore_mem>>)
        %dma_start3A_149 = arith.constant 960 : i32
        %dma_start3A_150 = arith.constant 0 : i32
        %dma_start3A_151 = tpu.memref_slice %arg15[%dma_start3A_149, %dma_start3A_150] : memref<4000x8xf32, #tpu.memory_space<vmem>> -> memref<80x8xf32, #tpu.memory_space<vmem>>
        %dma_start3A_152 = arith.constant 960 : i32
        %dma_start3A_153 = tpu.memref_slice %arg9[%dma_start3A_152] : memref<4000xi32, #tpu.memory_space<vmem>> -> memref<80xi32, #tpu.memory_space<vmem>>
        %dma_start3A_154 = arith.constant 0 : i32
        %dma_start3A_155 = arith.constant 0 : i32
        %dma_start3A_156 = tpu.memref_slice %arg2[%dma_start3A_154, %dma_start3A_155] : memref<100000x8xf32, #tpu.memory_space<hbm>> -> memref<100000x8xf32, #tpu.memory_space<hbm>>
        tpu.enqueue_indirect_dma source(%dma_start3A_156 : memref<100000x8xf32, #tpu.memory_space<hbm>>) target(%dma_start3A_151 : memref<80x8xf32, #tpu.memory_space<vmem>>) offsets(%dma_start3A_153 : memref<80xi32, #tpu.memory_space<vmem>>) semaphore(%arg20 : memref<!tpu.dma_semaphore, #tpu.memory_space<semaphore_mem>>)
        %dma_start3A_157 = arith.constant 1040 : i32
        %dma_start3A_158 = arith.constant 0 : i32
        %dma_start3A_159 = tpu.memref_slice %arg15[%dma_start3A_157, %dma_start3A_158] : memref<4000x8xf32, #tpu.memory_space<vmem>> -> memref<80x8xf32, #tpu.memory_space<vmem>>
        %dma_start3A_160 = arith.constant 1040 : i32
        %dma_start3A_161 = tpu.memref_slice %arg9[%dma_start3A_160] : memref<4000xi32, #tpu.memory_space<vmem>> -> memref<80xi32, #tpu.memory_space<vmem>>
        %dma_start3A_162 = arith.constant 0 : i32
        %dma_start3A_163 = arith.constant 0 : i32
        %dma_start3A_164 = tpu.memref_slice %arg2[%dma_start3A_162, %dma_start3A_163] : memref<100000x8xf32, #tpu.memory_space<hbm>> -> memref<100000x8xf32, #tpu.memory_space<hbm>>
        tpu.enqueue_indirect_dma source(%dma_start3A_164 : memref<100000x8xf32, #tpu.memory_space<hbm>>) target(%dma_start3A_159 : memref<80x8xf32, #tpu.memory_space<vmem>>) offsets(%dma_start3A_161 : memref<80xi32, #tpu.memory_space<vmem>>) semaphore(%arg20 : memref<!tpu.dma_semaphore, #tpu.memory_space<semaphore_mem>>)
        %dma_start3A_165 = arith.constant 1120 : i32
        %dma_start3A_166 = arith.constant 0 : i32
        %dma_start3A_167 = tpu.memref_slice %arg15[%dma_start3A_165, %dma_start3A_166] : memref<4000x8xf32, #tpu.memory_space<vmem>> -> memref<80x8xf32, #tpu.memory_space<vmem>>
        %dma_start3A_168 = arith.constant 1120 : i32
        %dma_start3A_169 = tpu.memref_slice %arg9[%dma_start3A_168] : memref<4000xi32, #tpu.memory_space<vmem>> -> memref<80xi32, #tpu.memory_space<vmem>>
        %dma_start3A_170 = arith.constant 0 : i32
        %dma_start3A_171 = arith.constant 0 : i32
        %dma_start3A_172 = tpu.memref_slice %arg2[%dma_start3A_170, %dma_start3A_171] : memref<100000x8xf32, #tpu.memory_space<hbm>> -> memref<100000x8xf32, #tpu.memory_space<hbm>>
        tpu.enqueue_indirect_dma source(%dma_start3A_172 : memref<100000x8xf32, #tpu.memory_space<hbm>>) target(%dma_start3A_167 : memref<80x8xf32, #tpu.memory_space<vmem>>) offsets(%dma_start3A_169 : memref<80xi32, #tpu.memory_space<vmem>>) semaphore(%arg20 : memref<!tpu.dma_semaphore, #tpu.memory_space<semaphore_mem>>)
        %dma_start3A_173 = arith.constant 1200 : i32
        %dma_start3A_174 = arith.constant 0 : i32
        %dma_start3A_175 = tpu.memref_slice %arg15[%dma_start3A_173, %dma_start3A_174] : memref<4000x8xf32, #tpu.memory_space<vmem>> -> memref<80x8xf32, #tpu.memory_space<vmem>>
        %dma_start3A_176 = arith.constant 1200 : i32
        %dma_start3A_177 = tpu.memref_slice %arg9[%dma_start3A_176] : memref<4000xi32, #tpu.memory_space<vmem>> -> memref<80xi32, #tpu.memory_space<vmem>>
        %dma_start3A_178 = arith.constant 0 : i32
        %dma_start3A_179 = arith.constant 0 : i32
        %dma_start3A_180 = tpu.memref_slice %arg2[%dma_start3A_178, %dma_start3A_179] : memref<100000x8xf32, #tpu.memory_space<hbm>> -> memref<100000x8xf32, #tpu.memory_space<hbm>>
        tpu.enqueue_indirect_dma source(%dma_start3A_180 : memref<100000x8xf32, #tpu.memory_space<hbm>>) target(%dma_start3A_175 : memref<80x8xf32, #tpu.memory_space<vmem>>) offsets(%dma_start3A_177 : memref<80xi32, #tpu.memory_space<vmem>>) semaphore(%arg20 : memref<!tpu.dma_semaphore, #tpu.memory_space<semaphore_mem>>)
        %dma_start3A_181 = arith.constant 1280 : i32
        %dma_start3A_182 = arith.constant 0 : i32
        %dma_start3A_183 = tpu.memref_slice %arg15[%dma_start3A_181, %dma_start3A_182] : memref<4000x8xf32, #tpu.memory_space<vmem>> -> memref<80x8xf32, #tpu.memory_space<vmem>>
        %dma_start3A_184 = arith.constant 1280 : i32
        %dma_start3A_185 = tpu.memref_slice %arg9[%dma_start3A_184] : memref<4000xi32, #tpu.memory_space<vmem>> -> memref<80xi32, #tpu.memory_space<vmem>>
        %dma_start3A_186 = arith.constant 0 : i32
        %dma_start3A_187 = arith.constant 0 : i32
        %dma_start3A_188 = tpu.memref_slice %arg2[%dma_start3A_186, %dma_start3A_187] : memref<100000x8xf32, #tpu.memory_space<hbm>> -> memref<100000x8xf32, #tpu.memory_space<hbm>>
        tpu.enqueue_indirect_dma source(%dma_start3A_188 : memref<100000x8xf32, #tpu.memory_space<hbm>>) target(%dma_start3A_183 : memref<80x8xf32, #tpu.memory_space<vmem>>) offsets(%dma_start3A_185 : memref<80xi32, #tpu.memory_space<vmem>>) semaphore(%arg20 : memref<!tpu.dma_semaphore, #tpu.memory_space<semaphore_mem>>)
        %dma_start3A_189 = arith.constant 1360 : i32
        %dma_start3A_190 = arith.constant 0 : i32
        %dma_start3A_191 = tpu.memref_slice %arg15[%dma_start3A_189, %dma_start3A_190] : memref<4000x8xf32, #tpu.memory_space<vmem>> -> memref<80x8xf32, #tpu.memory_space<vmem>>
        %dma_start3A_192 = arith.constant 1360 : i32
        %dma_start3A_193 = tpu.memref_slice %arg9[%dma_start3A_192] : memref<4000xi32, #tpu.memory_space<vmem>> -> memref<80xi32, #tpu.memory_space<vmem>>
        %dma_start3A_194 = arith.constant 0 : i32
        %dma_start3A_195 = arith.constant 0 : i32
        %dma_start3A_196 = tpu.memref_slice %arg2[%dma_start3A_194, %dma_start3A_195] : memref<100000x8xf32, #tpu.memory_space<hbm>> -> memref<100000x8xf32, #tpu.memory_space<hbm>>
        tpu.enqueue_indirect_dma source(%dma_start3A_196 : memref<100000x8xf32, #tpu.memory_space<hbm>>) target(%dma_start3A_191 : memref<80x8xf32, #tpu.memory_space<vmem>>) offsets(%dma_start3A_193 : memref<80xi32, #tpu.memory_space<vmem>>) semaphore(%arg20 : memref<!tpu.dma_semaphore, #tpu.memory_space<semaphore_mem>>)
        %dma_start3A_197 = arith.constant 1440 : i32
        %dma_start3A_198 = arith.constant 0 : i32
        %dma_start3A_199 = tpu.memref_slice %arg15[%dma_start3A_197, %dma_start3A_198] : memref<4000x8xf32, #tpu.memory_space<vmem>> -> memref<80x8xf32, #tpu.memory_space<vmem>>
        %dma_start3A_200 = arith.constant 1440 : i32
        %dma_start3A_201 = tpu.memref_slice %arg9[%dma_start3A_200] : memref<4000xi32, #tpu.memory_space<vmem>> -> memref<80xi32, #tpu.memory_space<vmem>>
        %dma_start3A_202 = arith.constant 0 : i32
        %dma_start3A_203 = arith.constant 0 : i32
        %dma_start3A_204 = tpu.memref_slice %arg2[%dma_start3A_202, %dma_start3A_203] : memref<100000x8xf32, #tpu.memory_space<hbm>> -> memref<100000x8xf32, #tpu.memory_space<hbm>>
        tpu.enqueue_indirect_dma source(%dma_start3A_204 : memref<100000x8xf32, #tpu.memory_space<hbm>>) target(%dma_start3A_199 : memref<80x8xf32, #tpu.memory_space<vmem>>) offsets(%dma_start3A_201 : memref<80xi32, #tpu.memory_space<vmem>>) semaphore(%arg20 : memref<!tpu.dma_semaphore, #tpu.memory_space<semaphore_mem>>)
        %dma_start3A_205 = arith.constant 1520 : i32
        %dma_start3A_206 = arith.constant 0 : i32
        %dma_start3A_207 = tpu.memref_slice %arg15[%dma_start3A_205, %dma_start3A_206] : memref<4000x8xf32, #tpu.memory_space<vmem>> -> memref<80x8xf32, #tpu.memory_space<vmem>>
        %dma_start3A_208 = arith.constant 1520 : i32
        %dma_start3A_209 = tpu.memref_slice %arg9[%dma_start3A_208] : memref<4000xi32, #tpu.memory_space<vmem>> -> memref<80xi32, #tpu.memory_space<vmem>>
        %dma_start3A_210 = arith.constant 0 : i32
        %dma_start3A_211 = arith.constant 0 : i32
        %dma_start3A_212 = tpu.memref_slice %arg2[%dma_start3A_210, %dma_start3A_211] : memref<100000x8xf32, #tpu.memory_space<hbm>> -> memref<100000x8xf32, #tpu.memory_space<hbm>>
        tpu.enqueue_indirect_dma source(%dma_start3A_212 : memref<100000x8xf32, #tpu.memory_space<hbm>>) target(%dma_start3A_207 : memref<80x8xf32, #tpu.memory_space<vmem>>) offsets(%dma_start3A_209 : memref<80xi32, #tpu.memory_space<vmem>>) semaphore(%arg20 : memref<!tpu.dma_semaphore, #tpu.memory_space<semaphore_mem>>)
        %dma_start3A_213 = arith.constant 1600 : i32
        %dma_start3A_214 = arith.constant 0 : i32
        %dma_start3A_215 = tpu.memref_slice %arg15[%dma_start3A_213, %dma_start3A_214] : memref<4000x8xf32, #tpu.memory_space<vmem>> -> memref<80x8xf32, #tpu.memory_space<vmem>>
        %dma_start3A_216 = arith.constant 1600 : i32
        %dma_start3A_217 = tpu.memref_slice %arg9[%dma_start3A_216] : memref<4000xi32, #tpu.memory_space<vmem>> -> memref<80xi32, #tpu.memory_space<vmem>>
        %dma_start3A_218 = arith.constant 0 : i32
        %dma_start3A_219 = arith.constant 0 : i32
        %dma_start3A_220 = tpu.memref_slice %arg2[%dma_start3A_218, %dma_start3A_219] : memref<100000x8xf32, #tpu.memory_space<hbm>> -> memref<100000x8xf32, #tpu.memory_space<hbm>>
        tpu.enqueue_indirect_dma source(%dma_start3A_220 : memref<100000x8xf32, #tpu.memory_space<hbm>>) target(%dma_start3A_215 : memref<80x8xf32, #tpu.memory_space<vmem>>) offsets(%dma_start3A_217 : memref<80xi32, #tpu.memory_space<vmem>>) semaphore(%arg20 : memref<!tpu.dma_semaphore, #tpu.memory_space<semaphore_mem>>)
        %dma_start3A_221 = arith.constant 1680 : i32
        %dma_start3A_222 = arith.constant 0 : i32
        %dma_start3A_223 = tpu.memref_slice %arg15[%dma_start3A_221, %dma_start3A_222] : memref<4000x8xf32, #tpu.memory_space<vmem>> -> memref<80x8xf32, #tpu.memory_space<vmem>>
        %dma_start3A_224 = arith.constant 1680 : i32
        %dma_start3A_225 = tpu.memref_slice %arg9[%dma_start3A_224] : memref<4000xi32, #tpu.memory_space<vmem>> -> memref<80xi32, #tpu.memory_space<vmem>>
        %dma_start3A_226 = arith.constant 0 : i32
        %dma_start3A_227 = arith.constant 0 : i32
        %dma_start3A_228 = tpu.memref_slice %arg2[%dma_start3A_226, %dma_start3A_227] : memref<100000x8xf32, #tpu.memory_space<hbm>> -> memref<100000x8xf32, #tpu.memory_space<hbm>>
        tpu.enqueue_indirect_dma source(%dma_start3A_228 : memref<100000x8xf32, #tpu.memory_space<hbm>>) target(%dma_start3A_223 : memref<80x8xf32, #tpu.memory_space<vmem>>) offsets(%dma_start3A_225 : memref<80xi32, #tpu.memory_space<vmem>>) semaphore(%arg20 : memref<!tpu.dma_semaphore, #tpu.memory_space<semaphore_mem>>)
        %dma_start3A_229 = arith.constant 1760 : i32
        %dma_start3A_230 = arith.constant 0 : i32
        %dma_start3A_231 = tpu.memref_slice %arg15[%dma_start3A_229, %dma_start3A_230] : memref<4000x8xf32, #tpu.memory_space<vmem>> -> memref<80x8xf32, #tpu.memory_space<vmem>>
        %dma_start3A_232 = arith.constant 1760 : i32
        %dma_start3A_233 = tpu.memref_slice %arg9[%dma_start3A_232] : memref<4000xi32, #tpu.memory_space<vmem>> -> memref<80xi32, #tpu.memory_space<vmem>>
        %dma_start3A_234 = arith.constant 0 : i32
        %dma_start3A_235 = arith.constant 0 : i32
        %dma_start3A_236 = tpu.memref_slice %arg2[%dma_start3A_234, %dma_start3A_235] : memref<100000x8xf32, #tpu.memory_space<hbm>> -> memref<100000x8xf32, #tpu.memory_space<hbm>>
        tpu.enqueue_indirect_dma source(%dma_start3A_236 : memref<100000x8xf32, #tpu.memory_space<hbm>>) target(%dma_start3A_231 : memref<80x8xf32, #tpu.memory_space<vmem>>) offsets(%dma_start3A_233 : memref<80xi32, #tpu.memory_space<vmem>>) semaphore(%arg20 : memref<!tpu.dma_semaphore, #tpu.memory_space<semaphore_mem>>)
        %dma_start3A_237 = arith.constant 1840 : i32
        %dma_start3A_238 = arith.constant 0 : i32
        %dma_start3A_239 = tpu.memref_slice %arg15[%dma_start3A_237, %dma_start3A_238] : memref<4000x8xf32, #tpu.memory_space<vmem>> -> memref<80x8xf32, #tpu.memory_space<vmem>>
        %dma_start3A_240 = arith.constant 1840 : i32
        %dma_start3A_241 = tpu.memref_slice %arg9[%dma_start3A_240] : memref<4000xi32, #tpu.memory_space<vmem>> -> memref<80xi32, #tpu.memory_space<vmem>>
        %dma_start3A_242 = arith.constant 0 : i32
        %dma_start3A_243 = arith.constant 0 : i32
        %dma_start3A_244 = tpu.memref_slice %arg2[%dma_start3A_242, %dma_start3A_243] : memref<100000x8xf32, #tpu.memory_space<hbm>> -> memref<100000x8xf32, #tpu.memory_space<hbm>>
        tpu.enqueue_indirect_dma source(%dma_start3A_244 : memref<100000x8xf32, #tpu.memory_space<hbm>>) target(%dma_start3A_239 : memref<80x8xf32, #tpu.memory_space<vmem>>) offsets(%dma_start3A_241 : memref<80xi32, #tpu.memory_space<vmem>>) semaphore(%arg20 : memref<!tpu.dma_semaphore, #tpu.memory_space<semaphore_mem>>)
        %dma_start3A_245 = arith.constant 1920 : i32
        %dma_start3A_246 = arith.constant 0 : i32
        %dma_start3A_247 = tpu.memref_slice %arg15[%dma_start3A_245, %dma_start3A_246] : memref<4000x8xf32, #tpu.memory_space<vmem>> -> memref<80x8xf32, #tpu.memory_space<vmem>>
        %dma_start3A_248 = arith.constant 1920 : i32
        %dma_start3A_249 = tpu.memref_slice %arg9[%dma_start3A_248] : memref<4000xi32, #tpu.memory_space<vmem>> -> memref<80xi32, #tpu.memory_space<vmem>>
        %dma_start3A_250 = arith.constant 0 : i32
        %dma_start3A_251 = arith.constant 0 : i32
        %dma_start3A_252 = tpu.memref_slice %arg2[%dma_start3A_250, %dma_start3A_251] : memref<100000x8xf32, #tpu.memory_space<hbm>> -> memref<100000x8xf32, #tpu.memory_space<hbm>>
        tpu.enqueue_indirect_dma source(%dma_start3A_252 : memref<100000x8xf32, #tpu.memory_space<hbm>>) target(%dma_start3A_247 : memref<80x8xf32, #tpu.memory_space<vmem>>) offsets(%dma_start3A_249 : memref<80xi32, #tpu.memory_space<vmem>>) semaphore(%arg20 : memref<!tpu.dma_semaphore, #tpu.memory_space<semaphore_mem>>)
        %dma_start3A_253 = arith.constant 2000 : i32
        %dma_start3A_254 = arith.constant 0 : i32
        %dma_start3A_255 = tpu.memref_slice %arg15[%dma_start3A_253, %dma_start3A_254] : memref<4000x8xf32, #tpu.memory_space<vmem>> -> memref<80x8xf32, #tpu.memory_space<vmem>>
        %dma_start3A_256 = arith.constant 2000 : i32
        %dma_start3A_257 = tpu.memref_slice %arg9[%dma_start3A_256] : memref<4000xi32, #tpu.memory_space<vmem>> -> memref<80xi32, #tpu.memory_space<vmem>>
        %dma_start3A_258 = arith.constant 0 : i32
        %dma_start3A_259 = arith.constant 0 : i32
        %dma_start3A_260 = tpu.memref_slice %arg2[%dma_start3A_258, %dma_start3A_259] : memref<100000x8xf32, #tpu.memory_space<hbm>> -> memref<100000x8xf32, #tpu.memory_space<hbm>>
        tpu.enqueue_indirect_dma source(%dma_start3A_260 : memref<100000x8xf32, #tpu.memory_space<hbm>>) target(%dma_start3A_255 : memref<80x8xf32, #tpu.memory_space<vmem>>) offsets(%dma_start3A_257 : memref<80xi32, #tpu.memory_space<vmem>>) semaphore(%arg20 : memref<!tpu.dma_semaphore, #tpu.memory_space<semaphore_mem>>)
        %dma_start3A_261 = arith.constant 2080 : i32
        %dma_start3A_262 = arith.constant 0 : i32
        %dma_start3A_263 = tpu.memref_slice %arg15[%dma_start3A_261, %dma_start3A_262] : memref<4000x8xf32, #tpu.memory_space<vmem>> -> memref<80x8xf32, #tpu.memory_space<vmem>>
        %dma_start3A_264 = arith.constant 2080 : i32
        %dma_start3A_265 = tpu.memref_slice %arg9[%dma_start3A_264] : memref<4000xi32, #tpu.memory_space<vmem>> -> memref<80xi32, #tpu.memory_space<vmem>>
        %dma_start3A_266 = arith.constant 0 : i32
        %dma_start3A_267 = arith.constant 0 : i32
        %dma_start3A_268 = tpu.memref_slice %arg2[%dma_start3A_266, %dma_start3A_267] : memref<100000x8xf32, #tpu.memory_space<hbm>> -> memref<100000x8xf32, #tpu.memory_space<hbm>>
        tpu.enqueue_indirect_dma source(%dma_start3A_268 : memref<100000x8xf32, #tpu.memory_space<hbm>>) target(%dma_start3A_263 : memref<80x8xf32, #tpu.memory_space<vmem>>) offsets(%dma_start3A_265 : memref<80xi32, #tpu.memory_space<vmem>>) semaphore(%arg20 : memref<!tpu.dma_semaphore, #tpu.memory_space<semaphore_mem>>)
        %dma_start3A_269 = arith.constant 2160 : i32
        %dma_start3A_270 = arith.constant 0 : i32
        %dma_start3A_271 = tpu.memref_slice %arg15[%dma_start3A_269, %dma_start3A_270] : memref<4000x8xf32, #tpu.memory_space<vmem>> -> memref<80x8xf32, #tpu.memory_space<vmem>>
        %dma_start3A_272 = arith.constant 2160 : i32
        %dma_start3A_273 = tpu.memref_slice %arg9[%dma_start3A_272] : memref<4000xi32, #tpu.memory_space<vmem>> -> memref<80xi32, #tpu.memory_space<vmem>>
        %dma_start3A_274 = arith.constant 0 : i32
        %dma_start3A_275 = arith.constant 0 : i32
        %dma_start3A_276 = tpu.memref_slice %arg2[%dma_start3A_274, %dma_start3A_275] : memref<100000x8xf32, #tpu.memory_space<hbm>> -> memref<100000x8xf32, #tpu.memory_space<hbm>>
        tpu.enqueue_indirect_dma source(%dma_start3A_276 : memref<100000x8xf32, #tpu.memory_space<hbm>>) target(%dma_start3A_271 : memref<80x8xf32, #tpu.memory_space<vmem>>) offsets(%dma_start3A_273 : memref<80xi32, #tpu.memory_space<vmem>>) semaphore(%arg20 : memref<!tpu.dma_semaphore, #tpu.memory_space<semaphore_mem>>)
        %dma_start3A_277 = arith.constant 2240 : i32
        %dma_start3A_278 = arith.constant 0 : i32
        %dma_start3A_279 = tpu.memref_slice %arg15[%dma_start3A_277, %dma_start3A_278] : memref<4000x8xf32, #tpu.memory_space<vmem>> -> memref<80x8xf32, #tpu.memory_space<vmem>>
        %dma_start3A_280 = arith.constant 2240 : i32
        %dma_start3A_281 = tpu.memref_slice %arg9[%dma_start3A_280] : memref<4000xi32, #tpu.memory_space<vmem>> -> memref<80xi32, #tpu.memory_space<vmem>>
        %dma_start3A_282 = arith.constant 0 : i32
        %dma_start3A_283 = arith.constant 0 : i32
        %dma_start3A_284 = tpu.memref_slice %arg2[%dma_start3A_282, %dma_start3A_283] : memref<100000x8xf32, #tpu.memory_space<hbm>> -> memref<100000x8xf32, #tpu.memory_space<hbm>>
        tpu.enqueue_indirect_dma source(%dma_start3A_284 : memref<100000x8xf32, #tpu.memory_space<hbm>>) target(%dma_start3A_279 : memref<80x8xf32, #tpu.memory_space<vmem>>) offsets(%dma_start3A_281 : memref<80xi32, #tpu.memory_space<vmem>>) semaphore(%arg20 : memref<!tpu.dma_semaphore, #tpu.memory_space<semaphore_mem>>)
        %dma_start3A_285 = arith.constant 2320 : i32
        %dma_start3A_286 = arith.constant 0 : i32
        %dma_start3A_287 = tpu.memref_slice %arg15[%dma_start3A_285, %dma_start3A_286] : memref<4000x8xf32, #tpu.memory_space<vmem>> -> memref<80x8xf32, #tpu.memory_space<vmem>>
        %dma_start3A_288 = arith.constant 2320 : i32
        %dma_start3A_289 = tpu.memref_slice %arg9[%dma_start3A_288] : memref<4000xi32, #tpu.memory_space<vmem>> -> memref<80xi32, #tpu.memory_space<vmem>>
        %dma_start3A_290 = arith.constant 0 : i32
        %dma_start3A_291 = arith.constant 0 : i32
        %dma_start3A_292 = tpu.memref_slice %arg2[%dma_start3A_290, %dma_start3A_291] : memref<100000x8xf32, #tpu.memory_space<hbm>> -> memref<100000x8xf32, #tpu.memory_space<hbm>>
        tpu.enqueue_indirect_dma source(%dma_start3A_292 : memref<100000x8xf32, #tpu.memory_space<hbm>>) target(%dma_start3A_287 : memref<80x8xf32, #tpu.memory_space<vmem>>) offsets(%dma_start3A_289 : memref<80xi32, #tpu.memory_space<vmem>>) semaphore(%arg20 : memref<!tpu.dma_semaphore, #tpu.memory_space<semaphore_mem>>)
        %dma_start3A_293 = arith.constant 2400 : i32
        %dma_start3A_294 = arith.constant 0 : i32
        %dma_start3A_295 = tpu.memref_slice %arg15[%dma_start3A_293, %dma_start3A_294] : memref<4000x8xf32, #tpu.memory_space<vmem>> -> memref<80x8xf32, #tpu.memory_space<vmem>>
        %dma_start3A_296 = arith.constant 2400 : i32
        %dma_start3A_297 = tpu.memref_slice %arg9[%dma_start3A_296] : memref<4000xi32, #tpu.memory_space<vmem>> -> memref<80xi32, #tpu.memory_space<vmem>>
        %dma_start3A_298 = arith.constant 0 : i32
        %dma_start3A_299 = arith.constant 0 : i32
        %dma_start3A_300 = tpu.memref_slice %arg2[%dma_start3A_298, %dma_start3A_299] : memref<100000x8xf32, #tpu.memory_space<hbm>> -> memref<100000x8xf32, #tpu.memory_space<hbm>>
        tpu.enqueue_indirect_dma source(%dma_start3A_300 : memref<100000x8xf32, #tpu.memory_space<hbm>>) target(%dma_start3A_295 : memref<80x8xf32, #tpu.memory_space<vmem>>) offsets(%dma_start3A_297 : memref<80xi32, #tpu.memory_space<vmem>>) semaphore(%arg20 : memref<!tpu.dma_semaphore, #tpu.memory_space<semaphore_mem>>)
        %dma_start3A_301 = arith.constant 2480 : i32
        %dma_start3A_302 = arith.constant 0 : i32
        %dma_start3A_303 = tpu.memref_slice %arg15[%dma_start3A_301, %dma_start3A_302] : memref<4000x8xf32, #tpu.memory_space<vmem>> -> memref<80x8xf32, #tpu.memory_space<vmem>>
        %dma_start3A_304 = arith.constant 2480 : i32
        %dma_start3A_305 = tpu.memref_slice %arg9[%dma_start3A_304] : memref<4000xi32, #tpu.memory_space<vmem>> -> memref<80xi32, #tpu.memory_space<vmem>>
        %dma_start3A_306 = arith.constant 0 : i32
        %dma_start3A_307 = arith.constant 0 : i32
        %dma_start3A_308 = tpu.memref_slice %arg2[%dma_start3A_306, %dma_start3A_307] : memref<100000x8xf32, #tpu.memory_space<hbm>> -> memref<100000x8xf32, #tpu.memory_space<hbm>>
        tpu.enqueue_indirect_dma source(%dma_start3A_308 : memref<100000x8xf32, #tpu.memory_space<hbm>>) target(%dma_start3A_303 : memref<80x8xf32, #tpu.memory_space<vmem>>) offsets(%dma_start3A_305 : memref<80xi32, #tpu.memory_space<vmem>>) semaphore(%arg20 : memref<!tpu.dma_semaphore, #tpu.memory_space<semaphore_mem>>)
        %dma_start3A_309 = arith.constant 2560 : i32
        %dma_start3A_310 = arith.constant 0 : i32
        %dma_start3A_311 = tpu.memref_slice %arg15[%dma_start3A_309, %dma_start3A_310] : memref<4000x8xf32, #tpu.memory_space<vmem>> -> memref<80x8xf32, #tpu.memory_space<vmem>>
        %dma_start3A_312 = arith.constant 2560 : i32
        %dma_start3A_313 = tpu.memref_slice %arg9[%dma_start3A_312] : memref<4000xi32, #tpu.memory_space<vmem>> -> memref<80xi32, #tpu.memory_space<vmem>>
        %dma_start3A_314 = arith.constant 0 : i32
        %dma_start3A_315 = arith.constant 0 : i32
        %dma_start3A_316 = tpu.memref_slice %arg2[%dma_start3A_314, %dma_start3A_315] : memref<100000x8xf32, #tpu.memory_space<hbm>> -> memref<100000x8xf32, #tpu.memory_space<hbm>>
        tpu.enqueue_indirect_dma source(%dma_start3A_316 : memref<100000x8xf32, #tpu.memory_space<hbm>>) target(%dma_start3A_311 : memref<80x8xf32, #tpu.memory_space<vmem>>) offsets(%dma_start3A_313 : memref<80xi32, #tpu.memory_space<vmem>>) semaphore(%arg20 : memref<!tpu.dma_semaphore, #tpu.memory_space<semaphore_mem>>)
        %dma_start3A_317 = arith.constant 2640 : i32
        %dma_start3A_318 = arith.constant 0 : i32
        %dma_start3A_319 = tpu.memref_slice %arg15[%dma_start3A_317, %dma_start3A_318] : memref<4000x8xf32, #tpu.memory_space<vmem>> -> memref<80x8xf32, #tpu.memory_space<vmem>>
        %dma_start3A_320 = arith.constant 2640 : i32
        %dma_start3A_321 = tpu.memref_slice %arg9[%dma_start3A_320] : memref<4000xi32, #tpu.memory_space<vmem>> -> memref<80xi32, #tpu.memory_space<vmem>>
        %dma_start3A_322 = arith.constant 0 : i32
        %dma_start3A_323 = arith.constant 0 : i32
        %dma_start3A_324 = tpu.memref_slice %arg2[%dma_start3A_322, %dma_start3A_323] : memref<100000x8xf32, #tpu.memory_space<hbm>> -> memref<100000x8xf32, #tpu.memory_space<hbm>>
        tpu.enqueue_indirect_dma source(%dma_start3A_324 : memref<100000x8xf32, #tpu.memory_space<hbm>>) target(%dma_start3A_319 : memref<80x8xf32, #tpu.memory_space<vmem>>) offsets(%dma_start3A_321 : memref<80xi32, #tpu.memory_space<vmem>>) semaphore(%arg20 : memref<!tpu.dma_semaphore, #tpu.memory_space<semaphore_mem>>)
        %dma_start3A_325 = arith.constant 2720 : i32
        %dma_start3A_326 = arith.constant 0 : i32
        %dma_start3A_327 = tpu.memref_slice %arg15[%dma_start3A_325, %dma_start3A_326] : memref<4000x8xf32, #tpu.memory_space<vmem>> -> memref<80x8xf32, #tpu.memory_space<vmem>>
        %dma_start3A_328 = arith.constant 2720 : i32
        %dma_start3A_329 = tpu.memref_slice %arg9[%dma_start3A_328] : memref<4000xi32, #tpu.memory_space<vmem>> -> memref<80xi32, #tpu.memory_space<vmem>>
        %dma_start3A_330 = arith.constant 0 : i32
        %dma_start3A_331 = arith.constant 0 : i32
        %dma_start3A_332 = tpu.memref_slice %arg2[%dma_start3A_330, %dma_start3A_331] : memref<100000x8xf32, #tpu.memory_space<hbm>> -> memref<100000x8xf32, #tpu.memory_space<hbm>>
        tpu.enqueue_indirect_dma source(%dma_start3A_332 : memref<100000x8xf32, #tpu.memory_space<hbm>>) target(%dma_start3A_327 : memref<80x8xf32, #tpu.memory_space<vmem>>) offsets(%dma_start3A_329 : memref<80xi32, #tpu.memory_space<vmem>>) semaphore(%arg20 : memref<!tpu.dma_semaphore, #tpu.memory_space<semaphore_mem>>)
        %dma_start3A_333 = arith.constant 2800 : i32
        %dma_start3A_334 = arith.constant 0 : i32
        %dma_start3A_335 = tpu.memref_slice %arg15[%dma_start3A_333, %dma_start3A_334] : memref<4000x8xf32, #tpu.memory_space<vmem>> -> memref<80x8xf32, #tpu.memory_space<vmem>>
        %dma_start3A_336 = arith.constant 2800 : i32
        %dma_start3A_337 = tpu.memref_slice %arg9[%dma_start3A_336] : memref<4000xi32, #tpu.memory_space<vmem>> -> memref<80xi32, #tpu.memory_space<vmem>>
        %dma_start3A_338 = arith.constant 0 : i32
        %dma_start3A_339 = arith.constant 0 : i32
        %dma_start3A_340 = tpu.memref_slice %arg2[%dma_start3A_338, %dma_start3A_339] : memref<100000x8xf32, #tpu.memory_space<hbm>> -> memref<100000x8xf32, #tpu.memory_space<hbm>>
        tpu.enqueue_indirect_dma source(%dma_start3A_340 : memref<100000x8xf32, #tpu.memory_space<hbm>>) target(%dma_start3A_335 : memref<80x8xf32, #tpu.memory_space<vmem>>) offsets(%dma_start3A_337 : memref<80xi32, #tpu.memory_space<vmem>>) semaphore(%arg20 : memref<!tpu.dma_semaphore, #tpu.memory_space<semaphore_mem>>)
        %dma_start3A_341 = arith.constant 2880 : i32
        %dma_start3A_342 = arith.constant 0 : i32
        %dma_start3A_343 = tpu.memref_slice %arg15[%dma_start3A_341, %dma_start3A_342] : memref<4000x8xf32, #tpu.memory_space<vmem>> -> memref<80x8xf32, #tpu.memory_space<vmem>>
        %dma_start3A_344 = arith.constant 2880 : i32
        %dma_start3A_345 = tpu.memref_slice %arg9[%dma_start3A_344] : memref<4000xi32, #tpu.memory_space<vmem>> -> memref<80xi32, #tpu.memory_space<vmem>>
        %dma_start3A_346 = arith.constant 0 : i32
        %dma_start3A_347 = arith.constant 0 : i32
        %dma_start3A_348 = tpu.memref_slice %arg2[%dma_start3A_346, %dma_start3A_347] : memref<100000x8xf32, #tpu.memory_space<hbm>> -> memref<100000x8xf32, #tpu.memory_space<hbm>>
        tpu.enqueue_indirect_dma source(%dma_start3A_348 : memref<100000x8xf32, #tpu.memory_space<hbm>>) target(%dma_start3A_343 : memref<80x8xf32, #tpu.memory_space<vmem>>) offsets(%dma_start3A_345 : memref<80xi32, #tpu.memory_space<vmem>>) semaphore(%arg20 : memref<!tpu.dma_semaphore, #tpu.memory_space<semaphore_mem>>)
        %dma_start3A_349 = arith.constant 2960 : i32
        %dma_start3A_350 = arith.constant 0 : i32
        %dma_start3A_351 = tpu.memref_slice %arg15[%dma_start3A_349, %dma_start3A_350] : memref<4000x8xf32, #tpu.memory_space<vmem>> -> memref<80x8xf32, #tpu.memory_space<vmem>>
        %dma_start3A_352 = arith.constant 2960 : i32
        %dma_start3A_353 = tpu.memref_slice %arg9[%dma_start3A_352] : memref<4000xi32, #tpu.memory_space<vmem>> -> memref<80xi32, #tpu.memory_space<vmem>>
        %dma_start3A_354 = arith.constant 0 : i32
        %dma_start3A_355 = arith.constant 0 : i32
        %dma_start3A_356 = tpu.memref_slice %arg2[%dma_start3A_354, %dma_start3A_355] : memref<100000x8xf32, #tpu.memory_space<hbm>> -> memref<100000x8xf32, #tpu.memory_space<hbm>>
        tpu.enqueue_indirect_dma source(%dma_start3A_356 : memref<100000x8xf32, #tpu.memory_space<hbm>>) target(%dma_start3A_351 : memref<80x8xf32, #tpu.memory_space<vmem>>) offsets(%dma_start3A_353 : memref<80xi32, #tpu.memory_space<vmem>>) semaphore(%arg20 : memref<!tpu.dma_semaphore, #tpu.memory_space<semaphore_mem>>)
        %dma_start3A_357 = arith.constant 3040 : i32
        %dma_start3A_358 = arith.constant 0 : i32
        %dma_start3A_359 = tpu.memref_slice %arg15[%dma_start3A_357, %dma_start3A_358] : memref<4000x8xf32, #tpu.memory_space<vmem>> -> memref<80x8xf32, #tpu.memory_space<vmem>>
        %dma_start3A_360 = arith.constant 3040 : i32
        %dma_start3A_361 = tpu.memref_slice %arg9[%dma_start3A_360] : memref<4000xi32, #tpu.memory_space<vmem>> -> memref<80xi32, #tpu.memory_space<vmem>>
        %dma_start3A_362 = arith.constant 0 : i32
        %dma_start3A_363 = arith.constant 0 : i32
        %dma_start3A_364 = tpu.memref_slice %arg2[%dma_start3A_362, %dma_start3A_363] : memref<100000x8xf32, #tpu.memory_space<hbm>> -> memref<100000x8xf32, #tpu.memory_space<hbm>>
        tpu.enqueue_indirect_dma source(%dma_start3A_364 : memref<100000x8xf32, #tpu.memory_space<hbm>>) target(%dma_start3A_359 : memref<80x8xf32, #tpu.memory_space<vmem>>) offsets(%dma_start3A_361 : memref<80xi32, #tpu.memory_space<vmem>>) semaphore(%arg20 : memref<!tpu.dma_semaphore, #tpu.memory_space<semaphore_mem>>)
        %dma_start3A_365 = arith.constant 3120 : i32
        %dma_start3A_366 = arith.constant 0 : i32
        %dma_start3A_367 = tpu.memref_slice %arg15[%dma_start3A_365, %dma_start3A_366] : memref<4000x8xf32, #tpu.memory_space<vmem>> -> memref<80x8xf32, #tpu.memory_space<vmem>>
        %dma_start3A_368 = arith.constant 3120 : i32
        %dma_start3A_369 = tpu.memref_slice %arg9[%dma_start3A_368] : memref<4000xi32, #tpu.memory_space<vmem>> -> memref<80xi32, #tpu.memory_space<vmem>>
        %dma_start3A_370 = arith.constant 0 : i32
        %dma_start3A_371 = arith.constant 0 : i32
        %dma_start3A_372 = tpu.memref_slice %arg2[%dma_start3A_370, %dma_start3A_371] : memref<100000x8xf32, #tpu.memory_space<hbm>> -> memref<100000x8xf32, #tpu.memory_space<hbm>>
        tpu.enqueue_indirect_dma source(%dma_start3A_372 : memref<100000x8xf32, #tpu.memory_space<hbm>>) target(%dma_start3A_367 : memref<80x8xf32, #tpu.memory_space<vmem>>) offsets(%dma_start3A_369 : memref<80xi32, #tpu.memory_space<vmem>>) semaphore(%arg20 : memref<!tpu.dma_semaphore, #tpu.memory_space<semaphore_mem>>)
        %dma_start3A_373 = arith.constant 3200 : i32
        %dma_start3A_374 = arith.constant 0 : i32
        %dma_start3A_375 = tpu.memref_slice %arg15[%dma_start3A_373, %dma_start3A_374] : memref<4000x8xf32, #tpu.memory_space<vmem>> -> memref<80x8xf32, #tpu.memory_space<vmem>>
        %dma_start3A_376 = arith.constant 3200 : i32
        %dma_start3A_377 = tpu.memref_slice %arg9[%dma_start3A_376] : memref<4000xi32, #tpu.memory_space<vmem>> -> memref<80xi32, #tpu.memory_space<vmem>>
        %dma_start3A_378 = arith.constant 0 : i32
        %dma_start3A_379 = arith.constant 0 : i32
        %dma_start3A_380 = tpu.memref_slice %arg2[%dma_start3A_378, %dma_start3A_379] : memref<100000x8xf32, #tpu.memory_space<hbm>> -> memref<100000x8xf32, #tpu.memory_space<hbm>>
        tpu.enqueue_indirect_dma source(%dma_start3A_380 : memref<100000x8xf32, #tpu.memory_space<hbm>>) target(%dma_start3A_375 : memref<80x8xf32, #tpu.memory_space<vmem>>) offsets(%dma_start3A_377 : memref<80xi32, #tpu.memory_space<vmem>>) semaphore(%arg20 : memref<!tpu.dma_semaphore, #tpu.memory_space<semaphore_mem>>)
        %dma_start3A_381 = arith.constant 3280 : i32
        %dma_start3A_382 = arith.constant 0 : i32
        %dma_start3A_383 = tpu.memref_slice %arg15[%dma_start3A_381, %dma_start3A_382] : memref<4000x8xf32, #tpu.memory_space<vmem>> -> memref<80x8xf32, #tpu.memory_space<vmem>>
        %dma_start3A_384 = arith.constant 3280 : i32
        %dma_start3A_385 = tpu.memref_slice %arg9[%dma_start3A_384] : memref<4000xi32, #tpu.memory_space<vmem>> -> memref<80xi32, #tpu.memory_space<vmem>>
        %dma_start3A_386 = arith.constant 0 : i32
        %dma_start3A_387 = arith.constant 0 : i32
        %dma_start3A_388 = tpu.memref_slice %arg2[%dma_start3A_386, %dma_start3A_387] : memref<100000x8xf32, #tpu.memory_space<hbm>> -> memref<100000x8xf32, #tpu.memory_space<hbm>>
        tpu.enqueue_indirect_dma source(%dma_start3A_388 : memref<100000x8xf32, #tpu.memory_space<hbm>>) target(%dma_start3A_383 : memref<80x8xf32, #tpu.memory_space<vmem>>) offsets(%dma_start3A_385 : memref<80xi32, #tpu.memory_space<vmem>>) semaphore(%arg20 : memref<!tpu.dma_semaphore, #tpu.memory_space<semaphore_mem>>)
        %dma_start3A_389 = arith.constant 3360 : i32
        %dma_start3A_390 = arith.constant 0 : i32
        %dma_start3A_391 = tpu.memref_slice %arg15[%dma_start3A_389, %dma_start3A_390] : memref<4000x8xf32, #tpu.memory_space<vmem>> -> memref<80x8xf32, #tpu.memory_space<vmem>>
        %dma_start3A_392 = arith.constant 3360 : i32
        %dma_start3A_393 = tpu.memref_slice %arg9[%dma_start3A_392] : memref<4000xi32, #tpu.memory_space<vmem>> -> memref<80xi32, #tpu.memory_space<vmem>>
        %dma_start3A_394 = arith.constant 0 : i32
        %dma_start3A_395 = arith.constant 0 : i32
        %dma_start3A_396 = tpu.memref_slice %arg2[%dma_start3A_394, %dma_start3A_395] : memref<100000x8xf32, #tpu.memory_space<hbm>> -> memref<100000x8xf32, #tpu.memory_space<hbm>>
        tpu.enqueue_indirect_dma source(%dma_start3A_396 : memref<100000x8xf32, #tpu.memory_space<hbm>>) target(%dma_start3A_391 : memref<80x8xf32, #tpu.memory_space<vmem>>) offsets(%dma_start3A_393 : memref<80xi32, #tpu.memory_space<vmem>>) semaphore(%arg20 : memref<!tpu.dma_semaphore, #tpu.memory_space<semaphore_mem>>)
        %dma_start3A_397 = arith.constant 3440 : i32
        %dma_start3A_398 = arith.constant 0 : i32
        %dma_start3A_399 = tpu.memref_slice %arg15[%dma_start3A_397, %dma_start3A_398] : memref<4000x8xf32, #tpu.memory_space<vmem>> -> memref<80x8xf32, #tpu.memory_space<vmem>>
        %dma_start3A_400 = arith.constant 3440 : i32
        %dma_start3A_401 = tpu.memref_slice %arg9[%dma_start3A_400] : memref<4000xi32, #tpu.memory_space<vmem>> -> memref<80xi32, #tpu.memory_space<vmem>>
        %dma_start3A_402 = arith.constant 0 : i32
        %dma_start3A_403 = arith.constant 0 : i32
        %dma_start3A_404 = tpu.memref_slice %arg2[%dma_start3A_402, %dma_start3A_403] : memref<100000x8xf32, #tpu.memory_space<hbm>> -> memref<100000x8xf32, #tpu.memory_space<hbm>>
        tpu.enqueue_indirect_dma source(%dma_start3A_404 : memref<100000x8xf32, #tpu.memory_space<hbm>>) target(%dma_start3A_399 : memref<80x8xf32, #tpu.memory_space<vmem>>) offsets(%dma_start3A_401 : memref<80xi32, #tpu.memory_space<vmem>>) semaphore(%arg20 : memref<!tpu.dma_semaphore, #tpu.memory_space<semaphore_mem>>)
        %dma_start3A_405 = arith.constant 3520 : i32
        %dma_start3A_406 = arith.constant 0 : i32
        %dma_start3A_407 = tpu.memref_slice %arg15[%dma_start3A_405, %dma_start3A_406] : memref<4000x8xf32, #tpu.memory_space<vmem>> -> memref<80x8xf32, #tpu.memory_space<vmem>>
        %dma_start3A_408 = arith.constant 3520 : i32
        %dma_start3A_409 = tpu.memref_slice %arg9[%dma_start3A_408] : memref<4000xi32, #tpu.memory_space<vmem>> -> memref<80xi32, #tpu.memory_space<vmem>>
        %dma_start3A_410 = arith.constant 0 : i32
        %dma_start3A_411 = arith.constant 0 : i32
        %dma_start3A_412 = tpu.memref_slice %arg2[%dma_start3A_410, %dma_start3A_411] : memref<100000x8xf32, #tpu.memory_space<hbm>> -> memref<100000x8xf32, #tpu.memory_space<hbm>>
        tpu.enqueue_indirect_dma source(%dma_start3A_412 : memref<100000x8xf32, #tpu.memory_space<hbm>>) target(%dma_start3A_407 : memref<80x8xf32, #tpu.memory_space<vmem>>) offsets(%dma_start3A_409 : memref<80xi32, #tpu.memory_space<vmem>>) semaphore(%arg20 : memref<!tpu.dma_semaphore, #tpu.memory_space<semaphore_mem>>)
        %dma_start3A_413 = arith.constant 3600 : i32
        %dma_start3A_414 = arith.constant 0 : i32
        %dma_start3A_415 = tpu.memref_slice %arg15[%dma_start3A_413, %dma_start3A_414] : memref<4000x8xf32, #tpu.memory_space<vmem>> -> memref<80x8xf32, #tpu.memory_space<vmem>>
        %dma_start3A_416 = arith.constant 3600 : i32
        %dma_start3A_417 = tpu.memref_slice %arg9[%dma_start3A_416] : memref<4000xi32, #tpu.memory_space<vmem>> -> memref<80xi32, #tpu.memory_space<vmem>>
        %dma_start3A_418 = arith.constant 0 : i32
        %dma_start3A_419 = arith.constant 0 : i32
        %dma_start3A_420 = tpu.memref_slice %arg2[%dma_start3A_418, %dma_start3A_419] : memref<100000x8xf32, #tpu.memory_space<hbm>> -> memref<100000x8xf32, #tpu.memory_space<hbm>>
        tpu.enqueue_indirect_dma source(%dma_start3A_420 : memref<100000x8xf32, #tpu.memory_space<hbm>>) target(%dma_start3A_415 : memref<80x8xf32, #tpu.memory_space<vmem>>) offsets(%dma_start3A_417 : memref<80xi32, #tpu.memory_space<vmem>>) semaphore(%arg20 : memref<!tpu.dma_semaphore, #tpu.memory_space<semaphore_mem>>)
        %dma_start3A_421 = arith.constant 3680 : i32
        %dma_start3A_422 = arith.constant 0 : i32
        %dma_start3A_423 = tpu.memref_slice %arg15[%dma_start3A_421, %dma_start3A_422] : memref<4000x8xf32, #tpu.memory_space<vmem>> -> memref<80x8xf32, #tpu.memory_space<vmem>>
        %dma_start3A_424 = arith.constant 3680 : i32
        %dma_start3A_425 = tpu.memref_slice %arg9[%dma_start3A_424] : memref<4000xi32, #tpu.memory_space<vmem>> -> memref<80xi32, #tpu.memory_space<vmem>>
        %dma_start3A_426 = arith.constant 0 : i32
        %dma_start3A_427 = arith.constant 0 : i32
        %dma_start3A_428 = tpu.memref_slice %arg2[%dma_start3A_426, %dma_start3A_427] : memref<100000x8xf32, #tpu.memory_space<hbm>> -> memref<100000x8xf32, #tpu.memory_space<hbm>>
        tpu.enqueue_indirect_dma source(%dma_start3A_428 : memref<100000x8xf32, #tpu.memory_space<hbm>>) target(%dma_start3A_423 : memref<80x8xf32, #tpu.memory_space<vmem>>) offsets(%dma_start3A_425 : memref<80xi32, #tpu.memory_space<vmem>>) semaphore(%arg20 : memref<!tpu.dma_semaphore, #tpu.memory_space<semaphore_mem>>)
        %dma_start3A_429 = arith.constant 3760 : i32
        %dma_start3A_430 = arith.constant 0 : i32
        %dma_start3A_431 = tpu.memref_slice %arg15[%dma_start3A_429, %dma_start3A_430] : memref<4000x8xf32, #tpu.memory_space<vmem>> -> memref<80x8xf32, #tpu.memory_space<vmem>>
        %dma_start3A_432 = arith.constant 3760 : i32
        %dma_start3A_433 = tpu.memref_slice %arg9[%dma_start3A_432] : memref<4000xi32, #tpu.memory_space<vmem>> -> memref<80xi32, #tpu.memory_space<vmem>>
        %dma_start3A_434 = arith.constant 0 : i32
        %dma_start3A_435 = arith.constant 0 : i32
        %dma_start3A_436 = tpu.memref_slice %arg2[%dma_start3A_434, %dma_start3A_435] : memref<100000x8xf32, #tpu.memory_space<hbm>> -> memref<100000x8xf32, #tpu.memory_space<hbm>>
        tpu.enqueue_indirect_dma source(%dma_start3A_436 : memref<100000x8xf32, #tpu.memory_space<hbm>>) target(%dma_start3A_431 : memref<80x8xf32, #tpu.memory_space<vmem>>) offsets(%dma_start3A_433 : memref<80xi32, #tpu.memory_space<vmem>>) semaphore(%arg20 : memref<!tpu.dma_semaphore, #tpu.memory_space<semaphore_mem>>)
        %dma_start3A_437 = arith.constant 3840 : i32
        %dma_start3A_438 = arith.constant 0 : i32
        %dma_start3A_439 = tpu.memref_slice %arg15[%dma_start3A_437, %dma_start3A_438] : memref<4000x8xf32, #tpu.memory_space<vmem>> -> memref<80x8xf32, #tpu.memory_space<vmem>>
        %dma_start3A_440 = arith.constant 3840 : i32
        %dma_start3A_441 = tpu.memref_slice %arg9[%dma_start3A_440] : memref<4000xi32, #tpu.memory_space<vmem>> -> memref<80xi32, #tpu.memory_space<vmem>>
        %dma_start3A_442 = arith.constant 0 : i32
        %dma_start3A_443 = arith.constant 0 : i32
        %dma_start3A_444 = tpu.memref_slice %arg2[%dma_start3A_442, %dma_start3A_443] : memref<100000x8xf32, #tpu.memory_space<hbm>> -> memref<100000x8xf32, #tpu.memory_space<hbm>>
        tpu.enqueue_indirect_dma source(%dma_start3A_444 : memref<100000x8xf32, #tpu.memory_space<hbm>>) target(%dma_start3A_439 : memref<80x8xf32, #tpu.memory_space<vmem>>) offsets(%dma_start3A_441 : memref<80xi32, #tpu.memory_space<vmem>>) semaphore(%arg20 : memref<!tpu.dma_semaphore, #tpu.memory_space<semaphore_mem>>)
        %dma_start3A_445 = arith.constant 3920 : i32
        %dma_start3A_446 = arith.constant 0 : i32
        %dma_start3A_447 = tpu.memref_slice %arg15[%dma_start3A_445, %dma_start3A_446] : memref<4000x8xf32, #tpu.memory_space<vmem>> -> memref<80x8xf32, #tpu.memory_space<vmem>>
        %dma_start3A_448 = arith.constant 3920 : i32
        %dma_start3A_449 = tpu.memref_slice %arg9[%dma_start3A_448] : memref<4000xi32, #tpu.memory_space<vmem>> -> memref<80xi32, #tpu.memory_space<vmem>>
        %dma_start3A_450 = arith.constant 0 : i32
        %dma_start3A_451 = arith.constant 0 : i32
        %dma_start3A_452 = tpu.memref_slice %arg2[%dma_start3A_450, %dma_start3A_451] : memref<100000x8xf32, #tpu.memory_space<hbm>> -> memref<100000x8xf32, #tpu.memory_space<hbm>>
        tpu.enqueue_indirect_dma source(%dma_start3A_452 : memref<100000x8xf32, #tpu.memory_space<hbm>>) target(%dma_start3A_447 : memref<80x8xf32, #tpu.memory_space<vmem>>) offsets(%dma_start3A_449 : memref<80xi32, #tpu.memory_space<vmem>>) semaphore(%arg20 : memref<!tpu.dma_semaphore, #tpu.memory_space<semaphore_mem>>)
        "tpu.region"() ({
          %run_scoped3A = tpu.sem_alloc : memref<!tpu.dma_semaphore, #tpu.memory_space<semaphore_mem>>
          %dma_start3A_453 = tpu.memref_slice %arg3[%mul3A_53] : memref<1000000xi32, #tpu.memory_space<hbm>> -> memref<4000xi32, #tpu.memory_space<hbm>>
          %dma_start3A_454 = tpu.memref_slice %arg3[%mul3A_53] : memref<1000000xi32, #tpu.memory_space<hbm>> -> memref<4000xi32, #tpu.memory_space<hbm>>
          tpu.enqueue_dma source(%dma_start3A_454 : memref<4000xi32, #tpu.memory_space<hbm>>) target(%arg11 : memref<4000xi32, #tpu.memory_space<vmem>>) target_semaphore(%run_scoped3A : memref<!tpu.dma_semaphore, #tpu.memory_space<semaphore_mem>>)
          %dma_wait3A = tpu.memref_slice %arg3[%mul3A_53] : memref<1000000xi32, #tpu.memory_space<hbm>> -> memref<4000xi32, #tpu.memory_space<hbm>>
          %dma_wait3A_455 = tpu.memref_slice %arg3[%mul3A_53] : memref<1000000xi32, #tpu.memory_space<hbm>> -> memref<4000xi32, #tpu.memory_space<hbm>>
          tpu.wait_dma2 semaphore(%run_scoped3A : memref<!tpu.dma_semaphore, #tpu.memory_space<semaphore_mem>>) src(%dma_wait3A_455 : memref<4000xi32, #tpu.memory_space<hbm>>) dst(%arg11 : memref<4000xi32, #tpu.memory_space<vmem>>)
          tpu.yield
        }) : () -> ()
        "tpu.region"() ({
          %run_scoped3A = tpu.sem_alloc : memref<!tpu.dma_semaphore, #tpu.memory_space<semaphore_mem>>
          %dma_start3A_453 = tpu.memref_slice %arg5[%mul3A_53] : memref<1000000xi32, #tpu.memory_space<hbm>> -> memref<4000xi32, #tpu.memory_space<hbm>>
          %dma_start3A_454 = tpu.memref_slice %arg5[%mul3A_53] : memref<1000000xi32, #tpu.memory_space<hbm>> -> memref<4000xi32, #tpu.memory_space<hbm>>
          tpu.enqueue_dma source(%dma_start3A_454 : memref<4000xi32, #tpu.memory_space<hbm>>) target(%arg13 : memref<4000xi32, #tpu.memory_space<vmem>>) target_semaphore(%run_scoped3A : memref<!tpu.dma_semaphore, #tpu.memory_space<semaphore_mem>>)
          %dma_wait3A = tpu.memref_slice %arg5[%mul3A_53] : memref<1000000xi32, #tpu.memory_space<hbm>> -> memref<4000xi32, #tpu.memory_space<hbm>>
          %dma_wait3A_455 = tpu.memref_slice %arg5[%mul3A_53] : memref<1000000xi32, #tpu.memory_space<hbm>> -> memref<4000xi32, #tpu.memory_space<hbm>>
          tpu.wait_dma2 semaphore(%run_scoped3A : memref<!tpu.dma_semaphore, #tpu.memory_space<semaphore_mem>>) src(%dma_wait3A_455 : memref<4000xi32, #tpu.memory_space<hbm>>) dst(%arg13 : memref<4000xi32, #tpu.memory_space<vmem>>)
          tpu.yield
        }) : () -> ()
      } else {
      }
      %add3A_42 = arith.constant 1 : i32
      %add3A_43 = arith.addi %mul3A_13, %add3A_42 : i32
      %mul3A_44 = arith.constant 32 : i32
      %mul3A_45 = arith.muli %add3A_43, %mul3A_44 : i32
      %add3A_46 = arith.addi %mul3A_45, %add3A : i32
      %lt3A_47 = arith.constant 250 : i32
      %lt3A_48 = arith.cmpi slt, %add3A_46, %lt3A_47 : i32
      %convert_element_type3A_49 = arith.extui %lt3A_48 : i1 to i32
      %cond3A_50 = arith.constant 0 : i32
      %cond3A_51 = arith.cmpi ne, %convert_element_type3A_49, %cond3A_50 : i32
      scf.if %cond3A_51 {
        %mul3A_52 = arith.constant 4000 : i32
        %mul3A_53 = arith.muli %add3A_46, %mul3A_52 : i32
        %dma_wait3A = arith.constant 0 : i32
        %dma_wait3A_54 = arith.constant 0 : i32
        %dma_wait3A_55 = tpu.memref_slice %arg2[%dma_wait3A, %dma_wait3A_54] : memref<100000x8xf32, #tpu.memory_space<hbm>> -> memref<4000x8xf32, #tpu.memory_space<hbm>>
        %dma_wait3A_56 = arith.constant 0 : i32
        %dma_wait3A_57 = arith.constant 0 : i32
        %dma_wait3A_58 = tpu.memref_slice %arg2[%dma_wait3A_56, %dma_wait3A_57] : memref<100000x8xf32, #tpu.memory_space<hbm>> -> memref<4000x8xf32, #tpu.memory_space<hbm>>
        tpu.wait_dma2 semaphore(%arg21 : memref<!tpu.dma_semaphore, #tpu.memory_space<semaphore_mem>>) src(%dma_wait3A_58 : memref<4000x8xf32, #tpu.memory_space<hbm>>) dst(%arg16 : memref<4000x8xf32, #tpu.memory_space<vmem>>)
        %parallel_loop3A = arith.constant 0 : i32
        %parallel_loop3A_59 = arith.constant 4000 : i32
        %parallel_loop3A_60 = arith.constant 16 : i32
        scf.for %parallel_loop3A_61 = %parallel_loop3A to %parallel_loop3A_59 step %parallel_loop3A_60  : i32 {
          %parallel_loop3A_62 = tpu.iota {dimensions = array<i32: 0>} : vector<16xi32>
          %parallel_loop3A_63 = vector.broadcast %parallel_loop3A_61 : i32 to vector<16xi32>
          %parallel_loop3A_64 = arith.addi %parallel_loop3A_63, %parallel_loop3A_62 : vector<16xi32>
          %parallel_loop3A_65 = arith.index_cast %parallel_loop3A_61 : i32 to index
          %parallel_loop3A_66 = tpu.vector_load %arg12[%parallel_loop3A_65] {strides = array<i32>} : memref<4000xi32, #tpu.memory_space<vmem>>, vector<16xi32>,
          %parallel_loop3A_67 = arith.index_cast %parallel_loop3A_61 : i32 to index
          %parallel_loop3A_68 = tpu.vector_load %arg14[%parallel_loop3A_67] {strides = array<i32>} : memref<4000xi32, #tpu.memory_space<vmem>>, vector<16xi32>,
          %parallel_loop3A_69 = tpu.vector_load_idx %arg16[%parallel_loop3A_64, %broadcast_in_dim3A_1] : memref<4000x8xf32, #tpu.memory_space<vmem>>[vector<16xi32>, vector<16xi32>], vector<16xf32>,
          %parallel_loop3A_70 = arith.constant 1 : i32
          %parallel_loop3A_71 = vector.broadcast %parallel_loop3A_70 : i32 to vector<16xi32>
          %parallel_loop3A_72 = arith.addi %broadcast_in_dim3A_1, %parallel_loop3A_71 : vector<16xi32>
          %parallel_loop3A_73 = tpu.vector_load_idx %arg16[%parallel_loop3A_64, %parallel_loop3A_72] : memref<4000x8xf32, #tpu.memory_space<vmem>>[vector<16xi32>, vector<16xi32>], vector<16xf32>,
          %parallel_loop3A_74 = arith.constant 2 : i32
          %parallel_loop3A_75 = vector.broadcast %parallel_loop3A_74 : i32 to vector<16xi32>
          %parallel_loop3A_76 = arith.addi %broadcast_in_dim3A_1, %parallel_loop3A_75 : vector<16xi32>
          %parallel_loop3A_77 = tpu.vector_load_idx %arg16[%parallel_loop3A_64, %parallel_loop3A_76] : memref<4000x8xf32, #tpu.memory_space<vmem>>[vector<16xi32>, vector<16xi32>], vector<16xf32>,
          %parallel_loop3A_78 = arith.constant 3 : i32
          %parallel_loop3A_79 = vector.broadcast %parallel_loop3A_78 : i32 to vector<16xi32>
          %parallel_loop3A_80 = arith.addi %broadcast_in_dim3A_1, %parallel_loop3A_79 : vector<16xi32>
          %parallel_loop3A_81 = tpu.vector_load_idx %arg16[%parallel_loop3A_64, %parallel_loop3A_80] : memref<4000x8xf32, #tpu.memory_space<vmem>>[vector<16xi32>, vector<16xi32>], vector<16xf32>,
          %parallel_loop3A_82 = tpu.vector_load_idx %arg18[%parallel_loop3A_66, %broadcast_in_dim3A_1] : memref<64x3xf32, #tpu.memory_space<vmem>>[vector<16xi32>, vector<16xi32>], vector<16xf32>,
          %parallel_loop3A_83 = arith.constant 1 : i32
          %parallel_loop3A_84 = vector.broadcast %parallel_loop3A_83 : i32 to vector<16xi32>
          %parallel_loop3A_85 = arith.addi %broadcast_in_dim3A_1, %parallel_loop3A_84 : vector<16xi32>
          %parallel_loop3A_86 = tpu.vector_load_idx %arg18[%parallel_loop3A_66, %parallel_loop3A_85] : memref<64x3xf32, #tpu.memory_space<vmem>>[vector<16xi32>, vector<16xi32>], vector<16xf32>,
          %parallel_loop3A_87 = arith.constant 2 : i32
          %parallel_loop3A_88 = vector.broadcast %parallel_loop3A_87 : i32 to vector<16xi32>
          %parallel_loop3A_89 = arith.addi %broadcast_in_dim3A_1, %parallel_loop3A_88 : vector<16xi32>
          %parallel_loop3A_90 = tpu.vector_load_idx %arg18[%parallel_loop3A_66, %parallel_loop3A_89] : memref<64x3xf32, #tpu.memory_space<vmem>>[vector<16xi32>, vector<16xi32>], vector<16xf32>,
          %parallel_loop3A_91 = tpu.vector_load_idx %arg19[%parallel_loop3A_66, %parallel_loop3A_68] : memref<64x2xf32, #tpu.memory_space<vmem>>[vector<16xi32>, vector<16xi32>], vector<16xf32>,
          %parallel_loop3A_92 = arith.subf %parallel_loop3A_69, %parallel_loop3A_82 : vector<16xf32>
          %parallel_loop3A_93 = arith.subf %parallel_loop3A_73, %parallel_loop3A_86 : vector<16xf32>
          %parallel_loop3A_94 = arith.subf %parallel_loop3A_77, %parallel_loop3A_90 : vector<16xf32>
          %parallel_loop3A_95 = arith.mulf %parallel_loop3A_92, %parallel_loop3A_92 : vector<16xf32>
          %parallel_loop3A_96 = arith.mulf %parallel_loop3A_93, %parallel_loop3A_93 : vector<16xf32>
          %parallel_loop3A_97 = arith.addf %parallel_loop3A_95, %parallel_loop3A_96 : vector<16xf32>
          %parallel_loop3A_98 = arith.mulf %parallel_loop3A_94, %parallel_loop3A_94 : vector<16xf32>
          %parallel_loop3A_99 = arith.addf %parallel_loop3A_97, %parallel_loop3A_98 : vector<16xf32>
          %parallel_loop3A_100 = arith.constant 9.99999996E-13 : f32
          %parallel_loop3A_101 = vector.broadcast %parallel_loop3A_100 : f32 to vector<16xf32>
          %parallel_loop3A_102 = arith.maximumf %parallel_loop3A_99, %parallel_loop3A_101 : vector<16xf32>
          %parallel_loop3A_103 = vector.bitcast %parallel_loop3A_102 : vector<16xf32> to vector<16xi32>
          %parallel_loop3A_104 = arith.constant 1 : i32
          %parallel_loop3A_105 = vector.broadcast %parallel_loop3A_104 : i32 to vector<16xi32>
          %parallel_loop3A_106 = arith.shrsi %parallel_loop3A_103, %parallel_loop3A_105 : vector<16xi32>
          %parallel_loop3A_107 = arith.constant 1597463007 : i32
          %parallel_loop3A_108 = vector.broadcast %parallel_loop3A_107 : i32 to vector<16xi32>
          %parallel_loop3A_109 = arith.subi %parallel_loop3A_108, %parallel_loop3A_106 : vector<16xi32>
          %parallel_loop3A_110 = vector.bitcast %parallel_loop3A_109 : vector<16xi32> to vector<16xf32>
          %parallel_loop3A_111 = arith.constant 5.000000e-01 : f32
          %parallel_loop3A_112 = vector.broadcast %parallel_loop3A_111 : f32 to vector<16xf32>
          %parallel_loop3A_113 = arith.mulf %parallel_loop3A_112, %parallel_loop3A_102 : vector<16xf32>
          %parallel_loop3A_114 = arith.mulf %parallel_loop3A_113, %parallel_loop3A_110 : vector<16xf32>
          %parallel_loop3A_115 = arith.mulf %parallel_loop3A_114, %parallel_loop3A_110 : vector<16xf32>
          %parallel_loop3A_116 = arith.constant 1.500000e+00 : f32
          %parallel_loop3A_117 = vector.broadcast %parallel_loop3A_116 : f32 to vector<16xf32>
          %parallel_loop3A_118 = arith.subf %parallel_loop3A_117, %parallel_loop3A_115 : vector<16xf32>
          %parallel_loop3A_119 = arith.mulf %parallel_loop3A_110, %parallel_loop3A_118 : vector<16xf32>
          %parallel_loop3A_120 = arith.constant 5.000000e-01 : f32
          %parallel_loop3A_121 = vector.broadcast %parallel_loop3A_120 : f32 to vector<16xf32>
          %parallel_loop3A_122 = arith.mulf %parallel_loop3A_121, %parallel_loop3A_102 : vector<16xf32>
          %parallel_loop3A_123 = arith.mulf %parallel_loop3A_122, %parallel_loop3A_119 : vector<16xf32>
          %parallel_loop3A_124 = arith.mulf %parallel_loop3A_123, %parallel_loop3A_119 : vector<16xf32>
          %parallel_loop3A_125 = arith.constant 1.500000e+00 : f32
          %parallel_loop3A_126 = vector.broadcast %parallel_loop3A_125 : f32 to vector<16xf32>
          %parallel_loop3A_127 = arith.subf %parallel_loop3A_126, %parallel_loop3A_124 : vector<16xf32>
          %parallel_loop3A_128 = arith.mulf %parallel_loop3A_119, %parallel_loop3A_127 : vector<16xf32>
          %parallel_loop3A_129 = arith.constant 5.000000e-01 : f32
          %parallel_loop3A_130 = vector.broadcast %parallel_loop3A_129 : f32 to vector<16xf32>
          %parallel_loop3A_131 = arith.mulf %parallel_loop3A_130, %parallel_loop3A_102 : vector<16xf32>
          %parallel_loop3A_132 = arith.mulf %parallel_loop3A_131, %parallel_loop3A_128 : vector<16xf32>
          %parallel_loop3A_133 = arith.mulf %parallel_loop3A_132, %parallel_loop3A_128 : vector<16xf32>
          %parallel_loop3A_134 = arith.constant 1.500000e+00 : f32
          %parallel_loop3A_135 = vector.broadcast %parallel_loop3A_134 : f32 to vector<16xf32>
          %parallel_loop3A_136 = arith.subf %parallel_loop3A_135, %parallel_loop3A_133 : vector<16xf32>
          %parallel_loop3A_137 = arith.mulf %parallel_loop3A_128, %parallel_loop3A_136 : vector<16xf32>
          %parallel_loop3A_138 = arith.mulf %parallel_loop3A_99, %parallel_loop3A_137 : vector<16xf32>
          %parallel_loop3A_139 = arith.constant 0 : i32
          %parallel_loop3A_140 = vector.broadcast %parallel_loop3A_139 : i32 to vector<16xi32>
          %parallel_loop3A_141 = arith.cmpi eq, %parallel_loop3A_68, %parallel_loop3A_140 : vector<16xi32>
          %parallel_loop3A_142 = arith.constant 0.166666672 : f32
          %parallel_loop3A_143 = arith.constant 0.288333327 : f32
          %parallel_loop3A_144 = vector.broadcast %parallel_loop3A_142 : f32 to vector<16xf32>
          %parallel_loop3A_145 = vector.broadcast %parallel_loop3A_143 : f32 to vector<16xf32>
          %parallel_loop3A_146 = arith.select %parallel_loop3A_141, %parallel_loop3A_144, %parallel_loop3A_145 : vector<16xi1>, vector<16xf32>
          %parallel_loop3A_147 = arith.mulf %parallel_loop3A_138, %parallel_loop3A_146 : vector<16xf32>
          %parallel_loop3A_148 = arith.addf %parallel_loop3A_81, %parallel_loop3A_147 : vector<16xf32>
          %parallel_loop3A_149 = arith.addf %parallel_loop3A_148, %parallel_loop3A_91 : vector<16xf32>
          %parallel_loop3A_150 = arith.index_cast %parallel_loop3A_61 : i32 to index
          %parallel_loop3A_151 = tpu.vector_load %arg17[%parallel_loop3A_150] {strides = array<i32>} : memref<4000xf32, #tpu.memory_space<vmem>>, vector<16xf32>,
          tpu.vector_store %arg17[%parallel_loop3A_150], %parallel_loop3A_149 {strides = array<i32>} : memref<4000xf32, #tpu.memory_space<vmem>>, vector<16xf32>,
        } {sc.loop_unroll_factor = 4 : i64, sc.parallel_access}
        "tpu.region"() ({
          %run_scoped3A = tpu.sem_alloc : memref<!tpu.dma_semaphore, #tpu.memory_space<semaphore_mem>>
          %dma_start3A = tpu.memref_slice %arg8[%mul3A_53] : memref<1000000xf32, #tpu.memory_space<hbm>> -> memref<4000xf32, #tpu.memory_space<hbm>>
          %dma_start3A_61 = tpu.memref_slice %arg8[%mul3A_53] : memref<1000000xf32, #tpu.memory_space<hbm>> -> memref<4000xf32, #tpu.memory_space<hbm>>
          tpu.enqueue_dma source(%arg17 : memref<4000xf32, #tpu.memory_space<vmem>>) target(%dma_start3A_61 : memref<4000xf32, #tpu.memory_space<hbm>>) target_semaphore(%run_scoped3A : memref<!tpu.dma_semaphore, #tpu.memory_space<semaphore_mem>>)
          %dma_wait3A_62 = tpu.memref_slice %arg8[%mul3A_53] : memref<1000000xf32, #tpu.memory_space<hbm>> -> memref<4000xf32, #tpu.memory_space<hbm>>
          %dma_wait3A_63 = tpu.memref_slice %arg8[%mul3A_53] : memref<1000000xf32, #tpu.memory_space<hbm>> -> memref<4000xf32, #tpu.memory_space<hbm>>
          tpu.wait_dma2 semaphore(%run_scoped3A : memref<!tpu.dma_semaphore, #tpu.memory_space<semaphore_mem>>) src(%arg17 : memref<4000xf32, #tpu.memory_space<vmem>>) dst(%dma_wait3A_63 : memref<4000xf32, #tpu.memory_space<hbm>>)
          tpu.yield
        }) : () -> ()
      } else {
      }
    }
    %scan3A_10 = arith.constant 4 : i32
    return
  }
}

</mosaic_0001>

<sc_bundles>
// kernel: kernel.3.cloned.1.call-start
scs
__scs_entry_jumppad:
0x0: {  	(pc) =	sbr.rel $0x88, $3  }
0x1: {  	(tag) =	ssettag $0x0;
	lr =	simm.s32 $0x1  }
0x2: {  	[smem:$0x3F9A] =	sst lr;
	_ =	strace $0xD0000000  }
0x3: {  	_ = 	snop  }
0x4: {  	_ = 	snop  }
0x5: {  	_ = 	snop  }
0x6: {  	_ = 	snop  }
0x7: {  	_ = 	snop  }
__scs_overlays_trampoline_lowered:
0x8: {  	[smem:$0x3FA9] =	sst s0  }
0x9: {  	[smem:$0x3FAA] =	sst s1  }
0xa: {  	[smem:$0x3FAB] =	sst s2  }
0xb: {  	[smem:$0x3FAC] =	sst s3  }
0xc: {  	[smem:$0x3FAD] =	sst s4  }
0xd: {  	[smem:$0x3FAE] =	sst s5  }
0xe: {  	[smem:$0x3FAF] =	sst s6  }
0xf: {  	[smem:$0x3FB0] =	sst s7  }
0x10: {  	[smem:$0x3FB1] =	sst s8  }
0x11: {  	[smem:$0x3FB2] =	sst s9;
	s0 =	simm.s32 @!p0 $0x0  }
0x12: {  	s1 =	sld [smem:$0x3F98];
	s0 =	simm.s32 @p0 $0x1  }
0x13: {  	[smem:$0x3FB3] =	sst s0;
	s0 =	simm.s32 @!p1 $0x0  }
0x14: {  	s2 =	sld [smem:$0x3F97];
	s0 =	simm.s32 @p1 $0x1  }
0x15: {  	[smem:$0x3FB4] =	sst s0;
	s0 =	simm.s32 @!p2 $0x0  }
0x16: {  	s3 =	sld [smem:$0x3FDB];
	s0 =	simm.s32 @p2 $0x1  }
0x17: {  	s4 =	simm.s32 $0x1BF5;
	[smem:$0x3FB6] =	sst s0  }
0x18: {  	s0 =	sld [smem:$0x3F99];
	_ =	swait.ge [sflag:s4], $0x0  }
0x19: {  	s7 =	sld [smem:$0x3F9A]  }
0x1a: {  	s8 =	sadd.s32 $0xFFFFE003, lr  }
0x1b: {  	s9 =	sadd.s32 $0xFFFFFEF7, lr;
	s5 =	simm.s32 $0xFFFFFFFF;
	p2 =	slt.u32 s8, $0xFFFFF086  }
0x1c: {  	p1 =	slt.u32 s9, $0xF7A;
	s5 =	simm.s32 @!p2 $0x0  }
0x1d: {  	s5 =	simm.s32 @p1 $0x1;
	p0 =	seq.s32 s7, s2  }
0x1e: {  	s7 =	smul.u32 @!p0 $0xF7A, s2;
	p2 =	seq.s32 @!p0 s5, $0x0  }
0x1f: {  	s9 =	smul.u32 $0xF7A, s1;
	s8 =	simm.s32 @!p0 $0x1BF5;
	p2 =	por !p2, p0  }
0x20: {  	[sflag:s8] =	ssyncset.s32 @!p0 $0xFFFFF086;
	s6 =	sadd.s32 @!p0 s3, s7;
	s7 =	simm.s32 @!p0 $0x108  }
0x21: {  	s3 =	sadd.s32 s3, s9;
	s6 =	sadd.s32 @!p0 $0x88, s6;
	s7 =	simm.s32 @p2 $0x1082  }
0x22: {  	[simem:s7], [sflag:s8] =	dma.local @!p0 [hbm:s6], $0xF7A  }
0x23: {  	s9 =	sor.u32 $0xD0000000, s2;
	s6 =	simm.s32 $0x108;
	_ =	swait.ge @!p0 [sflag:s8], $0x0  }
0x24: {  	s3 =	sadd.s32 $0x88, s3;
	s6 =	simm.s32 @!p1 $0x1082;
	[sflag:s4] =	ssyncset.s32 $0xFFFFF086  }
0x25: {  	[simem:s6], [sflag:s4] =	dma.local [hbm:s3], $0xF7A  }
0x26: {  	[smem:$0x3F9A] =	sst s1;
	(tag) =	ssettag s2;
	_ =	strace s9  }
0x27: {  	s1 =	sld [smem:$0x3FAA]  }
0x28: {  	s2 =	sld [smem:$0x3FAB]  }
0x29: {  	s4 =	sld [smem:$0x3FAD]  }
0x2a: {  	p0 =	seq.s32 s5, $0x0;
	s5 =	sld [smem:$0x3FAE]  }
0x2b: {  	s6 =	sld [smem:$0x3FAF]  }
0x2c: {  	s7 =	sld [smem:$0x3FB0]  }
0x2d: {  	s3 =	simm.s32 $0x108;
	s8 =	sld [smem:$0x3FB1]  }
0x2e: {  	s3 =	simm.s32 @!p0 $0x1082;
	s9 =	sld [smem:$0x3FB2]  }
0x2f: {  	lr =	sadd.s32 s0, s3;
	s0 =	sld [smem:$0x3FA9]  }
0x30: {  	s3 =	sld [smem:$0x3FAC]  }
0x31: {  	[smem:$0x3FB5] =	sst s10  }
0x32: {  	s10 =	sld [smem:$0x3FB3];
	_ =	sdelay $0x3  }
0x33: {  	p0 =	seq.s32 s10, $0x1;
	s10 =	sld [smem:$0x3FB5];
	_ =	sdelay $0x3  }
0x34: {  	[smem:$0x3FB5] =	sst s10  }
0x35: {  	s10 =	sld [smem:$0x3FB4];
	_ =	sdelay $0x3  }
0x36: {  	p1 =	seq.s32 s10, $0x1;
	s10 =	sld [smem:$0x3FB5];
	_ =	sdelay $0x3  }
0x37: {  	[smem:$0x3FB5] =	sst s10  }
0x38: {  	s10 =	sld [smem:$0x3FB6]  }
0x39: {  	_ = 	snop;
	(pc) =	sbr.ind lr, $3  }
0x3a: {  	_ = 	snop  }
0x3b: {  	_ = 	snop  }
0x3c: {  	p2 =	seq.s32 s10, $0x1;
	s10 =	sld [smem:$0x3FB5]  }
0x3d: {  	_ =	shalt  }
0x3e: {  	_ =	shalt  }
0x3f: {  	_ =	shalt  }
0x40: {  	_ =	shalt  }
0x41: {  	_ =	shalt  }
0x42: {  	_ =	shalt  }
0x43: {  	_ =	shalt  }
0x44: {  	_ =	shalt  }
0x45: {  	_ =	shalt  }
0x46: {  	_ =	shalt  }
0x47: {  	_ =	shalt  }
0x48: {  	_ =	shalt  }
0x49: {  	_ =	shalt  }
0x4a: {  	_ =	shalt  }
0x4b: {  	_ =	shalt  }
0x4c: {  	_ =	shalt  }
0x4d: {  	_ =	shalt  }
0x4e: {  	_ =	shalt  }
0x4f: {  	_ =	shalt  }
0x50: {  	_ =	shalt  }
0x51: {  	_ =	shalt  }
0x52: {  	_ =	shalt  }
0x53: {  	_ =	shalt  }
0x54: {  	_ =	shalt  }
0x55: {  	_ =	shalt  }
0x56: {  	_ =	shalt  }
0x57: {  	_ =	shalt  }
0x58: {  	_ =	shalt  }
0x59: {  	_ =	shalt  }
0x5a: {  	_ =	shalt  }
0x5b: {  	_ =	shalt  }
0x5c: {  	_ =	shalt  }
0x5d: {  	_ =	shalt  }
0x5e: {  	_ =	shalt  }
0x5f: {  	_ =	shalt  }
0x60: {  	_ =	shalt  }
0x61: {  	_ =	shalt  }
0x62: {  	_ =	shalt  }
0x63: {  	_ =	shalt  }
0x64: {  	_ =	shalt  }
0x65: {  	_ =	shalt  }
0x66: {  	_ =	shalt  }
0x67: {  	_ =	shalt  }
0x68: {  	_ =	shalt  }
0x69: {  	_ =	shalt  }
0x6a: {  	_ =	shalt  }
0x6b: {  	_ =	shalt  }
0x6c: {  	_ =	shalt  }
0x6d: {  	_ =	shalt  }
0x6e: {  	_ =	shalt  }
0x6f: {  	_ =	shalt  }
0x70: {  	_ =	shalt  }
0x71: {  	_ =	shalt  }
0x72: {  	_ =	shalt  }
0x73: {  	_ =	shalt  }
0x74: {  	_ =	shalt  }
0x75: {  	_ =	shalt  }
0x76: {  	_ =	shalt  }
0x77: {  	_ =	shalt  }
0x78: {  	_ =	shalt  }
0x79: {  	_ =	shalt  }
0x7a: {  	_ =	shalt  }
0x7b: {  	_ =	shalt  }
0x7c: {  	_ =	shalt  }
0x7d: {  	_ =	shalt  }
0x7e: {  	_ =	shalt  }
0x7f: {  	_ =	shalt  }
0x80: {  	_ =	shalt  }
0x81: {  	_ =	shalt  }
0x82: {  	_ =	shalt  }
0x83: {  	_ =	shalt  }
0x84: {  	_ =	shalt  }
0x85: {  	_ =	shalt  }
0x86: {  	_ =	shalt  }
0x87: {  	_ =	shalt  }
.Lfunc_end0:
.L_simem_size_0:
called_computation_lowered:
.L_overlay_start_0:
0x88: {  	s2 =	sld [smem:$0x3FD9]  }
0x89: {  	s3 =	sld [smem:$0x3FFE];
	_ =	sdelay $0x1  }
0x8a: {  	s1 =	srdreg.scid  }
0x8b: {  	s0 =	sand.u32 $0x1, s1  }
0x8c: {  	s17 =	sshll.u32 s0, $0xA;
	s2 =	sadd.s32 s3, s2  }
0x8d: {  	s2 =	sadd.s32 s2, s17  }
0x8e: {  	[smem:$0x3FC1] =	sst s2  }
0x8f: {  	_ = 	snop  }
0x90: {  	s2 =	sld [smem:$0x3FC9]  }
0x91: {  	s18 =	sld [smem:$0x3FC8]  }
0x92: {  	s4 =	sld [smem:$0x3FC7]  }
0x93: {  	s5 =	sld [smem:$0x3FD0];
	(tm) =	ssettm $0x1  }
0x94: {  	s6 =	sld [smem:$0x3FFB];
	_ =	sdelay $0x3  }
0x95: {  	_ =	strace s6  }
0x96: {  	s6 =	sld [smem:$0x3FFC];
	_ =	sdelay $0x3  }
0x97: {  	_ =	strace s6  }
0x98: {  	s6 =	sld [smem:$0x3FFD];
	_ =	sdelay $0x3  }
0x99: {  	_ =	strace s6  }
0x9a: {  	_ =	strace $0x8FFFFFFF  }
0x9b: {  	s19 =	sld [smem:$0x3FDB];
	_ =	sdelay $0x1  }
0x9c: {  	s7 =	simm.s32 $_scs_section_size  }
0x9d: {  	s8 =	simm.s32 $_size__tile_overlayer_lowered;
	s9 =	simm.s32 $_tile_overlayer_lowered  }
0x9e: {  	s22 =	simm.s32 $0x1BFF;
	s21 =	sshll.u32 s9, $0x1;
	s6 =	sadd.s32 s7, s19  }
0x9f: {  	s10 =	simm.s32 $0x0;
	s20 =	sshll.u32 s8, $0x1;
	s8 =	sadd.s32 s21, s6  }
0xa0: {  	[timem:s10], [sflag:s22] =	dma.local [hbm:s8], s20  }
0xa1: {  	_ =	swait.ge [sflag:s22], s20  }
0xa2: {  	s7 =	ssub.s32 $0x0, s20;
	[sflag:s22] =	ssyncset.done $0x0  }
0xa3: {  	[sflag:s22] =	ssyncadd.s32 s7;
	_ =	sdelay $0x1  }
0xa4: {  	s23 =	simm.s32 $0x1B8B  }
0xa5: {  	_ =	swait.ge [sflag:s23], $0x1  }
0xa6: {  	[sflag:s23] =	ssyncset.done $0x0  }
0xa7: {  	s25 =	simm.s32 $0x1B8E;
	s24 =	sld [smem:$0x3FFE];
	[sflag:s23] =	ssyncadd.s32 $0xFFFFFFFF  }
0xa8: {  	s26 =	simm.s32 $execute0_lowered;
	[smem:$0x3FD2] =	sst s25  }
0xa9: {  	s8 =	sshll.u32 s26, $0x1;
	_ =	strace $0x80000046;
	[dreg:$0x1] =	wrdreg $0xFFFFFFFF  }
0xaa: {  	s28 =	simm.s32 $_size_execute0_lowered;
	s6 =	sadd.s32 s6, s8;
	[dreg:$0x0] =	wrdreg $0x0  }
0xab: {  	s8 =	sshll.u32 s28, $0x1;
	[dreg:$0x2] =	wrdreg s6  }
0xac: {  	[dreg:$0x3] =	wrdreg s8  }
0xad: {  	[dreg:$0x4] =	wrdreg $0xC0  }
0xae: {  	_ =	task [dreg:s10], $0x5FFFF  }
0xaf: {  	[dreg:$0x1] =	wrdreg $0xFFFFFFFF  }
0xb0: {  	[dreg:$0x0] =	wrdreg $0x60  }
0xb1: {  	[dreg:$0x2] =	wrdreg s5  }
0xb2: {  	[dreg:$0x3] =	wrdreg s2  }
0xb3: {  	[dreg:$0x4] =	wrdreg s18  }
0xb4: {  	[dreg:$0x5] =	wrdreg s4  }
0xb5: {  	[dreg:$0x6] =	wrdreg s24  }
0xb6: {  	[dreg:$0x7] =	wrdreg $0x9  }
0xb7: {  	_ =	task.clear_ibuf [dreg:s10], $0x8FFFF;
	_ =	strace $0x90000046  }
0xb8: {  	s29 =	simm.s32 $0x9;
	_ =	strace $0x80000048  }
0xb9: {  	_ =	swait.ge [sflag:s29], $0x1  }
0xba: {  	[sflag:s29] =	ssyncadd.s32 $0xFFFFFFFF  }
0xbb: {  	_ =	strace $0x90000048  }
0xbc: {  	_ =	sfence  }
0xbd: {  	s30 =	sld [smem:$0x0];
	_ =	sdelay $0x2  }
0xbe: {  	s31 =	sshll.u32 s1, $0xD;
	s1 =	sshrl.u32 s1, $0x2  }
0xbf: {  	s3 =	sand.u32 $0x4000, s31;
	s1 =	sadd.s32 s1, s30  }
0xc0: {  	s0 =	sor.u32 s3, s0;
	s1 =	sshll.u32 s1, $0x11  }
0xc1: {  	s0 =	sor.u32 s1, s0  }
0xc2: {  	s0 =	sadd.s32 $0x8F2B, s0  }
0xc3: {  	[sflag:s0] =	ssyncadd.remote.s32 $0x1  }
0xc4: {  	_ =	sfence.sel $0xFFFF  }
0xc5: {  	[dreg:$0x0] =	wrdreg $0xFFFFFFFF;
	(pc) =	sbr.abs _section_cstart, $3  }
0xc6: {  	[dreg:$0x1] =	wrdreg $0xFFFFFFFF  }
0xc7: {  	_ =	task.clear_ibuf [dreg:s10], $0x2FFFF;
	_ =	strace $0x9FFFFFFF  }
0xc8: {  	(tm) =	ssettm $0x7FFFFFFF  }
0xc9: {  	_ =	shalt  }
tec
execute0_lowered:
.L_overlay_start_1:
0x0: {  	(tag) =	ssettag $0x1  }
0x1: {  	s1 =	rddreg [dreg:$0x0]  }
0x2: {  	s2 =	rddreg [dreg:$0x1]  }
0x3: {  	s3 =	rddreg [dreg:$0x2]  }
0x4: {  	s4 =	rddreg [dreg:$0x3]  }
0x5: {  	s0 =	rddreg [dreg:$0x4];
	s6 =	simm.s32 $0x0;
	s5 =	srdreg.scid  }
0x6: {  	s7 =	stileid.u32;
	s16 =	simm.s32 $0x16760;
	s17 =	simm.s32 $0x3  }
0x7: {  	s18 =	simm.s32 $0x16960;
	s19 =	simm.s32 $0x50;
	s20 =	simm.s32 $0x5DC0  }
0x8: {  	s29 =	simm.s32 $0x1F40;
	s30 =	simm.s32 $0x3E80;
	s31 =	simm.s32 $0xFA0  }
0x9: {  	s11 =	simm.s32 $0x2;
	s13 =	simm.s32 $0x0;
	[smem:$0x7FF] =	sst s6  }
0xa: {  	s5 =	sand.u32 $0x1, s5;
	s7 =	sshll.u32 s7, $0x1;
	s22 =	sadd.s32 $0xA00, s0  }
0xb: {  	s10 =	sadd.s32 $0x800, s0;
	_ =	strace $0x80000047;
	s7 =	sor.u32 s5, s7  }
0xc: {  	s8 =	ssub.s32 $0x2, s5;
	[dreg:$0x6] =	wrdreg s22;
	s9 =	smul.u32 $0x1F4, s7  }
0xd: {  	[dreg:$0x7] =	wrdreg s10;
	s10 =	sadd.s32 $0xC00, s0;
	s5 =	simm.s32 $0xDAC0  }
.Ltmp0:
0xe: {  	s23 =	sshrl.u32 s8, $0x1;
	s25 =	sadd.s32 s3, s9;
	(pc) =	sbr.rel .LBB2_1-.Ltmp0, $4  }
0xf: {  	s14 =	sor.u32 $0x40, s7;
	s26 =	sadd.s32 s2, s9;
	[dreg:$0x8] =	wrdreg s25  }
0x10: {  	s24 =	ssub.s32 s8, s23;
	s28 =	sadd.s32 s4, s9;
	[dreg:$0x9] =	wrdreg s26  }
0x11: {  	v0 =	vlaneseq.u32;
	s8 =	simm.s32 $0x1;
	s0 =	smax.u32 s24, $0x1;
	[dreg:$0xa] =	wrdreg s28  }
0x12: {  	v1 =	vimm.f32 $2.883333270e-01;
	v0 =	vmul.u32 $0x8, v0;
	s9 =	simm.s32 $0x157C0;
	[dreg:$0xb] =	wrdreg s0;
	s0 =	simm.s32 $0x4  }
.LBB2_17:
0x13: {  	s13 =	rddreg [dreg:$0xc]  }
0x14: {  	s12 =	rddreg [dreg:$0xb];
	s13 =	sadd.s32 $0x1, s13  }
0x15: {  	p0 =	sne.s32 s13, s12  }
.Ltmp1:
0x16: {  	_ = 	snop;
	(pc) =	sbr.rel @!p0 .LBB2_18-.Ltmp1, $1  }
0x17: {  	_ =	sdelay $0x3  }
.LBB2_1:
0x18: {  	[dreg:$0xc] =	wrdreg s13  }
0x19: {  	s12 =	rddreg [dreg:$0x6]  }
0x1a: {  	[tilespmem:s16], [sflag:$0x3] =	stream.linear.gather [hbm4b:s12+s6], $0x200, $0x38;
	[tilespmem:$0x16B60] =	vst v63  }
0x1b: {  	_ =	swait.ge [sflag:s17], $0x200  }
0x1c: {  	[sflag:s17] =	ssyncset.done $0x0  }
0x1d: {  	s23 =	rddreg [dreg:$0x7];
	[sflag:s17] =	ssyncadd.s32 $0xFFFFFE00  }
0x1e: {  	[tilespmem:s18], [sflag:$0x3] =	stream.linear.gather [hbm4b:s23+s6], $0x200, $0x38;
	[tilespmem:$0x16B60] =	vst v63  }
0x1f: {  	_ =	swait.ge [sflag:s17], $0x200  }
0x20: {  	[sflag:s17] =	ssyncset.done $0x0  }
0x21: {  	s24 =	rddreg [dreg:$0x8];
	[sflag:s17] =	ssyncadd.s32 $0xFFFFFE00  }
0x22: {  	[tilespmem:s6], [sflag:$0x3] =	stream.linear.gather [hbm4b:s24+s6], $0xFA0, $0x38;
	[tilespmem:$0x16B60] =	vst v63  }
0x23: {  	_ =	swait.ge [sflag:s17], $0xFA0  }
0x24: {  	[sflag:s17] =	ssyncset.done $0x0  }
0x25: {  	[sflag:s17] =	ssyncadd.s32 $0xFFFFF060  }
0x26: {  	[tilespmem:s20], [sflag:$0x1] =	stream.indirect.gather [hbm4b:s1+s19], $0x8, s6, s19, $0xb8;
	[tilespmem:$0x16B60] =	vst v63  }
0x27: {  	s25 =	simm.s32 $0x6040  }
0x28: {  	[tilespmem:s25], [sflag:$0x1] =	stream.indirect.gather [hbm4b:s1+s19], $0x8, s19, s19, $0xb8;
	[tilespmem:$0x16B60] =	vst v63  }
0x29: {  	s26 =	simm.s32 $0xA0;
	s28 =	simm.s32 $0x62C0  }
0x2a: {  	[tilespmem:s28], [sflag:$0x1] =	stream.indirect.gather [hbm4b:s1+s19], $0x8, s26, s19, $0xb8;
	[tilespmem:$0x16B60] =	vst v63  }
0x2b: {  	s15 =	simm.s32 $0xF0;
	s21 =	simm.s32 $0x6540  }
0x2c: {  	[tilespmem:s21], [sflag:$0x1] =	stream.indirect.gather [hbm4b:s1+s19], $0x8, s15, s19, $0xb8;
	[tilespmem:$0x16B60] =	vst v63  }
0x2d: {  	s22 =	simm.s32 $0x140;
	s23 =	simm.s32 $0x67C0  }
0x2e: {  	[tilespmem:s23], [sflag:$0x1] =	stream.indirect.gather [hbm4b:s1+s19], $0x8, s22, s19, $0xb8;
	[tilespmem:$0x16B60] =	vst v63  }
0x2f: {  	s24 =	simm.s32 $0x190;
	s25 =	simm.s32 $0x6A40  }
0x30: {  	[tilespmem:s25], [sflag:$0x1] =	stream.indirect.gather [hbm4b:s1+s19], $0x8, s24, s19, $0xb8;
	[tilespmem:$0x16B60] =	vst v63  }
0x31: {  	s26 =	simm.s32 $0x1E0;
	s28 =	simm.s32 $0x6CC0  }
0x32: {  	[tilespmem:s28], [sflag:$0x1] =	stream.indirect.gather [hbm4b:s1+s19], $0x8, s26, s19, $0xb8;
	[tilespmem:$0x16B60] =	vst v63  }
0x33: {  	s15 =	simm.s32 $0x230;
	s21 =	simm.s32 $0x6F40  }
0x34: {  	[tilespmem:s21], [sflag:$0x1] =	stream.indirect.gather [hbm4b:s1+s19], $0x8, s15, s19, $0xb8;
	[tilespmem:$0x16B60] =	vst v63  }
0x35: {  	s22 =	simm.s32 $0x280;
	s23 =	simm.s32 $0x71C0  }
0x36: {  	[tilespmem:s23], [sflag:$0x1] =	stream.indirect.gather [hbm4b:s1+s19], $0x8, s22, s19, $0xb8;
	[tilespmem:$0x16B60] =	vst v63  }
0x37: {  	s24 =	simm.s32 $0x2D0;
	s25 =	simm.s32 $0x7440  }
0x38: {  	[tilespmem:s25], [sflag:$0x1] =	stream.indirect.gather [hbm4b:s1+s19], $0x8, s24, s19, $0xb8;
	[tilespmem:$0x16B60] =	vst v63  }
0x39: {  	s26 =	simm.s32 $0x320;
	s28 =	simm.s32 $0x76C0  }
0x3a: {  	[tilespmem:s28], [sflag:$0x1] =	stream.indirect.gather [hbm4b:s1+s19], $0x8, s26, s19, $0xb8;
	[tilespmem:$0x16B60] =	vst v63  }
0x3b: {  	s15 =	simm.s32 $0x370;
	s21 =	simm.s32 $0x7940  }
0x3c: {  	[tilespmem:s21], [sflag:$0x1] =	stream.indirect.gather [hbm4b:s1+s19], $0x8, s15, s19, $0xb8;
	[tilespmem:$0x16B60] =	vst v63  }
0x3d: {  	s22 =	simm.s32 $0x3C0;
	s23 =	simm.s32 $0x7BC0  }
0x3e: {  	[tilespmem:s23], [sflag:$0x1] =	stream.indirect.gather [hbm4b:s1+s19], $0x8, s22, s19, $0xb8;
	[tilespmem:$0x16B60] =	vst v63  }
0x3f: {  	s24 =	simm.s32 $0x410;
	s25 =	simm.s32 $0x7E40  }
0x40: {  	[tilespmem:s25], [sflag:$0x1] =	stream.indirect.gather [hbm4b:s1+s19], $0x8, s24, s19, $0xb8;
	[tilespmem:$0x16B60] =	vst v63  }
0x41: {  	s26 =	simm.s32 $0x460;
	s28 =	simm.s32 $0x80C0  }
0x42: {  	[tilespmem:s28], [sflag:$0x1] =	stream.indirect.gather [hbm4b:s1+s19], $0x8, s26, s19, $0xb8;
	[tilespmem:$0x16B60] =	vst v63  }
0x43: {  	s15 =	simm.s32 $0x4B0;
	s21 =	simm.s32 $0x8340  }
0x44: {  	[tilespmem:s21], [sflag:$0x1] =	stream.indirect.gather [hbm4b:s1+s19], $0x8, s15, s19, $0xb8;
	[tilespmem:$0x16B60] =	vst v63  }
0x45: {  	s22 =	simm.s32 $0x500;
	s23 =	simm.s32 $0x85C0  }
0x46: {  	[tilespmem:s23], [sflag:$0x1] =	stream.indirect.gather [hbm4b:s1+s19], $0x8, s22, s19, $0xb8;
	[tilespmem:$0x16B60] =	vst v63  }
0x47: {  	s24 =	simm.s32 $0x550;
	s25 =	simm.s32 $0x8840  }
0x48: {  	[tilespmem:s25], [sflag:$0x1] =	stream.indirect.gather [hbm4b:s1+s19], $0x8, s24, s19, $0xb8;
	[tilespmem:$0x16B60] =	vst v63  }
0x49: {  	s26 =	simm.s32 $0x5A0;
	s28 =	simm.s32 $0x8AC0  }
0x4a: {  	[tilespmem:s28], [sflag:$0x1] =	stream.indirect.gather [hbm4b:s1+s19], $0x8, s26, s19, $0xb8;
	[tilespmem:$0x16B60] =	vst v63  }
0x4b: {  	s15 =	simm.s32 $0x5F0;
	s21 =	simm.s32 $0x8D40  }
0x4c: {  	[tilespmem:s21], [sflag:$0x1] =	stream.indirect.gather [hbm4b:s1+s19], $0x8, s15, s19, $0xb8;
	[tilespmem:$0x16B60] =	vst v63  }
0x4d: {  	s22 =	simm.s32 $0x640;
	s23 =	simm.s32 $0x8FC0  }
0x4e: {  	[tilespmem:s23], [sflag:$0x1] =	stream.indirect.gather [hbm4b:s1+s19], $0x8, s22, s19, $0xb8;
	[tilespmem:$0x16B60] =	vst v63  }
0x4f: {  	s24 =	simm.s32 $0x690;
	s25 =	simm.s32 $0x9240  }
0x50: {  	[tilespmem:s25], [sflag:$0x1] =	stream.indirect.gather [hbm4b:s1+s19], $0x8, s24, s19, $0xb8;
	[tilespmem:$0x16B60] =	vst v63  }
0x51: {  	s26 =	simm.s32 $0x6E0;
	s28 =	simm.s32 $0x94C0  }
0x52: {  	[tilespmem:s28], [sflag:$0x1] =	stream.indirect.gather [hbm4b:s1+s19], $0x8, s26, s19, $0xb8;
	[tilespmem:$0x16B60] =	vst v63  }
0x53: {  	s15 =	simm.s32 $0x730;
	s21 =	simm.s32 $0x9740  }
0x54: {  	[tilespmem:s21], [sflag:$0x1] =	stream.indirect.gather [hbm4b:s1+s19], $0x8, s15, s19, $0xb8;
	[tilespmem:$0x16B60] =	vst v63  }
0x55: {  	s22 =	simm.s32 $0x780;
	s23 =	simm.s32 $0x99C0  }
0x56: {  	[tilespmem:s23], [sflag:$0x1] =	stream.indirect.gather [hbm4b:s1+s19], $0x8, s22, s19, $0xb8;
	[tilespmem:$0x16B60] =	vst v63  }
0x57: {  	s24 =	simm.s32 $0x7D0;
	s25 =	simm.s32 $0x9C40  }
0x58: {  	[tilespmem:s25], [sflag:$0x1] =	stream.indirect.gather [hbm4b:s1+s19], $0x8, s24, s19, $0xb8;
	[tilespmem:$0x16B60] =	vst v63  }
0x59: {  	s26 =	simm.s32 $0x820;
	s28 =	simm.s32 $0x9EC0  }
0x5a: {  	[tilespmem:s28], [sflag:$0x1] =	stream.indirect.gather [hbm4b:s1+s19], $0x8, s26, s19, $0xb8;
	[tilespmem:$0x16B60] =	vst v63  }
0x5b: {  	s15 =	simm.s32 $0x870;
	s21 =	simm.s32 $0xA140  }
0x5c: {  	[tilespmem:s21], [sflag:$0x1] =	stream.indirect.gather [hbm4b:s1+s19], $0x8, s15, s19, $0xb8;
	[tilespmem:$0x16B60] =	vst v63  }
0x5d: {  	s22 =	simm.s32 $0x8C0;
	s23 =	simm.s32 $0xA3C0  }
0x5e: {  	[tilespmem:s23], [sflag:$0x1] =	stream.indirect.gather [hbm4b:s1+s19], $0x8, s22, s19, $0xb8;
	[tilespmem:$0x16B60] =	vst v63  }
0x5f: {  	s24 =	simm.s32 $0x910;
	s25 =	simm.s32 $0xA640  }
0x60: {  	[tilespmem:s25], [sflag:$0x1] =	stream.indirect.gather [hbm4b:s1+s19], $0x8, s24, s19, $0xb8;
	[tilespmem:$0x16B60] =	vst v63  }
0x61: {  	s26 =	simm.s32 $0x960;
	s28 =	simm.s32 $0xA8C0  }
0x62: {  	[tilespmem:s28], [sflag:$0x1] =	stream.indirect.gather [hbm4b:s1+s19], $0x8, s26, s19, $0xb8;
	[tilespmem:$0x16B60] =	vst v63  }
0x63: {  	s15 =	simm.s32 $0x9B0;
	s21 =	simm.s32 $0xAB40  }
0x64: {  	[tilespmem:s21], [sflag:$0x1] =	stream.indirect.gather [hbm4b:s1+s19], $0x8, s15, s19, $0xb8;
	[tilespmem:$0x16B60] =	vst v63  }
0x65: {  	s22 =	simm.s32 $0xA00;
	s23 =	simm.s32 $0xADC0  }
0x66: {  	[tilespmem:s23], [sflag:$0x1] =	stream.indirect.gather [hbm4b:s1+s19], $0x8, s22, s19, $0xb8;
	[tilespmem:$0x16B60] =	vst v63  }
0x67: {  	s24 =	simm.s32 $0xA50;
	s25 =	simm.s32 $0xB040  }
0x68: {  	[tilespmem:s25], [sflag:$0x1] =	stream.indirect.gather [hbm4b:s1+s19], $0x8, s24, s19, $0xb8;
	[tilespmem:$0x16B60] =	vst v63  }
0x69: {  	s26 =	simm.s32 $0xAA0;
	s28 =	simm.s32 $0xB2C0  }
0x6a: {  	[tilespmem:s28], [sflag:$0x1] =	stream.indirect.gather [hbm4b:s1+s19], $0x8, s26, s19, $0xb8;
	[tilespmem:$0x16B60] =	vst v63  }
0x6b: {  	s15 =	simm.s32 $0xAF0;
	s21 =	simm.s32 $0xB540  }
0x6c: {  	[tilespmem:s21], [sflag:$0x1] =	stream.indirect.gather [hbm4b:s1+s19], $0x8, s15, s19, $0xb8;
	[tilespmem:$0x16B60] =	vst v63  }
0x6d: {  	s22 =	simm.s32 $0xB40;
	s23 =	simm.s32 $0xB7C0  }
0x6e: {  	[tilespmem:s23], [sflag:$0x1] =	stream.indirect.gather [hbm4b:s1+s19], $0x8, s22, s19, $0xb8;
	[tilespmem:$0x16B60] =	vst v63  }
0x6f: {  	s24 =	simm.s32 $0xB90;
	s25 =	simm.s32 $0xBA40  }
0x70: {  	[tilespmem:s25], [sflag:$0x1] =	stream.indirect.gather [hbm4b:s1+s19], $0x8, s24, s19, $0xb8;
	[tilespmem:$0x16B60] =	vst v63  }
0x71: {  	s26 =	simm.s32 $0xBE0;
	s28 =	simm.s32 $0xBCC0  }
0x72: {  	[tilespmem:s28], [sflag:$0x1] =	stream.indirect.gather [hbm4b:s1+s19], $0x8, s26, s19, $0xb8;
	[tilespmem:$0x16B60] =	vst v63  }
0x73: {  	s15 =	simm.s32 $0xC30;
	s21 =	simm.s32 $0xBF40  }
0x74: {  	[tilespmem:s21], [sflag:$0x1] =	stream.indirect.gather [hbm4b:s1+s19], $0x8, s15, s19, $0xb8;
	[tilespmem:$0x16B60] =	vst v63  }
0x75: {  	s22 =	simm.s32 $0xC80;
	s23 =	simm.s32 $0xC1C0  }
0x76: {  	[tilespmem:s23], [sflag:$0x1] =	stream.indirect.gather [hbm4b:s1+s19], $0x8, s22, s19, $0xb8;
	[tilespmem:$0x16B60] =	vst v63  }
0x77: {  	s24 =	simm.s32 $0xCD0;
	s25 =	simm.s32 $0xC440  }
0x78: {  	[tilespmem:s25], [sflag:$0x1] =	stream.indirect.gather [hbm4b:s1+s19], $0x8, s24, s19, $0xb8;
	[tilespmem:$0x16B60] =	vst v63  }
0x79: {  	s26 =	simm.s32 $0xD20;
	s28 =	simm.s32 $0xC6C0  }
0x7a: {  	[tilespmem:s28], [sflag:$0x1] =	stream.indirect.gather [hbm4b:s1+s19], $0x8, s26, s19, $0xb8;
	[tilespmem:$0x16B60] =	vst v63  }
0x7b: {  	s15 =	simm.s32 $0xD70;
	s21 =	simm.s32 $0xC940  }
0x7c: {  	[tilespmem:s21], [sflag:$0x1] =	stream.indirect.gather [hbm4b:s1+s19], $0x8, s15, s19, $0xb8;
	[tilespmem:$0x16B60] =	vst v63  }
0x7d: {  	s22 =	simm.s32 $0xDC0;
	s23 =	simm.s32 $0xCBC0  }
0x7e: {  	[tilespmem:s23], [sflag:$0x1] =	stream.indirect.gather [hbm4b:s1+s19], $0x8, s22, s19, $0xb8;
	[tilespmem:$0x16B60] =	vst v63  }
0x7f: {  	s24 =	simm.s32 $0xE10;
	s25 =	simm.s32 $0xCE40  }
0x80: {  	[tilespmem:s25], [sflag:$0x1] =	stream.indirect.gather [hbm4b:s1+s19], $0x8, s24, s19, $0xb8;
	[tilespmem:$0x16B60] =	vst v63  }
0x81: {  	s26 =	simm.s32 $0xE60;
	s28 =	simm.s32 $0xD0C0  }
0x82: {  	[tilespmem:s28], [sflag:$0x1] =	stream.indirect.gather [hbm4b:s1+s19], $0x8, s26, s19, $0xb8;
	[tilespmem:$0x16B60] =	vst v63  }
0x83: {  	s15 =	simm.s32 $0xEB0;
	s21 =	simm.s32 $0xD340  }
0x84: {  	[tilespmem:s21], [sflag:$0x1] =	stream.indirect.gather [hbm4b:s1+s19], $0x8, s15, s19, $0xb8;
	[tilespmem:$0x16B60] =	vst v63  }
0x85: {  	s22 =	simm.s32 $0xF00;
	s23 =	simm.s32 $0xD5C0  }
0x86: {  	[tilespmem:s23], [sflag:$0x1] =	stream.indirect.gather [hbm4b:s1+s19], $0x8, s22, s19, $0xb8;
	[tilespmem:$0x16B60] =	vst v63  }
0x87: {  	s24 =	simm.s32 $0xF50;
	s25 =	simm.s32 $0xD840  }
0x88: {  	[tilespmem:s25], [sflag:$0x1] =	stream.indirect.gather [hbm4b:s1+s19], $0x8, s24, s19, $0xb8;
	[tilespmem:$0x16B60] =	vst v63  }
0x89: {  	s26 =	rddreg [dreg:$0x9]  }
0x8a: {  	[tilespmem:s29], [sflag:$0x3] =	stream.linear.gather [hbm4b:s26+s6], $0xFA0, $0x38;
	[tilespmem:$0x16B60] =	vst v63  }
0x8b: {  	_ =	swait.ge [sflag:s17], $0xFA0  }
0x8c: {  	[sflag:s17] =	ssyncset.done $0x0  }
.Ltmp2:
0x8d: {  	s28 =	rddreg [dreg:$0xa];
	[sflag:s17] =	ssyncadd.s32 $0xFFFFF060;
	(pc) =	sbr.rel .LBB2_2-.Ltmp2, $4  }
0x8e: {  	[tilespmem:s30], [sflag:$0x3] =	stream.linear.gather [hbm4b:s28+s6], $0xFA0, $0x38;
	[tilespmem:$0x16B60] =	vst v63  }
0x8f: {  	_ =	swait.ge [sflag:s17], $0xFA0  }
0x90: {  	[sflag:s17] =	ssyncset.done $0x0  }
0x91: {  	s12 =	simm.s32 $0x0;
	[sflag:s17] =	ssyncadd.s32 $0xFFFFF060  }
.LBB2_16:
0x92: {  	s12 =	sadd.s32 $0x1, s12  }
0x93: {  	p0 =	sne.s32 s12, $0x4  }
.Ltmp3:
0x94: {  	_ = 	snop;
	(pc) =	sbr.rel @!p0 .LBB2_17-.Ltmp3, $1  }
0x95: {  	_ =	sdelay $0x3  }
.LBB2_2:
0x96: {  	s15 =	sshll.u32 s12, $0x6  }
0x97: {  	s21 =	sor.u32 s7, s15  }
0x98: {  	s13 =	sor.u32 $0x20, s21  }
0x99: {  	p0 =	sgt.u32 s13, $0xF9  }
.Ltmp4:
0x9a: {  	_ = 	snop;
	(pc) =	sbr.rel @p0 .LBB2_4-.Ltmp4, $2  }
0x9b: {  	_ =	sdelay $0x2  }
0x9c: {  	s13 =	smul.u32 $0x1F4, s13  }
0x9d: {  	_ = 	snop  }
0x9e: {  	s22 =	sadd.s32 s3, s13  }
0x9f: {  	[tilespmem:s31], [sflag:$0x4] =	stream.linear.gather [hbm4b:s22+s6], $0xFA0, $0x38;
	[tilespmem:$0x16B60] =	vst v63  }
0xa0: {  	_ =	swait.ge [sflag:s0], $0xFA0  }
0xa1: {  	[sflag:s0] =	ssyncset.done $0x0  }
0xa2: {  	[sflag:s0] =	ssyncadd.s32 $0xFFFFF060  }
0xa3: {  	[tilespmem:s5], [sflag:$0x2] =	stream.indirect.gather [hbm4b:s1+s19], $0x8, s31, s19, $0xb8;
	[tilespmem:$0x16B60] =	vst v63  }
0xa4: {  	s28 =	simm.s32 $0xFF0;
	s23 =	simm.s32 $0xDD40  }
0xa5: {  	[tilespmem:s23], [sflag:$0x2] =	stream.indirect.gather [hbm4b:s1+s19], $0x8, s28, s19, $0xb8;
	[tilespmem:$0x16B60] =	vst v63  }
0xa6: {  	s24 =	simm.s32 $0x1040;
	s25 =	simm.s32 $0xDFC0  }
0xa7: {  	[tilespmem:s25], [sflag:$0x2] =	stream.indirect.gather [hbm4b:s1+s19], $0x8, s24, s19, $0xb8;
	[tilespmem:$0x16B60] =	vst v63  }
0xa8: {  	s26 =	simm.s32 $0x1090;
	s28 =	simm.s32 $0xE240  }
0xa9: {  	[tilespmem:s28], [sflag:$0x2] =	stream.indirect.gather [hbm4b:s1+s19], $0x8, s26, s19, $0xb8;
	[tilespmem:$0x16B60] =	vst v63  }
0xaa: {  	s24 =	simm.s32 $0x10E0;
	s25 =	simm.s32 $0xE4C0  }
0xab: {  	[tilespmem:s25], [sflag:$0x2] =	stream.indirect.gather [hbm4b:s1+s19], $0x8, s24, s19, $0xb8;
	[tilespmem:$0x16B60] =	vst v63  }
0xac: {  	s26 =	simm.s32 $0x1130;
	s28 =	simm.s32 $0xE740  }
0xad: {  	[tilespmem:s28], [sflag:$0x2] =	stream.indirect.gather [hbm4b:s1+s19], $0x8, s26, s19, $0xb8;
	[tilespmem:$0x16B60] =	vst v63  }
0xae: {  	s24 =	simm.s32 $0x1180;
	s25 =	simm.s32 $0xE9C0  }
0xaf: {  	[tilespmem:s25], [sflag:$0x2] =	stream.indirect.gather [hbm4b:s1+s19], $0x8, s24, s19, $0xb8;
	[tilespmem:$0x16B60] =	vst v63  }
0xb0: {  	s26 =	simm.s32 $0x11D0;
	s28 =	simm.s32 $0xEC40  }
0xb1: {  	[tilespmem:s28], [sflag:$0x2] =	stream.indirect.gather [hbm4b:s1+s19], $0x8, s26, s19, $0xb8;
	[tilespmem:$0x16B60] =	vst v63  }
0xb2: {  	s24 =	simm.s32 $0x1220;
	s25 =	simm.s32 $0xEEC0  }
0xb3: {  	[tilespmem:s25], [sflag:$0x2] =	stream.indirect.gather [hbm4b:s1+s19], $0x8, s24, s19, $0xb8;
	[tilespmem:$0x16B60] =	vst v63  }
0xb4: {  	s26 =	simm.s32 $0x1270;
	s28 =	simm.s32 $0xF140  }
0xb5: {  	[tilespmem:s28], [sflag:$0x2] =	stream.indirect.gather [hbm4b:s1+s19], $0x8, s26, s19, $0xb8;
	[tilespmem:$0x16B60] =	vst v63  }
0xb6: {  	s24 =	simm.s32 $0x12C0;
	s25 =	simm.s32 $0xF3C0  }
0xb7: {  	[tilespmem:s25], [sflag:$0x2] =	stream.indirect.gather [hbm4b:s1+s19], $0x8, s24, s19, $0xb8;
	[tilespmem:$0x16B60] =	vst v63  }
0xb8: {  	s26 =	simm.s32 $0x1310;
	s28 =	simm.s32 $0xF640  }
0xb9: {  	[tilespmem:s28], [sflag:$0x2] =	stream.indirect.gather [hbm4b:s1+s19], $0x8, s26, s19, $0xb8;
	[tilespmem:$0x16B60] =	vst v63  }
0xba: {  	s24 =	simm.s32 $0x1360;
	s25 =	simm.s32 $0xF8C0  }
0xbb: {  	[tilespmem:s25], [sflag:$0x2] =	stream.indirect.gather [hbm4b:s1+s19], $0x8, s24, s19, $0xb8;
	[tilespmem:$0x16B60] =	vst v63  }
0xbc: {  	s26 =	simm.s32 $0x13B0;
	s28 =	simm.s32 $0xFB40  }
0xbd: {  	[tilespmem:s28], [sflag:$0x2] =	stream.indirect.gather [hbm4b:s1+s19], $0x8, s26, s19, $0xb8;
	[tilespmem:$0x16B60] =	vst v63  }
0xbe: {  	s24 =	simm.s32 $0x1400;
	s25 =	simm.s32 $0xFDC0  }
0xbf: {  	[tilespmem:s25], [sflag:$0x2] =	stream.indirect.gather [hbm4b:s1+s19], $0x8, s24, s19, $0xb8;
	[tilespmem:$0x16B60] =	vst v63  }
0xc0: {  	s26 =	simm.s32 $0x1450;
	s28 =	simm.s32 $0x10040  }
0xc1: {  	[tilespmem:s28], [sflag:$0x2] =	stream.indirect.gather [hbm4b:s1+s19], $0x8, s26, s19, $0xb8;
	[tilespmem:$0x16B60] =	vst v63  }
0xc2: {  	s24 =	simm.s32 $0x14A0;
	s25 =	simm.s32 $0x102C0  }
0xc3: {  	[tilespmem:s25], [sflag:$0x2] =	stream.indirect.gather [hbm4b:s1+s19], $0x8, s24, s19, $0xb8;
	[tilespmem:$0x16B60] =	vst v63  }
0xc4: {  	s26 =	simm.s32 $0x14F0;
	s28 =	simm.s32 $0x10540  }
0xc5: {  	[tilespmem:s28], [sflag:$0x2] =	stream.indirect.gather [hbm4b:s1+s19], $0x8, s26, s19, $0xb8;
	[tilespmem:$0x16B60] =	vst v63  }
0xc6: {  	s24 =	simm.s32 $0x1540;
	s25 =	simm.s32 $0x107C0  }
0xc7: {  	[tilespmem:s25], [sflag:$0x2] =	stream.indirect.gather [hbm4b:s1+s19], $0x8, s24, s19, $0xb8;
	[tilespmem:$0x16B60] =	vst v63  }
0xc8: {  	s26 =	simm.s32 $0x1590;
	s28 =	simm.s32 $0x10A40  }
0xc9: {  	[tilespmem:s28], [sflag:$0x2] =	stream.indirect.gather [hbm4b:s1+s19], $0x8, s26, s19, $0xb8;
	[tilespmem:$0x16B60] =	vst v63  }
0xca: {  	s24 =	simm.s32 $0x15E0;
	s25 =	simm.s32 $0x10CC0  }
0xcb: {  	[tilespmem:s25], [sflag:$0x2] =	stream.indirect.gather [hbm4b:s1+s19], $0x8, s24, s19, $0xb8;
	[tilespmem:$0x16B60] =	vst v63  }
0xcc: {  	s26 =	simm.s32 $0x1630;
	s28 =	simm.s32 $0x10F40  }
0xcd: {  	[tilespmem:s28], [sflag:$0x2] =	stream.indirect.gather [hbm4b:s1+s19], $0x8, s26, s19, $0xb8;
	[tilespmem:$0x16B60] =	vst v63  }
0xce: {  	s24 =	simm.s32 $0x1680;
	s25 =	simm.s32 $0x111C0  }
0xcf: {  	[tilespmem:s25], [sflag:$0x2] =	stream.indirect.gather [hbm4b:s1+s19], $0x8, s24, s19, $0xb8;
	[tilespmem:$0x16B60] =	vst v63  }
0xd0: {  	s26 =	simm.s32 $0x16D0;
	s28 =	simm.s32 $0x11440  }
0xd1: {  	[tilespmem:s28], [sflag:$0x2] =	stream.indirect.gather [hbm4b:s1+s19], $0x8, s26, s19, $0xb8;
	[tilespmem:$0x16B60] =	vst v63  }
0xd2: {  	s24 =	simm.s32 $0x1720;
	s25 =	simm.s32 $0x116C0  }
0xd3: {  	[tilespmem:s25], [sflag:$0x2] =	stream.indirect.gather [hbm4b:s1+s19], $0x8, s24, s19, $0xb8;
	[tilespmem:$0x16B60] =	vst v63  }
0xd4: {  	s26 =	simm.s32 $0x1770;
	s28 =	simm.s32 $0x11940  }
0xd5: {  	[tilespmem:s28], [sflag:$0x2] =	stream.indirect.gather [hbm4b:s1+s19], $0x8, s26, s19, $0xb8;
	[tilespmem:$0x16B60] =	vst v63  }
0xd6: {  	s24 =	simm.s32 $0x17C0;
	s25 =	simm.s32 $0x11BC0  }
0xd7: {  	[tilespmem:s25], [sflag:$0x2] =	stream.indirect.gather [hbm4b:s1+s19], $0x8, s24, s19, $0xb8;
	[tilespmem:$0x16B60] =	vst v63  }
0xd8: {  	s26 =	simm.s32 $0x1810;
	s28 =	simm.s32 $0x11E40  }
0xd9: {  	[tilespmem:s28], [sflag:$0x2] =	stream.indirect.gather [hbm4b:s1+s19], $0x8, s26, s19, $0xb8;
	[tilespmem:$0x16B60] =	vst v63  }
0xda: {  	s24 =	simm.s32 $0x1860;
	s25 =	simm.s32 $0x120C0  }
0xdb: {  	[tilespmem:s25], [sflag:$0x2] =	stream.indirect.gather [hbm4b:s1+s19], $0x8, s24, s19, $0xb8;
	[tilespmem:$0x16B60] =	vst v63  }
0xdc: {  	s26 =	simm.s32 $0x18B0;
	s28 =	simm.s32 $0x12340  }
0xdd: {  	[tilespmem:s28], [sflag:$0x2] =	stream.indirect.gather [hbm4b:s1+s19], $0x8, s26, s19, $0xb8;
	[tilespmem:$0x16B60] =	vst v63  }
0xde: {  	s24 =	simm.s32 $0x1900;
	s25 =	simm.s32 $0x125C0  }
0xdf: {  	[tilespmem:s25], [sflag:$0x2] =	stream.indirect.gather [hbm4b:s1+s19], $0x8, s24, s19, $0xb8;
	[tilespmem:$0x16B60] =	vst v63  }
0xe0: {  	s26 =	simm.s32 $0x1950;
	s28 =	simm.s32 $0x12840  }
0xe1: {  	[tilespmem:s28], [sflag:$0x2] =	stream.indirect.gather [hbm4b:s1+s19], $0x8, s26, s19, $0xb8;
	[tilespmem:$0x16B60] =	vst v63  }
0xe2: {  	s24 =	simm.s32 $0x19A0;
	s25 =	simm.s32 $0x12AC0  }
0xe3: {  	[tilespmem:s25], [sflag:$0x2] =	stream.indirect.gather [hbm4b:s1+s19], $0x8, s24, s19, $0xb8;
	[tilespmem:$0x16B60] =	vst v63  }
0xe4: {  	s26 =	simm.s32 $0x19F0;
	s28 =	simm.s32 $0x12D40  }
0xe5: {  	[tilespmem:s28], [sflag:$0x2] =	stream.indirect.gather [hbm4b:s1+s19], $0x8, s26, s19, $0xb8;
	[tilespmem:$0x16B60] =	vst v63  }
0xe6: {  	s24 =	simm.s32 $0x1A40;
	s25 =	simm.s32 $0x12FC0  }
0xe7: {  	[tilespmem:s25], [sflag:$0x2] =	stream.indirect.gather [hbm4b:s1+s19], $0x8, s24, s19, $0xb8;
	[tilespmem:$0x16B60] =	vst v63  }
0xe8: {  	s26 =	simm.s32 $0x1A90;
	s28 =	simm.s32 $0x13240  }
0xe9: {  	[tilespmem:s28], [sflag:$0x2] =	stream.indirect.gather [hbm4b:s1+s19], $0x8, s26, s19, $0xb8;
	[tilespmem:$0x16B60] =	vst v63  }
0xea: {  	s24 =	simm.s32 $0x1AE0;
	s25 =	simm.s32 $0x134C0  }
0xeb: {  	[tilespmem:s25], [sflag:$0x2] =	stream.indirect.gather [hbm4b:s1+s19], $0x8, s24, s19, $0xb8;
	[tilespmem:$0x16B60] =	vst v63  }
0xec: {  	s26 =	simm.s32 $0x1B30;
	s28 =	simm.s32 $0x13740  }
0xed: {  	[tilespmem:s28], [sflag:$0x2] =	stream.indirect.gather [hbm4b:s1+s19], $0x8, s26, s19, $0xb8;
	[tilespmem:$0x16B60] =	vst v63  }
0xee: {  	s24 =	simm.s32 $0x1B80;
	s25 =	simm.s32 $0x139C0  }
0xef: {  	[tilespmem:s25], [sflag:$0x2] =	stream.indirect.gather [hbm4b:s1+s19], $0x8, s24, s19, $0xb8;
	[tilespmem:$0x16B60] =	vst v63  }
0xf0: {  	s26 =	simm.s32 $0x1BD0;
	s28 =	simm.s32 $0x13C40  }
0xf1: {  	[tilespmem:s28], [sflag:$0x2] =	stream.indirect.gather [hbm4b:s1+s19], $0x8, s26, s19, $0xb8;
	[tilespmem:$0x16B60] =	vst v63  }
0xf2: {  	s24 =	simm.s32 $0x1C20;
	s25 =	simm.s32 $0x13EC0  }
0xf3: {  	[tilespmem:s25], [sflag:$0x2] =	stream.indirect.gather [hbm4b:s1+s19], $0x8, s24, s19, $0xb8;
	[tilespmem:$0x16B60] =	vst v63  }
0xf4: {  	s26 =	simm.s32 $0x1C70;
	s28 =	simm.s32 $0x14140  }
0xf5: {  	[tilespmem:s28], [sflag:$0x2] =	stream.indirect.gather [hbm4b:s1+s19], $0x8, s26, s19, $0xb8;
	[tilespmem:$0x16B60] =	vst v63  }
0xf6: {  	s24 =	simm.s32 $0x1CC0;
	s25 =	simm.s32 $0x143C0  }
0xf7: {  	[tilespmem:s25], [sflag:$0x2] =	stream.indirect.gather [hbm4b:s1+s19], $0x8, s24, s19, $0xb8;
	[tilespmem:$0x16B60] =	vst v63  }
0xf8: {  	s26 =	simm.s32 $0x1D10;
	s28 =	simm.s32 $0x14640  }
0xf9: {  	[tilespmem:s28], [sflag:$0x2] =	stream.indirect.gather [hbm4b:s1+s19], $0x8, s26, s19, $0xb8;
	[tilespmem:$0x16B60] =	vst v63  }
0xfa: {  	s24 =	simm.s32 $0x1D60;
	s25 =	simm.s32 $0x148C0  }
0xfb: {  	[tilespmem:s25], [sflag:$0x2] =	stream.indirect.gather [hbm4b:s1+s19], $0x8, s24, s19, $0xb8;
	[tilespmem:$0x16B60] =	vst v63  }
0xfc: {  	s26 =	simm.s32 $0x1DB0;
	s28 =	simm.s32 $0x14B40  }
0xfd: {  	[tilespmem:s28], [sflag:$0x2] =	stream.indirect.gather [hbm4b:s1+s19], $0x8, s26, s19, $0xb8;
	[tilespmem:$0x16B60] =	vst v63  }
0xfe: {  	s24 =	simm.s32 $0x1E00;
	s25 =	simm.s32 $0x14DC0  }
0xff: {  	[tilespmem:s25], [sflag:$0x2] =	stream.indirect.gather [hbm4b:s1+s19], $0x8, s24, s19, $0xb8;
	[tilespmem:$0x16B60] =	vst v63  }
0x100: {  	s26 =	simm.s32 $0x1E50;
	s28 =	simm.s32 $0x15040  }
0x101: {  	[tilespmem:s28], [sflag:$0x2] =	stream.indirect.gather [hbm4b:s1+s19], $0x8, s26, s19, $0xb8;
	[tilespmem:$0x16B60] =	vst v63  }
0x102: {  	s24 =	simm.s32 $0x1EA0;
	s25 =	simm.s32 $0x152C0  }
0x103: {  	[tilespmem:s25], [sflag:$0x2] =	stream.indirect.gather [hbm4b:s1+s19], $0x8, s24, s19, $0xb8;
	[tilespmem:$0x16B60] =	vst v63  }
0x104: {  	s26 =	simm.s32 $0x1EF0;
	s28 =	simm.s32 $0x15540  }
0x105: {  	[tilespmem:s28], [sflag:$0x2] =	stream.indirect.gather [hbm4b:s1+s19], $0x8, s26, s19, $0xb8;
	[tilespmem:$0x16B60] =	vst v63  }
0x106: {  	s24 =	sadd.s32 s2, s13;
	s25 =	simm.s32 $0x2EE0  }
0x107: {  	[tilespmem:s25], [sflag:$0x4] =	stream.linear.gather [hbm4b:s24+s6], $0xFA0, $0x38;
	[tilespmem:$0x16B60] =	vst v63  }
0x108: {  	_ =	swait.ge [sflag:s0], $0xFA0  }
0x109: {  	[sflag:s0] =	ssyncset.done $0x0  }
0x10a: {  	s26 =	sadd.s32 s4, s13;
	s28 =	simm.s32 $0x4E20;
	[sflag:s0] =	ssyncadd.s32 $0xFFFFF060  }
0x10b: {  	[tilespmem:s28], [sflag:$0x4] =	stream.linear.gather [hbm4b:s26+s6], $0xFA0, $0x38;
	[tilespmem:$0x16B60] =	vst v63  }
0x10c: {  	_ =	swait.ge [sflag:s0], $0xFA0  }
0x10d: {  	[sflag:s0] =	ssyncset.done $0x0  }
0x10e: {  	[sflag:s0] =	ssyncadd.s32 $0xFFFFF060  }
.LBB2_4:
0x10f: {  	s22 =	simm.s32 $0x0  }
0x110: {  	v2 =	vmov s22  }
0x111: {  	v2 =	vshll.u32 v2, $0x3  }
0x112: {  	v6 =	vor.u32 v0, v2  }
0x113: {  	s25 =	simm.s32 $0x10;
	_ =	swait.ge [sflag:s8], $0x7D00;
	v3 =	vor.u32 $0x2, v6  }
0x114: {  	s26 =	simm.s32 $0x20;
	[sflag:s8] =	ssyncset.done $0x0;
	v2 =	vmov s25;
	v4 =	vor.u32 $0x1, v6  }
0x115: {  	s28 =	simm.s32 $0x1F60;
	v5 =	vmov s26;
	[sflag:s8] =	ssyncadd.s32 $0xFFFF8300;
	v2 =	vshll.u32 v2, $0x3  }
0x116: {  	v19 =	vld [tilespmem:s28+$0x0];
	v10 =	vor.u32 v0, v2;
	v2 =	vshll.u32 v5, $0x3  }
0x117: {  	v12 =	vor.u32 v0, v2;
	v2 =	vor.u32 $0x2, v10;
	v9 =	vld.idx.msk [tilespmem:v6+s20+$0x0], $0xffff  }
0x118: {  	v11 =	vld.idx.msk [tilespmem:v3+s20+$0x0], $0xffff  }
0x119: {  	v13 =	vld.idx.msk [tilespmem:v4+s20+$0x0], $0xffff  }
0x11a: {  	s23 =	simm.s32 $0x30;
	v3 =	vld [tilespmem:s28+$0x10]  }
0x11b: {  	v5 =	vmov s23;
	v16 =	vor.u32 $0x1, v12;
	v14 =	vld.idx.msk [tilespmem:v10+s20+$0x0], $0xffff  }
0x11c: {  	v4 =	vor.u32 $0x1, v10;
	v17 =	vld.idx.msk [tilespmem:v2+s20+$0x0], $0xffff;
	v2 =	vshll.u32 v5, $0x3  }
0x11d: {  	v5 =	vld [tilespmem:s28+$0xFFFFFFE0];
	v7 =	vor.u32 v0, v2  }
0x11e: {  	v15 =	vld.idx.msk [tilespmem:v12+s20+$0x0], $0xffff;
	v18 =	vor.u32 $0x1, v7  }
0x11f: {  	v2 =	vld [tilespmem:s28+$0xFFFFFFF0];
	v21 =	vor.u32 $0x2, v7  }
0x120: {  	v16 =	vld.idx.msk [tilespmem:v16+s20+$0x0], $0xffff;
	v8 =	vshll.u32 v3, $0x3  }
0x121: {  	v20 =	vld.idx.msk [tilespmem:v4+s20+$0x0], $0xffff;
	v3 =	vor.u32 $0x1, v8  }
0x122: {  	v23 =	vor.u32 $0x2, v8;
	v5 =	vshll.u32 v5, $0x3;
	v22 =	vld.idx.msk [tilespmem:v7+s20+$0x0], $0xffff  }
0x123: {  	v24 =	vor.u32 $0x1, v5;
	v18 =	vld.idx.msk [tilespmem:v18+s20+$0x0], $0xffff  }
0x124: {  	v4 =	vshll.u32 v2, $0x3;
	v21 =	vld.idx.msk [tilespmem:v21+s20+$0x0], $0xffff  }
0x125: {  	v2 =	vshll.u32 v19, $0x3;
	v28 =	vor.u32 $0x2, v5;
	v19 =	vld.idx.msk [tilespmem:v8+s16+$0x0], $0xffff  }
0x126: {  	s24 =	simm.s32 $0x50;
	v25 =	vor.u32 $0x1, v4;
	v3 =	vld.idx.msk [tilespmem:v3+s16+$0x0], $0xffff  }
0x127: {  	v32 =	vmov s24;
	v26 =	vor.u32 $0x1, v2;
	v23 =	vld.idx.msk [tilespmem:v23+s16+$0x0], $0xffff  }
0x128: {  	s24 =	simm.s32 $0x70;
	v32 =	vshll.u32 v32, $0x3;
	s23 =	simm.s32 $0x40;
	v24 =	vld.idx.msk [tilespmem:v24+s16+$0x0], $0xffff  }
0x129: {  	v50 =	vmov s24;
	v35 =	vor.u32 $0x3, v6;
	v29 =	vmov s23;
	v33 =	vld.idx.msk [tilespmem:v4+s16+$0x0], $0xffff  }
0x12a: {  	v27 =	vor.u32 $0x2, v12;
	v29 =	vshll.u32 v29, $0x3;
	v10 =	vor.u32 $0x3, v10;
	v6 =	vld.idx.msk [tilespmem:v28+s16+$0x0], $0xffff  }
0x12b: {  	s25 =	simm.s32 $0x60;
	v12 =	vor.u32 $0x3, v12;
	v25 =	vld.idx.msk [tilespmem:v25+s16+$0x0], $0xffff;
	v19 =	vsub.f32 v22, v19;
	v18 =	vsub.f32 v18, v3  }
0x12c: {  	v30 =	vor.u32 $0x2, v4;
	v26 =	vld.idx.msk [tilespmem:v26+s16+$0x0], $0xffff;
	v22 =	vmov s25;
	v3 =	vor.u32 v0, v29  }
0x12d: {  	v29 =	vld.idx.msk [tilespmem:v5+s16+$0x0], $0xffff;
	v21 =	vsub.f32 v21, v23;
	v19 =	vmul.f32 v19, v19;
	v18 =	vmul.f32 v18, v18  }
0x12e: {  	v36 =	vor.u32 $0x3, v7;
	v31 =	vor.u32 $0x2, v2;
	v22 =	vshll.u32 v22, $0x3;
	v23 =	vld.idx.msk [tilespmem:v2+s16+$0x0], $0xffff  }
0x12f: {  	v13 =	vsub.f32 v13, v24;
	v18 =	vadd.f32 v18, v19;
	v19 =	vmul.f32 v21, v21  }
0x130: {  	v34 =	vor.u32 $0x2, v3;
	v14 =	vsub.f32 v14, v33;
	v6 =	vsub.f32 v11, v6  }
0x131: {  	v62 =	vor.u32 $0x3, v3;
	v20 =	vsub.f32 v20, v25;
	v21 =	vld.idx.msk [tilespmem:v30+s16+$0x0], $0xffff;
	v18 =	vadd.f32 v19, v18  }
0x132: {  	v16 =	vsub.f32 v16, v26;
	v25 =	vld.idx.msk [tilespmem:v27+s20+$0x0], $0xffff;
	v13 =	vmul.f32 v13, v13;
	v11 =	vmul.f32 v14, v14  }
0x133: {  	v9 =	vsub.f32 v9, v29;
	v15 =	vsub.f32 v15, v23;
	v19 =	vld.idx.msk [tilespmem:v31+s16+$0x0], $0xffff;
	v23 =	vmax.f32 v18, $9.999999960e-13  }
0x134: {  	s26 =	simm.s32 $0x3EA0;
	v6 =	vmul.f32 v6, v6;
	v26 =	vshra.s32 v23, $0x1;
	v23 =	vmul.f32 $5.000000000e-01, v23  }
0x135: {  	v20 =	vmul.f32 v20, v20;
	v29 =	vld [tilespmem:s26+$0x10];
	v9 =	vmul.f32 v9, v9;
	v14 =	vsub.s32 $0x5F3759DF, v26  }
0x136: {  	v16 =	vmul.f32 v16, v16;
	v17 =	vsub.f32 v17, v21;
	v21 =	vmul.f32 v14, v23  }
0x137: {  	v11 =	vadd.f32 v20, v11;
	v9 =	vadd.f32 v13, v9;
	v13 =	vmul.f32 v15, v15  }
0x138: {  	v15 =	vsub.f32 v25, v19;
	v17 =	vmul.f32 v17, v17;
	v19 =	vmul.f32 v14, v21  }
0x139: {  	v24 =	vor.u32 $0x1, v3;
	v20 =	vadd.f32 v6, v9;
	v13 =	vadd.f32 v16, v13  }
0x13a: {  	v7 =	vand.u32 $0xFFFFFFF8, v29;
	v16 =	vadd.f32 v17, v11;
	v17 =	vsub.f32 $1.500000000e+00, v19  }
0x13b: {  	v37 =	vand.u32 $0x7, v29;
	vm0 =	veq.s32 v29, $0x0;
	v15 =	vmul.f32 v15, v15  }
0x13c: {  	v9 =	vor.u32 v0, v22;
	v19 =	vmax.f32 v20, $9.999999960e-13;
	v14 =	vmul.f32 v14, v17  }
0x13d: {  	v11 =	vadd.f32 v15, v13;
	v15 =	vmax.f32 v16, $9.999999960e-13;
	v13 =	vshra.s32 v19, $0x1  }
0x13e: {  	v17 =	vmul.f32 $5.000000000e-01, v19;
	v19 =	vshra.s32 v15, $0x1;
	v25 =	vmul.f32 v14, v23  }
0x13f: {  	v21 =	vmax.f32 v11, $9.999999960e-13;
	v15 =	vmul.f32 $5.000000000e-01, v15;
	v13 =	vsub.s32 $0x5F3759DF, v13  }
0x140: {  	v19 =	vsub.s32 $0x5F3759DF, v19;
	v26 =	vmul.f32 v13, v17;
	v25 =	vmul.f32 v25, v14  }
0x141: {  	v22 =	vshra.s32 v21, $0x1;
	v21 =	vmul.f32 $5.000000000e-01, v21;
	v27 =	vmul.f32 v19, v15  }
0x142: {  	v22 =	vsub.s32 $0x5F3759DF, v22;
	v26 =	vmul.f32 v13, v26;
	v25 =	vsub.f32 $1.500000000e+00, v25  }
0x143: {  	v6 =	vor.u32 v0, v32;
	v28 =	vmul.f32 v22, v21;
	v27 =	vmul.f32 v19, v27  }
0x144: {  	v7 =	vadd.s32 v8, v7;
	v26 =	vsub.f32 $1.500000000e+00, v26;
	v14 =	vmul.f32 v25, v14  }
0x145: {  	v35 =	vld.idx.msk [tilespmem:v35+s20+$0x0], $0xffff;
	v29 =	vsel vm0, $0x3E2AAAAB, v1;
	v28 =	vmul.f32 v22, v28;
	v25 =	vsub.f32 $1.500000000e+00, v27  }
0x146: {  	v30 =	vor.u32 $0x2, v6;
	v27 =	vld [tilespmem:s26+$0xFFFFFFE0];
	v13 =	vmul.f32 v13, v26;
	v23 =	vmul.f32 v14, v23  }
0x147: {  	s28 =	simm.s32 $0x1FA0;
	v31 =	vor.u32 $0x2, v9;
	v28 =	vsub.f32 $1.500000000e+00, v28;
	v26 =	vld [tilespmem:s26+$0xFFFFFFF0];
	v19 =	vmul.f32 v19, v25  }
0x148: {  	v48 =	vld [tilespmem:s28+$0x10];
	v32 =	vor.u32 $0x1, v6;
	v38 =	vmul.f32 v13, v17;
	v23 =	vmul.f32 v23, v14  }
0x149: {  	v51 =	vld [tilespmem:s28+$0xFFFFFFF0];
	v44 =	vor.u32 $0x1, v9;
	v22 =	vmul.f32 v22, v28;
	v45 =	vmul.f32 v19, v15  }
0x14a: {  	v52 =	vld [tilespmem:s28+$0x0];
	v28 =	vor.u32 v37, v7;
	v38 =	vmul.f32 v38, v13;
	v23 =	vsub.f32 $1.500000000e+00, v23  }
0x14b: {  	v36 =	vld.idx.msk [tilespmem:v36+s20+$0x0], $0xffff;
	v40 =	vmul.f32 v22, v21;
	v39 =	vand.u32 $0xFFFFFFF8, v27;
	v37 =	vmul.f32 v45, v19  }
0x14c: {  	v24 =	vld.idx.msk [tilespmem:v24+s20+$0x0], $0xffff;
	v46 =	vand.u32 $0xFFFFFFF8, v26;
	v14 =	vmul.f32 v23, v14;
	v23 =	vsub.f32 $1.500000000e+00, v38  }
0x14d: {  	v8 =	vld.idx.msk [tilespmem:v3+s20+$0x0], $0xffff;
	v47 =	vmul.f32 v40, v22;
	vm14 =	veq.s32 v27, $0x0;
	v37 =	vsub.f32 $1.500000000e+00, v37  }
0x14e: {  	v31 =	vld.idx.msk [tilespmem:v31+s20+$0x0], $0xffff;
	vm1 =	veq.s32 v26, $0x0;
	v14 =	vmul.f32 v14, v18;
	v13 =	vmul.f32 v23, v13  }
0x14f: {  	v5 =	vadd.s32 v5, v39;
	v28 =	vld.idx.msk [tilespmem:v28+s18+$0x0], $0xffff;
	v23 =	vsub.f32 $1.500000000e+00, v47;
	v19 =	vmul.f32 v37, v19  }
0x150: {  	v32 =	vld.idx.msk [tilespmem:v32+s20+$0x0], $0xffff;
	v4 =	vadd.s32 v4, v46;
	v14 =	vmul.f32 v14, v29;
	v17 =	vmul.f32 v13, v17  }
0x151: {  	v38 =	vshll.u32 v50, $0x3;
	v29 =	vld.idx.msk [tilespmem:v10+s20+$0x0], $0xffff;
	v22 =	vmul.f32 v23, v22;
	v10 =	vmul.f32 v19, v15  }
0x152: {  	v15 =	vand.u32 $0x7, v27;
	v23 =	vld.idx.msk [tilespmem:v12+s20+$0x0], $0xffff;
	v12 =	vadd.f32 v14, v36;
	v14 =	vmul.f32 v17, v13  }
0x153: {  	v7 =	vld.idx.msk [tilespmem:v34+s20+$0x0], $0xffff;
	v5 =	vor.u32 v15, v5;
	v21 =	vmul.f32 v22, v21;
	v10 =	vmul.f32 v10, v19  }
0x154: {  	v17 =	vand.u32 $0x7, v26;
	v12 =	vadd.f32 v12, v28;
	v28 =	vld [tilespmem:s28+$0xFFFFFFE0];
	v14 =	vsub.f32 $1.500000000e+00, v14  }
0x155: {  	v25 =	vld [tilespmem:s26+$0x0];
	v21 =	vmul.f32 v21, v22;
	v15 =	vsub.f32 $1.500000000e+00, v10;
	v10 =	vor.u32 v0, v38  }
0x156: {  	v18 =	vld.idx.msk [tilespmem:v6+s20+$0x0], $0xffff;
	v4 =	vor.u32 v17, v4;
	v17 =	vshll.u32 v48, $0x3;
	v13 =	vmul.f32 v14, v13  }
0x157: {  	v37 =	vld.idx.msk [tilespmem:v9+s20+$0x0], $0xffff;
	v27 =	vsel vm1, $0x3E2AAAAB, v1;
	v56 =	vor.u32 $0x2, v17;
	v14 =	vsub.f32 $1.500000000e+00, v21  }
0x158: {  	v21 =	vor.u32 $0x1, v10;
	v15 =	vmul.f32 v15, v19;
	v5 =	vld.idx.msk [tilespmem:v5+s18+$0x0], $0xffff;
	v20 =	vmul.f32 v13, v20  }
0x159: {  	v14 =	vmul.f32 v14, v22;
	v22 =	vld.idx.msk [tilespmem:v44+s20+$0x0], $0xffff;
	v13 =	vshll.u32 v28, $0x3;
	v28 =	vor.u32 $0x1, v17  }
0x15a: {  	v54 =	vor.u32 $0x2, v10;
	v16 =	vmul.f32 v15, v16;
	v15 =	vshll.u32 v51, $0x3;
	v55 =	vld.idx.msk [tilespmem:v10+s20+$0x0], $0xffff  }
0x15b: {  	s26 =	simm.s32 $0x90;
	v19 =	vshll.u32 v52, $0x3;
	v39 =	vor.u32 $0x1, v15;
	v11 =	vmul.f32 v14, v11;
	v14 =	vld.idx.msk [tilespmem:v17+s16+$0x0], $0xffff  }
0x15c: {  	v59 =	vmov s26;
	v43 =	vor.u32 $0x1, v19;
	v16 =	vmul.f32 v16, v27;
	v27 =	vld.idx.msk [tilespmem:v56+s16+$0x0], $0xffff  }
0x15d: {  	v34 =	vshll.u32 v59, $0x3;
	v41 =	vand.u32 $0xFFFFFFF8, v25;
	vm2 =	veq.s32 v25, $0x0;
	v21 =	vld.idx.msk [tilespmem:v21+s20+$0x0], $0xffff  }
0x15e: {  	v49 =	vand.u32 $0x7, v25;
	v58 =	vsel vm2, $0x3E2AAAAB, v1;
	v53 =	vor.u32 $0x1, v13;
	v26 =	vld.idx.msk [tilespmem:v28+s16+$0x0], $0xffff  }
0x15f: {  	v25 =	vsel vm14, $0x3E2AAAAB, v1;
	v2 =	vadd.s32 v2, v41;
	s28 =	simm.s32 $0xA0;
	v11 =	vmul.f32 v11, v58;
	v28 =	vld.idx.msk [tilespmem:v54+s20+$0x0], $0xffff  }
0x160: {  	v60 =	vmov s28;
	v20 =	vmul.f32 v20, v25;
	v16 =	vadd.f32 v16, v29;
	v29 =	vld.idx.msk [tilespmem:v39+s16+$0x0], $0xffff  }
0x161: {  	v52 =	vor.u32 $0x3, v9;
	v44 =	vor.u32 $0x2, v19;
	v11 =	vadd.f32 v11, v23;
	v23 =	vld.idx.msk [tilespmem:v43+s16+$0x0], $0xffff  }
0x162: {  	s25 =	simm.s32 $0x80;
	v57 =	vor.u32 $0x2, v13;
	v25 =	vor.u32 v49, v2;
	v20 =	vadd.f32 v20, v35;
	v61 =	vld.idx.msk [tilespmem:v13+s16+$0x0], $0xffff  }
0x163: {  	v2 =	vmov s25;
	v33 =	vld.idx.msk [tilespmem:v53+s16+$0x0], $0xffff;
	v14 =	vsub.f32 v55, v14;
	v26 =	vsub.f32 v21, v26  }
0x164: {  	v42 =	vor.u32 $0x2, v15;
	v2 =	vshll.u32 v2, $0x3;
	v21 =	vadd.f32 v20, v5;
	v5 =	vld.idx.msk [tilespmem:v15+s16+$0x0], $0xffff  }
0x165: {  	v14 =	vmul.f32 v14, v14;
	v20 =	vsub.f32 v28, v27;
	v27 =	vld.idx.msk [tilespmem:v19+s16+$0x0], $0xffff;
	v26 =	vmul.f32 v26, v26  }
0x166: {  	v51 =	vor.u32 $0x3, v6;
	v2 =	vor.u32 v0, v2;
	v22 =	vsub.f32 v22, v23;
	v23 =	vld.idx.msk [tilespmem:v44+s16+$0x0], $0xffff  }
0x167: {  	v30 =	vld.idx.msk [tilespmem:v30+s20+$0x0], $0xffff;
	v29 =	vsub.f32 v32, v29;
	v20 =	vmul.f32 v20, v20;
	v14 =	vadd.f32 v26, v14  }
0x168: {  	v35 =	vshll.u32 v60, $0x3;
	v8 =	vsub.f32 v8, v61;
	v3 =	vsub.f32 v24, v33;
	v24 =	vld.idx.msk [tilespmem:v57+s16+$0x0], $0xffff  }
0x169: {  	v63 =	vor.u32 $0x1, v2;
	v29 =	vmul.f32 v29, v29;
	v26 =	vld.idx.msk [tilespmem:v42+s16+$0x0], $0xffff;
	v48 =	vadd.f32 v20, v14  }
0x16a: {  	v8 =	vmul.f32 v8, v8;
	v33 =	vmul.f32 v3, v3;
	v5 =	vsub.f32 v18, v5  }
0x16b: {  	v18 =	vsub.f32 v37, v27;
	v23 =	vsub.f32 v31, v23;
	v20 =	vmax.f32 v48, $9.999999960e-13  }
0x16c: {  	s23 =	simm.s32 $0x3EE0;
	v4 =	vld.idx.msk [tilespmem:v4+s18+$0x0], $0xffff;
	v14 =	vmul.f32 v22, v22;
	v22 =	vshra.s32 v20, $0x1;
	v49 =	vmul.f32 $5.000000000e-01, v20  }
0x16d: {  	v53 =	vld [tilespmem:s23+$0x10];
	v7 =	vsub.f32 v7, v24;
	v5 =	vmul.f32 v5, v5;
	v20 =	vsub.s32 $0x5F3759DF, v22  }
0x16e: {  	v18 =	vmul.f32 v18, v18;
	v24 =	vsub.f32 v30, v26;
	v22 =	vld.idx.msk [tilespmem:v25+s18+$0x0], $0xffff;
	v25 =	vmul.f32 v20, v49  }
0x16f: {  	v8 =	vadd.f32 v33, v8;
	v7 =	vmul.f32 v7, v7;
	v5 =	vadd.f32 v29, v5  }
0x170: {  	v14 =	vadd.f32 v14, v18;
	v24 =	vmul.f32 v24, v24;
	v18 =	vmul.f32 v20, v25  }
0x171: {  	v23 =	vmul.f32 v23, v23;
	v29 =	vadd.f32 v16, v4;
	v7 =	vadd.f32 v7, v8  }
0x172: {  	v28 =	vor.u32 $0x2, v2;
	v8 =	vadd.f32 v24, v5;
	v16 =	vsub.f32 $1.500000000e+00, v18  }
0x173: {  	vm15 =	veq.s32 v53, $0x0;
	v5 =	vadd.f32 v23, v14;
	v18 =	vmax.f32 v7, $9.999999960e-13  }
0x174: {  	v22 =	vadd.f32 v11, v22;
	v14 =	vmax.f32 v8, $9.999999960e-13;
	v16 =	vmul.f32 v20, v16  }
0x175: {  	v23 =	vmax.f32 v5, $9.999999960e-13;
	v11 =	vshra.s32 v18, $0x1;
	v18 =	vmul.f32 $5.000000000e-01, v18  }
0x176: {  	v24 =	vmul.f32 $5.000000000e-01, v14;
	v20 =	vshra.s32 v14, $0x1;
	v25 =	vmul.f32 v16, v49  }
0x177: {  	v14 =	vshra.s32 v23, $0x1;
	v30 =	vsub.s32 $0x5F3759DF, v11;
	v31 =	vsub.s32 $0x5F3759DF, v20  }
0x178: {  	v11 =	vmul.f32 v30, v18;
	v50 =	vsub.s32 $0x5F3759DF, v14;
	v14 =	vmul.f32 v25, v16  }
0x179: {  	v3 =	vor.u32 v0, v34;
	v23 =	vmul.f32 $5.000000000e-01, v23;
	v6 =	vmul.f32 v31, v24  }
0x17a: {  	v54 =	vor.u32 $0x2, v3;
	v11 =	vmul.f32 v30, v11;
	v9 =	vsub.f32 $1.500000000e+00, v14  }
0x17b: {  	v4 =	vor.u32 v0, v35;
	v20 =	vmul.f32 v50, v23;
	v6 =	vmul.f32 v31, v6  }
0x17c: {  	v26 =	vor.u32 $0x1, v3;
	v25 =	vsub.f32 $1.500000000e+00, v11;
	v55 =	vmul.f32 v9, v16  }
0x17d: {  	v27 =	vor.u32 $0x1, v4;
	v14 =	vmul.f32 v50, v20;
	v6 =	vsub.f32 $1.500000000e+00, v6  }
0x17e: {  	s22 =	simm.s32 $0x157E0;
	v11 =	vld [tilespmem:s23+$0xFFFFFFE0];
	v30 =	vmul.f32 v30, v25;
	v25 =	vor.u32 $0x3, v10;
	v9 =	vmul.f32 v55, v49  }
0x17f: {  	[tilespmem:s22+$0x10] =	vst v12;
	v12 =	vld.idx.msk [tilespmem:v3+s20+$0x0], $0xffff;
	v56 =	vsub.f32 $1.500000000e+00, v14;
	v57 =	vmul.f32 v31, v6;
	v6 =	vand.u32 $0xFFFFFFF8, v53  }
0x180: {  	v20 =	vor.u32 $0x2, v4;
	v14 =	vld [tilespmem:s23+$0xFFFFFFF0];
	v6 =	vadd.s32 v17, v6;
	v17 =	vmul.f32 v9, v55  }
0x181: {  	s24 =	simm.s32 $0x1FE0;
	v10 =	vand.u32 $0x7, v53;
	v16 =	vld [tilespmem:s23+$0x0];
	v31 =	vmul.f32 v30, v18;
	v33 =	vmul.f32 v50, v56  }
0x182: {  	[tilespmem:s22+$0x0] =	vst v22;
	v22 =	vld [tilespmem:s24+$0x10];
	v58 =	vor.u32 v10, v6;
	v60 =	vmul.f32 v57, v24;
	v17 =	vsub.f32 $1.500000000e+00, v17  }
0x183: {  	v59 =	vand.u32 $0xFFFFFFF8, v11;
	v6 =	vld.idx.msk [tilespmem:v28+s20+$0x0], $0xffff;
	v28 =	vmul.f32 v31, v30;
	v61 =	vmul.f32 v33, v23  }
0x184: {  	v43 =	vmul.f32 v60, v57;
	v46 =	vld.idx.msk [tilespmem:v25+s20+$0x0], $0xffff;
	v25 =	vadd.s32 v13, v59;
	v41 =	vmul.f32 v17, v55  }
0x185: {  	v10 =	vld.idx.msk [tilespmem:v62+s20+$0x0], $0xffff;
	v31 =	vand.u32 $0xFFFFFFF8, v14;
	v13 =	vsub.f32 $1.500000000e+00, v28;
	v28 =	vmul.f32 v61, v33  }
0x186: {  	v9 =	vld.idx.msk [tilespmem:v2+s20+$0x0], $0xffff;
	v45 =	vand.u32 $0xFFFFFFF8, v16;
	v62 =	vsub.f32 $1.500000000e+00, v43;
	v36 =	vmul.f32 v41, v48  }
0x187: {  	v42 =	vld.idx.msk [tilespmem:v58+s18+$0x0], $0xffff;
	v32 =	vmul.f32 v13, v30;
	v30 =	vsel vm15, $0x3E2AAAAB, v1;
	v28 =	vsub.f32 $1.500000000e+00, v28  }
0x188: {  	v31 =	vadd.s32 v15, v31;
	v13 =	vld.idx.msk [tilespmem:v4+s20+$0x0], $0xffff;
	v34 =	vmul.f32 v62, v57;
	v15 =	vmul.f32 v36, v30  }
0x189: {  	v37 =	vand.u32 $0x7, v14;
	v17 =	vld.idx.msk [tilespmem:v63+s20+$0x0], $0xffff;
	v63 =	vmul.f32 v32, v18;
	v33 =	vmul.f32 v28, v33  }
0x18a: {  	[tilespmem:s22+$0xFFFFFFE0] =	vst v21;
	v35 =	vand.u32 $0x7, v16;
	v18 =	vld.idx.msk [tilespmem:v51+s20+$0x0], $0xffff;
	v21 =	vmul.f32 v34, v24;
	v28 =	vadd.f32 v15, v46  }
0x18b: {  	v24 =	vmul.f32 v63, v32;
	v30 =	vadd.s32 v19, v45;
	v19 =	vld.idx.msk [tilespmem:v52+s20+$0x0], $0xffff;
	v23 =	vmul.f32 v33, v23  }
0x18c: {  	s26 =	simm.s32 $0xB0;
	s25 =	simm.s32 $0xC0;
	[tilespmem:s22+$0xFFFFFFF0] =	vst v29;
	v36 =	vand.u32 $0x7, v11;
	v38 =	vmul.f32 v21, v34;
	v15 =	vld.idx.msk [tilespmem:v54+s20+$0x0], $0xffff;
	v21 =	vadd.f32 v28, v42  }
.LBB2_5:
0x18d: {  	p1 =	slt.u32 s25, $0xF40;
	v28 =	vld [tilespmem:s24+$0xFFFFFFE0];
	v29 =	vmov s26;
	v39 =	vsub.f32 $1.500000000e+00, v24;
	v23 =	vmul.f32 v23, v33;
	s22 =	sadd.s32 $0x40, s22  }
0x18e: {  	v40 =	vld [tilespmem:s24+$0xFFFFFFF0];
	v24 =	vshll.u32 v29, $0x3;
	v29 =	vor.u32 v36, v25;
	v25 =	vsub.f32 $1.500000000e+00, v38;
	[tilespmem:s22+$0x10] =	vst v21  }
0x18f: {  	v21 =	vld [tilespmem:s24+$0x0];
	v24 =	vor.u32 v0, v24;
	v32 =	vmul.f32 v39, v32;
	v23 =	vsub.f32 $1.500000000e+00, v23  }
0x190: {  	v31 =	vor.u32 v37, v31;
	v20 =	vld.idx.msk [tilespmem:v20+s20+$0x0], $0xffff;
	v36 =	vor.u32 $0x1, v24;
	v34 =	vmul.f32 v25, v34  }
0x191: {  	v26 =	vld.idx.msk [tilespmem:v26+s20+$0x0], $0xffff;
	v25 =	vshll.u32 v22, $0x3;
	v7 =	vmul.f32 v32, v7;
	v32 =	vmul.f32 v23, v33  }
0x192: {  	v23 =	vshll.u32 v28, $0x3;
	v27 =	vld.idx.msk [tilespmem:v27+s20+$0x0], $0xffff;
	v28 =	vor.u32 $0x1, v25;
	v8 =	vmul.f32 v34, v8  }
0x193: {  	v34 =	vor.u32 $0x2, v24;
	v33 =	vor.u32 $0x1, v23;
	v22 =	vshll.u32 v40, $0x3;
	v29 =	vld.idx.msk [tilespmem:v29+s18+$0x0], $0xffff  }
0x194: {  	v39 =	vor.u32 $0x2, v25;
	v37 =	vor.u32 $0x1, v22;
	v21 =	vshll.u32 v21, $0x3;
	v38 =	vld.idx.msk [tilespmem:v24+s20+$0x0], $0xffff  }
0x195: {  	v40 =	vor.u32 $0x2, v23;
	v41 =	vor.u32 $0x2, v22;
	v42 =	vor.u32 $0x1, v21;
	v36 =	vld.idx.msk [tilespmem:v36+s20+$0x0], $0xffff  }
0x196: {  	v30 =	vor.u32 v35, v30;
	v5 =	vmul.f32 v32, v5;
	v43 =	vor.u32 $0x2, v21;
	v44 =	vld.idx.msk [tilespmem:v25+s16+$0x0], $0xffff  }
0x197: {  	vm0 =	veq.s32 v11, $0x0;
	vm1 =	veq.s32 v14, $0x0;
	vm2 =	veq.s32 v16, $0x0;
	v28 =	vld.idx.msk [tilespmem:v28+s16+$0x0], $0xffff  }
0x198: {  	v14 =	vsel vm0, $0x3E2AAAAB, v1;
	v16 =	vsel vm1, $0x3E2AAAAB, v1;
	v32 =	vsel vm2, $0x3E2AAAAB, v1;
	v11 =	vld.idx.msk [tilespmem:v34+s20+$0x0], $0xffff  }
0x199: {  	v7 =	vmul.f32 v7, v14;
	v8 =	vmul.f32 v8, v16;
	v34 =	vld.idx.msk [tilespmem:v39+s16+$0x0], $0xffff  }
0x19a: {  	v14 =	vmov s25;
	v5 =	vmul.f32 v5, v32;
	v16 =	vld.idx.msk [tilespmem:v33+s16+$0x0], $0xffff  }
0x19b: {  	s26 =	sadd.s32 $0x10, s25;
	s28 =	sadd.s32 $0x20, s25;
	v14 =	vshll.u32 v14, $0x3;
	v7 =	vadd.f32 v7, v10;
	v8 =	vadd.f32 v8, v18;
	v32 =	vld.idx.msk [tilespmem:v37+s16+$0x0], $0xffff  }
0x19c: {  	v10 =	vmov s26;
	v18 =	vmov s28;
	v35 =	vadd.f32 v5, v19;
	v33 =	vld.idx.msk [tilespmem:v42+s16+$0x0], $0xffff  }
0x19d: {  	v5 =	vor.u32 v0, v14;
	v19 =	vsub.f32 v38, v44;
	v28 =	vsub.f32 v36, v28;
	v14 =	vld.idx.msk [tilespmem:v23+s16+$0x0], $0xffff  }
0x19e: {  	v10 =	vshll.u32 v10, $0x3;
	v7 =	vadd.f32 v7, v29;
	v36 =	vshll.u32 v18, $0x3;
	v37 =	vld.idx.msk [tilespmem:v22+s16+$0x0], $0xffff  }
0x19f: {  	v19 =	vmul.f32 v19, v19;
	v11 =	vsub.f32 v11, v34;
	v28 =	vmul.f32 v28, v28;
	v29 =	vld.idx.msk [tilespmem:v21+s16+$0x0], $0xffff  }
0x1a0: {  	v18 =	vor.u32 $0x2, v5;
	v34 =	vor.u32 $0x3, v2;
	v2 =	vmovc v5;
	v16 =	vsub.f32 v17, v16;
	v38 =	vld.idx.msk [tilespmem:v40+s16+$0x0], $0xffff;
	[tilespmem:s22+$0xFFFFFFE0] =	vst v7  }
0x1a1: {  	v7 =	vsub.f32 v26, v32;
	v19 =	vadd.f32 v28, v19;
	v11 =	vmul.f32 v11, v11;
	v5 =	vld.idx.msk [tilespmem:v41+s16+$0x0], $0xffff  }
0x1a2: {  	v17 =	vor.u32 $0x1, v2;
	v16 =	vmul.f32 v16, v16;
	v27 =	vsub.f32 v27, v33;
	v26 =	vld.idx.msk [tilespmem:v43+s16+$0x0], $0xffff  }
0x1a3: {  	v9 =	vsub.f32 v9, v14;
	v7 =	vmul.f32 v7, v7;
	v19 =	vadd.f32 v11, v19;
	v11 =	vld.idx.msk [tilespmem:v31+s18+$0x0], $0xffff  }
0x1a4: {  	v10 =	vor.u32 v0, v10;
	v12 =	vsub.f32 v12, v37;
	v14 =	vmul.f32 v27, v27;
	v27 =	vld.idx.msk [tilespmem:v30+s18+$0x0], $0xffff  }
0x1a5: {  	v9 =	vmul.f32 v9, v9;
	v13 =	vsub.f32 v13, v29;
	v28 =	vmax.f32 v19, $9.999999960e-13  }
0x1a6: {  	v12 =	vmul.f32 v12, v12;
	v29 =	vshra.s32 v28, $0x1;
	v28 =	vmul.f32 $5.000000000e-01, v28  }
0x1a7: {  	v6 =	vsub.f32 v6, v38;
	v13 =	vmul.f32 v13, v13;
	v29 =	vsub.s32 $0x5F3759DF, v29  }
0x1a8: {  	v5 =	vsub.f32 v15, v5;
	v15 =	vsub.f32 v20, v26;
	v20 =	vmul.f32 v29, v28  }
0x1a9: {  	v9 =	vadd.f32 v16, v9;
	v6 =	vmul.f32 v6, v6;
	v12 =	vadd.f32 v7, v12  }
0x1aa: {  	v5 =	vmul.f32 v5, v5;
	v13 =	vadd.f32 v14, v13;
	v14 =	vmul.f32 v29, v20  }
0x1ab: {  	v7 =	vadd.f32 v6, v9;
	v6 =	vmul.f32 v15, v15;
	v9 =	vadd.f32 v8, v11  }
0x1ac: {  	v11 =	vor.u32 v0, v36;
	v8 =	vadd.f32 v5, v12;
	v12 =	vsub.f32 $1.500000000e+00, v14  }
0x1ad: {  	v14 =	vmax.f32 v7, $9.999999960e-13;
	v5 =	vadd.f32 v6, v13;
	v6 =	vadd.f32 v35, v27;
	[tilespmem:s22+$0xFFFFFFF0] =	vst v9  }
0x1ae: {  	v13 =	vmax.f32 v8, $9.999999960e-13;
	v9 =	vshra.s32 v14, $0x1;
	v12 =	vmul.f32 v29, v12  }
0x1af: {  	v15 =	vmul.f32 $5.000000000e-01, v14;
	v14 =	vshra.s32 v13, $0x1;
	v16 =	vmax.f32 v5, $9.999999960e-13;
	[tilespmem:s22+$0x0] =	vst v6  }
0x1b0: {  	v29 =	vmul.f32 $5.000000000e-01, v13;
	v6 =	vshra.s32 v16, $0x1;
	v13 =	vmul.f32 v12, v28  }
0x1b1: {  	v9 =	vsub.s32 $0x5F3759DF, v9;
	v30 =	vsub.s32 $0x5F3759DF, v14;
	v35 =	vmul.f32 $5.000000000e-01, v16  }
0x1b2: {  	v14 =	vmul.f32 v9, v15;
	v6 =	vsub.s32 $0x5F3759DF, v6;
	v13 =	vmul.f32 v13, v12  }
0x1b3: {  	s23 =	sadd.s32 $0x40, s23;
	v33 =	vor.u32 $0x3, v3;
	v3 =	vmovc v10;
	v16 =	vmul.f32 v30, v29;
	v20 =	vmul.f32 v6, v35  }
0x1b4: {  	v37 =	vor.u32 $0x3, v4;
	v4 =	vmovc v11;
	v10 =	vmul.f32 v9, v14;
	v13 =	vsub.f32 $1.500000000e+00, v13;
	v31 =	vld [tilespmem:s23+$0x10]  }
0x1b5: {  	v38 =	vor.u32 $0x2, v3;
	v16 =	vmul.f32 v30, v16;
	v27 =	vmul.f32 v6, v20;
	v11 =	vld [tilespmem:s23+$0xFFFFFFE0]  }
0x1b6: {  	v20 =	vor.u32 $0x2, v4;
	v10 =	vsub.f32 $1.500000000e+00, v10;
	v12 =	vmul.f32 v13, v12;
	v14 =	vld [tilespmem:s23+$0xFFFFFFF0]  }
0x1b7: {  	v26 =	vor.u32 $0x1, v3;
	v13 =	vsub.f32 $1.500000000e+00, v16;
	v32 =	vsub.f32 $1.500000000e+00, v27;
	v16 =	vld [tilespmem:s23+$0x0]  }
0x1b8: {  	v27 =	vor.u32 $0x1, v4;
	v36 =	vmul.f32 v9, v10;
	v9 =	vmul.f32 v12, v28  }
0x1b9: {  	v28 =	vmul.f32 v30, v13;
	v13 =	vor.u32 $0x3, v24;
	v10 =	vand.u32 $0xFFFFFFF8, v31  }
0x1ba: {  	v24 =	vand.u32 $0x7, v31;
	v10 =	vadd.s32 v25, v10;
	v25 =	vmul.f32 v9, v12  }
0x1bb: {  	v30 =	vmul.f32 v36, v15;
	v39 =	vmul.f32 v6, v32;
	v9 =	vld.idx.msk [tilespmem:v2+s20+$0x0], $0xffff;
	v24 =	vor.u32 v24, v10  }
0x1bc: {  	v32 =	vand.u32 $0xFFFFFFF8, v11;
	v10 =	vld.idx.msk [tilespmem:v34+s20+$0x0], $0xffff;
	v34 =	vmul.f32 v28, v29;
	v25 =	vsub.f32 $1.500000000e+00, v25  }
0x1bd: {  	v40 =	vmul.f32 v39, v35;
	v6 =	vld.idx.msk [tilespmem:v18+s20+$0x0], $0xffff;
	v18 =	vmul.f32 v30, v36;
	v30 =	vand.u32 $0xFFFFFFF8, v14  }
0x1be: {  	v41 =	vand.u32 $0xFFFFFFF8, v16;
	v34 =	vmul.f32 v34, v28;
	v42 =	vld.idx.msk [tilespmem:v13+s20+$0x0], $0xffff;
	v12 =	vmul.f32 v25, v12  }
0x1bf: {  	v25 =	vadd.s32 v23, v32;
	v17 =	vld.idx.msk [tilespmem:v17+s20+$0x0], $0xffff;
	v13 =	vsub.f32 $1.500000000e+00, v18;
	v18 =	vmul.f32 v40, v39  }
0x1c0: {  	vm0 =	veq.s32 v31, $0x0;
	v23 =	vsub.f32 $1.500000000e+00, v34;
	v40 =	vld.idx.msk [tilespmem:v24+s18+$0x0], $0xffff;
	v19 =	vmul.f32 v12, v19  }
0x1c1: {  	v12 =	vld.idx.msk [tilespmem:v3+s20+$0x0], $0xffff;
	v32 =	vmul.f32 v13, v36;
	v24 =	vsub.f32 $1.500000000e+00, v18;
	v18 =	vsel vm0, $0x3E2AAAAB, v1  }
.Ltmp5:
0x1c2: {  	v31 =	vadd.s32 v22, v30;
	v13 =	vld.idx.msk [tilespmem:v4+s20+$0x0], $0xffff;
	v34 =	vmul.f32 v23, v28;
	v22 =	vmul.f32 v19, v18;
	(pc) =	sbr.rel @p1 .LBB2_5-.Ltmp5, $4  }
0x1c3: {  	v30 =	vadd.s32 v21, v41;
	v23 =	vmul.f32 v32, v15;
	v18 =	vld.idx.msk [tilespmem:v33+s20+$0x0], $0xffff;
	v33 =	vmul.f32 v24, v39  }
0x1c4: {  	v36 =	vand.u32 $0x7, v11;
	v21 =	vmul.f32 v34, v29;
	v19 =	vld.idx.msk [tilespmem:v37+s20+$0x0], $0xffff;
	v28 =	vadd.f32 v22, v42  }
0x1c5: {  	s24 =	sadd.s32 $0x40, s24;
	v37 =	vand.u32 $0x7, v14;
	v15 =	vld.idx.msk [tilespmem:v38+s20+$0x0], $0xffff;
	v24 =	vmul.f32 v23, v32;
	v23 =	vmul.f32 v33, v35  }
0x1c6: {  	s26 =	sadd.s32 $0x30, s25;
	s25 =	sadd.s32 $0x40, s25;
	v35 =	vand.u32 $0x7, v16;
	v22 =	vld [tilespmem:s24+$0x10];
	v38 =	vmul.f32 v21, v34;
	v21 =	vadd.f32 v28, v40  }
0x1c7: {  	v28 =	vmov s26  }
0x1c8: {  	v28 =	vshll.u32 v28, $0x3  }
0x1c9: {  	v39 =	vld [tilespmem:s24+$0xFFFFFFE0];
	v29 =	vor.u32 v0, v28  }
0x1ca: {  	v40 =	vld [tilespmem:s24+$0xFFFFFFF0];
	v41 =	vor.u32 $0x1, v29  }
0x1cb: {  	v42 =	vld [tilespmem:s24+$0x0];
	v44 =	vor.u32 $0x2, v29  }
0x1cc: {  	v26 =	vld.idx.msk [tilespmem:v26+s20+$0x0], $0xffff;
	v28 =	vshll.u32 v22, $0x3  }
0x1cd: {  	v27 =	vld.idx.msk [tilespmem:v27+s20+$0x0], $0xffff;
	v43 =	vor.u32 $0x1, v28  }
0x1ce: {  	v45 =	vsub.f32 $1.500000000e+00, v24;
	v24 =	vshll.u32 v39, $0x3;
	v46 =	vor.u32 $0x2, v28;
	v39 =	vld.idx.msk [tilespmem:v29+s20+$0x0], $0xffff  }
0x1cf: {  	v22 =	vshll.u32 v40, $0x3;
	v52 =	vld.idx.msk [tilespmem:v41+s20+$0x0], $0xffff  }
0x1d0: {  	v47 =	vmul.f32 v23, v33;
	v23 =	vshll.u32 v42, $0x3;
	v44 =	vld.idx.msk [tilespmem:v44+s20+$0x0], $0xffff  }
0x1d1: {  	v48 =	vor.u32 $0x1, v24;
	v54 =	vld.idx.msk [tilespmem:v28+s16+$0x0], $0xffff  }
0x1d2: {  	v53 =	vor.u32 $0x1, v22;
	v43 =	vld.idx.msk [tilespmem:v43+s16+$0x0], $0xffff  }
0x1d3: {  	v56 =	vsub.f32 $1.500000000e+00, v47;
	v55 =	vor.u32 $0x1, v23;
	v58 =	vld.idx.msk [tilespmem:v46+s16+$0x0], $0xffff  }
0x1d4: {  	v36 =	vor.u32 v36, v25;
	v25 =	vor.u32 v37, v31;
	vm0 =	veq.s32 v11, $0x0;
	v49 =	vld.idx.msk [tilespmem:v22+s16+$0x0], $0xffff  }
0x1d5: {  	v38 =	vsub.f32 $1.500000000e+00, v38;
	v59 =	vmul.f32 v56, v33;
	v60 =	vor.u32 $0x2, v24;
	v56 =	vld.idx.msk [tilespmem:v23+s16+$0x0], $0xffff  }
0x1d6: {  	vm1 =	veq.s32 v14, $0x0;
	vm2 =	veq.s32 v16, $0x0;
	v32 =	vmul.f32 v45, v32;
	v61 =	vld.idx.msk [tilespmem:v48+s16+$0x0], $0xffff  }
0x1d7: {  	v2 =	vor.u32 $0x3, v2;
	v34 =	vmul.f32 v38, v34;
	v62 =	vor.u32 $0x2, v22;
	v46 =	vld.idx.msk [tilespmem:v53+s16+$0x0], $0xffff  }
0x1d8: {  	v3 =	vor.u32 $0x3, v3;
	v4 =	vor.u32 $0x3, v4;
	v57 =	vmul.f32 v32, v7;
	v47 =	vld.idx.msk [tilespmem:v55+s16+$0x0], $0xffff  }
0x1d9: {  	v7 =	vor.u32 v35, v30;
	v8 =	vmul.f32 v34, v8;
	v63 =	vor.u32 $0x2, v23;
	v48 =	vld.idx.msk [tilespmem:v24+s16+$0x0], $0xffff  }
0x1da: {  	v5 =	vmul.f32 v59, v5;
	v53 =	vsel vm0, $0x3E2AAAAB, v1;
	v55 =	vsel vm2, $0x3E2AAAAB, v1;
	v34 =	vld.idx.msk [tilespmem:v60+s16+$0x0], $0xffff  }
0x1db: {  	v31 =	vmul.f32 v57, v53;
	v39 =	vsub.f32 v39, v54;
	v40 =	vsub.f32 v52, v43  }
0x1dc: {  	v57 =	vld.idx.msk [tilespmem:v62+s16+$0x0], $0xffff;
	v5 =	vmul.f32 v5, v55;
	v50 =	vsub.f32 v44, v58;
	v12 =	vsub.f32 v12, v49  }
0x1dd: {  	v20 =	vld.idx.msk [tilespmem:v20+s20+$0x0], $0xffff;
	v13 =	vsub.f32 v13, v56;
	v51 =	vmul.f32 v39, v39;
	v17 =	vsub.f32 v17, v61  }
0x1de: {  	v59 =	vld.idx.msk [tilespmem:v63+s16+$0x0], $0xffff;
	v26 =	vsub.f32 v26, v46;
	v27 =	vsub.f32 v27, v47;
	v52 =	vmul.f32 v40, v40  }
0x1df: {  	v54 =	vsel vm1, $0x3E2AAAAB, v1;
	v9 =	vsub.f32 v9, v48;
	v6 =	vsub.f32 v6, v34  }
0x1e0: {  	v16 =	vmul.f32 v50, v50;
	v12 =	vmul.f32 v12, v12;
	v32 =	vadd.f32 v52, v51  }
0x1e1: {  	v13 =	vmul.f32 v13, v13;
	v15 =	vsub.f32 v15, v57;
	v58 =	vmul.f32 v17, v17  }
0x1e2: {  	v26 =	vmul.f32 v26, v26;
	v9 =	vmul.f32 v9, v9;
	v11 =	vadd.f32 v16, v32  }
0x1e3: {  	v60 =	vmul.f32 v27, v27;
	v17 =	vsub.f32 v20, v59;
	v6 =	vmul.f32 v6, v6  }
0x1e4: {  	v15 =	vmul.f32 v15, v15;
	v9 =	vadd.f32 v58, v9;
	v61 =	vmax.f32 v11, $9.999999960e-13  }
0x1e5: {  	v12 =	vadd.f32 v26, v12;
	v62 =	vshra.s32 v61, $0x1;
	v27 =	vmul.f32 $5.000000000e-01, v61  }
0x1e6: {  	v13 =	vadd.f32 v60, v13;
	v38 =	vmul.f32 v17, v17;
	v30 =	vsub.s32 $0x5F3759DF, v62  }
0x1e7: {  	v6 =	vadd.f32 v6, v9;
	v12 =	vadd.f32 v15, v12;
	v63 =	vmul.f32 v30, v27  }
0x1e8: {  	v10 =	vadd.f32 v31, v10;
	v8 =	vmul.f32 v8, v54;
	v9 =	vadd.f32 v38, v13  }
0x1e9: {  	v40 =	vmax.f32 v6, $9.999999960e-13;
	v42 =	vmax.f32 v12, $9.999999960e-13;
	v37 =	vmul.f32 v30, v63  }
0x1ea: {  	v44 =	vmax.f32 v9, $9.999999960e-13;
	v41 =	vshra.s32 v40, $0x1;
	v15 =	vmul.f32 $5.000000000e-01, v40  }
0x1eb: {  	v45 =	vld.idx.msk [tilespmem:v36+s18+$0x0], $0xffff;
	v43 =	vshra.s32 v42, $0x1;
	v13 =	vsub.s32 $0x5F3759DF, v41;
	v39 =	vsub.f32 $1.500000000e+00, v37  }
0x1ec: {  	v7 =	vld.idx.msk [tilespmem:v7+s18+$0x0], $0xffff;
	v16 =	vmul.f32 $5.000000000e-01, v42;
	v46 =	vshra.s32 v44, $0x1;
	v48 =	vmul.f32 v13, v15  }
0x1ed: {  	v20 =	vmul.f32 $5.000000000e-01, v44;
	v17 =	vsub.s32 $0x5F3759DF, v43;
	v14 =	vmul.f32 v30, v39  }
0x1ee: {  	s23 =	sadd.s32 $0x40, s23;
	v49 =	vmul.f32 v17, v16;
	v52 =	vmul.f32 v13, v48;
	v30 =	vsub.s32 $0x5F3759DF, v46  }
0x1ef: {  	v5 =	vadd.f32 v5, v19;
	v54 =	vld [tilespmem:s23+$0x10];
	v51 =	vmul.f32 v30, v20;
	v47 =	vmul.f32 v14, v27  }
0x1f0: {  	v10 =	vadd.f32 v10, v45;
	v53 =	vmul.f32 v17, v49;
	v19 =	vsub.f32 $1.500000000e+00, v52  }
0x1f1: {  	v56 =	vld [tilespmem:s23+$0xFFFFFFE0];
	v5 =	vadd.f32 v5, v7;
	v31 =	vmul.f32 v30, v51;
	v50 =	vmul.f32 v47, v14  }
0x1f2: {  	v8 =	vadd.f32 v8, v18;
	v57 =	vld [tilespmem:s23+$0xFFFFFFF0];
	v32 =	vsub.f32 $1.500000000e+00, v53;
	v13 =	vmul.f32 v13, v19  }
0x1f3: {  	v29 =	vor.u32 $0x3, v29;
	v55 =	vsub.f32 $1.500000000e+00, v31;
	v18 =	vsub.f32 $1.500000000e+00, v50  }
0x1f4: {  	v58 =	vand.u32 $0xFFFFFFF8, v54;
	v17 =	vmul.f32 v17, v32;
	v59 =	vmul.f32 v13, v15  }
0x1f5: {  	vm12 =	veq.s32 v54, $0x0;
	v14 =	vmul.f32 v18, v14;
	v18 =	vmul.f32 v30, v55  }
0x1f6: {  	vm13 =	veq.s32 v56, $0x0;
	v28 =	vadd.s32 v28, v58;
	v60 =	vmul.f32 v17, v16  }
0x1f7: {  	vm14 =	veq.s32 v57, $0x0;
	v40 =	vmul.f32 v59, v13;
	v63 =	vmul.f32 v18, v20  }
0x1f8: {  	v62 =	vand.u32 $0x7, v54;
	v44 =	vand.u32 $0xFFFFFFF8, v57;
	v41 =	vmul.f32 v60, v17  }
0x1f9: {  	v61 =	vld [tilespmem:s23+$0x0];
	v28 =	vor.u32 v62, v28;
	v31 =	vsub.f32 $1.500000000e+00, v40;
	v42 =	vmul.f32 v63, v18  }
0x1fa: {  	v43 =	vand.u32 $0xFFFFFFF8, v56;
	v22 =	vadd.s32 v22, v44;
	v32 =	vsub.f32 $1.500000000e+00, v41  }
0x1fb: {  	v24 =	vadd.s32 v24, v43;
	v13 =	vmul.f32 v31, v13;
	v45 =	vsub.f32 $1.500000000e+00, v42  }
0x1fc: {  	v49 =	vand.u32 $0x7, v56;
	v17 =	vmul.f32 v32, v17;
	v27 =	vmul.f32 v14, v27  }
0x1fd: {  	v24 =	vor.u32 v49, v24;
	v15 =	vmul.f32 v13, v15;
	v47 =	vmul.f32 v45, v18  }
0x1fe: {  	v52 =	vand.u32 $0x7, v61;
	v16 =	vmul.f32 v17, v16;
	v27 =	vmul.f32 v27, v14  }
0x1ff: {  	v46 =	vand.u32 $0xFFFFFFF8, v61;
	v15 =	vmul.f32 v15, v13;
	v20 =	vmul.f32 v47, v20  }
0x200: {  	v25 =	vld.idx.msk [tilespmem:v25+s18+$0x0], $0xffff;
	v23 =	vadd.s32 v23, v46;
	v16 =	vmul.f32 v16, v17;
	v27 =	vsub.f32 $1.500000000e+00, v27  }
0x201: {  	v2 =	vld.idx.msk [tilespmem:v2+s20+$0x0], $0xffff;
	v50 =	vand.u32 $0x7, v57;
	v15 =	vsub.f32 $1.500000000e+00, v15;
	v20 =	vmul.f32 v20, v47  }
0x202: {  	v3 =	vld.idx.msk [tilespmem:v3+s20+$0x0], $0xffff;
	v22 =	vor.u32 v50, v22;
	v16 =	vsub.f32 $1.500000000e+00, v16;
	v14 =	vmul.f32 v27, v14  }
0x203: {  	v51 =	vld.idx.msk [tilespmem:v29+s20+$0x0], $0xffff;
	v55 =	vor.u32 v52, v23;
	v13 =	vmul.f32 v15, v13;
	v20 =	vsub.f32 $1.500000000e+00, v20  }
0x204: {  	v4 =	vld.idx.msk [tilespmem:v4+s20+$0x0], $0xffff;
	v58 =	vsel vm14, $0x3E2AAAAB, v1;
	v54 =	vmul.f32 v16, v17;
	v11 =	vmul.f32 v14, v11  }
0x205: {  	v48 =	vsel vm12, $0x3E2AAAAB, v1;
	v53 =	vld.idx.msk [tilespmem:v28+s18+$0x0], $0xffff;
	v6 =	vmul.f32 v13, v6;
	v14 =	vmul.f32 v20, v47  }
0x206: {  	v56 =	vld.idx.msk [tilespmem:v24+s18+$0x0], $0xffff;
	v57 =	vsel vm13, $0x3E2AAAAB, v1;
	v12 =	vmul.f32 v54, v12;
	v11 =	vmul.f32 v11, v48  }
0x207: {  	s22 =	sadd.s32 $0x40, s22;
	vm15 =	veq.s32 v61, $0x0;
	v59 =	vld.idx.msk [tilespmem:v22+s18+$0x0], $0xffff;
	v6 =	vmul.f32 v6, v57;
	v9 =	vmul.f32 v14, v9  }
0x208: {  	[tilespmem:s22+$0x10] =	vst v21;
	v60 =	vsel vm15, $0x3E2AAAAB, v1;
	v61 =	vld.idx.msk [tilespmem:v55+s18+$0x0], $0xffff;
	v12 =	vmul.f32 v12, v58;
	v11 =	vadd.f32 v11, v51  }
0x209: {  	[tilespmem:s22+$0xFFFFFFE0] =	vst v10;
	v8 =	vadd.f32 v8, v25;
	v2 =	vadd.f32 v6, v2;
	v62 =	vmul.f32 v9, v60  }
0x20a: {  	[tilespmem:s22+$0x0] =	vst v5;
	v3 =	vadd.f32 v12, v3;
	v63 =	vadd.f32 v11, v53  }
0x20b: {  	s28 =	sadd.s32 $0x40, s22;
	[tilespmem:s22+$0xFFFFFFF0] =	vst v8;
	v2 =	vadd.f32 v2, v56;
	v4 =	vadd.f32 v62, v4  }
0x20c: {  	v3 =	vadd.f32 v3, v59;
	[tilespmem:s28+$0x10] =	vst v63  }
0x20d: {  	[tilespmem:s28+$0xFFFFFFE0] =	vst v2;
	v2 =	vadd.f32 v4, v61  }
0x20e: {  	s24 =	simm.s32 $0x16740;
	[tilespmem:s28+$0xFFFFFFF0] =	vst v3  }
0x20f: {  	s25 =	simm.s32 $0x4E00;
	s22 =	simm.s32 $0x2EC0;
	s23 =	simm.s32 $0xF70;
	[tilespmem:s28+$0x0] =	vst v2  }
.LBB2_7:
0x210: {  	s23 =	sadd.s32 $0x10, s23;
	v2 =	vld [tilespmem:s22+$0x0]  }
0x211: {  	v3 =	vmov s23  }
0x212: {  	v3 =	vshll.u32 v3, $0x3  }
0x213: {  	v3 =	vor.u32 v0, v3  }
0x214: {  	v4 =	vor.u32 $0x1, v3  }
0x215: {  	v2 =	vshll.u32 v2, $0x3  }
0x216: {  	v5 =	vor.u32 $0x1, v2  }
0x217: {  	v6 =	vor.u32 $0x2, v3  }
0x218: {  	v8 =	vor.u32 $0x2, v2;
	v7 =	vld.idx.msk [tilespmem:v3+s20+$0x0], $0xffff  }
0x219: {  	v4 =	vld.idx.msk [tilespmem:v4+s20+$0x0], $0xffff  }
0x21a: {  	v9 =	vld.idx.msk [tilespmem:v2+s16+$0x0], $0xffff  }
0x21b: {  	v5 =	vld.idx.msk [tilespmem:v5+s16+$0x0], $0xffff  }
0x21c: {  	v6 =	vld.idx.msk [tilespmem:v6+s20+$0x0], $0xffff  }
0x21d: {  	v8 =	vld.idx.msk [tilespmem:v8+s16+$0x0], $0xffff;
	_ =	sdelay $0x2  }
0x21e: {  	v7 =	vsub.f32 v7, v9;
	v4 =	vsub.f32 v4, v5;
	_ =	sdelay $0x1  }
0x21f: {  	v56 =	vsub.f32 v6, v8;
	v57 =	vmul.f32 v7, v7;
	v4 =	vmul.f32 v4, v4;
	_ =	sdelay $0x1  }
0x220: {  	v5 =	vmul.f32 v56, v56;
	v4 =	vadd.f32 v4, v57;
	_ =	sdelay $0x1  }
0x221: {  	v4 =	vadd.f32 v5, v4;
	_ =	sdelay $0x1  }
0x222: {  	v5 =	vmax.f32 v4, $9.999999960e-13  }
0x223: {  	v58 =	vshra.s32 v5, $0x1;
	v5 =	vmul.f32 $5.000000000e-01, v5  }
0x224: {  	v6 =	vsub.s32 $0x5F3759DF, v58  }
0x225: {  	v59 =	vmul.f32 v6, v5;
	_ =	sdelay $0x1  }
0x226: {  	v7 =	vmul.f32 v6, v59;
	_ =	sdelay $0x1  }
0x227: {  	v7 =	vsub.f32 $1.500000000e+00, v7;
	_ =	sdelay $0x1  }
0x228: {  	v6 =	vmul.f32 v6, v7;
	_ =	sdelay $0x1  }
0x229: {  	v7 =	vmul.f32 v6, v5;
	_ =	sdelay $0x1  }
0x22a: {  	v7 =	vmul.f32 v7, v6;
	_ =	sdelay $0x1  }
0x22b: {  	v7 =	vsub.f32 $1.500000000e+00, v7  }
0x22c: {  	v60 =	vld [tilespmem:s25+$0x0]  }
0x22d: {  	v6 =	vmul.f32 v7, v6;
	_ =	sdelay $0x1  }
0x22e: {  	v5 =	vmul.f32 v6, v5;
	_ =	sdelay $0x1  }
0x22f: {  	v61 =	vand.u32 $0xFFFFFFF8, v60;
	v3 =	vor.u32 $0x3, v3;
	v5 =	vmul.f32 v5, v6  }
0x230: {  	v62 =	vand.u32 $0x7, v60;
	v2 =	vadd.s32 v2, v61  }
0x231: {  	v2 =	vor.u32 v62, v2;
	v5 =	vsub.f32 $1.500000000e+00, v5;
	_ =	sdelay $0x1  }
0x232: {  	v5 =	vmul.f32 v5, v6  }
0x233: {  	v3 =	vld.idx.msk [tilespmem:v3+s20+$0x0], $0xffff  }
0x234: {  	vm0 =	veq.s32 v60, $0x0;
	v4 =	vmul.f32 v5, v4  }
0x235: {  	v63 =	vsel vm0, $0x3E2AAAAB, v1;
	v2 =	vld.idx.msk [tilespmem:v2+s18+$0x0], $0xffff  }
0x236: {  	v4 =	vmul.f32 v4, v63  }
0x237: {  	p1 =	slt.u32 s23, $0xF90  }
.Ltmp6:
0x238: {  	v3 =	vadd.f32 v4, v3;
	(pc) =	sbr.rel @p1 .LBB2_7-.Ltmp6, $3  }
0x239: {  	_ = 	snop  }
0x23a: {  	v2 =	vadd.f32 v3, v2;
	_ =	sdelay $0x1  }
0x23b: {  	s25 =	sadd.s32 $0x10, s25;
	s22 =	sadd.s32 $0x10, s22;
	[tilespmem:s24+$0x0] =	vst v2;
	s24 =	sadd.s32 $0x10, s24  }
0x23c: {  	s21 =	smul.u32 $0x1F4, s21;
	s15 =	sadd.s32 s14, s15  }
0x23d: {  	p1 =	sgt.u32 s15, $0xF9  }
.Ltmp7:
0x23e: {  	s21 =	sadd.s32 s10, s21;
	(pc) =	sbr.rel @p1 .LBB2_10-.Ltmp7, $4  }
0x23f: {  	[hbm4b:s21+s6] =	stream.linear.scatter [tilespmem:s9], [sflag:$0x4], $0xFA0, $0x38;
	[tilespmem:$0x16B60] =	vst v63  }
0x240: {  	_ =	swait.ge [sflag:s0], $0xFA0  }
0x241: {  	[sflag:s0] =	ssyncset.done $0x0  }
0x242: {  	[sflag:s0] =	ssyncadd.s32 $0xFFFFF060  }
0x243: {  	s15 =	smul.u32 $0x1F4, s15;
	_ =	sdelay $0x1  }
0x244: {  	s21 =	sadd.s32 s3, s15  }
0x245: {  	[tilespmem:s6], [sflag:$0x4] =	stream.linear.gather [hbm4b:s21+s6], $0xFA0, $0x38;
	[tilespmem:$0x16B60] =	vst v63  }
0x246: {  	_ =	swait.ge [sflag:s0], $0xFA0  }
0x247: {  	[sflag:s0] =	ssyncset.done $0x0  }
0x248: {  	[sflag:s0] =	ssyncadd.s32 $0xFFFFF060  }
0x249: {  	[tilespmem:s20], [sflag:$0x1] =	stream.indirect.gather [hbm4b:s1+s19], $0x8, s6, s19, $0xb8;
	[tilespmem:$0x16B60] =	vst v63  }
0x24a: {  	s26 =	simm.s32 $0x6040  }
0x24b: {  	[tilespmem:s26], [sflag:$0x1] =	stream.indirect.gather [hbm4b:s1+s19], $0x8, s19, s19, $0xb8;
	[tilespmem:$0x16B60] =	vst v63  }
0x24c: {  	s28 =	simm.s32 $0xA0;
	s22 =	simm.s32 $0x62C0  }
0x24d: {  	[tilespmem:s22], [sflag:$0x1] =	stream.indirect.gather [hbm4b:s1+s19], $0x8, s28, s19, $0xb8;
	[tilespmem:$0x16B60] =	vst v63  }
0x24e: {  	s23 =	simm.s32 $0x6540;
	s22 =	simm.s32 $0xF0  }
0x24f: {  	[tilespmem:s23], [sflag:$0x1] =	stream.indirect.gather [hbm4b:s1+s19], $0x8, s22, s19, $0xb8;
	[tilespmem:$0x16B60] =	vst v63  }
0x250: {  	s24 =	simm.s32 $0x140;
	s25 =	simm.s32 $0x67C0  }
0x251: {  	[tilespmem:s25], [sflag:$0x1] =	stream.indirect.gather [hbm4b:s1+s19], $0x8, s24, s19, $0xb8;
	[tilespmem:$0x16B60] =	vst v63  }
0x252: {  	s26 =	simm.s32 $0x190;
	s28 =	simm.s32 $0x6A40  }
0x253: {  	[tilespmem:s28], [sflag:$0x1] =	stream.indirect.gather [hbm4b:s1+s19], $0x8, s26, s19, $0xb8;
	[tilespmem:$0x16B60] =	vst v63  }
0x254: {  	s22 =	simm.s32 $0x1E0;
	s23 =	simm.s32 $0x6CC0  }
0x255: {  	[tilespmem:s23], [sflag:$0x1] =	stream.indirect.gather [hbm4b:s1+s19], $0x8, s22, s19, $0xb8;
	[tilespmem:$0x16B60] =	vst v63  }
0x256: {  	s24 =	simm.s32 $0x230;
	s25 =	simm.s32 $0x6F40  }
0x257: {  	[tilespmem:s25], [sflag:$0x1] =	stream.indirect.gather [hbm4b:s1+s19], $0x8, s24, s19, $0xb8;
	[tilespmem:$0x16B60] =	vst v63  }
0x258: {  	s26 =	simm.s32 $0x280;
	s28 =	simm.s32 $0x71C0  }
0x259: {  	[tilespmem:s28], [sflag:$0x1] =	stream.indirect.gather [hbm4b:s1+s19], $0x8, s26, s19, $0xb8;
	[tilespmem:$0x16B60] =	vst v63  }
0x25a: {  	s22 =	simm.s32 $0x2D0;
	s23 =	simm.s32 $0x7440  }
0x25b: {  	[tilespmem:s23], [sflag:$0x1] =	stream.indirect.gather [hbm4b:s1+s19], $0x8, s22, s19, $0xb8;
	[tilespmem:$0x16B60] =	vst v63  }
0x25c: {  	s24 =	simm.s32 $0x320;
	s25 =	simm.s32 $0x76C0  }
0x25d: {  	[tilespmem:s25], [sflag:$0x1] =	stream.indirect.gather [hbm4b:s1+s19], $0x8, s24, s19, $0xb8;
	[tilespmem:$0x16B60] =	vst v63  }
0x25e: {  	s26 =	simm.s32 $0x370;
	s28 =	simm.s32 $0x7940  }
0x25f: {  	[tilespmem:s28], [sflag:$0x1] =	stream.indirect.gather [hbm4b:s1+s19], $0x8, s26, s19, $0xb8;
	[tilespmem:$0x16B60] =	vst v63  }
0x260: {  	s22 =	simm.s32 $0x3C0;
	s23 =	simm.s32 $0x7BC0  }
0x261: {  	[tilespmem:s23], [sflag:$0x1] =	stream.indirect.gather [hbm4b:s1+s19], $0x8, s22, s19, $0xb8;
	[tilespmem:$0x16B60] =	vst v63  }
0x262: {  	s24 =	simm.s32 $0x410;
	s25 =	simm.s32 $0x7E40  }
0x263: {  	[tilespmem:s25], [sflag:$0x1] =	stream.indirect.gather [hbm4b:s1+s19], $0x8, s24, s19, $0xb8;
	[tilespmem:$0x16B60] =	vst v63  }
0x264: {  	s26 =	simm.s32 $0x460;
	s28 =	simm.s32 $0x80C0  }
0x265: {  	[tilespmem:s28], [sflag:$0x1] =	stream.indirect.gather [hbm4b:s1+s19], $0x8, s26, s19, $0xb8;
	[tilespmem:$0x16B60] =	vst v63  }
0x266: {  	s22 =	simm.s32 $0x4B0;
	s23 =	simm.s32 $0x8340  }
0x267: {  	[tilespmem:s23], [sflag:$0x1] =	stream.indirect.gather [hbm4b:s1+s19], $0x8, s22, s19, $0xb8;
	[tilespmem:$0x16B60] =	vst v63  }
0x268: {  	s24 =	simm.s32 $0x500;
	s25 =	simm.s32 $0x85C0  }
0x269: {  	[tilespmem:s25], [sflag:$0x1] =	stream.indirect.gather [hbm4b:s1+s19], $0x8, s24, s19, $0xb8;
	[tilespmem:$0x16B60] =	vst v63  }
0x26a: {  	s26 =	simm.s32 $0x550;
	s28 =	simm.s32 $0x8840  }
0x26b: {  	[tilespmem:s28], [sflag:$0x1] =	stream.indirect.gather [hbm4b:s1+s19], $0x8, s26, s19, $0xb8;
	[tilespmem:$0x16B60] =	vst v63  }
0x26c: {  	s22 =	simm.s32 $0x5A0;
	s23 =	simm.s32 $0x8AC0  }
0x26d: {  	[tilespmem:s23], [sflag:$0x1] =	stream.indirect.gather [hbm4b:s1+s19], $0x8, s22, s19, $0xb8;
	[tilespmem:$0x16B60] =	vst v63  }
0x26e: {  	s24 =	simm.s32 $0x5F0;
	s25 =	simm.s32 $0x8D40  }
0x26f: {  	[tilespmem:s25], [sflag:$0x1] =	stream.indirect.gather [hbm4b:s1+s19], $0x8, s24, s19, $0xb8;
	[tilespmem:$0x16B60] =	vst v63  }
0x270: {  	s26 =	simm.s32 $0x640;
	s28 =	simm.s32 $0x8FC0  }
0x271: {  	[tilespmem:s28], [sflag:$0x1] =	stream.indirect.gather [hbm4b:s1+s19], $0x8, s26, s19, $0xb8;
	[tilespmem:$0x16B60] =	vst v63  }
0x272: {  	s22 =	simm.s32 $0x690;
	s23 =	simm.s32 $0x9240  }
0x273: {  	[tilespmem:s23], [sflag:$0x1] =	stream.indirect.gather [hbm4b:s1+s19], $0x8, s22, s19, $0xb8;
	[tilespmem:$0x16B60] =	vst v63  }
0x274: {  	s24 =	simm.s32 $0x6E0;
	s25 =	simm.s32 $0x94C0  }
0x275: {  	[tilespmem:s25], [sflag:$0x1] =	stream.indirect.gather [hbm4b:s1+s19], $0x8, s24, s19, $0xb8;
	[tilespmem:$0x16B60] =	vst v63  }
0x276: {  	s26 =	simm.s32 $0x730;
	s28 =	simm.s32 $0x9740  }
0x277: {  	[tilespmem:s28], [sflag:$0x1] =	stream.indirect.gather [hbm4b:s1+s19], $0x8, s26, s19, $0xb8;
	[tilespmem:$0x16B60] =	vst v63  }
0x278: {  	s22 =	simm.s32 $0x780;
	s23 =	simm.s32 $0x99C0  }
0x279: {  	[tilespmem:s23], [sflag:$0x1] =	stream.indirect.gather [hbm4b:s1+s19], $0x8, s22, s19, $0xb8;
	[tilespmem:$0x16B60] =	vst v63  }
0x27a: {  	s24 =	simm.s32 $0x7D0;
	s25 =	simm.s32 $0x9C40  }
0x27b: {  	[tilespmem:s25], [sflag:$0x1] =	stream.indirect.gather [hbm4b:s1+s19], $0x8, s24, s19, $0xb8;
	[tilespmem:$0x16B60] =	vst v63  }
0x27c: {  	s26 =	simm.s32 $0x820;
	s28 =	simm.s32 $0x9EC0  }
0x27d: {  	[tilespmem:s28], [sflag:$0x1] =	stream.indirect.gather [hbm4b:s1+s19], $0x8, s26, s19, $0xb8;
	[tilespmem:$0x16B60] =	vst v63  }
0x27e: {  	s22 =	simm.s32 $0x870;
	s23 =	simm.s32 $0xA140  }
0x27f: {  	[tilespmem:s23], [sflag:$0x1] =	stream.indirect.gather [hbm4b:s1+s19], $0x8, s22, s19, $0xb8;
	[tilespmem:$0x16B60] =	vst v63  }
0x280: {  	s24 =	simm.s32 $0x8C0;
	s25 =	simm.s32 $0xA3C0  }
0x281: {  	[tilespmem:s25], [sflag:$0x1] =	stream.indirect.gather [hbm4b:s1+s19], $0x8, s24, s19, $0xb8;
	[tilespmem:$0x16B60] =	vst v63  }
0x282: {  	s26 =	simm.s32 $0x910;
	s28 =	simm.s32 $0xA640  }
0x283: {  	[tilespmem:s28], [sflag:$0x1] =	stream.indirect.gather [hbm4b:s1+s19], $0x8, s26, s19, $0xb8;
	[tilespmem:$0x16B60] =	vst v63  }
0x284: {  	s22 =	simm.s32 $0x960;
	s23 =	simm.s32 $0xA8C0  }
0x285: {  	[tilespmem:s23], [sflag:$0x1] =	stream.indirect.gather [hbm4b:s1+s19], $0x8, s22, s19, $0xb8;
	[tilespmem:$0x16B60] =	vst v63  }
0x286: {  	s24 =	simm.s32 $0x9B0;
	s25 =	simm.s32 $0xAB40  }
0x287: {  	[tilespmem:s25], [sflag:$0x1] =	stream.indirect.gather [hbm4b:s1+s19], $0x8, s24, s19, $0xb8;
	[tilespmem:$0x16B60] =	vst v63  }
0x288: {  	s26 =	simm.s32 $0xA00;
	s28 =	simm.s32 $0xADC0  }
0x289: {  	[tilespmem:s28], [sflag:$0x1] =	stream.indirect.gather [hbm4b:s1+s19], $0x8, s26, s19, $0xb8;
	[tilespmem:$0x16B60] =	vst v63  }
0x28a: {  	s22 =	simm.s32 $0xA50;
	s23 =	simm.s32 $0xB040  }
0x28b: {  	[tilespmem:s23], [sflag:$0x1] =	stream.indirect.gather [hbm4b:s1+s19], $0x8, s22, s19, $0xb8;
	[tilespmem:$0x16B60] =	vst v63  }
0x28c: {  	s24 =	simm.s32 $0xAA0;
	s25 =	simm.s32 $0xB2C0  }
0x28d: {  	[tilespmem:s25], [sflag:$0x1] =	stream.indirect.gather [hbm4b:s1+s19], $0x8, s24, s19, $0xb8;
	[tilespmem:$0x16B60] =	vst v63  }
0x28e: {  	s26 =	simm.s32 $0xAF0;
	s28 =	simm.s32 $0xB540  }
0x28f: {  	[tilespmem:s28], [sflag:$0x1] =	stream.indirect.gather [hbm4b:s1+s19], $0x8, s26, s19, $0xb8;
	[tilespmem:$0x16B60] =	vst v63  }
0x290: {  	s22 =	simm.s32 $0xB40;
	s23 =	simm.s32 $0xB7C0  }
0x291: {  	[tilespmem:s23], [sflag:$0x1] =	stream.indirect.gather [hbm4b:s1+s19], $0x8, s22, s19, $0xb8;
	[tilespmem:$0x16B60] =	vst v63  }
0x292: {  	s24 =	simm.s32 $0xB90;
	s25 =	simm.s32 $0xBA40  }
0x293: {  	[tilespmem:s25], [sflag:$0x1] =	stream.indirect.gather [hbm4b:s1+s19], $0x8, s24, s19, $0xb8;
	[tilespmem:$0x16B60] =	vst v63  }
0x294: {  	s26 =	simm.s32 $0xBE0;
	s28 =	simm.s32 $0xBCC0  }
0x295: {  	[tilespmem:s28], [sflag:$0x1] =	stream.indirect.gather [hbm4b:s1+s19], $0x8, s26, s19, $0xb8;
	[tilespmem:$0x16B60] =	vst v63  }
0x296: {  	s22 =	simm.s32 $0xC30;
	s23 =	simm.s32 $0xBF40  }
0x297: {  	[tilespmem:s23], [sflag:$0x1] =	stream.indirect.gather [hbm4b:s1+s19], $0x8, s22, s19, $0xb8;
	[tilespmem:$0x16B60] =	vst v63  }
0x298: {  	s24 =	simm.s32 $0xC80;
	s25 =	simm.s32 $0xC1C0  }
0x299: {  	[tilespmem:s25], [sflag:$0x1] =	stream.indirect.gather [hbm4b:s1+s19], $0x8, s24, s19, $0xb8;
	[tilespmem:$0x16B60] =	vst v63  }
0x29a: {  	s26 =	simm.s32 $0xCD0;
	s28 =	simm.s32 $0xC440  }
0x29b: {  	[tilespmem:s28], [sflag:$0x1] =	stream.indirect.gather [hbm4b:s1+s19], $0x8, s26, s19, $0xb8;
	[tilespmem:$0x16B60] =	vst v63  }
0x29c: {  	s22 =	simm.s32 $0xD20;
	s23 =	simm.s32 $0xC6C0  }
0x29d: {  	[tilespmem:s23], [sflag:$0x1] =	stream.indirect.gather [hbm4b:s1+s19], $0x8, s22, s19, $0xb8;
	[tilespmem:$0x16B60] =	vst v63  }
0x29e: {  	s24 =	simm.s32 $0xD70;
	s25 =	simm.s32 $0xC940  }
0x29f: {  	[tilespmem:s25], [sflag:$0x1] =	stream.indirect.gather [hbm4b:s1+s19], $0x8, s24, s19, $0xb8;
	[tilespmem:$0x16B60] =	vst v63  }
0x2a0: {  	s26 =	simm.s32 $0xDC0;
	s28 =	simm.s32 $0xCBC0  }
0x2a1: {  	[tilespmem:s28], [sflag:$0x1] =	stream.indirect.gather [hbm4b:s1+s19], $0x8, s26, s19, $0xb8;
	[tilespmem:$0x16B60] =	vst v63  }
0x2a2: {  	s22 =	simm.s32 $0xE10;
	s23 =	simm.s32 $0xCE40  }
0x2a3: {  	[tilespmem:s23], [sflag:$0x1] =	stream.indirect.gather [hbm4b:s1+s19], $0x8, s22, s19, $0xb8;
	[tilespmem:$0x16B60] =	vst v63  }
0x2a4: {  	s24 =	simm.s32 $0xE60;
	s25 =	simm.s32 $0xD0C0  }
0x2a5: {  	[tilespmem:s25], [sflag:$0x1] =	stream.indirect.gather [hbm4b:s1+s19], $0x8, s24, s19, $0xb8;
	[tilespmem:$0x16B60] =	vst v63  }
0x2a6: {  	s26 =	simm.s32 $0xEB0;
	s28 =	simm.s32 $0xD340  }
0x2a7: {  	[tilespmem:s28], [sflag:$0x1] =	stream.indirect.gather [hbm4b:s1+s19], $0x8, s26, s19, $0xb8;
	[tilespmem:$0x16B60] =	vst v63  }
0x2a8: {  	s23 =	simm.s32 $0xF00;
	s24 =	simm.s32 $0xD5C0  }
0x2a9: {  	[tilespmem:s24], [sflag:$0x1] =	stream.indirect.gather [hbm4b:s1+s19], $0x8, s23, s19, $0xb8;
	[tilespmem:$0x16B60] =	vst v63  }
0x2aa: {  	s25 =	simm.s32 $0xF50;
	s26 =	simm.s32 $0xD840  }
0x2ab: {  	[tilespmem:s26], [sflag:$0x1] =	stream.indirect.gather [hbm4b:s1+s19], $0x8, s25, s19, $0xb8;
	[tilespmem:$0x16B60] =	vst v63  }
0x2ac: {  	s28 =	sadd.s32 s2, s15  }
0x2ad: {  	[tilespmem:s29], [sflag:$0x4] =	stream.linear.gather [hbm4b:s28+s6], $0xFA0, $0x38;
	[tilespmem:$0x16B60] =	vst v63  }
0x2ae: {  	_ =	swait.ge [sflag:s0], $0xFA0  }
0x2af: {  	[sflag:s0] =	ssyncset.done $0x0  }
0x2b0: {  	s15 =	sadd.s32 s4, s15;
	[sflag:s0] =	ssyncadd.s32 $0xFFFFF060  }
0x2b1: {  	[tilespmem:s30], [sflag:$0x4] =	stream.linear.gather [hbm4b:s15+s6], $0xFA0, $0x38;
	[tilespmem:$0x16B60] =	vst v63  }
0x2b2: {  	_ =	swait.ge [sflag:s0], $0xFA0  }
0x2b3: {  	[sflag:s0] =	ssyncset.done $0x0  }
0x2b4: {  	[sflag:s0] =	ssyncadd.s32 $0xFFFFF060  }
.LBB2_10:
.Ltmp8:
0x2b5: {  	(pc) =	sbr.rel @p0 .LBB2_16-.Ltmp8, $1  }
0x2b6: {  	_ =	sdelay $0x3  }
0x2b7: {  	s15 =	simm.s32 $0x0  }
0x2b8: {  	v2 =	vmov s15  }
0x2b9: {  	v2 =	vshll.u32 v2, $0x3  }
0x2ba: {  	v6 =	vor.u32 v0, v2  }
0x2bb: {  	s22 =	simm.s32 $0x10;
	_ =	swait.ge [sflag:s11], $0x7D00;
	v3 =	vor.u32 $0x2, v6  }
0x2bc: {  	s23 =	simm.s32 $0x20;
	[sflag:s11] =	ssyncset.done $0x0;
	v2 =	vmov s22;
	v4 =	vor.u32 $0x1, v6  }
0x2bd: {  	s24 =	simm.s32 $0x2F00;
	v5 =	vmov s23;
	[sflag:s11] =	ssyncadd.s32 $0xFFFF8300;
	v2 =	vshll.u32 v2, $0x3  }
0x2be: {  	v19 =	vld [tilespmem:s24+$0x0];
	v10 =	vor.u32 v0, v2;
	v2 =	vshll.u32 v5, $0x3  }
0x2bf: {  	v12 =	vor.u32 v0, v2;
	v2 =	vor.u32 $0x2, v10;
	v9 =	vld.idx.msk [tilespmem:v6+s5+$0x0], $0xffff  }
0x2c0: {  	v11 =	vld.idx.msk [tilespmem:v3+s5+$0x0], $0xffff  }
0x2c1: {  	v13 =	vld.idx.msk [tilespmem:v4+s5+$0x0], $0xffff  }
0x2c2: {  	s21 =	simm.s32 $0x30;
	v3 =	vld [tilespmem:s24+$0x10]  }
0x2c3: {  	v5 =	vmov s21;
	v16 =	vor.u32 $0x1, v12;
	v14 =	vld.idx.msk [tilespmem:v10+s5+$0x0], $0xffff  }
0x2c4: {  	v4 =	vor.u32 $0x1, v10;
	v17 =	vld.idx.msk [tilespmem:v2+s5+$0x0], $0xffff;
	v2 =	vshll.u32 v5, $0x3  }
0x2c5: {  	v5 =	vld [tilespmem:s24+$0xFFFFFFE0];
	v7 =	vor.u32 v0, v2  }
0x2c6: {  	v15 =	vld.idx.msk [tilespmem:v12+s5+$0x0], $0xffff;
	v18 =	vor.u32 $0x1, v7  }
0x2c7: {  	v2 =	vld [tilespmem:s24+$0xFFFFFFF0];
	v21 =	vor.u32 $0x2, v7  }
0x2c8: {  	v16 =	vld.idx.msk [tilespmem:v16+s5+$0x0], $0xffff;
	v8 =	vshll.u32 v3, $0x3  }
0x2c9: {  	v20 =	vld.idx.msk [tilespmem:v4+s5+$0x0], $0xffff;
	v3 =	vor.u32 $0x1, v8  }
0x2ca: {  	v23 =	vor.u32 $0x2, v8;
	v5 =	vshll.u32 v5, $0x3;
	v22 =	vld.idx.msk [tilespmem:v7+s5+$0x0], $0xffff  }
0x2cb: {  	v24 =	vor.u32 $0x1, v5;
	v18 =	vld.idx.msk [tilespmem:v18+s5+$0x0], $0xffff  }
0x2cc: {  	v4 =	vshll.u32 v2, $0x3;
	v21 =	vld.idx.msk [tilespmem:v21+s5+$0x0], $0xffff  }
0x2cd: {  	v2 =	vshll.u32 v19, $0x3;
	v28 =	vor.u32 $0x2, v5;
	v19 =	vld.idx.msk [tilespmem:v8+s16+$0x0], $0xffff  }
0x2ce: {  	v25 =	vor.u32 $0x1, v4;
	v3 =	vld.idx.msk [tilespmem:v3+s16+$0x0], $0xffff  }
0x2cf: {  	s25 =	simm.s32 $0x40;
	s26 =	simm.s32 $0x50;
	v26 =	vor.u32 $0x1, v2;
	v23 =	vld.idx.msk [tilespmem:v23+s16+$0x0], $0xffff  }
0x2d0: {  	v29 =	vmov s25;
	v32 =	vmov s26;
	s26 =	simm.s32 $0x90;
	v24 =	vld.idx.msk [tilespmem:v24+s16+$0x0], $0xffff  }
0x2d1: {  	v29 =	vshll.u32 v29, $0x3;
	v32 =	vshll.u32 v32, $0x3;
	v59 =	vmov s26;
	v33 =	vld.idx.msk [tilespmem:v4+s16+$0x0], $0xffff  }
0x2d2: {  	v35 =	vor.u32 $0x3, v6;
	v27 =	vor.u32 $0x2, v12;
	v10 =	vor.u32 $0x3, v10;
	v6 =	vld.idx.msk [tilespmem:v28+s16+$0x0], $0xffff  }
0x2d3: {  	v12 =	vor.u32 $0x3, v12;
	v25 =	vld.idx.msk [tilespmem:v25+s16+$0x0], $0xffff;
	v19 =	vsub.f32 v22, v19;
	v18 =	vsub.f32 v18, v3  }
0x2d4: {  	v36 =	vor.u32 $0x3, v7;
	v30 =	vor.u32 $0x2, v4;
	v26 =	vld.idx.msk [tilespmem:v26+s16+$0x0], $0xffff;
	v3 =	vor.u32 v0, v29  }
0x2d5: {  	s28 =	simm.s32 $0x60;
	s24 =	simm.s32 $0x70;
	v29 =	vld.idx.msk [tilespmem:v5+s16+$0x0], $0xffff;
	v21 =	vsub.f32 v21, v23;
	v19 =	vmul.f32 v19, v19;
	v18 =	vmul.f32 v18, v18  }
0x2d6: {  	v50 =	vmov s24;
	v31 =	vor.u32 $0x2, v2;
	v22 =	vmov s28;
	v23 =	vld.idx.msk [tilespmem:v2+s16+$0x0], $0xffff  }
0x2d7: {  	v13 =	vsub.f32 v13, v24;
	v18 =	vadd.f32 v18, v19;
	v19 =	vmul.f32 v21, v21  }
0x2d8: {  	s28 =	simm.s32 $0xA0;
	v22 =	vshll.u32 v22, $0x3;
	v14 =	vsub.f32 v14, v33;
	v6 =	vsub.f32 v11, v6  }
0x2d9: {  	v60 =	vmov s28;
	v20 =	vsub.f32 v20, v25;
	v21 =	vld.idx.msk [tilespmem:v30+s16+$0x0], $0xffff;
	v18 =	vadd.f32 v19, v18  }
0x2da: {  	v16 =	vsub.f32 v16, v26;
	v25 =	vld.idx.msk [tilespmem:v27+s5+$0x0], $0xffff;
	v13 =	vmul.f32 v13, v13;
	v11 =	vmul.f32 v14, v14  }
0x2db: {  	v9 =	vsub.f32 v9, v29;
	v15 =	vsub.f32 v15, v23;
	v19 =	vld.idx.msk [tilespmem:v31+s16+$0x0], $0xffff;
	v23 =	vmax.f32 v18, $9.999999960e-13  }
0x2dc: {  	v6 =	vmul.f32 v6, v6;
	v26 =	vshra.s32 v23, $0x1;
	v23 =	vmul.f32 $5.000000000e-01, v23  }
0x2dd: {  	s22 =	simm.s32 $0x4E40;
	v20 =	vmul.f32 v20, v20;
	v9 =	vmul.f32 v9, v9;
	v14 =	vsub.s32 $0x5F3759DF, v26  }
0x2de: {  	v16 =	vmul.f32 v16, v16;
	v29 =	vld [tilespmem:s22+$0x10];
	v17 =	vsub.f32 v17, v21;
	v21 =	vmul.f32 v14, v23  }
0x2df: {  	v11 =	vadd.f32 v20, v11;
	v9 =	vadd.f32 v13, v9;
	v13 =	vmul.f32 v15, v15  }
0x2e0: {  	v15 =	vsub.f32 v25, v19;
	v17 =	vmul.f32 v17, v17;
	v19 =	vmul.f32 v14, v21  }
0x2e1: {  	v34 =	vor.u32 $0x2, v3;
	v20 =	vadd.f32 v6, v9;
	v13 =	vadd.f32 v16, v13  }
0x2e2: {  	v24 =	vor.u32 $0x1, v3;
	v16 =	vadd.f32 v17, v11;
	v17 =	vsub.f32 $1.500000000e+00, v19  }
0x2e3: {  	v7 =	vand.u32 $0xFFFFFFF8, v29;
	v37 =	vand.u32 $0x7, v29;
	v15 =	vmul.f32 v15, v15  }
0x2e4: {  	v9 =	vor.u32 v0, v22;
	v19 =	vmax.f32 v20, $9.999999960e-13;
	v14 =	vmul.f32 v14, v17  }
0x2e5: {  	v11 =	vadd.f32 v15, v13;
	v15 =	vmax.f32 v16, $9.999999960e-13;
	v13 =	vshra.s32 v19, $0x1  }
0x2e6: {  	v17 =	vmul.f32 $5.000000000e-01, v19;
	v19 =	vshra.s32 v15, $0x1;
	v25 =	vmul.f32 v14, v23  }
0x2e7: {  	v21 =	vmax.f32 v11, $9.999999960e-13;
	v15 =	vmul.f32 $5.000000000e-01, v15;
	v13 =	vsub.s32 $0x5F3759DF, v13  }
0x2e8: {  	v19 =	vsub.s32 $0x5F3759DF, v19;
	v26 =	vmul.f32 v13, v17;
	v25 =	vmul.f32 v25, v14  }
0x2e9: {  	v22 =	vshra.s32 v21, $0x1;
	v21 =	vmul.f32 $5.000000000e-01, v21;
	v27 =	vmul.f32 v19, v15  }
0x2ea: {  	v22 =	vsub.s32 $0x5F3759DF, v22;
	v26 =	vmul.f32 v13, v26;
	v25 =	vsub.f32 $1.500000000e+00, v25  }
0x2eb: {  	vm0 =	veq.s32 v29, $0x0;
	v28 =	vmul.f32 v22, v21;
	v27 =	vmul.f32 v19, v27  }
0x2ec: {  	s23 =	simm.s32 $0x2F40;
	v6 =	vor.u32 v0, v32;
	v26 =	vsub.f32 $1.500000000e+00, v26;
	v14 =	vmul.f32 v25, v14  }
0x2ed: {  	v48 =	vld [tilespmem:s23+$0x10];
	v7 =	vadd.s32 v8, v7;
	v28 =	vmul.f32 v22, v28;
	v25 =	vsub.f32 $1.500000000e+00, v27  }
0x2ee: {  	v29 =	vsel vm0, $0x3E2AAAAB, v1;
	v27 =	vld [tilespmem:s22+$0xFFFFFFE0];
	v13 =	vmul.f32 v13, v26;
	v23 =	vmul.f32 v14, v23  }
0x2ef: {  	v31 =	vor.u32 $0x2, v9;
	v28 =	vsub.f32 $1.500000000e+00, v28;
	v26 =	vld [tilespmem:s22+$0xFFFFFFF0];
	v19 =	vmul.f32 v19, v25  }
0x2f0: {  	v51 =	vld [tilespmem:s23+$0xFFFFFFF0];
	v32 =	vor.u32 $0x1, v6;
	v38 =	vmul.f32 v13, v17;
	v23 =	vmul.f32 v23, v14  }
0x2f1: {  	v52 =	vld [tilespmem:s23+$0x0];
	v44 =	vor.u32 $0x1, v9;
	v22 =	vmul.f32 v22, v28;
	v45 =	vmul.f32 v19, v15  }
0x2f2: {  	v35 =	vld.idx.msk [tilespmem:v35+s5+$0x0], $0xffff;
	v28 =	vor.u32 v37, v7;
	v38 =	vmul.f32 v38, v13;
	v23 =	vsub.f32 $1.500000000e+00, v23  }
0x2f3: {  	v36 =	vld.idx.msk [tilespmem:v36+s5+$0x0], $0xffff;
	v40 =	vmul.f32 v22, v21;
	v39 =	vand.u32 $0xFFFFFFF8, v27;
	v37 =	vmul.f32 v45, v19  }
0x2f4: {  	v24 =	vld.idx.msk [tilespmem:v24+s5+$0x0], $0xffff;
	v46 =	vand.u32 $0xFFFFFFF8, v26;
	v14 =	vmul.f32 v23, v14;
	v23 =	vsub.f32 $1.500000000e+00, v38  }
0x2f5: {  	v8 =	vld.idx.msk [tilespmem:v3+s5+$0x0], $0xffff;
	v47 =	vmul.f32 v40, v22;
	vm14 =	veq.s32 v27, $0x0;
	v37 =	vsub.f32 $1.500000000e+00, v37  }
0x2f6: {  	v31 =	vld.idx.msk [tilespmem:v31+s5+$0x0], $0xffff;
	vm1 =	veq.s32 v26, $0x0;
	v14 =	vmul.f32 v14, v18;
	v13 =	vmul.f32 v23, v13  }
0x2f7: {  	v5 =	vadd.s32 v5, v39;
	v28 =	vld.idx.msk [tilespmem:v28+s18+$0x0], $0xffff;
	v23 =	vsub.f32 $1.500000000e+00, v47;
	v19 =	vmul.f32 v37, v19  }
0x2f8: {  	v32 =	vld.idx.msk [tilespmem:v32+s5+$0x0], $0xffff;
	v4 =	vadd.s32 v4, v46;
	v14 =	vmul.f32 v14, v29;
	v17 =	vmul.f32 v13, v17  }
0x2f9: {  	v38 =	vshll.u32 v50, $0x3;
	v29 =	vld.idx.msk [tilespmem:v10+s5+$0x0], $0xffff;
	v22 =	vmul.f32 v23, v22;
	v10 =	vmul.f32 v19, v15  }
0x2fa: {  	v15 =	vand.u32 $0x7, v27;
	v23 =	vld.idx.msk [tilespmem:v12+s5+$0x0], $0xffff;
	v12 =	vadd.f32 v14, v36;
	v14 =	vmul.f32 v17, v13  }
0x2fb: {  	v7 =	vld.idx.msk [tilespmem:v34+s5+$0x0], $0xffff;
	v5 =	vor.u32 v15, v5;
	v21 =	vmul.f32 v22, v21;
	v10 =	vmul.f32 v10, v19  }
0x2fc: {  	v17 =	vand.u32 $0x7, v26;
	v12 =	vadd.f32 v12, v28;
	v28 =	vld [tilespmem:s23+$0xFFFFFFE0];
	v14 =	vsub.f32 $1.500000000e+00, v14  }
0x2fd: {  	v25 =	vld [tilespmem:s22+$0x0];
	v21 =	vmul.f32 v21, v22;
	v15 =	vsub.f32 $1.500000000e+00, v10;
	v10 =	vor.u32 v0, v38  }
0x2fe: {  	v18 =	vld.idx.msk [tilespmem:v6+s5+$0x0], $0xffff;
	v4 =	vor.u32 v17, v4;
	v17 =	vshll.u32 v48, $0x3;
	v13 =	vmul.f32 v14, v13  }
0x2ff: {  	v37 =	vld.idx.msk [tilespmem:v9+s5+$0x0], $0xffff;
	v27 =	vsel vm1, $0x3E2AAAAB, v1;
	v56 =	vor.u32 $0x2, v17;
	v14 =	vsub.f32 $1.500000000e+00, v21  }
0x300: {  	v21 =	vor.u32 $0x1, v10;
	v15 =	vmul.f32 v15, v19;
	v5 =	vld.idx.msk [tilespmem:v5+s18+$0x0], $0xffff;
	v20 =	vmul.f32 v13, v20  }
0x301: {  	v14 =	vmul.f32 v14, v22;
	v22 =	vld.idx.msk [tilespmem:v44+s5+$0x0], $0xffff;
	v13 =	vshll.u32 v28, $0x3;
	v28 =	vor.u32 $0x1, v17  }
0x302: {  	v54 =	vor.u32 $0x2, v10;
	v16 =	vmul.f32 v15, v16;
	v15 =	vshll.u32 v51, $0x3;
	v55 =	vld.idx.msk [tilespmem:v10+s5+$0x0], $0xffff  }
0x303: {  	v19 =	vshll.u32 v52, $0x3;
	v39 =	vor.u32 $0x1, v15;
	v11 =	vmul.f32 v14, v11;
	v14 =	vld.idx.msk [tilespmem:v17+s16+$0x0], $0xffff  }
0x304: {  	v62 =	vor.u32 $0x3, v3;
	v43 =	vor.u32 $0x1, v19;
	v16 =	vmul.f32 v16, v27;
	v27 =	vld.idx.msk [tilespmem:v56+s16+$0x0], $0xffff  }
0x305: {  	v30 =	vor.u32 $0x2, v6;
	v34 =	vshll.u32 v59, $0x3;
	vm2 =	veq.s32 v25, $0x0;
	v21 =	vld.idx.msk [tilespmem:v21+s5+$0x0], $0xffff  }
0x306: {  	v41 =	vand.u32 $0xFFFFFFF8, v25;
	v58 =	vsel vm2, $0x3E2AAAAB, v1;
	v53 =	vor.u32 $0x1, v13;
	v26 =	vld.idx.msk [tilespmem:v28+s16+$0x0], $0xffff  }
0x307: {  	v49 =	vand.u32 $0x7, v25;
	v25 =	vsel vm14, $0x3E2AAAAB, v1;
	v11 =	vmul.f32 v11, v58;
	v28 =	vld.idx.msk [tilespmem:v54+s5+$0x0], $0xffff  }
0x308: {  	v2 =	vadd.s32 v2, v41;
	v20 =	vmul.f32 v20, v25;
	v16 =	vadd.f32 v16, v29;
	v29 =	vld.idx.msk [tilespmem:v39+s16+$0x0], $0xffff  }
0x309: {  	v52 =	vor.u32 $0x3, v9;
	v44 =	vor.u32 $0x2, v19;
	v11 =	vadd.f32 v11, v23;
	v23 =	vld.idx.msk [tilespmem:v43+s16+$0x0], $0xffff  }
0x30a: {  	s25 =	simm.s32 $0x80;
	v57 =	vor.u32 $0x2, v13;
	v25 =	vor.u32 v49, v2;
	v20 =	vadd.f32 v20, v35;
	v61 =	vld.idx.msk [tilespmem:v13+s16+$0x0], $0xffff  }
0x30b: {  	v2 =	vmov s25;
	v33 =	vld.idx.msk [tilespmem:v53+s16+$0x0], $0xffff;
	v14 =	vsub.f32 v55, v14;
	v26 =	vsub.f32 v21, v26  }
0x30c: {  	v42 =	vor.u32 $0x2, v15;
	v2 =	vshll.u32 v2, $0x3;
	v21 =	vadd.f32 v20, v5;
	v5 =	vld.idx.msk [tilespmem:v15+s16+$0x0], $0xffff  }
0x30d: {  	v14 =	vmul.f32 v14, v14;
	v20 =	vsub.f32 v28, v27;
	v27 =	vld.idx.msk [tilespmem:v19+s16+$0x0], $0xffff;
	v26 =	vmul.f32 v26, v26  }
0x30e: {  	v51 =	vor.u32 $0x3, v6;
	v2 =	vor.u32 v0, v2;
	v22 =	vsub.f32 v22, v23;
	v23 =	vld.idx.msk [tilespmem:v44+s16+$0x0], $0xffff  }
0x30f: {  	v30 =	vld.idx.msk [tilespmem:v30+s5+$0x0], $0xffff;
	v29 =	vsub.f32 v32, v29;
	v20 =	vmul.f32 v20, v20;
	v14 =	vadd.f32 v26, v14  }
0x310: {  	v35 =	vshll.u32 v60, $0x3;
	v8 =	vsub.f32 v8, v61;
	v3 =	vsub.f32 v24, v33;
	v24 =	vld.idx.msk [tilespmem:v57+s16+$0x0], $0xffff  }
0x311: {  	v63 =	vor.u32 $0x1, v2;
	v29 =	vmul.f32 v29, v29;
	v26 =	vld.idx.msk [tilespmem:v42+s16+$0x0], $0xffff;
	v48 =	vadd.f32 v20, v14  }
0x312: {  	v8 =	vmul.f32 v8, v8;
	v33 =	vmul.f32 v3, v3;
	v5 =	vsub.f32 v18, v5  }
0x313: {  	v18 =	vsub.f32 v37, v27;
	v23 =	vsub.f32 v31, v23;
	v20 =	vmax.f32 v48, $9.999999960e-13  }
0x314: {  	s21 =	simm.s32 $0x4E80;
	v4 =	vld.idx.msk [tilespmem:v4+s18+$0x0], $0xffff;
	v14 =	vmul.f32 v22, v22;
	v22 =	vshra.s32 v20, $0x1;
	v49 =	vmul.f32 $5.000000000e-01, v20  }
0x315: {  	v53 =	vld [tilespmem:s21+$0x10];
	v7 =	vsub.f32 v7, v24;
	v5 =	vmul.f32 v5, v5;
	v20 =	vsub.s32 $0x5F3759DF, v22  }
0x316: {  	v18 =	vmul.f32 v18, v18;
	v24 =	vsub.f32 v30, v26;
	v22 =	vld.idx.msk [tilespmem:v25+s18+$0x0], $0xffff;
	v25 =	vmul.f32 v20, v49  }
0x317: {  	v8 =	vadd.f32 v33, v8;
	v7 =	vmul.f32 v7, v7;
	v5 =	vadd.f32 v29, v5  }
0x318: {  	v14 =	vadd.f32 v14, v18;
	v24 =	vmul.f32 v24, v24;
	v18 =	vmul.f32 v20, v25  }
0x319: {  	v23 =	vmul.f32 v23, v23;
	v29 =	vadd.f32 v16, v4;
	v7 =	vadd.f32 v7, v8  }
0x31a: {  	v28 =	vor.u32 $0x2, v2;
	v8 =	vadd.f32 v24, v5;
	v16 =	vsub.f32 $1.500000000e+00, v18  }
0x31b: {  	vm15 =	veq.s32 v53, $0x0;
	v5 =	vadd.f32 v23, v14;
	v18 =	vmax.f32 v7, $9.999999960e-13  }
0x31c: {  	v22 =	vadd.f32 v11, v22;
	v14 =	vmax.f32 v8, $9.999999960e-13;
	v16 =	vmul.f32 v20, v16  }
0x31d: {  	v23 =	vmax.f32 v5, $9.999999960e-13;
	v11 =	vshra.s32 v18, $0x1;
	v18 =	vmul.f32 $5.000000000e-01, v18  }
0x31e: {  	v24 =	vmul.f32 $5.000000000e-01, v14;
	v20 =	vshra.s32 v14, $0x1;
	v25 =	vmul.f32 v16, v49  }
0x31f: {  	v14 =	vshra.s32 v23, $0x1;
	v30 =	vsub.s32 $0x5F3759DF, v11;
	v31 =	vsub.s32 $0x5F3759DF, v20  }
0x320: {  	v11 =	vmul.f32 v30, v18;
	v50 =	vsub.s32 $0x5F3759DF, v14;
	v14 =	vmul.f32 v25, v16  }
0x321: {  	v3 =	vor.u32 v0, v34;
	v23 =	vmul.f32 $5.000000000e-01, v23;
	v6 =	vmul.f32 v31, v24  }
0x322: {  	v54 =	vor.u32 $0x2, v3;
	v11 =	vmul.f32 v30, v11;
	v9 =	vsub.f32 $1.500000000e+00, v14  }
0x323: {  	v4 =	vor.u32 v0, v35;
	v20 =	vmul.f32 v50, v23;
	v6 =	vmul.f32 v31, v6  }
0x324: {  	v26 =	vor.u32 $0x1, v3;
	v25 =	vsub.f32 $1.500000000e+00, v11;
	v55 =	vmul.f32 v9, v16  }
0x325: {  	v27 =	vor.u32 $0x1, v4;
	v14 =	vmul.f32 v50, v20;
	v6 =	vsub.f32 $1.500000000e+00, v6  }
0x326: {  	s15 =	simm.s32 $0x157E0;
	v11 =	vld [tilespmem:s21+$0xFFFFFFE0];
	v30 =	vmul.f32 v30, v25;
	v25 =	vor.u32 $0x3, v10;
	v9 =	vmul.f32 v55, v49  }
0x327: {  	[tilespmem:s15+$0x10] =	vst v12;
	v12 =	vld.idx.msk [tilespmem:v3+s5+$0x0], $0xffff;
	v56 =	vsub.f32 $1.500000000e+00, v14;
	v57 =	vmul.f32 v31, v6;
	v6 =	vand.u32 $0xFFFFFFF8, v53  }
0x328: {  	v20 =	vor.u32 $0x2, v4;
	v14 =	vld [tilespmem:s21+$0xFFFFFFF0];
	v6 =	vadd.s32 v17, v6;
	v17 =	vmul.f32 v9, v55  }
0x329: {  	s22 =	simm.s32 $0x2F80;
	v10 =	vand.u32 $0x7, v53;
	v16 =	vld [tilespmem:s21+$0x0];
	v31 =	vmul.f32 v30, v18;
	v33 =	vmul.f32 v50, v56  }
0x32a: {  	[tilespmem:s15+$0x0] =	vst v22;
	v22 =	vld [tilespmem:s22+$0x10];
	v58 =	vor.u32 v10, v6;
	v60 =	vmul.f32 v57, v24;
	v17 =	vsub.f32 $1.500000000e+00, v17  }
0x32b: {  	v59 =	vand.u32 $0xFFFFFFF8, v11;
	v6 =	vld.idx.msk [tilespmem:v28+s5+$0x0], $0xffff;
	v28 =	vmul.f32 v31, v30;
	v61 =	vmul.f32 v33, v23  }
0x32c: {  	v43 =	vmul.f32 v60, v57;
	v46 =	vld.idx.msk [tilespmem:v25+s5+$0x0], $0xffff;
	v25 =	vadd.s32 v13, v59;
	v41 =	vmul.f32 v17, v55  }
0x32d: {  	v10 =	vld.idx.msk [tilespmem:v62+s5+$0x0], $0xffff;
	v31 =	vand.u32 $0xFFFFFFF8, v14;
	v13 =	vsub.f32 $1.500000000e+00, v28;
	v28 =	vmul.f32 v61, v33  }
0x32e: {  	v9 =	vld.idx.msk [tilespmem:v2+s5+$0x0], $0xffff;
	v45 =	vand.u32 $0xFFFFFFF8, v16;
	v62 =	vsub.f32 $1.500000000e+00, v43;
	v36 =	vmul.f32 v41, v48  }
0x32f: {  	v42 =	vld.idx.msk [tilespmem:v58+s18+$0x0], $0xffff;
	v32 =	vmul.f32 v13, v30;
	v30 =	vsel vm15, $0x3E2AAAAB, v1;
	v28 =	vsub.f32 $1.500000000e+00, v28  }
0x330: {  	v31 =	vadd.s32 v15, v31;
	v13 =	vld.idx.msk [tilespmem:v4+s5+$0x0], $0xffff;
	v34 =	vmul.f32 v62, v57;
	v15 =	vmul.f32 v36, v30  }
0x331: {  	v37 =	vand.u32 $0x7, v14;
	v17 =	vld.idx.msk [tilespmem:v63+s5+$0x0], $0xffff;
	v63 =	vmul.f32 v32, v18;
	v33 =	vmul.f32 v28, v33  }
0x332: {  	[tilespmem:s15+$0xFFFFFFE0] =	vst v21;
	v35 =	vand.u32 $0x7, v16;
	v18 =	vld.idx.msk [tilespmem:v51+s5+$0x0], $0xffff;
	v21 =	vmul.f32 v34, v24;
	v28 =	vadd.f32 v15, v46  }
0x333: {  	v24 =	vmul.f32 v63, v32;
	v30 =	vadd.s32 v19, v45;
	v19 =	vld.idx.msk [tilespmem:v52+s5+$0x0], $0xffff;
	v23 =	vmul.f32 v33, v23  }
0x334: {  	s24 =	simm.s32 $0xB0;
	s23 =	simm.s32 $0xC0;
	[tilespmem:s15+$0xFFFFFFF0] =	vst v29;
	v36 =	vand.u32 $0x7, v11;
	v38 =	vmul.f32 v21, v34;
	v15 =	vld.idx.msk [tilespmem:v54+s5+$0x0], $0xffff;
	v21 =	vadd.f32 v28, v42  }
.LBB2_12:
0x335: {  	p0 =	slt.u32 s23, $0xF40;
	v28 =	vld [tilespmem:s22+$0xFFFFFFE0];
	v29 =	vmov s24;
	v39 =	vsub.f32 $1.500000000e+00, v24;
	v23 =	vmul.f32 v23, v33;
	s15 =	sadd.s32 $0x40, s15  }
0x336: {  	v40 =	vld [tilespmem:s22+$0xFFFFFFF0];
	v24 =	vshll.u32 v29, $0x3;
	v29 =	vor.u32 v36, v25;
	v25 =	vsub.f32 $1.500000000e+00, v38;
	[tilespmem:s15+$0x10] =	vst v21  }
0x337: {  	v21 =	vld [tilespmem:s22+$0x0];
	v24 =	vor.u32 v0, v24;
	v32 =	vmul.f32 v39, v32;
	v23 =	vsub.f32 $1.500000000e+00, v23  }
0x338: {  	v31 =	vor.u32 v37, v31;
	v20 =	vld.idx.msk [tilespmem:v20+s5+$0x0], $0xffff;
	v36 =	vor.u32 $0x1, v24;
	v34 =	vmul.f32 v25, v34  }
0x339: {  	v26 =	vld.idx.msk [tilespmem:v26+s5+$0x0], $0xffff;
	v25 =	vshll.u32 v22, $0x3;
	v7 =	vmul.f32 v32, v7;
	v32 =	vmul.f32 v23, v33  }
0x33a: {  	v23 =	vshll.u32 v28, $0x3;
	v27 =	vld.idx.msk [tilespmem:v27+s5+$0x0], $0xffff;
	v28 =	vor.u32 $0x1, v25;
	v8 =	vmul.f32 v34, v8  }
0x33b: {  	v34 =	vor.u32 $0x2, v24;
	v33 =	vor.u32 $0x1, v23;
	v22 =	vshll.u32 v40, $0x3;
	v29 =	vld.idx.msk [tilespmem:v29+s18+$0x0], $0xffff  }
0x33c: {  	v39 =	vor.u32 $0x2, v25;
	v37 =	vor.u32 $0x1, v22;
	v21 =	vshll.u32 v21, $0x3;
	v38 =	vld.idx.msk [tilespmem:v24+s5+$0x0], $0xffff  }
0x33d: {  	v40 =	vor.u32 $0x2, v23;
	v41 =	vor.u32 $0x2, v22;
	v42 =	vor.u32 $0x1, v21;
	v36 =	vld.idx.msk [tilespmem:v36+s5+$0x0], $0xffff  }
0x33e: {  	v30 =	vor.u32 v35, v30;
	v5 =	vmul.f32 v32, v5;
	v43 =	vor.u32 $0x2, v21;
	v44 =	vld.idx.msk [tilespmem:v25+s16+$0x0], $0xffff  }
0x33f: {  	vm0 =	veq.s32 v11, $0x0;
	vm1 =	veq.s32 v14, $0x0;
	vm2 =	veq.s32 v16, $0x0;
	v28 =	vld.idx.msk [tilespmem:v28+s16+$0x0], $0xffff  }
0x340: {  	v14 =	vsel vm0, $0x3E2AAAAB, v1;
	v16 =	vsel vm1, $0x3E2AAAAB, v1;
	v32 =	vsel vm2, $0x3E2AAAAB, v1;
	v11 =	vld.idx.msk [tilespmem:v34+s5+$0x0], $0xffff  }
0x341: {  	v7 =	vmul.f32 v7, v14;
	v8 =	vmul.f32 v8, v16;
	v34 =	vld.idx.msk [tilespmem:v39+s16+$0x0], $0xffff  }
0x342: {  	v14 =	vmov s23;
	v5 =	vmul.f32 v5, v32;
	v16 =	vld.idx.msk [tilespmem:v33+s16+$0x0], $0xffff  }
0x343: {  	s24 =	sadd.s32 $0x10, s23;
	s25 =	sadd.s32 $0x20, s23;
	v14 =	vshll.u32 v14, $0x3;
	v7 =	vadd.f32 v7, v10;
	v8 =	vadd.f32 v8, v18;
	v32 =	vld.idx.msk [tilespmem:v37+s16+$0x0], $0xffff  }
0x344: {  	v10 =	vmov s24;
	v18 =	vmov s25;
	v35 =	vadd.f32 v5, v19;
	v33 =	vld.idx.msk [tilespmem:v42+s16+$0x0], $0xffff  }
0x345: {  	v5 =	vor.u32 v0, v14;
	v19 =	vsub.f32 v38, v44;
	v28 =	vsub.f32 v36, v28;
	v14 =	vld.idx.msk [tilespmem:v23+s16+$0x0], $0xffff  }
0x346: {  	v10 =	vshll.u32 v10, $0x3;
	v7 =	vadd.f32 v7, v29;
	v36 =	vshll.u32 v18, $0x3;
	v37 =	vld.idx.msk [tilespmem:v22+s16+$0x0], $0xffff  }
0x347: {  	v19 =	vmul.f32 v19, v19;
	v11 =	vsub.f32 v11, v34;
	v28 =	vmul.f32 v28, v28;
	v29 =	vld.idx.msk [tilespmem:v21+s16+$0x0], $0xffff  }
0x348: {  	v18 =	vor.u32 $0x2, v5;
	v34 =	vor.u32 $0x3, v2;
	v2 =	vmovc v5;
	v16 =	vsub.f32 v17, v16;
	v38 =	vld.idx.msk [tilespmem:v40+s16+$0x0], $0xffff;
	[tilespmem:s15+$0xFFFFFFE0] =	vst v7  }
0x349: {  	v7 =	vsub.f32 v26, v32;
	v19 =	vadd.f32 v28, v19;
	v11 =	vmul.f32 v11, v11;
	v5 =	vld.idx.msk [tilespmem:v41+s16+$0x0], $0xffff  }
0x34a: {  	v17 =	vor.u32 $0x1, v2;
	v16 =	vmul.f32 v16, v16;
	v27 =	vsub.f32 v27, v33;
	v26 =	vld.idx.msk [tilespmem:v43+s16+$0x0], $0xffff  }
0x34b: {  	v9 =	vsub.f32 v9, v14;
	v7 =	vmul.f32 v7, v7;
	v19 =	vadd.f32 v11, v19;
	v11 =	vld.idx.msk [tilespmem:v31+s18+$0x0], $0xffff  }
0x34c: {  	v10 =	vor.u32 v0, v10;
	v12 =	vsub.f32 v12, v37;
	v14 =	vmul.f32 v27, v27;
	v27 =	vld.idx.msk [tilespmem:v30+s18+$0x0], $0xffff  }
0x34d: {  	v9 =	vmul.f32 v9, v9;
	v13 =	vsub.f32 v13, v29;
	v28 =	vmax.f32 v19, $9.999999960e-13  }
0x34e: {  	v12 =	vmul.f32 v12, v12;
	v29 =	vshra.s32 v28, $0x1;
	v28 =	vmul.f32 $5.000000000e-01, v28  }
0x34f: {  	v6 =	vsub.f32 v6, v38;
	v13 =	vmul.f32 v13, v13;
	v29 =	vsub.s32 $0x5F3759DF, v29  }
0x350: {  	v5 =	vsub.f32 v15, v5;
	v15 =	vsub.f32 v20, v26;
	v20 =	vmul.f32 v29, v28  }
0x351: {  	v9 =	vadd.f32 v16, v9;
	v6 =	vmul.f32 v6, v6;
	v12 =	vadd.f32 v7, v12  }
0x352: {  	v5 =	vmul.f32 v5, v5;
	v13 =	vadd.f32 v14, v13;
	v14 =	vmul.f32 v29, v20  }
0x353: {  	v7 =	vadd.f32 v6, v9;
	v6 =	vmul.f32 v15, v15;
	v9 =	vadd.f32 v8, v11  }
0x354: {  	v11 =	vor.u32 v0, v36;
	v8 =	vadd.f32 v5, v12;
	v12 =	vsub.f32 $1.500000000e+00, v14  }
0x355: {  	v14 =	vmax.f32 v7, $9.999999960e-13;
	v5 =	vadd.f32 v6, v13;
	v6 =	vadd.f32 v35, v27;
	[tilespmem:s15+$0xFFFFFFF0] =	vst v9  }
0x356: {  	v13 =	vmax.f32 v8, $9.999999960e-13;
	v9 =	vshra.s32 v14, $0x1;
	v12 =	vmul.f32 v29, v12  }
0x357: {  	v15 =	vmul.f32 $5.000000000e-01, v14;
	v14 =	vshra.s32 v13, $0x1;
	v16 =	vmax.f32 v5, $9.999999960e-13;
	[tilespmem:s15+$0x0] =	vst v6  }
0x358: {  	v29 =	vmul.f32 $5.000000000e-01, v13;
	v6 =	vshra.s32 v16, $0x1;
	v13 =	vmul.f32 v12, v28  }
0x359: {  	v9 =	vsub.s32 $0x5F3759DF, v9;
	v30 =	vsub.s32 $0x5F3759DF, v14;
	v35 =	vmul.f32 $5.000000000e-01, v16  }
0x35a: {  	v14 =	vmul.f32 v9, v15;
	v6 =	vsub.s32 $0x5F3759DF, v6;
	v13 =	vmul.f32 v13, v12  }
0x35b: {  	s21 =	sadd.s32 $0x40, s21;
	v33 =	vor.u32 $0x3, v3;
	v3 =	vmovc v10;
	v16 =	vmul.f32 v30, v29;
	v20 =	vmul.f32 v6, v35  }
0x35c: {  	v37 =	vor.u32 $0x3, v4;
	v4 =	vmovc v11;
	v10 =	vmul.f32 v9, v14;
	v13 =	vsub.f32 $1.500000000e+00, v13;
	v31 =	vld [tilespmem:s21+$0x10]  }
0x35d: {  	v38 =	vor.u32 $0x2, v3;
	v16 =	vmul.f32 v30, v16;
	v27 =	vmul.f32 v6, v20;
	v11 =	vld [tilespmem:s21+$0xFFFFFFE0]  }
0x35e: {  	v20 =	vor.u32 $0x2, v4;
	v10 =	vsub.f32 $1.500000000e+00, v10;
	v12 =	vmul.f32 v13, v12;
	v14 =	vld [tilespmem:s21+$0xFFFFFFF0]  }
0x35f: {  	v26 =	vor.u32 $0x1, v3;
	v13 =	vsub.f32 $1.500000000e+00, v16;
	v32 =	vsub.f32 $1.500000000e+00, v27;
	v16 =	vld [tilespmem:s21+$0x0]  }
0x360: {  	v27 =	vor.u32 $0x1, v4;
	v36 =	vmul.f32 v9, v10;
	v9 =	vmul.f32 v12, v28  }
0x361: {  	v28 =	vmul.f32 v30, v13;
	v13 =	vor.u32 $0x3, v24;
	v10 =	vand.u32 $0xFFFFFFF8, v31  }
0x362: {  	v24 =	vand.u32 $0x7, v31;
	v10 =	vadd.s32 v25, v10;
	v25 =	vmul.f32 v9, v12  }
0x363: {  	v30 =	vmul.f32 v36, v15;
	v39 =	vmul.f32 v6, v32;
	v9 =	vld.idx.msk [tilespmem:v2+s5+$0x0], $0xffff;
	v24 =	vor.u32 v24, v10  }
0x364: {  	v32 =	vand.u32 $0xFFFFFFF8, v11;
	v10 =	vld.idx.msk [tilespmem:v34+s5+$0x0], $0xffff;
	v34 =	vmul.f32 v28, v29;
	v25 =	vsub.f32 $1.500000000e+00, v25  }
0x365: {  	v40 =	vmul.f32 v39, v35;
	v6 =	vld.idx.msk [tilespmem:v18+s5+$0x0], $0xffff;
	v18 =	vmul.f32 v30, v36;
	v30 =	vand.u32 $0xFFFFFFF8, v14  }
0x366: {  	v41 =	vand.u32 $0xFFFFFFF8, v16;
	v34 =	vmul.f32 v34, v28;
	v42 =	vld.idx.msk [tilespmem:v13+s5+$0x0], $0xffff;
	v12 =	vmul.f32 v25, v12  }
0x367: {  	v25 =	vadd.s32 v23, v32;
	v17 =	vld.idx.msk [tilespmem:v17+s5+$0x0], $0xffff;
	v13 =	vsub.f32 $1.500000000e+00, v18;
	v18 =	vmul.f32 v40, v39  }
0x368: {  	vm0 =	veq.s32 v31, $0x0;
	v23 =	vsub.f32 $1.500000000e+00, v34;
	v40 =	vld.idx.msk [tilespmem:v24+s18+$0x0], $0xffff;
	v19 =	vmul.f32 v12, v19  }
0x369: {  	v12 =	vld.idx.msk [tilespmem:v3+s5+$0x0], $0xffff;
	v32 =	vmul.f32 v13, v36;
	v24 =	vsub.f32 $1.500000000e+00, v18;
	v18 =	vsel vm0, $0x3E2AAAAB, v1  }
.Ltmp9:
0x36a: {  	v31 =	vadd.s32 v22, v30;
	v13 =	vld.idx.msk [tilespmem:v4+s5+$0x0], $0xffff;
	v34 =	vmul.f32 v23, v28;
	v22 =	vmul.f32 v19, v18;
	(pc) =	sbr.rel @p0 .LBB2_12-.Ltmp9, $4  }
0x36b: {  	v30 =	vadd.s32 v21, v41;
	v23 =	vmul.f32 v32, v15;
	v18 =	vld.idx.msk [tilespmem:v33+s5+$0x0], $0xffff;
	v33 =	vmul.f32 v24, v39  }
0x36c: {  	v36 =	vand.u32 $0x7, v11;
	v21 =	vmul.f32 v34, v29;
	v19 =	vld.idx.msk [tilespmem:v37+s5+$0x0], $0xffff;
	v28 =	vadd.f32 v22, v42  }
0x36d: {  	s22 =	sadd.s32 $0x40, s22;
	v37 =	vand.u32 $0x7, v14;
	v15 =	vld.idx.msk [tilespmem:v38+s5+$0x0], $0xffff;
	v24 =	vmul.f32 v23, v32;
	v23 =	vmul.f32 v33, v35  }
0x36e: {  	s24 =	sadd.s32 $0x30, s23;
	s23 =	sadd.s32 $0x40, s23;
	v35 =	vand.u32 $0x7, v16;
	v22 =	vld [tilespmem:s22+$0x10];
	v38 =	vmul.f32 v21, v34;
	v21 =	vadd.f32 v28, v40  }
0x36f: {  	v28 =	vmov s24  }
0x370: {  	v28 =	vshll.u32 v28, $0x3  }
0x371: {  	v39 =	vld [tilespmem:s22+$0xFFFFFFE0];
	v29 =	vor.u32 v0, v28  }
0x372: {  	v40 =	vld [tilespmem:s22+$0xFFFFFFF0];
	v41 =	vor.u32 $0x1, v29  }
0x373: {  	v42 =	vld [tilespmem:s22+$0x0];
	v44 =	vor.u32 $0x2, v29  }
0x374: {  	v26 =	vld.idx.msk [tilespmem:v26+s5+$0x0], $0xffff;
	v28 =	vshll.u32 v22, $0x3  }
0x375: {  	v27 =	vld.idx.msk [tilespmem:v27+s5+$0x0], $0xffff;
	v43 =	vor.u32 $0x1, v28  }
0x376: {  	v45 =	vsub.f32 $1.500000000e+00, v24;
	v24 =	vshll.u32 v39, $0x3;
	v46 =	vor.u32 $0x2, v28;
	v39 =	vld.idx.msk [tilespmem:v29+s5+$0x0], $0xffff  }
0x377: {  	v22 =	vshll.u32 v40, $0x3;
	v52 =	vld.idx.msk [tilespmem:v41+s5+$0x0], $0xffff  }
0x378: {  	v47 =	vmul.f32 v23, v33;
	v23 =	vshll.u32 v42, $0x3;
	v44 =	vld.idx.msk [tilespmem:v44+s5+$0x0], $0xffff  }
0x379: {  	v48 =	vor.u32 $0x1, v24;
	v54 =	vld.idx.msk [tilespmem:v28+s16+$0x0], $0xffff  }
0x37a: {  	v53 =	vor.u32 $0x1, v22;
	v43 =	vld.idx.msk [tilespmem:v43+s16+$0x0], $0xffff  }
0x37b: {  	v56 =	vsub.f32 $1.500000000e+00, v47;
	v55 =	vor.u32 $0x1, v23;
	v58 =	vld.idx.msk [tilespmem:v46+s16+$0x0], $0xffff  }
0x37c: {  	v36 =	vor.u32 v36, v25;
	v25 =	vor.u32 v37, v31;
	vm0 =	veq.s32 v11, $0x0;
	v49 =	vld.idx.msk [tilespmem:v22+s16+$0x0], $0xffff  }
0x37d: {  	v38 =	vsub.f32 $1.500000000e+00, v38;
	v59 =	vmul.f32 v56, v33;
	v60 =	vor.u32 $0x2, v24;
	v56 =	vld.idx.msk [tilespmem:v23+s16+$0x0], $0xffff  }
0x37e: {  	vm1 =	veq.s32 v14, $0x0;
	vm2 =	veq.s32 v16, $0x0;
	v32 =	vmul.f32 v45, v32;
	v61 =	vld.idx.msk [tilespmem:v48+s16+$0x0], $0xffff  }
0x37f: {  	v2 =	vor.u32 $0x3, v2;
	v34 =	vmul.f32 v38, v34;
	v62 =	vor.u32 $0x2, v22;
	v46 =	vld.idx.msk [tilespmem:v53+s16+$0x0], $0xffff  }
0x380: {  	v3 =	vor.u32 $0x3, v3;
	v4 =	vor.u32 $0x3, v4;
	v57 =	vmul.f32 v32, v7;
	v47 =	vld.idx.msk [tilespmem:v55+s16+$0x0], $0xffff  }
0x381: {  	v7 =	vor.u32 v35, v30;
	v8 =	vmul.f32 v34, v8;
	v63 =	vor.u32 $0x2, v23;
	v48 =	vld.idx.msk [tilespmem:v24+s16+$0x0], $0xffff  }
0x382: {  	v5 =	vmul.f32 v59, v5;
	v53 =	vsel vm0, $0x3E2AAAAB, v1;
	v55 =	vsel vm2, $0x3E2AAAAB, v1;
	v34 =	vld.idx.msk [tilespmem:v60+s16+$0x0], $0xffff  }
0x383: {  	v31 =	vmul.f32 v57, v53;
	v39 =	vsub.f32 v39, v54;
	v40 =	vsub.f32 v52, v43  }
0x384: {  	v57 =	vld.idx.msk [tilespmem:v62+s16+$0x0], $0xffff;
	v5 =	vmul.f32 v5, v55;
	v50 =	vsub.f32 v44, v58;
	v12 =	vsub.f32 v12, v49  }
0x385: {  	v20 =	vld.idx.msk [tilespmem:v20+s5+$0x0], $0xffff;
	v13 =	vsub.f32 v13, v56;
	v51 =	vmul.f32 v39, v39;
	v17 =	vsub.f32 v17, v61  }
0x386: {  	v59 =	vld.idx.msk [tilespmem:v63+s16+$0x0], $0xffff;
	v26 =	vsub.f32 v26, v46;
	v27 =	vsub.f32 v27, v47;
	v52 =	vmul.f32 v40, v40  }
0x387: {  	v54 =	vsel vm1, $0x3E2AAAAB, v1;
	v9 =	vsub.f32 v9, v48;
	v6 =	vsub.f32 v6, v34  }
0x388: {  	v16 =	vmul.f32 v50, v50;
	v12 =	vmul.f32 v12, v12;
	v32 =	vadd.f32 v52, v51  }
0x389: {  	v13 =	vmul.f32 v13, v13;
	v15 =	vsub.f32 v15, v57;
	v58 =	vmul.f32 v17, v17  }
0x38a: {  	v26 =	vmul.f32 v26, v26;
	v9 =	vmul.f32 v9, v9;
	v11 =	vadd.f32 v16, v32  }
0x38b: {  	v60 =	vmul.f32 v27, v27;
	v17 =	vsub.f32 v20, v59;
	v6 =	vmul.f32 v6, v6  }
0x38c: {  	v15 =	vmul.f32 v15, v15;
	v9 =	vadd.f32 v58, v9;
	v61 =	vmax.f32 v11, $9.999999960e-13  }
0x38d: {  	v12 =	vadd.f32 v26, v12;
	v62 =	vshra.s32 v61, $0x1;
	v27 =	vmul.f32 $5.000000000e-01, v61  }
0x38e: {  	v13 =	vadd.f32 v60, v13;
	v38 =	vmul.f32 v17, v17;
	v30 =	vsub.s32 $0x5F3759DF, v62  }
0x38f: {  	v6 =	vadd.f32 v6, v9;
	v12 =	vadd.f32 v15, v12;
	v63 =	vmul.f32 v30, v27  }
0x390: {  	v10 =	vadd.f32 v31, v10;
	v8 =	vmul.f32 v8, v54;
	v9 =	vadd.f32 v38, v13  }
0x391: {  	v40 =	vmax.f32 v6, $9.999999960e-13;
	v42 =	vmax.f32 v12, $9.999999960e-13;
	v37 =	vmul.f32 v30, v63  }
0x392: {  	v44 =	vmax.f32 v9, $9.999999960e-13;
	v41 =	vshra.s32 v40, $0x1;
	v15 =	vmul.f32 $5.000000000e-01, v40  }
0x393: {  	v45 =	vld.idx.msk [tilespmem:v36+s18+$0x0], $0xffff;
	v43 =	vshra.s32 v42, $0x1;
	v13 =	vsub.s32 $0x5F3759DF, v41;
	v39 =	vsub.f32 $1.500000000e+00, v37  }
0x394: {  	v7 =	vld.idx.msk [tilespmem:v7+s18+$0x0], $0xffff;
	v16 =	vmul.f32 $5.000000000e-01, v42;
	v46 =	vshra.s32 v44, $0x1;
	v48 =	vmul.f32 v13, v15  }
0x395: {  	v20 =	vmul.f32 $5.000000000e-01, v44;
	v17 =	vsub.s32 $0x5F3759DF, v43;
	v14 =	vmul.f32 v30, v39  }
0x396: {  	s21 =	sadd.s32 $0x40, s21;
	v49 =	vmul.f32 v17, v16;
	v52 =	vmul.f32 v13, v48;
	v30 =	vsub.s32 $0x5F3759DF, v46  }
0x397: {  	v5 =	vadd.f32 v5, v19;
	v54 =	vld [tilespmem:s21+$0x10];
	v51 =	vmul.f32 v30, v20;
	v47 =	vmul.f32 v14, v27  }
0x398: {  	v10 =	vadd.f32 v10, v45;
	v53 =	vmul.f32 v17, v49;
	v19 =	vsub.f32 $1.500000000e+00, v52  }
0x399: {  	v56 =	vld [tilespmem:s21+$0xFFFFFFE0];
	v5 =	vadd.f32 v5, v7;
	v31 =	vmul.f32 v30, v51;
	v50 =	vmul.f32 v47, v14  }
0x39a: {  	v8 =	vadd.f32 v8, v18;
	v57 =	vld [tilespmem:s21+$0xFFFFFFF0];
	v32 =	vsub.f32 $1.500000000e+00, v53;
	v13 =	vmul.f32 v13, v19  }
0x39b: {  	v29 =	vor.u32 $0x3, v29;
	v55 =	vsub.f32 $1.500000000e+00, v31;
	v18 =	vsub.f32 $1.500000000e+00, v50  }
0x39c: {  	v58 =	vand.u32 $0xFFFFFFF8, v54;
	v17 =	vmul.f32 v17, v32;
	v59 =	vmul.f32 v13, v15  }
0x39d: {  	vm12 =	veq.s32 v54, $0x0;
	v14 =	vmul.f32 v18, v14;
	v18 =	vmul.f32 v30, v55  }
0x39e: {  	vm13 =	veq.s32 v56, $0x0;
	v28 =	vadd.s32 v28, v58;
	v60 =	vmul.f32 v17, v16  }
0x39f: {  	vm14 =	veq.s32 v57, $0x0;
	v40 =	vmul.f32 v59, v13;
	v63 =	vmul.f32 v18, v20  }
0x3a0: {  	v62 =	vand.u32 $0x7, v54;
	v44 =	vand.u32 $0xFFFFFFF8, v57;
	v41 =	vmul.f32 v60, v17  }
0x3a1: {  	v61 =	vld [tilespmem:s21+$0x0];
	v28 =	vor.u32 v62, v28;
	v31 =	vsub.f32 $1.500000000e+00, v40;
	v42 =	vmul.f32 v63, v18  }
0x3a2: {  	v43 =	vand.u32 $0xFFFFFFF8, v56;
	v22 =	vadd.s32 v22, v44;
	v32 =	vsub.f32 $1.500000000e+00, v41  }
0x3a3: {  	v24 =	vadd.s32 v24, v43;
	v13 =	vmul.f32 v31, v13;
	v45 =	vsub.f32 $1.500000000e+00, v42  }
0x3a4: {  	v49 =	vand.u32 $0x7, v56;
	v17 =	vmul.f32 v32, v17;
	v27 =	vmul.f32 v14, v27  }
0x3a5: {  	v24 =	vor.u32 v49, v24;
	v15 =	vmul.f32 v13, v15;
	v47 =	vmul.f32 v45, v18  }
0x3a6: {  	v52 =	vand.u32 $0x7, v61;
	v16 =	vmul.f32 v17, v16;
	v27 =	vmul.f32 v27, v14  }
0x3a7: {  	v46 =	vand.u32 $0xFFFFFFF8, v61;
	v15 =	vmul.f32 v15, v13;
	v20 =	vmul.f32 v47, v20  }
0x3a8: {  	v25 =	vld.idx.msk [tilespmem:v25+s18+$0x0], $0xffff;
	v23 =	vadd.s32 v23, v46;
	v16 =	vmul.f32 v16, v17;
	v27 =	vsub.f32 $1.500000000e+00, v27  }
0x3a9: {  	v2 =	vld.idx.msk [tilespmem:v2+s5+$0x0], $0xffff;
	v50 =	vand.u32 $0x7, v57;
	v15 =	vsub.f32 $1.500000000e+00, v15;
	v20 =	vmul.f32 v20, v47  }
0x3aa: {  	v3 =	vld.idx.msk [tilespmem:v3+s5+$0x0], $0xffff;
	v22 =	vor.u32 v50, v22;
	v16 =	vsub.f32 $1.500000000e+00, v16;
	v14 =	vmul.f32 v27, v14  }
0x3ab: {  	v51 =	vld.idx.msk [tilespmem:v29+s5+$0x0], $0xffff;
	v55 =	vor.u32 v52, v23;
	v13 =	vmul.f32 v15, v13;
	v20 =	vsub.f32 $1.500000000e+00, v20  }
0x3ac: {  	v4 =	vld.idx.msk [tilespmem:v4+s5+$0x0], $0xffff;
	v58 =	vsel vm14, $0x3E2AAAAB, v1;
	v54 =	vmul.f32 v16, v17;
	v11 =	vmul.f32 v14, v11  }
0x3ad: {  	v48 =	vsel vm12, $0x3E2AAAAB, v1;
	v53 =	vld.idx.msk [tilespmem:v28+s18+$0x0], $0xffff;
	v6 =	vmul.f32 v13, v6;
	v14 =	vmul.f32 v20, v47  }
0x3ae: {  	v56 =	vld.idx.msk [tilespmem:v24+s18+$0x0], $0xffff;
	v57 =	vsel vm13, $0x3E2AAAAB, v1;
	v12 =	vmul.f32 v54, v12;
	v11 =	vmul.f32 v11, v48  }
0x3af: {  	s15 =	sadd.s32 $0x40, s15;
	vm15 =	veq.s32 v61, $0x0;
	v59 =	vld.idx.msk [tilespmem:v22+s18+$0x0], $0xffff;
	v6 =	vmul.f32 v6, v57;
	v9 =	vmul.f32 v14, v9  }
0x3b0: {  	[tilespmem:s15+$0x10] =	vst v21;
	v60 =	vsel vm15, $0x3E2AAAAB, v1;
	v61 =	vld.idx.msk [tilespmem:v55+s18+$0x0], $0xffff;
	v12 =	vmul.f32 v12, v58;
	v11 =	vadd.f32 v11, v51  }
0x3b1: {  	[tilespmem:s15+$0xFFFFFFE0] =	vst v10;
	v8 =	vadd.f32 v8, v25;
	v2 =	vadd.f32 v6, v2;
	v62 =	vmul.f32 v9, v60  }
0x3b2: {  	[tilespmem:s15+$0x0] =	vst v5;
	v3 =	vadd.f32 v12, v3;
	v63 =	vadd.f32 v11, v53  }
0x3b3: {  	s28 =	sadd.s32 $0x40, s15;
	[tilespmem:s15+$0xFFFFFFF0] =	vst v8;
	v2 =	vadd.f32 v2, v56;
	v4 =	vadd.f32 v62, v4  }
0x3b4: {  	v3 =	vadd.f32 v3, v59;
	[tilespmem:s28+$0x10] =	vst v63  }
0x3b5: {  	[tilespmem:s28+$0xFFFFFFE0] =	vst v2;
	v2 =	vadd.f32 v4, v61  }
0x3b6: {  	s22 =	simm.s32 $0x16740;
	[tilespmem:s28+$0xFFFFFFF0] =	vst v3  }
0x3b7: {  	s23 =	simm.s32 $0x5DA0;
	s15 =	simm.s32 $0x3E60;
	s21 =	simm.s32 $0xF70;
	[tilespmem:s28+$0x0] =	vst v2  }
.LBB2_14:
0x3b8: {  	s21 =	sadd.s32 $0x10, s21;
	v2 =	vld [tilespmem:s15+$0x0]  }
0x3b9: {  	v3 =	vmov s21  }
0x3ba: {  	v3 =	vshll.u32 v3, $0x3  }
0x3bb: {  	v3 =	vor.u32 v0, v3  }
0x3bc: {  	v4 =	vor.u32 $0x1, v3  }
0x3bd: {  	v2 =	vshll.u32 v2, $0x3  }
0x3be: {  	v5 =	vor.u32 $0x1, v2  }
0x3bf: {  	v6 =	vor.u32 $0x2, v3  }
0x3c0: {  	v8 =	vor.u32 $0x2, v2;
	v7 =	vld.idx.msk [tilespmem:v3+s5+$0x0], $0xffff  }
0x3c1: {  	v4 =	vld.idx.msk [tilespmem:v4+s5+$0x0], $0xffff  }
0x3c2: {  	v9 =	vld.idx.msk [tilespmem:v2+s16+$0x0], $0xffff  }
0x3c3: {  	v5 =	vld.idx.msk [tilespmem:v5+s16+$0x0], $0xffff  }
0x3c4: {  	v6 =	vld.idx.msk [tilespmem:v6+s5+$0x0], $0xffff  }
0x3c5: {  	v8 =	vld.idx.msk [tilespmem:v8+s16+$0x0], $0xffff;
	_ =	sdelay $0x2  }
0x3c6: {  	v7 =	vsub.f32 v7, v9;
	v4 =	vsub.f32 v4, v5;
	_ =	sdelay $0x1  }
0x3c7: {  	v56 =	vsub.f32 v6, v8;
	v57 =	vmul.f32 v7, v7;
	v4 =	vmul.f32 v4, v4;
	_ =	sdelay $0x1  }
0x3c8: {  	v5 =	vmul.f32 v56, v56;
	v4 =	vadd.f32 v4, v57;
	_ =	sdelay $0x1  }
0x3c9: {  	v4 =	vadd.f32 v5, v4;
	_ =	sdelay $0x1  }
0x3ca: {  	v5 =	vmax.f32 v4, $9.999999960e-13  }
0x3cb: {  	v58 =	vshra.s32 v5, $0x1;
	v5 =	vmul.f32 $5.000000000e-01, v5  }
0x3cc: {  	v6 =	vsub.s32 $0x5F3759DF, v58  }
0x3cd: {  	v59 =	vmul.f32 v6, v5;
	_ =	sdelay $0x1  }
0x3ce: {  	v7 =	vmul.f32 v6, v59;
	_ =	sdelay $0x1  }
0x3cf: {  	v7 =	vsub.f32 $1.500000000e+00, v7;
	_ =	sdelay $0x1  }
0x3d0: {  	v6 =	vmul.f32 v6, v7;
	_ =	sdelay $0x1  }
0x3d1: {  	v7 =	vmul.f32 v6, v5;
	_ =	sdelay $0x1  }
0x3d2: {  	v7 =	vmul.f32 v7, v6;
	_ =	sdelay $0x1  }
0x3d3: {  	v7 =	vsub.f32 $1.500000000e+00, v7  }
0x3d4: {  	v60 =	vld [tilespmem:s23+$0x0]  }
0x3d5: {  	v6 =	vmul.f32 v7, v6;
	_ =	sdelay $0x1  }
0x3d6: {  	v5 =	vmul.f32 v6, v5;
	_ =	sdelay $0x1  }
0x3d7: {  	v61 =	vand.u32 $0xFFFFFFF8, v60;
	v3 =	vor.u32 $0x3, v3;
	v5 =	vmul.f32 v5, v6  }
0x3d8: {  	v62 =	vand.u32 $0x7, v60;
	v2 =	vadd.s32 v2, v61  }
0x3d9: {  	v2 =	vor.u32 v62, v2;
	v5 =	vsub.f32 $1.500000000e+00, v5;
	_ =	sdelay $0x1  }
0x3da: {  	v5 =	vmul.f32 v5, v6  }
0x3db: {  	v3 =	vld.idx.msk [tilespmem:v3+s5+$0x0], $0xffff  }
0x3dc: {  	vm0 =	veq.s32 v60, $0x0;
	v4 =	vmul.f32 v5, v4  }
0x3dd: {  	v63 =	vsel vm0, $0x3E2AAAAB, v1;
	v2 =	vld.idx.msk [tilespmem:v2+s18+$0x0], $0xffff  }
0x3de: {  	v4 =	vmul.f32 v4, v63  }
0x3df: {  	p0 =	slt.u32 s21, $0xF90  }
.Ltmp10:
0x3e0: {  	v3 =	vadd.f32 v4, v3;
	(pc) =	sbr.rel @p0 .LBB2_14-.Ltmp10, $3  }
0x3e1: {  	_ = 	snop  }
0x3e2: {  	v2 =	vadd.f32 v3, v2;
	_ =	sdelay $0x1  }
0x3e3: {  	s23 =	sadd.s32 $0x10, s23;
	s15 =	sadd.s32 $0x10, s15;
	[tilespmem:s22+$0x0] =	vst v2;
	s22 =	sadd.s32 $0x10, s22  }
.Ltmp11:
0x3e4: {  	s13 =	sadd.s32 s10, s13;
	(pc) =	sbr.rel .LBB2_16-.Ltmp11, $4  }
0x3e5: {  	[hbm4b:s13+s6] =	stream.linear.scatter [tilespmem:s9], [sflag:$0x3], $0xFA0, $0x38;
	[tilespmem:$0x16B60] =	vst v63  }
0x3e6: {  	_ =	swait.ge [sflag:s17], $0xFA0  }
0x3e7: {  	[sflag:s17] =	ssyncset.done $0x0  }
0x3e8: {  	[sflag:s17] =	ssyncadd.s32 $0xFFFFF060  }
.LBB2_18:
0x3e9: {  	_ =	sfence.sel $0x180000  }
0x3ea: {  	[bflag:$0x0] =	sbarrier.arrive $0xFFFF  }
0x3eb: {  	_ =	strace $0x90000047  }
0x3ec: {  	s0 =	stileid.u32;
	[bflag:$0x2] =	sbarrier.arrive $0xFFFF  }
0x3ed: {  	p0 =	sne.s32 s0, $0x0;
	s0 =	rddreg [dreg:$0x5]  }
0x3ee: {  	s0 =	sadd.s32 @!p0 $0x100000, s0  }
0x3ef: {  	[sflag:s0] =	ssyncadd.tile.s32 @!p0 $0x1;
	_ =	shalt  }
.Lfunc_end2:
_tile_overlayer_lowered:
.L_overlay_start_2:
0x3f0: {  	(tag) =	ssettag $0x2  }
0x3f1: {  	s0 =	rddreg [dreg:$0x0];
	s2 =	stileid.u32  }
0x3f2: {  	s1 =	rddreg [dreg:$0x1];
	p0 =	sne.s32 s2, $0x0  }
0x3f3: {  	s3 =	rddreg [dreg:$0x2];
	[bflag:$0x3] =	sbarrier.arrive $0xFFFF;
	s2 =	simm.s32 @!p0 $0x1C03  }
0x3f4: {  	[timem:s3], [sflag:s2] =	dma.local @!p0 [hbm:s0], s1  }
0x3f5: {  	s0 =	simm.s32 @!p0 $0x3  }
0x3f6: {  	_ =	swait.ge @!p0 [sflag:s0], s1  }
0x3f7: {  	s1 =	ssub.s32 @!p0 $0x0, s1;
	[sflag:s0] =	ssyncset.done @!p0 $0x0  }
0x3f8: {  	[sflag:s0] =	ssyncadd.s32 @!p0 s1  }
0x3f9: {  	[bflag:$0x3] =	sbarrier.arrive $0xFFFF  }
0x3fa: {  	_ =	shalt  }

</sc_bundles>
